<compile_context>
chip_gen: v7x
topology: tpu7x:2x2x1
jax: 0.10.2.dev20260603
libtpu: 0.0.44.dev20260713+nightly
codegen_flags: <defaults>
</compile_context>

<pallas_src>
import jax
import jax.numpy as jnp
from jax import lax
from jax.experimental import pallas as pl
from jax.experimental.pallas import tpu as pltpu
from jax.experimental.pallas import tpu_sc as plsc

N = 10000
E = 160000
D_IN = 256
D_HID = 128
D_OUT = 256

NP = 10240
B = 128
TKA = 64
TKB = 16
TK = TKA + TKB
EP = 16 * TK * B
RPT = NP // 16


def _make_seg_sum(with_deg: bool):
  mesh = plsc.VectorSubcoreMesh(core_axis_name="c", subcore_axis_name="s")
  out_type = [jax.ShapeDtypeStruct((2, NP, D_HID), jnp.float32)]
  if with_deg:
    out_type.append(jax.ShapeDtypeStruct((NP,), jnp.float32))
  scratch = [
      pltpu.VMEM((4, 2, B), jnp.int32),
      pltpu.VMEM((B, D_HID), jnp.float32),
      pltpu.VMEM((B, D_HID), jnp.float32),
      pltpu.VMEM((B,), jnp.float32),
      pltpu.VMEM((B,), jnp.float32),
      pltpu.VMEM_SHARED((NP, D_HID), jnp.float32),
  ]
  if with_deg:
    scratch.append(pltpu.VMEM_SHARED((NP,), jnp.float32))
  scratch += [pltpu.SemaphoreType.DMA] * 6

  def body(y_hbm, idxa_hbm, idxb_hbm, *rest):
    if with_deg:
      (out_rows, out_deg, idx_v, rows_v0, rows_v1,
       ones_v, zeros_v, acc_sh, deg_sh, si0, si1, si2, si3, sem0, sem1) = rest
    else:
      (out_rows, idx_v, rows_v0, rows_v1, ones_v, zeros_v,
       acc_sh, si0, si1, si2, si3, sem0, sem1) = rest
      out_deg = None
      deg_sh = None
    sis = (si0, si1, si2, si3)
    cid = lax.axis_index("c")
    sid = lax.axis_index("s")
    base = sid * RPT

    one16 = jnp.ones((16,), jnp.float32)
    zero16 = jnp.zeros((16,), jnp.float32)
    for jj in range(B // 16):
      ones_v[pl.ds(jj * 16, 16)] = one16
      zeros_v[pl.ds(jj * 16, 16)] = zero16

    def zero_acc():
      rows_v = rows_v0

      def zero_rows(i, carry):
        for jj in range(D_HID // 16):
          rows_v[i, pl.ds(jj * 16, 16)] = zero16
        return carry
      lax.fori_loop(0, B, zero_rows, 0)
      for bb in range(RPT // B):
        pltpu.sync_copy(rows_v, acc_sh.at[pl.ds(base + bb * B, B)])

    def row_pipeline(idx_hbm, tk):
      def fetch_idx(j, slot):
        pltpu.async_copy(idx_hbm.at[sid, j], idx_v.at[slot], sis[slot])

      for q in range(min(4, tk)):
        fetch_idx(q, q)
      pltpu.make_async_copy(idx_hbm.at[sid, 0], idx_v.at[0], si0).wait()
      pltpu.async_copy(y_hbm.at[idx_v.at[0, 0]], rows_v0, sem0)
      pltpu.make_async_copy(idx_hbm.at[sid, 1], idx_v.at[1], si1).wait()
      pltpu.async_copy(y_hbm.at[idx_v.at[1, 0]], rows_v1, sem1)

      def halfstep(j, slot, buf, sem):
        nslot = (slot + 2) % 4
        pltpu.make_async_copy(y_hbm.at[idx_v.at[slot, 0]], buf, sem).wait()
        pltpu.sync_copy(buf, acc_sh.at[idx_v.at[slot, 1]], add=True)

        @pl.when(j + 4 < tk)
        def _():
          fetch_idx(j + 4, slot)

        @pl.when(j + 2 < tk)
        def _():
          pltpu.make_async_copy(idx_hbm.at[sid, j + 2], idx_v.at[nslot],
                                sis[nslot]).wait()
          pltpu.async_copy(y_hbm.at[idx_v.at[nslot, 0]], buf, sem)

      def step(tt, carry):
        j = 4 * tt
        halfstep(j, 0, rows_v0, sem0)
        halfstep(j + 1, 1, rows_v1, sem1)
        halfstep(j + 2, 2, rows_v0, sem0)
        halfstep(j + 3, 3, rows_v1, sem1)
        return carry
      lax.fori_loop(0, tk // 4, step, 0)

    def deg_pipeline(idx_hbm, tk):
      def fetch_idx(j, slot):
        pltpu.async_copy(idx_hbm.at[sid, j], idx_v.at[slot], sis[slot])

      for q in range(min(4, tk)):
        fetch_idx(q, q)

      def dhalf(j, slot):
        pltpu.make_async_copy(idx_hbm.at[sid, j], idx_v.at[slot],
                              sis[slot]).wait()
        pltpu.sync_copy(ones_v, deg_sh.at[idx_v.at[slot, 1]], add=True)

        @pl.when(j + 4 < tk)
        def _():
          fetch_idx(j + 4, slot)

      def dstep(tt, carry):
        j = 4 * tt
        dhalf(j, 0)
        dhalf(j + 1, 1)
        dhalf(j + 2, 2)
        dhalf(j + 3, 3)
        return carry
      lax.fori_loop(0, tk // 4, dstep, 0)

    @pl.when(cid == 0)
    def _():
      zero_acc()
      plsc.subcore_barrier()
      row_pipeline(idxa_hbm, TKA)
      plsc.subcore_barrier()
      pltpu.sync_copy(acc_sh.at[pl.ds(base, RPT)],
                      out_rows.at[0, pl.ds(base, RPT)])

    @pl.when(cid == 1)
    def _():
      zero_acc()
      if with_deg:
        for bb in range(RPT // B):
          pltpu.sync_copy(zeros_v, deg_sh.at[pl.ds(base + bb * B, B)])
      plsc.subcore_barrier()
      row_pipeline(idxb_hbm, TKB)
      if with_deg:
        deg_pipeline(idxa_hbm, TKA)
        deg_pipeline(idxb_hbm, TKB)
      plsc.subcore_barrier()
      pltpu.sync_copy(acc_sh.at[pl.ds(base, RPT)],
                      out_rows.at[1, pl.ds(base, RPT)])
      if with_deg:
        pltpu.sync_copy(deg_sh.at[pl.ds(base, RPT)],
                        out_deg.at[pl.ds(base, RPT)])

  return pl.kernel(body, mesh=mesh, out_type=out_type, scratch_types=scratch)


_seg_sum_deg = _make_seg_sum(with_deg=True)
_seg_sum = _make_seg_sum(with_deg=False)



def _proj_body(x_ref, wl_ref, wr_ref, b1_ref, y_ref, z_ref):
  x = x_ref[...]
  y_ref[...] = jnp.dot(x, wl_ref[...], preferred_element_type=jnp.float32)
  z_ref[...] = (jnp.dot(x, wr_ref[...], preferred_element_type=jnp.float32)
                + b1_ref[...])


def _layer1_proj(x, W1_l, W1_r, b1):
  blk = 400
  grid = N // blk
  return pl.pallas_call(
      _proj_body,
      grid=(grid,),
      in_specs=[
          pl.BlockSpec((blk, D_IN), lambda i: (i, 0)),
          pl.BlockSpec((D_IN, D_HID), lambda i: (0, 0)),
          pl.BlockSpec((D_IN, D_HID), lambda i: (0, 0)),
          pl.BlockSpec((1, D_HID), lambda i: (0, 0)),
      ],
      out_specs=[
          pl.BlockSpec((blk, D_HID), lambda i: (i, 0)),
          pl.BlockSpec((blk, D_HID), lambda i: (i, 0)),
      ],
      out_shape=[
          jax.ShapeDtypeStruct((N, D_HID), jnp.float32),
          jax.ShapeDtypeStruct((N, D_HID), jnp.float32),
      ],
  )(x, W1_l, W1_r, b1.reshape(1, D_HID))


def _combine1_body(p_ref, dg_ref, z_ref, h_ref):
  inv = 1.0 / jnp.maximum(dg_ref[...], 1.0)
  h_ref[...] = jnp.maximum((p_ref[0] + p_ref[1]) * inv + z_ref[...], 0.0)


def _combine1(p, deg_col, z):
  blk = 400
  grid = N // blk
  return pl.pallas_call(
      _combine1_body,
      grid=(grid,),
      in_specs=[
          pl.BlockSpec((2, blk, D_HID), lambda i: (0, i, 0)),
          pl.BlockSpec((blk, 1), lambda i: (i, 0)),
          pl.BlockSpec((blk, D_HID), lambda i: (i, 0)),
      ],
      out_specs=pl.BlockSpec((blk, D_HID), lambda i: (i, 0)),
      out_shape=jax.ShapeDtypeStruct((N, D_HID), jnp.float32),
  )(p, deg_col, z)


def _layer2_body(q_ref, dg_ref, h_ref, wl_ref, wr_ref, b2_ref, o_ref):
  inv = 1.0 / jnp.maximum(dg_ref[...], 1.0)
  agg = (q_ref[0] + q_ref[1]) * inv
  o_ref[...] = (jnp.dot(agg, wl_ref[...], preferred_element_type=jnp.float32)
                + jnp.dot(h_ref[...], wr_ref[...],
                          preferred_element_type=jnp.float32)
                + b2_ref[...])


def _layer2(q, deg_col, h, W2_l, W2_r, b2):
  blk = 400
  grid = N // blk
  return pl.pallas_call(
      _layer2_body,
      grid=(grid,),
      in_specs=[
          pl.BlockSpec((2, blk, D_HID), lambda i: (0, i, 0)),
          pl.BlockSpec((blk, 1), lambda i: (i, 0)),
          pl.BlockSpec((blk, D_HID), lambda i: (i, 0)),
          pl.BlockSpec((D_HID, D_OUT), lambda i: (0, 0)),
          pl.BlockSpec((D_HID, D_OUT), lambda i: (0, 0)),
          pl.BlockSpec((1, D_OUT), lambda i: (0, 0)),
      ],
      out_specs=pl.BlockSpec((blk, D_OUT), lambda i: (i, 0)),
      out_shape=jax.ShapeDtypeStruct((N, D_OUT), jnp.float32),
  )(q, deg_col, h, W2_l, W2_r, b2.reshape(1, D_OUT))


def kernel(x, edge_index, W1_l, b1, W1_r, W2_l, b2, W2_r):
  src = edge_index[0].astype(jnp.int32)
  dst = edge_index[1].astype(jnp.int32)
  pad = EP - E
  pad_src = jnp.zeros((pad,), jnp.int32)
  pad_dst = N + (jnp.arange(pad, dtype=jnp.int32) % (NP - N))
  srcp = jnp.concatenate([src, pad_src])
  dstp = jnp.concatenate([dst, pad_dst])
  ea = 16 * TKA * B
  idxa = jnp.concatenate([srcp[:ea].reshape(16, TKA, 1, B),
                          dstp[:ea].reshape(16, TKA, 1, B)], axis=2)
  idxb = jnp.concatenate([srcp[ea:].reshape(16, TKB, 1, B),
                          dstp[ea:].reshape(16, TKB, 1, B)], axis=2)

  y1, z1 = _layer1_proj(x, W1_l, W1_r, b1)
  p1, deg = _seg_sum_deg(y1, idxa, idxb)
  deg_col = deg.reshape(NP, 1)
  h = _combine1(p1, deg_col, z1)
  p2 = jax.tree.leaves(_seg_sum(h, idxa, idxb))[0]
  return _layer2(p2, deg_col, h, W2_l, W2_r, b2)

# --- scband reference (transcript-rebuilt; emitter-appended) ---
"""Pipeline reference for scband-graph-sage-31765578121712 (READ-ONLY COPY).

The authoritative reference and input builder live on the scoring server;
editing this copy changes nothing except your own understanding.
"""

import jax, jax.numpy as jnp
import numpy as np

N_NODES = 10000
N_EDGES = 160000
D_IN = 256
D_HID = 128
D_OUT = 256


def setup_inputs(seed: int = 0) -> dict:
    key = jax.random.key(seed)
    k1, k2, k3, k4, k5, k6, k7 = jax.random.split(key, 7)
    x = jax.random.normal(k1, (N_NODES, D_IN), dtype=jnp.float32)
    edge_index = jax.random.randint(k2, (2, N_EDGES), 0, N_NODES, dtype=jnp.int64)
    # conv1: SAGEConv(D_IN -> D_HID)
    s1 = 1.0 / np.sqrt(D_IN)
    W1_l = jax.random.uniform(k3, (D_IN, D_HID), minval=-s1, maxval=s1, dtype=jnp.float32)
    b1 = jnp.zeros((D_HID,), dtype=jnp.float32)
    W1_r = jax.random.uniform(k4, (D_IN, D_HID), minval=-s1, maxval=s1, dtype=jnp.float32)
    # conv2: SAGEConv(D_HID -> D_OUT)
    s2 = 1.0 / np.sqrt(D_HID)
    W2_l = jax.random.uniform(k5, (D_HID, D_OUT), minval=-s2, maxval=s2, dtype=jnp.float32)
    b2 = jnp.zeros((D_OUT,), dtype=jnp.float32)
    W2_r = jax.random.uniform(k6, (D_HID, D_OUT), minval=-s2, maxval=s2, dtype=jnp.float32)
    return {
        "x": x,
        "edge_index": edge_index,
        "W1_l": W1_l,
        "b1": b1,
        "W1_r": W1_r,
        "W2_l": W2_l,
        "b2": b2,
        "W2_r": W2_r,
    }


def _sage_conv(x, edge_index, W_l, b, W_r):
    # PyG SAGEConv with mean aggregation:
    # out = lin_l(mean_{j in N(i)} x_j) + lin_r(x_i)
    src = edge_index[0]
    dst = edge_index[1]
    msg = jnp.take(x, src, axis=0)  # gather source features [E, d]
    agg_sum = jax.ops.segment_sum(msg, dst, num_segments=N_NODES)
    deg = jax.ops.segment_sum(jnp.ones((msg.shape[0],), dtype=x.dtype), dst, num_segments=N_NODES)
    agg = agg_sum / jnp.clip(deg, 1.0, None)[:, None]
    return agg @ W_l + b + x @ W_r


def reference(x, edge_index, W1_l, b1, W1_r, W2_l, b2, W2_r):
    h = _sage_conv(x, edge_index, W1_l, b1, W1_r)
    h = jax.nn.relu(h)
    # dropout(p=0.5) is identity in eval mode
    out = _sage_conv(h, edge_index, W2_l, b2, W2_r)
    return out

if __name__ == "__main__":
    import jax
    _d = setup_inputs()
    print(jax.jit(kernel)(*tuple(_d.values())))

</pallas_src>

<mosaic_0001>
#map = affine_map<(d0, d1) -> (0, 0)>
#map1 = affine_map<(d0, d1) -> (0, 0, 0, 0)>
#map2 = affine_map<(d0, d1) -> (0, 0, 0)>
#map3 = affine_map<(d0, d1) -> (0)>
module attributes {stable_mosaic.version = 14 : i64} {
  func.func @body(%arg0: i32, %arg1: i32, %arg2: memref<10000x128xf32, #tpu.memory_space<hbm>>, %arg3: memref<16x64x2x128xi32, #tpu.memory_space<hbm>>, %arg4: memref<16x16x2x128xi32, #tpu.memory_space<hbm>>, %arg5: memref<2x10240x128xf32, #tpu.memory_space<hbm>>, %arg6: memref<10240xf32, #tpu.memory_space<hbm>>, %arg7: memref<4x2x128xi32, #tpu.memory_space<vmem>>, %arg8: memref<128x128xf32, #tpu.memory_space<vmem>>, %arg9: memref<128x128xf32, #tpu.memory_space<vmem>>, %arg10: memref<128xf32, #tpu.memory_space<vmem>>, %arg11: memref<128xf32, #tpu.memory_space<vmem>>, %arg12: memref<10240x128xf32, #tpu.memory_space<vmem_shared>>, %arg13: memref<10240xf32, #tpu.memory_space<vmem_shared>>, %arg14: memref<!tpu.dma_semaphore, #tpu.memory_space<semaphore_mem>>, %arg15: memref<!tpu.dma_semaphore, #tpu.memory_space<semaphore_mem>>, %arg16: memref<!tpu.dma_semaphore, #tpu.memory_space<semaphore_mem>>, %arg17: memref<!tpu.dma_semaphore, #tpu.memory_space<semaphore_mem>>, %arg18: memref<!tpu.dma_semaphore, #tpu.memory_space<semaphore_mem>>, %arg19: memref<!tpu.dma_semaphore, #tpu.memory_space<semaphore_mem>>) attributes {dimension_semantics = [#tpu.dimension_semantics<core_parallel>, #tpu.dimension_semantics<subcore_parallel>], iteration_bounds = array<i64: 2, 16>, scalar_prefetch = 0 : i64, scratch_operands = 13 : i64, tpu.core_type = #tpu.core_type<sc_vector_subcore>, window_params = [{transform_indices = #map}, {transform_indices = #map1}, {transform_indices = #map1}, {transform_indices = #map2}, {transform_indices = #map3}]} {
    %mul3A = arith.constant 640 : i32
    %mul3A_0 = arith.muli %arg1, %mul3A : i32
    %broadcast_in_dim3A = arith.constant 1.000000e+00 : f32
    %broadcast_in_dim3A_1 = vector.broadcast %broadcast_in_dim3A : f32 to vector<16xf32>
    %broadcast_in_dim3A_2 = arith.constant 0.000000e+00 : f32
    %broadcast_in_dim3A_3 = vector.broadcast %broadcast_in_dim3A_2 : f32 to vector<16xf32>
    %swap3A = arith.constant 0 : index
    %swap3A_4 = tpu.vector_load %arg10[%swap3A] {strides = array<i32>} : memref<128xf32, #tpu.memory_space<vmem>>, vector<16xf32>,
    %swap3A_5 = vector.shape_cast %swap3A_4 : vector<16xf32> to vector<16xf32>
    %swap3A_6 = vector.shape_cast %broadcast_in_dim3A_1 : vector<16xf32> to vector<16xf32>
    tpu.vector_store %arg10[%swap3A], %swap3A_6 {strides = array<i32>} : memref<128xf32, #tpu.memory_space<vmem>>, vector<16xf32>,
    %swap3A_7 = arith.constant 0 : index
    %swap3A_8 = tpu.vector_load %arg11[%swap3A_7] {strides = array<i32>} : memref<128xf32, #tpu.memory_space<vmem>>, vector<16xf32>,
    %swap3A_9 = vector.shape_cast %swap3A_8 : vector<16xf32> to vector<16xf32>
    %swap3A_10 = vector.shape_cast %broadcast_in_dim3A_3 : vector<16xf32> to vector<16xf32>
    tpu.vector_store %arg11[%swap3A_7], %swap3A_10 {strides = array<i32>} : memref<128xf32, #tpu.memory_space<vmem>>, vector<16xf32>,
    %swap3A_11 = arith.constant 16 : index
    %swap3A_12 = tpu.vector_load %arg10[%swap3A_11] {strides = array<i32>} : memref<128xf32, #tpu.memory_space<vmem>>, vector<16xf32>,
    %swap3A_13 = vector.shape_cast %swap3A_12 : vector<16xf32> to vector<16xf32>
    %swap3A_14 = vector.shape_cast %broadcast_in_dim3A_1 : vector<16xf32> to vector<16xf32>
    tpu.vector_store %arg10[%swap3A_11], %swap3A_14 {strides = array<i32>} : memref<128xf32, #tpu.memory_space<vmem>>, vector<16xf32>,
    %swap3A_15 = arith.constant 16 : index
    %swap3A_16 = tpu.vector_load %arg11[%swap3A_15] {strides = array<i32>} : memref<128xf32, #tpu.memory_space<vmem>>, vector<16xf32>,
    %swap3A_17 = vector.shape_cast %swap3A_16 : vector<16xf32> to vector<16xf32>
    %swap3A_18 = vector.shape_cast %broadcast_in_dim3A_3 : vector<16xf32> to vector<16xf32>
    tpu.vector_store %arg11[%swap3A_15], %swap3A_18 {strides = array<i32>} : memref<128xf32, #tpu.memory_space<vmem>>, vector<16xf32>,
    %swap3A_19 = arith.constant 32 : index
    %swap3A_20 = tpu.vector_load %arg10[%swap3A_19] {strides = array<i32>} : memref<128xf32, #tpu.memory_space<vmem>>, vector<16xf32>,
    %swap3A_21 = vector.shape_cast %swap3A_20 : vector<16xf32> to vector<16xf32>
    %swap3A_22 = vector.shape_cast %broadcast_in_dim3A_1 : vector<16xf32> to vector<16xf32>
    tpu.vector_store %arg10[%swap3A_19], %swap3A_22 {strides = array<i32>} : memref<128xf32, #tpu.memory_space<vmem>>, vector<16xf32>,
    %swap3A_23 = arith.constant 32 : index
    %swap3A_24 = tpu.vector_load %arg11[%swap3A_23] {strides = array<i32>} : memref<128xf32, #tpu.memory_space<vmem>>, vector<16xf32>,
    %swap3A_25 = vector.shape_cast %swap3A_24 : vector<16xf32> to vector<16xf32>
    %swap3A_26 = vector.shape_cast %broadcast_in_dim3A_3 : vector<16xf32> to vector<16xf32>
    tpu.vector_store %arg11[%swap3A_23], %swap3A_26 {strides = array<i32>} : memref<128xf32, #tpu.memory_space<vmem>>, vector<16xf32>,
    %swap3A_27 = arith.constant 48 : index
    %swap3A_28 = tpu.vector_load %arg10[%swap3A_27] {strides = array<i32>} : memref<128xf32, #tpu.memory_space<vmem>>, vector<16xf32>,
    %swap3A_29 = vector.shape_cast %swap3A_28 : vector<16xf32> to vector<16xf32>
    %swap3A_30 = vector.shape_cast %broadcast_in_dim3A_1 : vector<16xf32> to vector<16xf32>
    tpu.vector_store %arg10[%swap3A_27], %swap3A_30 {strides = array<i32>} : memref<128xf32, #tpu.memory_space<vmem>>, vector<16xf32>,
    %swap3A_31 = arith.constant 48 : index
    %swap3A_32 = tpu.vector_load %arg11[%swap3A_31] {strides = array<i32>} : memref<128xf32, #tpu.memory_space<vmem>>, vector<16xf32>,
    %swap3A_33 = vector.shape_cast %swap3A_32 : vector<16xf32> to vector<16xf32>
    %swap3A_34 = vector.shape_cast %broadcast_in_dim3A_3 : vector<16xf32> to vector<16xf32>
    tpu.vector_store %arg11[%swap3A_31], %swap3A_34 {strides = array<i32>} : memref<128xf32, #tpu.memory_space<vmem>>, vector<16xf32>,
    %swap3A_35 = arith.constant 64 : index
    %swap3A_36 = tpu.vector_load %arg10[%swap3A_35] {strides = array<i32>} : memref<128xf32, #tpu.memory_space<vmem>>, vector<16xf32>,
    %swap3A_37 = vector.shape_cast %swap3A_36 : vector<16xf32> to vector<16xf32>
    %swap3A_38 = vector.shape_cast %broadcast_in_dim3A_1 : vector<16xf32> to vector<16xf32>
    tpu.vector_store %arg10[%swap3A_35], %swap3A_38 {strides = array<i32>} : memref<128xf32, #tpu.memory_space<vmem>>, vector<16xf32>,
    %swap3A_39 = arith.constant 64 : index
    %swap3A_40 = tpu.vector_load %arg11[%swap3A_39] {strides = array<i32>} : memref<128xf32, #tpu.memory_space<vmem>>, vector<16xf32>,
    %swap3A_41 = vector.shape_cast %swap3A_40 : vector<16xf32> to vector<16xf32>
    %swap3A_42 = vector.shape_cast %broadcast_in_dim3A_3 : vector<16xf32> to vector<16xf32>
    tpu.vector_store %arg11[%swap3A_39], %swap3A_42 {strides = array<i32>} : memref<128xf32, #tpu.memory_space<vmem>>, vector<16xf32>,
    %swap3A_43 = arith.constant 80 : index
    %swap3A_44 = tpu.vector_load %arg10[%swap3A_43] {strides = array<i32>} : memref<128xf32, #tpu.memory_space<vmem>>, vector<16xf32>,
    %swap3A_45 = vector.shape_cast %swap3A_44 : vector<16xf32> to vector<16xf32>
    %swap3A_46 = vector.shape_cast %broadcast_in_dim3A_1 : vector<16xf32> to vector<16xf32>
    tpu.vector_store %arg10[%swap3A_43], %swap3A_46 {strides = array<i32>} : memref<128xf32, #tpu.memory_space<vmem>>, vector<16xf32>,
    %swap3A_47 = arith.constant 80 : index
    %swap3A_48 = tpu.vector_load %arg11[%swap3A_47] {strides = array<i32>} : memref<128xf32, #tpu.memory_space<vmem>>, vector<16xf32>,
    %swap3A_49 = vector.shape_cast %swap3A_48 : vector<16xf32> to vector<16xf32>
    %swap3A_50 = vector.shape_cast %broadcast_in_dim3A_3 : vector<16xf32> to vector<16xf32>
    tpu.vector_store %arg11[%swap3A_47], %swap3A_50 {strides = array<i32>} : memref<128xf32, #tpu.memory_space<vmem>>, vector<16xf32>,
    %swap3A_51 = arith.constant 96 : index
    %swap3A_52 = tpu.vector_load %arg10[%swap3A_51] {strides = array<i32>} : memref<128xf32, #tpu.memory_space<vmem>>, vector<16xf32>,
    %swap3A_53 = vector.shape_cast %swap3A_52 : vector<16xf32> to vector<16xf32>
    %swap3A_54 = vector.shape_cast %broadcast_in_dim3A_1 : vector<16xf32> to vector<16xf32>
    tpu.vector_store %arg10[%swap3A_51], %swap3A_54 {strides = array<i32>} : memref<128xf32, #tpu.memory_space<vmem>>, vector<16xf32>,
    %swap3A_55 = arith.constant 96 : index
    %swap3A_56 = tpu.vector_load %arg11[%swap3A_55] {strides = array<i32>} : memref<128xf32, #tpu.memory_space<vmem>>, vector<16xf32>,
    %swap3A_57 = vector.shape_cast %swap3A_56 : vector<16xf32> to vector<16xf32>
    %swap3A_58 = vector.shape_cast %broadcast_in_dim3A_3 : vector<16xf32> to vector<16xf32>
    tpu.vector_store %arg11[%swap3A_55], %swap3A_58 {strides = array<i32>} : memref<128xf32, #tpu.memory_space<vmem>>, vector<16xf32>,
    %swap3A_59 = arith.constant 112 : index
    %swap3A_60 = tpu.vector_load %arg10[%swap3A_59] {strides = array<i32>} : memref<128xf32, #tpu.memory_space<vmem>>, vector<16xf32>,
    %swap3A_61 = vector.shape_cast %swap3A_60 : vector<16xf32> to vector<16xf32>
    %swap3A_62 = vector.shape_cast %broadcast_in_dim3A_1 : vector<16xf32> to vector<16xf32>
    tpu.vector_store %arg10[%swap3A_59], %swap3A_62 {strides = array<i32>} : memref<128xf32, #tpu.memory_space<vmem>>, vector<16xf32>,
    %swap3A_63 = arith.constant 112 : index
    %swap3A_64 = tpu.vector_load %arg11[%swap3A_63] {strides = array<i32>} : memref<128xf32, #tpu.memory_space<vmem>>, vector<16xf32>,
    %swap3A_65 = vector.shape_cast %swap3A_64 : vector<16xf32> to vector<16xf32>
    %swap3A_66 = vector.shape_cast %broadcast_in_dim3A_3 : vector<16xf32> to vector<16xf32>
    tpu.vector_store %arg11[%swap3A_63], %swap3A_66 {strides = array<i32>} : memref<128xf32, #tpu.memory_space<vmem>>, vector<16xf32>,
    %eq3A = arith.constant 0 : i32
    %eq3A_67 = arith.cmpi eq, %arg0, %eq3A : i32
    %convert_element_type3A = arith.extui %eq3A_67 : i1 to i32
    %cond3A = arith.constant 0 : i32
    %cond3A_68 = arith.cmpi ne, %convert_element_type3A, %cond3A : i32
    scf.if %cond3A_68 {
      %scan3A = arith.constant 0 : i32
      %scan3A_74 = arith.constant 0 : i32
      %scan3A_75 = arith.constant 128 : i32
      %scan3A_76 = arith.addi %scan3A_74, %scan3A_75 : i32
      %scan3A_77 = arith.constant 1 : i32
      scf.for %scan3A_217 = %scan3A_74 to %scan3A_76 step %scan3A_77  : i32 {
        %swap3A_218 = arith.index_cast %scan3A_217 : i32 to index
        %swap3A_219 = arith.constant 0 : index
        %swap3A_220 = tpu.vector_load %arg8[%swap3A_218, %swap3A_219] {strides = array<i32>} : memref<128x128xf32, #tpu.memory_space<vmem>>, vector<1x16xf32>,
        %swap3A_221 = vector.shape_cast %swap3A_220 : vector<1x16xf32> to vector<16xf32>
        %swap3A_222 = vector.shape_cast %broadcast_in_dim3A_3 : vector<16xf32> to vector<1x16xf32>
        tpu.vector_store %arg8[%swap3A_218, %swap3A_219], %swap3A_222 {strides = array<i32>} : memref<128x128xf32, #tpu.memory_space<vmem>>, vector<1x16xf32>,
        %swap3A_223 = arith.index_cast %scan3A_217 : i32 to index
        %swap3A_224 = arith.constant 16 : index
        %swap3A_225 = tpu.vector_load %arg8[%swap3A_223, %swap3A_224] {strides = array<i32>} : memref<128x128xf32, #tpu.memory_space<vmem>>, vector<1x16xf32>,
        %swap3A_226 = vector.shape_cast %swap3A_225 : vector<1x16xf32> to vector<16xf32>
        %swap3A_227 = vector.shape_cast %broadcast_in_dim3A_3 : vector<16xf32> to vector<1x16xf32>
        tpu.vector_store %arg8[%swap3A_223, %swap3A_224], %swap3A_227 {strides = array<i32>} : memref<128x128xf32, #tpu.memory_space<vmem>>, vector<1x16xf32>,
        %swap3A_228 = arith.index_cast %scan3A_217 : i32 to index
        %swap3A_229 = arith.constant 32 : index
        %swap3A_230 = tpu.vector_load %arg8[%swap3A_228, %swap3A_229] {strides = array<i32>} : memref<128x128xf32, #tpu.memory_space<vmem>>, vector<1x16xf32>,
        %swap3A_231 = vector.shape_cast %swap3A_230 : vector<1x16xf32> to vector<16xf32>
        %swap3A_232 = vector.shape_cast %broadcast_in_dim3A_3 : vector<16xf32> to vector<1x16xf32>
        tpu.vector_store %arg8[%swap3A_228, %swap3A_229], %swap3A_232 {strides = array<i32>} : memref<128x128xf32, #tpu.memory_space<vmem>>, vector<1x16xf32>,
        %swap3A_233 = arith.index_cast %scan3A_217 : i32 to index
        %swap3A_234 = arith.constant 48 : index
        %swap3A_235 = tpu.vector_load %arg8[%swap3A_233, %swap3A_234] {strides = array<i32>} : memref<128x128xf32, #tpu.memory_space<vmem>>, vector<1x16xf32>,
        %swap3A_236 = vector.shape_cast %swap3A_235 : vector<1x16xf32> to vector<16xf32>
        %swap3A_237 = vector.shape_cast %broadcast_in_dim3A_3 : vector<16xf32> to vector<1x16xf32>
        tpu.vector_store %arg8[%swap3A_233, %swap3A_234], %swap3A_237 {strides = array<i32>} : memref<128x128xf32, #tpu.memory_space<vmem>>, vector<1x16xf32>,
        %swap3A_238 = arith.index_cast %scan3A_217 : i32 to index
        %swap3A_239 = arith.constant 64 : index
        %swap3A_240 = tpu.vector_load %arg8[%swap3A_238, %swap3A_239] {strides = array<i32>} : memref<128x128xf32, #tpu.memory_space<vmem>>, vector<1x16xf32>,
        %swap3A_241 = vector.shape_cast %swap3A_240 : vector<1x16xf32> to vector<16xf32>
        %swap3A_242 = vector.shape_cast %broadcast_in_dim3A_3 : vector<16xf32> to vector<1x16xf32>
        tpu.vector_store %arg8[%swap3A_238, %swap3A_239], %swap3A_242 {strides = array<i32>} : memref<128x128xf32, #tpu.memory_space<vmem>>, vector<1x16xf32>,
        %swap3A_243 = arith.index_cast %scan3A_217 : i32 to index
        %swap3A_244 = arith.constant 80 : index
        %swap3A_245 = tpu.vector_load %arg8[%swap3A_243, %swap3A_244] {strides = array<i32>} : memref<128x128xf32, #tpu.memory_space<vmem>>, vector<1x16xf32>,
        %swap3A_246 = vector.shape_cast %swap3A_245 : vector<1x16xf32> to vector<16xf32>
        %swap3A_247 = vector.shape_cast %broadcast_in_dim3A_3 : vector<16xf32> to vector<1x16xf32>
        tpu.vector_store %arg8[%swap3A_243, %swap3A_244], %swap3A_247 {strides = array<i32>} : memref<128x128xf32, #tpu.memory_space<vmem>>, vector<1x16xf32>,
        %swap3A_248 = arith.index_cast %scan3A_217 : i32 to index
        %swap3A_249 = arith.constant 96 : index
        %swap3A_250 = tpu.vector_load %arg8[%swap3A_248, %swap3A_249] {strides = array<i32>} : memref<128x128xf32, #tpu.memory_space<vmem>>, vector<1x16xf32>,
        %swap3A_251 = vector.shape_cast %swap3A_250 : vector<1x16xf32> to vector<16xf32>
        %swap3A_252 = vector.shape_cast %broadcast_in_dim3A_3 : vector<16xf32> to vector<1x16xf32>
        tpu.vector_store %arg8[%swap3A_248, %swap3A_249], %swap3A_252 {strides = array<i32>} : memref<128x128xf32, #tpu.memory_space<vmem>>, vector<1x16xf32>,
        %swap3A_253 = arith.index_cast %scan3A_217 : i32 to index
        %swap3A_254 = arith.constant 112 : index
        %swap3A_255 = tpu.vector_load %arg8[%swap3A_253, %swap3A_254] {strides = array<i32>} : memref<128x128xf32, #tpu.memory_space<vmem>>, vector<1x16xf32>,
        %swap3A_256 = vector.shape_cast %swap3A_255 : vector<1x16xf32> to vector<16xf32>
        %swap3A_257 = vector.shape_cast %broadcast_in_dim3A_3 : vector<16xf32> to vector<1x16xf32>
        tpu.vector_store %arg8[%swap3A_253, %swap3A_254], %swap3A_257 {strides = array<i32>} : memref<128x128xf32, #tpu.memory_space<vmem>>, vector<1x16xf32>,
      }
      %scan3A_78 = arith.constant 128 : i32
      %add3A = arith.constant 0 : i32
      %add3A_79 = arith.addi %mul3A_0, %add3A : i32
      "tpu.region"() ({
        %run_scoped3A_217 = tpu.sem_alloc : memref<!tpu.dma_semaphore, #tpu.memory_space<semaphore_mem>>
        %dma_start3A_218 = arith.constant 0 : i32
        %dma_start3A_219 = tpu.memref_slice %arg12[%add3A_79, %dma_start3A_218] : memref<10240x128xf32, #tpu.memory_space<vmem_shared>> -> memref<128x128xf32, #tpu.memory_space<vmem_shared>>
        %dma_start3A_220 = arith.constant 0 : i32
        %dma_start3A_221 = tpu.memref_slice %arg12[%add3A_79, %dma_start3A_220] : memref<10240x128xf32, #tpu.memory_space<vmem_shared>> -> memref<128x128xf32, #tpu.memory_space<vmem_shared>>
        tpu.enqueue_dma source(%arg8 : memref<128x128xf32, #tpu.memory_space<vmem>>) target(%dma_start3A_221 : memref<128x128xf32, #tpu.memory_space<vmem_shared>>) target_semaphore(%run_scoped3A_217 : memref<!tpu.dma_semaphore, #tpu.memory_space<semaphore_mem>>)
        %dma_wait3A_222 = arith.constant 0 : i32
        %dma_wait3A_223 = tpu.memref_slice %arg12[%add3A_79, %dma_wait3A_222] : memref<10240x128xf32, #tpu.memory_space<vmem_shared>> -> memref<128x128xf32, #tpu.memory_space<vmem_shared>>
        %dma_wait3A_224 = arith.constant 0 : i32
        %dma_wait3A_225 = tpu.memref_slice %arg12[%add3A_79, %dma_wait3A_224] : memref<10240x128xf32, #tpu.memory_space<vmem_shared>> -> memref<128x128xf32, #tpu.memory_space<vmem_shared>>
        tpu.wait_dma2 semaphore(%run_scoped3A_217 : memref<!tpu.dma_semaphore, #tpu.memory_space<semaphore_mem>>) src(%arg8 : memref<128x128xf32, #tpu.memory_space<vmem>>) dst(%dma_wait3A_225 : memref<128x128xf32, #tpu.memory_space<vmem_shared>>)
        tpu.yield
      }) : () -> ()
      %add3A_80 = arith.constant 128 : i32
      %add3A_81 = arith.addi %mul3A_0, %add3A_80 : i32
      "tpu.region"() ({
        %run_scoped3A_217 = tpu.sem_alloc : memref<!tpu.dma_semaphore, #tpu.memory_space<semaphore_mem>>
        %dma_start3A_218 = arith.constant 0 : i32
        %dma_start3A_219 = tpu.memref_slice %arg12[%add3A_81, %dma_start3A_218] : memref<10240x128xf32, #tpu.memory_space<vmem_shared>> -> memref<128x128xf32, #tpu.memory_space<vmem_shared>>
        %dma_start3A_220 = arith.constant 0 : i32
        %dma_start3A_221 = tpu.memref_slice %arg12[%add3A_81, %dma_start3A_220] : memref<10240x128xf32, #tpu.memory_space<vmem_shared>> -> memref<128x128xf32, #tpu.memory_space<vmem_shared>>
        tpu.enqueue_dma source(%arg8 : memref<128x128xf32, #tpu.memory_space<vmem>>) target(%dma_start3A_221 : memref<128x128xf32, #tpu.memory_space<vmem_shared>>) target_semaphore(%run_scoped3A_217 : memref<!tpu.dma_semaphore, #tpu.memory_space<semaphore_mem>>)
        %dma_wait3A_222 = arith.constant 0 : i32
        %dma_wait3A_223 = tpu.memref_slice %arg12[%add3A_81, %dma_wait3A_222] : memref<10240x128xf32, #tpu.memory_space<vmem_shared>> -> memref<128x128xf32, #tpu.memory_space<vmem_shared>>
        %dma_wait3A_224 = arith.constant 0 : i32
        %dma_wait3A_225 = tpu.memref_slice %arg12[%add3A_81, %dma_wait3A_224] : memref<10240x128xf32, #tpu.memory_space<vmem_shared>> -> memref<128x128xf32, #tpu.memory_space<vmem_shared>>
        tpu.wait_dma2 semaphore(%run_scoped3A_217 : memref<!tpu.dma_semaphore, #tpu.memory_space<semaphore_mem>>) src(%arg8 : memref<128x128xf32, #tpu.memory_space<vmem>>) dst(%dma_wait3A_225 : memref<128x128xf32, #tpu.memory_space<vmem_shared>>)
        tpu.yield
      }) : () -> ()
      %add3A_82 = arith.constant 256 : i32
      %add3A_83 = arith.addi %mul3A_0, %add3A_82 : i32
      "tpu.region"() ({
        %run_scoped3A_217 = tpu.sem_alloc : memref<!tpu.dma_semaphore, #tpu.memory_space<semaphore_mem>>
        %dma_start3A_218 = arith.constant 0 : i32
        %dma_start3A_219 = tpu.memref_slice %arg12[%add3A_83, %dma_start3A_218] : memref<10240x128xf32, #tpu.memory_space<vmem_shared>> -> memref<128x128xf32, #tpu.memory_space<vmem_shared>>
        %dma_start3A_220 = arith.constant 0 : i32
        %dma_start3A_221 = tpu.memref_slice %arg12[%add3A_83, %dma_start3A_220] : memref<10240x128xf32, #tpu.memory_space<vmem_shared>> -> memref<128x128xf32, #tpu.memory_space<vmem_shared>>
        tpu.enqueue_dma source(%arg8 : memref<128x128xf32, #tpu.memory_space<vmem>>) target(%dma_start3A_221 : memref<128x128xf32, #tpu.memory_space<vmem_shared>>) target_semaphore(%run_scoped3A_217 : memref<!tpu.dma_semaphore, #tpu.memory_space<semaphore_mem>>)
        %dma_wait3A_222 = arith.constant 0 : i32
        %dma_wait3A_223 = tpu.memref_slice %arg12[%add3A_83, %dma_wait3A_222] : memref<10240x128xf32, #tpu.memory_space<vmem_shared>> -> memref<128x128xf32, #tpu.memory_space<vmem_shared>>
        %dma_wait3A_224 = arith.constant 0 : i32
        %dma_wait3A_225 = tpu.memref_slice %arg12[%add3A_83, %dma_wait3A_224] : memref<10240x128xf32, #tpu.memory_space<vmem_shared>> -> memref<128x128xf32, #tpu.memory_space<vmem_shared>>
        tpu.wait_dma2 semaphore(%run_scoped3A_217 : memref<!tpu.dma_semaphore, #tpu.memory_space<semaphore_mem>>) src(%arg8 : memref<128x128xf32, #tpu.memory_space<vmem>>) dst(%dma_wait3A_225 : memref<128x128xf32, #tpu.memory_space<vmem_shared>>)
        tpu.yield
      }) : () -> ()
      %add3A_84 = arith.constant 384 : i32
      %add3A_85 = arith.addi %mul3A_0, %add3A_84 : i32
      "tpu.region"() ({
        %run_scoped3A_217 = tpu.sem_alloc : memref<!tpu.dma_semaphore, #tpu.memory_space<semaphore_mem>>
        %dma_start3A_218 = arith.constant 0 : i32
        %dma_start3A_219 = tpu.memref_slice %arg12[%add3A_85, %dma_start3A_218] : memref<10240x128xf32, #tpu.memory_space<vmem_shared>> -> memref<128x128xf32, #tpu.memory_space<vmem_shared>>
        %dma_start3A_220 = arith.constant 0 : i32
        %dma_start3A_221 = tpu.memref_slice %arg12[%add3A_85, %dma_start3A_220] : memref<10240x128xf32, #tpu.memory_space<vmem_shared>> -> memref<128x128xf32, #tpu.memory_space<vmem_shared>>
        tpu.enqueue_dma source(%arg8 : memref<128x128xf32, #tpu.memory_space<vmem>>) target(%dma_start3A_221 : memref<128x128xf32, #tpu.memory_space<vmem_shared>>) target_semaphore(%run_scoped3A_217 : memref<!tpu.dma_semaphore, #tpu.memory_space<semaphore_mem>>)
        %dma_wait3A_222 = arith.constant 0 : i32
        %dma_wait3A_223 = tpu.memref_slice %arg12[%add3A_85, %dma_wait3A_222] : memref<10240x128xf32, #tpu.memory_space<vmem_shared>> -> memref<128x128xf32, #tpu.memory_space<vmem_shared>>
        %dma_wait3A_224 = arith.constant 0 : i32
        %dma_wait3A_225 = tpu.memref_slice %arg12[%add3A_85, %dma_wait3A_224] : memref<10240x128xf32, #tpu.memory_space<vmem_shared>> -> memref<128x128xf32, #tpu.memory_space<vmem_shared>>
        tpu.wait_dma2 semaphore(%run_scoped3A_217 : memref<!tpu.dma_semaphore, #tpu.memory_space<semaphore_mem>>) src(%arg8 : memref<128x128xf32, #tpu.memory_space<vmem>>) dst(%dma_wait3A_225 : memref<128x128xf32, #tpu.memory_space<vmem_shared>>)
        tpu.yield
      }) : () -> ()
      %add3A_86 = arith.constant 512 : i32
      %add3A_87 = arith.addi %mul3A_0, %add3A_86 : i32
      "tpu.region"() ({
        %run_scoped3A_217 = tpu.sem_alloc : memref<!tpu.dma_semaphore, #tpu.memory_space<semaphore_mem>>
        %dma_start3A_218 = arith.constant 0 : i32
        %dma_start3A_219 = tpu.memref_slice %arg12[%add3A_87, %dma_start3A_218] : memref<10240x128xf32, #tpu.memory_space<vmem_shared>> -> memref<128x128xf32, #tpu.memory_space<vmem_shared>>
        %dma_start3A_220 = arith.constant 0 : i32
        %dma_start3A_221 = tpu.memref_slice %arg12[%add3A_87, %dma_start3A_220] : memref<10240x128xf32, #tpu.memory_space<vmem_shared>> -> memref<128x128xf32, #tpu.memory_space<vmem_shared>>
        tpu.enqueue_dma source(%arg8 : memref<128x128xf32, #tpu.memory_space<vmem>>) target(%dma_start3A_221 : memref<128x128xf32, #tpu.memory_space<vmem_shared>>) target_semaphore(%run_scoped3A_217 : memref<!tpu.dma_semaphore, #tpu.memory_space<semaphore_mem>>)
        %dma_wait3A_222 = arith.constant 0 : i32
        %dma_wait3A_223 = tpu.memref_slice %arg12[%add3A_87, %dma_wait3A_222] : memref<10240x128xf32, #tpu.memory_space<vmem_shared>> -> memref<128x128xf32, #tpu.memory_space<vmem_shared>>
        %dma_wait3A_224 = arith.constant 0 : i32
        %dma_wait3A_225 = tpu.memref_slice %arg12[%add3A_87, %dma_wait3A_224] : memref<10240x128xf32, #tpu.memory_space<vmem_shared>> -> memref<128x128xf32, #tpu.memory_space<vmem_shared>>
        tpu.wait_dma2 semaphore(%run_scoped3A_217 : memref<!tpu.dma_semaphore, #tpu.memory_space<semaphore_mem>>) src(%arg8 : memref<128x128xf32, #tpu.memory_space<vmem>>) dst(%dma_wait3A_225 : memref<128x128xf32, #tpu.memory_space<vmem_shared>>)
        tpu.yield
      }) : () -> ()
      %barrier3A = arith.constant 0 : index
      tpu.barrier barrier_id(%barrier3A)
      %dma_start3A = arith.constant 0 : i32
      %dma_start3A_88 = arith.constant 0 : i32
      %dma_start3A_89 = arith.constant 0 : i32
      %dma_start3A_90 = arith.constant 0 : i32
      %dma_start3A_91 = tpu.memref_slice %arg7[%dma_start3A_88, %dma_start3A_89, %dma_start3A_90] : memref<4x2x128xi32, #tpu.memory_space<vmem>> -> memref<1x2x128xi32, #tpu.memory_space<vmem>>
      %dma_start3A_92 = tpu.memref_squeeze %dma_start3A_91 : memref<1x2x128xi32, #tpu.memory_space<vmem>> -> memref<2x128xi32, #tpu.memory_space<vmem>>
      %dma_start3A_93 = arith.constant 0 : i32
      %dma_start3A_94 = arith.constant 0 : i32
      %dma_start3A_95 = tpu.memref_slice %arg3[%arg1, %dma_start3A, %dma_start3A_93, %dma_start3A_94] : memref<16x64x2x128xi32, #tpu.memory_space<hbm>> -> memref<1x1x2x128xi32, #tpu.memory_space<hbm>>
      %dma_start3A_96 = tpu.memref_squeeze %dma_start3A_95 : memref<1x1x2x128xi32, #tpu.memory_space<hbm>> -> memref<2x128xi32, #tpu.memory_space<hbm>>
      %dma_start3A_97 = arith.constant 0 : i32
      %dma_start3A_98 = arith.constant 0 : i32
      %dma_start3A_99 = tpu.memref_slice %arg7[%dma_start3A_88, %dma_start3A_97, %dma_start3A_98] : memref<4x2x128xi32, #tpu.memory_space<vmem>> -> memref<1x2x128xi32, #tpu.memory_space<vmem>>
      %dma_start3A_100 = tpu.memref_squeeze %dma_start3A_99 : memref<1x2x128xi32, #tpu.memory_space<vmem>> -> memref<2x128xi32, #tpu.memory_space<vmem>>
      %dma_start3A_101 = arith.constant 0 : i32
      %dma_start3A_102 = arith.constant 0 : i32
      %dma_start3A_103 = tpu.memref_slice %arg3[%arg1, %dma_start3A, %dma_start3A_101, %dma_start3A_102] : memref<16x64x2x128xi32, #tpu.memory_space<hbm>> -> memref<1x1x2x128xi32, #tpu.memory_space<hbm>>
      %dma_start3A_104 = tpu.memref_squeeze %dma_start3A_103 : memref<1x1x2x128xi32, #tpu.memory_space<hbm>> -> memref<2x128xi32, #tpu.memory_space<hbm>>
      tpu.enqueue_dma source(%dma_start3A_104 : memref<2x128xi32, #tpu.memory_space<hbm>>) target(%dma_start3A_100 : memref<2x128xi32, #tpu.memory_space<vmem>>) target_semaphore(%arg14 : memref<!tpu.dma_semaphore, #tpu.memory_space<semaphore_mem>>)
      %dma_start3A_105 = arith.constant 1 : i32
      %dma_start3A_106 = arith.constant 1 : i32
      %dma_start3A_107 = arith.constant 0 : i32
      %dma_start3A_108 = arith.constant 0 : i32
      %dma_start3A_109 = tpu.memref_slice %arg7[%dma_start3A_106, %dma_start3A_107, %dma_start3A_108] : memref<4x2x128xi32, #tpu.memory_space<vmem>> -> memref<1x2x128xi32, #tpu.memory_space<vmem>>
      %dma_start3A_110 = tpu.memref_squeeze %dma_start3A_109 : memref<1x2x128xi32, #tpu.memory_space<vmem>> -> memref<2x128xi32, #tpu.memory_space<vmem>>
      %dma_start3A_111 = arith.constant 0 : i32
      %dma_start3A_112 = arith.constant 0 : i32
      %dma_start3A_113 = tpu.memref_slice %arg3[%arg1, %dma_start3A_105, %dma_start3A_111, %dma_start3A_112] : memref<16x64x2x128xi32, #tpu.memory_space<hbm>> -> memref<1x1x2x128xi32, #tpu.memory_space<hbm>>
      %dma_start3A_114 = tpu.memref_squeeze %dma_start3A_113 : memref<1x1x2x128xi32, #tpu.memory_space<hbm>> -> memref<2x128xi32, #tpu.memory_space<hbm>>
      %dma_start3A_115 = arith.constant 0 : i32
      %dma_start3A_116 = arith.constant 0 : i32
      %dma_start3A_117 = tpu.memref_slice %arg7[%dma_start3A_106, %dma_start3A_115, %dma_start3A_116] : memref<4x2x128xi32, #tpu.memory_space<vmem>> -> memref<1x2x128xi32, #tpu.memory_space<vmem>>
      %dma_start3A_118 = tpu.memref_squeeze %dma_start3A_117 : memref<1x2x128xi32, #tpu.memory_space<vmem>> -> memref<2x128xi32, #tpu.memory_space<vmem>>
      %dma_start3A_119 = arith.constant 0 : i32
      %dma_start3A_120 = arith.constant 0 : i32
      %dma_start3A_121 = tpu.memref_slice %arg3[%arg1, %dma_start3A_105, %dma_start3A_119, %dma_start3A_120] : memref<16x64x2x128xi32, #tpu.memory_space<hbm>> -> memref<1x1x2x128xi32, #tpu.memory_space<hbm>>
      %dma_start3A_122 = tpu.memref_squeeze %dma_start3A_121 : memref<1x1x2x128xi32, #tpu.memory_space<hbm>> -> memref<2x128xi32, #tpu.memory_space<hbm>>
      tpu.enqueue_dma source(%dma_start3A_122 : memref<2x128xi32, #tpu.memory_space<hbm>>) target(%dma_start3A_118 : memref<2x128xi32, #tpu.memory_space<vmem>>) target_semaphore(%arg15 : memref<!tpu.dma_semaphore, #tpu.memory_space<semaphore_mem>>)
      %dma_start3A_123 = arith.constant 2 : i32
      %dma_start3A_124 = arith.constant 2 : i32
      %dma_start3A_125 = arith.constant 0 : i32
      %dma_start3A_126 = arith.constant 0 : i32
      %dma_start3A_127 = tpu.memref_slice %arg7[%dma_start3A_124, %dma_start3A_125, %dma_start3A_126] : memref<4x2x128xi32, #tpu.memory_space<vmem>> -> memref<1x2x128xi32, #tpu.memory_space<vmem>>
      %dma_start3A_128 = tpu.memref_squeeze %dma_start3A_127 : memref<1x2x128xi32, #tpu.memory_space<vmem>> -> memref<2x128xi32, #tpu.memory_space<vmem>>
      %dma_start3A_129 = arith.constant 0 : i32
      %dma_start3A_130 = arith.constant 0 : i32
      %dma_start3A_131 = tpu.memref_slice %arg3[%arg1, %dma_start3A_123, %dma_start3A_129, %dma_start3A_130] : memref<16x64x2x128xi32, #tpu.memory_space<hbm>> -> memref<1x1x2x128xi32, #tpu.memory_space<hbm>>
      %dma_start3A_132 = tpu.memref_squeeze %dma_start3A_131 : memref<1x1x2x128xi32, #tpu.memory_space<hbm>> -> memref<2x128xi32, #tpu.memory_space<hbm>>
      %dma_start3A_133 = arith.constant 0 : i32
      %dma_start3A_134 = arith.constant 0 : i32
      %dma_start3A_135 = tpu.memref_slice %arg7[%dma_start3A_124, %dma_start3A_133, %dma_start3A_134] : memref<4x2x128xi32, #tpu.memory_space<vmem>> -> memref<1x2x128xi32, #tpu.memory_space<vmem>>
      %dma_start3A_136 = tpu.memref_squeeze %dma_start3A_135 : memref<1x2x128xi32, #tpu.memory_space<vmem>> -> memref<2x128xi32, #tpu.memory_space<vmem>>
      %dma_start3A_137 = arith.constant 0 : i32
      %dma_start3A_138 = arith.constant 0 : i32
      %dma_start3A_139 = tpu.memref_slice %arg3[%arg1, %dma_start3A_123, %dma_start3A_137, %dma_start3A_138] : memref<16x64x2x128xi32, #tpu.memory_space<hbm>> -> memref<1x1x2x128xi32, #tpu.memory_space<hbm>>
      %dma_start3A_140 = tpu.memref_squeeze %dma_start3A_139 : memref<1x1x2x128xi32, #tpu.memory_space<hbm>> -> memref<2x128xi32, #tpu.memory_space<hbm>>
      tpu.enqueue_dma source(%dma_start3A_140 : memref<2x128xi32, #tpu.memory_space<hbm>>) target(%dma_start3A_136 : memref<2x128xi32, #tpu.memory_space<vmem>>) target_semaphore(%arg16 : memref<!tpu.dma_semaphore, #tpu.memory_space<semaphore_mem>>)
      %dma_start3A_141 = arith.constant 3 : i32
      %dma_start3A_142 = arith.constant 3 : i32
      %dma_start3A_143 = arith.constant 0 : i32
      %dma_start3A_144 = arith.constant 0 : i32
      %dma_start3A_145 = tpu.memref_slice %arg7[%dma_start3A_142, %dma_start3A_143, %dma_start3A_144] : memref<4x2x128xi32, #tpu.memory_space<vmem>> -> memref<1x2x128xi32, #tpu.memory_space<vmem>>
      %dma_start3A_146 = tpu.memref_squeeze %dma_start3A_145 : memref<1x2x128xi32, #tpu.memory_space<vmem>> -> memref<2x128xi32, #tpu.memory_space<vmem>>
      %dma_start3A_147 = arith.constant 0 : i32
      %dma_start3A_148 = arith.constant 0 : i32
      %dma_start3A_149 = tpu.memref_slice %arg3[%arg1, %dma_start3A_141, %dma_start3A_147, %dma_start3A_148] : memref<16x64x2x128xi32, #tpu.memory_space<hbm>> -> memref<1x1x2x128xi32, #tpu.memory_space<hbm>>
      %dma_start3A_150 = tpu.memref_squeeze %dma_start3A_149 : memref<1x1x2x128xi32, #tpu.memory_space<hbm>> -> memref<2x128xi32, #tpu.memory_space<hbm>>
      %dma_start3A_151 = arith.constant 0 : i32
      %dma_start3A_152 = arith.constant 0 : i32
      %dma_start3A_153 = tpu.memref_slice %arg7[%dma_start3A_142, %dma_start3A_151, %dma_start3A_152] : memref<4x2x128xi32, #tpu.memory_space<vmem>> -> memref<1x2x128xi32, #tpu.memory_space<vmem>>
      %dma_start3A_154 = tpu.memref_squeeze %dma_start3A_153 : memref<1x2x128xi32, #tpu.memory_space<vmem>> -> memref<2x128xi32, #tpu.memory_space<vmem>>
      %dma_start3A_155 = arith.constant 0 : i32
      %dma_start3A_156 = arith.constant 0 : i32
      %dma_start3A_157 = tpu.memref_slice %arg3[%arg1, %dma_start3A_141, %dma_start3A_155, %dma_start3A_156] : memref<16x64x2x128xi32, #tpu.memory_space<hbm>> -> memref<1x1x2x128xi32, #tpu.memory_space<hbm>>
      %dma_start3A_158 = tpu.memref_squeeze %dma_start3A_157 : memref<1x1x2x128xi32, #tpu.memory_space<hbm>> -> memref<2x128xi32, #tpu.memory_space<hbm>>
      tpu.enqueue_dma source(%dma_start3A_158 : memref<2x128xi32, #tpu.memory_space<hbm>>) target(%dma_start3A_154 : memref<2x128xi32, #tpu.memory_space<vmem>>) target_semaphore(%arg17 : memref<!tpu.dma_semaphore, #tpu.memory_space<semaphore_mem>>)
      %dma_wait3A = arith.constant 0 : i32
      %dma_wait3A_159 = arith.constant 0 : i32
      %dma_wait3A_160 = arith.constant 0 : i32
      %dma_wait3A_161 = arith.constant 0 : i32
      %dma_wait3A_162 = tpu.memref_slice %arg7[%dma_wait3A_159, %dma_wait3A_160, %dma_wait3A_161] : memref<4x2x128xi32, #tpu.memory_space<vmem>> -> memref<1x2x128xi32, #tpu.memory_space<vmem>>
      %dma_wait3A_163 = tpu.memref_squeeze %dma_wait3A_162 : memref<1x2x128xi32, #tpu.memory_space<vmem>> -> memref<2x128xi32, #tpu.memory_space<vmem>>
      %dma_wait3A_164 = arith.constant 0 : i32
      %dma_wait3A_165 = arith.constant 0 : i32
      %dma_wait3A_166 = tpu.memref_slice %arg3[%arg1, %dma_wait3A, %dma_wait3A_164, %dma_wait3A_165] : memref<16x64x2x128xi32, #tpu.memory_space<hbm>> -> memref<1x1x2x128xi32, #tpu.memory_space<hbm>>
      %dma_wait3A_167 = tpu.memref_squeeze %dma_wait3A_166 : memref<1x1x2x128xi32, #tpu.memory_space<hbm>> -> memref<2x128xi32, #tpu.memory_space<hbm>>
      %dma_wait3A_168 = arith.constant 0 : i32
      %dma_wait3A_169 = arith.constant 0 : i32
      %dma_wait3A_170 = tpu.memref_slice %arg7[%dma_wait3A_159, %dma_wait3A_168, %dma_wait3A_169] : memref<4x2x128xi32, #tpu.memory_space<vmem>> -> memref<1x2x128xi32, #tpu.memory_space<vmem>>
      %dma_wait3A_171 = tpu.memref_squeeze %dma_wait3A_170 : memref<1x2x128xi32, #tpu.memory_space<vmem>> -> memref<2x128xi32, #tpu.memory_space<vmem>>
      %dma_wait3A_172 = arith.constant 0 : i32
      %dma_wait3A_173 = arith.constant 0 : i32
      %dma_wait3A_174 = tpu.memref_slice %arg3[%arg1, %dma_wait3A, %dma_wait3A_172, %dma_wait3A_173] : memref<16x64x2x128xi32, #tpu.memory_space<hbm>> -> memref<1x1x2x128xi32, #tpu.memory_space<hbm>>
      %dma_wait3A_175 = tpu.memref_squeeze %dma_wait3A_174 : memref<1x1x2x128xi32, #tpu.memory_space<hbm>> -> memref<2x128xi32, #tpu.memory_space<hbm>>
      tpu.wait_dma2 semaphore(%arg14 : memref<!tpu.dma_semaphore, #tpu.memory_space<semaphore_mem>>) src(%dma_wait3A_175 : memref<2x128xi32, #tpu.memory_space<hbm>>) dst(%dma_wait3A_171 : memref<2x128xi32, #tpu.memory_space<vmem>>)
      %dma_start3A_176 = arith.constant 0 : i32
      %dma_start3A_177 = arith.constant 0 : i32
      %dma_start3A_178 = arith.constant 0 : i32
      %dma_start3A_179 = tpu.memref_slice %arg7[%dma_start3A_176, %dma_start3A_177, %dma_start3A_178] : memref<4x2x128xi32, #tpu.memory_space<vmem>> -> memref<1x1x128xi32, #tpu.memory_space<vmem>>
      %dma_start3A_180 = tpu.memref_squeeze %dma_start3A_179 : memref<1x1x128xi32, #tpu.memory_space<vmem>> -> memref<128xi32, #tpu.memory_space<vmem>>
      %dma_start3A_181 = arith.constant 0 : i32
      %dma_start3A_182 = arith.constant 0 : i32
      %dma_start3A_183 = tpu.memref_slice %arg2[%dma_start3A_181, %dma_start3A_182] : memref<10000x128xf32, #tpu.memory_space<hbm>> -> memref<10000x128xf32, #tpu.memory_space<hbm>>
      tpu.enqueue_indirect_dma source(%dma_start3A_183 : memref<10000x128xf32, #tpu.memory_space<hbm>>) target(%arg8 : memref<128x128xf32, #tpu.memory_space<vmem>>) offsets(%dma_start3A_180 : memref<128xi32, #tpu.memory_space<vmem>>) semaphore(%arg18 : memref<!tpu.dma_semaphore, #tpu.memory_space<semaphore_mem>>)
      %dma_wait3A_184 = arith.constant 1 : i32
      %dma_wait3A_185 = arith.constant 1 : i32
      %dma_wait3A_186 = arith.constant 0 : i32
      %dma_wait3A_187 = arith.constant 0 : i32
      %dma_wait3A_188 = tpu.memref_slice %arg7[%dma_wait3A_185, %dma_wait3A_186, %dma_wait3A_187] : memref<4x2x128xi32, #tpu.memory_space<vmem>> -> memref<1x2x128xi32, #tpu.memory_space<vmem>>
      %dma_wait3A_189 = tpu.memref_squeeze %dma_wait3A_188 : memref<1x2x128xi32, #tpu.memory_space<vmem>> -> memref<2x128xi32, #tpu.memory_space<vmem>>
      %dma_wait3A_190 = arith.constant 0 : i32
      %dma_wait3A_191 = arith.constant 0 : i32
      %dma_wait3A_192 = tpu.memref_slice %arg3[%arg1, %dma_wait3A_184, %dma_wait3A_190, %dma_wait3A_191] : memref<16x64x2x128xi32, #tpu.memory_space<hbm>> -> memref<1x1x2x128xi32, #tpu.memory_space<hbm>>
      %dma_wait3A_193 = tpu.memref_squeeze %dma_wait3A_192 : memref<1x1x2x128xi32, #tpu.memory_space<hbm>> -> memref<2x128xi32, #tpu.memory_space<hbm>>
      %dma_wait3A_194 = arith.constant 0 : i32
      %dma_wait3A_195 = arith.constant 0 : i32
      %dma_wait3A_196 = tpu.memref_slice %arg7[%dma_wait3A_185, %dma_wait3A_194, %dma_wait3A_195] : memref<4x2x128xi32, #tpu.memory_space<vmem>> -> memref<1x2x128xi32, #tpu.memory_space<vmem>>
      %dma_wait3A_197 = tpu.memref_squeeze %dma_wait3A_196 : memref<1x2x128xi32, #tpu.memory_space<vmem>> -> memref<2x128xi32, #tpu.memory_space<vmem>>
      %dma_wait3A_198 = arith.constant 0 : i32
      %dma_wait3A_199 = arith.constant 0 : i32
      %dma_wait3A_200 = tpu.memref_slice %arg3[%arg1, %dma_wait3A_184, %dma_wait3A_198, %dma_wait3A_199] : memref<16x64x2x128xi32, #tpu.memory_space<hbm>> -> memref<1x1x2x128xi32, #tpu.memory_space<hbm>>
      %dma_wait3A_201 = tpu.memref_squeeze %dma_wait3A_200 : memref<1x1x2x128xi32, #tpu.memory_space<hbm>> -> memref<2x128xi32, #tpu.memory_space<hbm>>
      tpu.wait_dma2 semaphore(%arg15 : memref<!tpu.dma_semaphore, #tpu.memory_space<semaphore_mem>>) src(%dma_wait3A_201 : memref<2x128xi32, #tpu.memory_space<hbm>>) dst(%dma_wait3A_197 : memref<2x128xi32, #tpu.memory_space<vmem>>)
      %dma_start3A_202 = arith.constant 1 : i32
      %dma_start3A_203 = arith.constant 0 : i32
      %dma_start3A_204 = arith.constant 0 : i32
      %dma_start3A_205 = tpu.memref_slice %arg7[%dma_start3A_202, %dma_start3A_203, %dma_start3A_204] : memref<4x2x128xi32, #tpu.memory_space<vmem>> -> memref<1x1x128xi32, #tpu.memory_space<vmem>>
      %dma_start3A_206 = tpu.memref_squeeze %dma_start3A_205 : memref<1x1x128xi32, #tpu.memory_space<vmem>> -> memref<128xi32, #tpu.memory_space<vmem>>
      %dma_start3A_207 = arith.constant 0 : i32
      %dma_start3A_208 = arith.constant 0 : i32
      %dma_start3A_209 = tpu.memref_slice %arg2[%dma_start3A_207, %dma_start3A_208] : memref<10000x128xf32, #tpu.memory_space<hbm>> -> memref<10000x128xf32, #tpu.memory_space<hbm>>
      tpu.enqueue_indirect_dma source(%dma_start3A_209 : memref<10000x128xf32, #tpu.memory_space<hbm>>) target(%arg9 : memref<128x128xf32, #tpu.memory_space<vmem>>) offsets(%dma_start3A_206 : memref<128xi32, #tpu.memory_space<vmem>>) semaphore(%arg19 : memref<!tpu.dma_semaphore, #tpu.memory_space<semaphore_mem>>)
      %scan3A_210 = arith.constant 0 : i32
      %scan3A_211 = arith.constant 0 : i32
      %scan3A_212 = arith.constant 16 : i32
      %scan3A_213 = arith.addi %scan3A_211, %scan3A_212 : i32
      %scan3A_214 = arith.constant 1 : i32
      scf.for %scan3A_217 = %scan3A_211 to %scan3A_213 step %scan3A_214  : i32 {
        %mul3A_218 = arith.constant 4 : i32
        %mul3A_219 = arith.muli %mul3A_218, %scan3A_217 : i32
        %dma_wait3A_220 = arith.constant 0 : i32
        %dma_wait3A_221 = arith.constant 0 : i32
        %dma_wait3A_222 = arith.constant 0 : i32
        %dma_wait3A_223 = tpu.memref_slice %arg7[%dma_wait3A_220, %dma_wait3A_221, %dma_wait3A_222] : memref<4x2x128xi32, #tpu.memory_space<vmem>> -> memref<1x1x128xi32, #tpu.memory_space<vmem>>
        %dma_wait3A_224 = tpu.memref_squeeze %dma_wait3A_223 : memref<1x1x128xi32, #tpu.memory_space<vmem>> -> memref<128xi32, #tpu.memory_space<vmem>>
        %dma_wait3A_225 = arith.constant 0 : i32
        %dma_wait3A_226 = arith.constant 0 : i32
        %dma_wait3A_227 = tpu.memref_slice %arg2[%dma_wait3A_225, %dma_wait3A_226] : memref<10000x128xf32, #tpu.memory_space<hbm>> -> memref<10000x128xf32, #tpu.memory_space<hbm>>
        tpu.wait_indirect_dma semaphore(%arg18 : memref<!tpu.dma_semaphore, #tpu.memory_space<semaphore_mem>>) src(%dma_wait3A_227 : memref<10000x128xf32, #tpu.memory_space<hbm>>) dst(%arg8 : memref<128x128xf32, #tpu.memory_space<vmem>>)
        %run_scoped3A_228 = arith.constant 0 : i32
        %run_scoped3A_229 = arith.constant 1 : i32
        "tpu.region"() ({
          %run_scoped3A_321 = tpu.sem_alloc : memref<!tpu.dma_semaphore, #tpu.memory_space<semaphore_mem>>
          %dma_start3A_322 = arith.constant 0 : i32
          %dma_start3A_323 = tpu.memref_slice %arg7[%run_scoped3A_228, %run_scoped3A_229, %dma_start3A_322] : memref<4x2x128xi32, #tpu.memory_space<vmem>> -> memref<1x1x128xi32, #tpu.memory_space<vmem>>
          %dma_start3A_324 = tpu.memref_squeeze %dma_start3A_323 : memref<1x1x128xi32, #tpu.memory_space<vmem>> -> memref<128xi32, #tpu.memory_space<vmem>>
          %dma_start3A_325 = arith.constant 0 : i32
          %dma_start3A_326 = arith.constant 0 : i32
          %dma_start3A_327 = tpu.memref_slice %arg12[%dma_start3A_325, %dma_start3A_326] : memref<10240x128xf32, #tpu.memory_space<vmem_shared>> -> memref<10240x128xf32, #tpu.memory_space<vmem_shared>>
          tpu.enqueue_indirect_dma source(%arg8 : memref<128x128xf32, #tpu.memory_space<vmem>>) target(%dma_start3A_327 : memref<10240x128xf32, #tpu.memory_space<vmem_shared>>) offsets(%dma_start3A_324 : memref<128xi32, #tpu.memory_space<vmem>>) semaphore(%run_scoped3A_321 : memref<!tpu.dma_semaphore, #tpu.memory_space<semaphore_mem>>) {add = true}
          %dma_wait3A_328 = arith.constant 0 : i32
          %dma_wait3A_329 = tpu.memref_slice %arg7[%run_scoped3A_228, %run_scoped3A_229, %dma_wait3A_328] : memref<4x2x128xi32, #tpu.memory_space<vmem>> -> memref<1x1x128xi32, #tpu.memory_space<vmem>>
          %dma_wait3A_330 = tpu.memref_squeeze %dma_wait3A_329 : memref<1x1x128xi32, #tpu.memory_space<vmem>> -> memref<128xi32, #tpu.memory_space<vmem>>
          %dma_wait3A_331 = arith.constant 0 : i32
          %dma_wait3A_332 = arith.constant 0 : i32
          %dma_wait3A_333 = tpu.memref_slice %arg12[%dma_wait3A_331, %dma_wait3A_332] : memref<10240x128xf32, #tpu.memory_space<vmem_shared>> -> memref<10240x128xf32, #tpu.memory_space<vmem_shared>>
          tpu.wait_indirect_dma semaphore(%run_scoped3A_321 : memref<!tpu.dma_semaphore, #tpu.memory_space<semaphore_mem>>) src(%arg8 : memref<128x128xf32, #tpu.memory_space<vmem>>) dst(%dma_wait3A_333 : memref<10240x128xf32, #tpu.memory_space<vmem_shared>>)
          tpu.yield
        }) : () -> ()
        %add3A_230 = arith.constant 4 : i32
        %add3A_231 = arith.addi %mul3A_219, %add3A_230 : i32
        %lt3A = arith.constant 64 : i32
        %lt3A_232 = arith.cmpi slt, %add3A_231, %lt3A : i32
        %convert_element_type3A_233 = arith.extui %lt3A_232 : i1 to i32
        %cond3A_234 = arith.constant 0 : i32
        %cond3A_235 = arith.cmpi ne, %convert_element_type3A_233, %cond3A_234 : i32
        scf.if %cond3A_235 {
          %add3A_321 = arith.constant 4 : i32
          %add3A_322 = arith.addi %mul3A_219, %add3A_321 : i32
          %dma_start3A_323 = arith.constant 0 : i32
          %dma_start3A_324 = arith.constant 0 : i32
          %dma_start3A_325 = arith.constant 0 : i32
          %dma_start3A_326 = tpu.memref_slice %arg7[%dma_start3A_323, %dma_start3A_324, %dma_start3A_325] : memref<4x2x128xi32, #tpu.memory_space<vmem>> -> memref<1x2x128xi32, #tpu.memory_space<vmem>>
          %dma_start3A_327 = tpu.memref_squeeze %dma_start3A_326 : memref<1x2x128xi32, #tpu.memory_space<vmem>> -> memref<2x128xi32, #tpu.memory_space<vmem>>
          %dma_start3A_328 = arith.constant 0 : i32
          %dma_start3A_329 = arith.constant 0 : i32
          %dma_start3A_330 = tpu.memref_slice %arg3[%arg1, %add3A_322, %dma_start3A_328, %dma_start3A_329] : memref<16x64x2x128xi32, #tpu.memory_space<hbm>> -> memref<1x1x2x128xi32, #tpu.memory_space<hbm>>
          %dma_start3A_331 = tpu.memref_squeeze %dma_start3A_330 : memref<1x1x2x128xi32, #tpu.memory_space<hbm>> -> memref<2x128xi32, #tpu.memory_space<hbm>>
          %dma_start3A_332 = arith.constant 0 : i32
          %dma_start3A_333 = arith.constant 0 : i32
          %dma_start3A_334 = tpu.memref_slice %arg7[%dma_start3A_323, %dma_start3A_332, %dma_start3A_333] : memref<4x2x128xi32, #tpu.memory_space<vmem>> -> memref<1x2x128xi32, #tpu.memory_space<vmem>>
          %dma_start3A_335 = tpu.memref_squeeze %dma_start3A_334 : memref<1x2x128xi32, #tpu.memory_space<vmem>> -> memref<2x128xi32, #tpu.memory_space<vmem>>
          %dma_start3A_336 = arith.constant 0 : i32
          %dma_start3A_337 = arith.constant 0 : i32
          %dma_start3A_338 = tpu.memref_slice %arg3[%arg1, %add3A_322, %dma_start3A_336, %dma_start3A_337] : memref<16x64x2x128xi32, #tpu.memory_space<hbm>> -> memref<1x1x2x128xi32, #tpu.memory_space<hbm>>
          %dma_start3A_339 = tpu.memref_squeeze %dma_start3A_338 : memref<1x1x2x128xi32, #tpu.memory_space<hbm>> -> memref<2x128xi32, #tpu.memory_space<hbm>>
          tpu.enqueue_dma source(%dma_start3A_339 : memref<2x128xi32, #tpu.memory_space<hbm>>) target(%dma_start3A_335 : memref<2x128xi32, #tpu.memory_space<vmem>>) target_semaphore(%arg14 : memref<!tpu.dma_semaphore, #tpu.memory_space<semaphore_mem>>)
        } else {
        }
        %add3A_236 = arith.constant 2 : i32
        %add3A_237 = arith.addi %mul3A_219, %add3A_236 : i32
        %lt3A_238 = arith.constant 64 : i32
        %lt3A_239 = arith.cmpi slt, %add3A_237, %lt3A_238 : i32
        %convert_element_type3A_240 = arith.extui %lt3A_239 : i1 to i32
        %cond3A_241 = arith.constant 0 : i32
        %cond3A_242 = arith.cmpi ne, %convert_element_type3A_240, %cond3A_241 : i32
        scf.if %cond3A_242 {
          %add3A_321 = arith.constant 2 : i32
          %add3A_322 = arith.addi %mul3A_219, %add3A_321 : i32
          %dma_wait3A_323 = arith.constant 2 : i32
          %dma_wait3A_324 = arith.constant 0 : i32
          %dma_wait3A_325 = arith.constant 0 : i32
          %dma_wait3A_326 = tpu.memref_slice %arg7[%dma_wait3A_323, %dma_wait3A_324, %dma_wait3A_325] : memref<4x2x128xi32, #tpu.memory_space<vmem>> -> memref<1x2x128xi32, #tpu.memory_space<vmem>>
          %dma_wait3A_327 = tpu.memref_squeeze %dma_wait3A_326 : memref<1x2x128xi32, #tpu.memory_space<vmem>> -> memref<2x128xi32, #tpu.memory_space<vmem>>
          %dma_wait3A_328 = arith.constant 0 : i32
          %dma_wait3A_329 = arith.constant 0 : i32
          %dma_wait3A_330 = tpu.memref_slice %arg3[%arg1, %add3A_322, %dma_wait3A_328, %dma_wait3A_329] : memref<16x64x2x128xi32, #tpu.memory_space<hbm>> -> memref<1x1x2x128xi32, #tpu.memory_space<hbm>>
          %dma_wait3A_331 = tpu.memref_squeeze %dma_wait3A_330 : memref<1x1x2x128xi32, #tpu.memory_space<hbm>> -> memref<2x128xi32, #tpu.memory_space<hbm>>
          %dma_wait3A_332 = arith.constant 0 : i32
          %dma_wait3A_333 = arith.constant 0 : i32
          %dma_wait3A_334 = tpu.memref_slice %arg7[%dma_wait3A_323, %dma_wait3A_332, %dma_wait3A_333] : memref<4x2x128xi32, #tpu.memory_space<vmem>> -> memref<1x2x128xi32, #tpu.memory_space<vmem>>
          %dma_wait3A_335 = tpu.memref_squeeze %dma_wait3A_334 : memref<1x2x128xi32, #tpu.memory_space<vmem>> -> memref<2x128xi32, #tpu.memory_space<vmem>>
          %dma_wait3A_336 = arith.constant 0 : i32
          %dma_wait3A_337 = arith.constant 0 : i32
          %dma_wait3A_338 = tpu.memref_slice %arg3[%arg1, %add3A_322, %dma_wait3A_336, %dma_wait3A_337] : memref<16x64x2x128xi32, #tpu.memory_space<hbm>> -> memref<1x1x2x128xi32, #tpu.memory_space<hbm>>
          %dma_wait3A_339 = tpu.memref_squeeze %dma_wait3A_338 : memref<1x1x2x128xi32, #tpu.memory_space<hbm>> -> memref<2x128xi32, #tpu.memory_space<hbm>>
          tpu.wait_dma2 semaphore(%arg16 : memref<!tpu.dma_semaphore, #tpu.memory_space<semaphore_mem>>) src(%dma_wait3A_339 : memref<2x128xi32, #tpu.memory_space<hbm>>) dst(%dma_wait3A_335 : memref<2x128xi32, #tpu.memory_space<vmem>>)
          %dma_start3A_340 = arith.constant 2 : i32
          %dma_start3A_341 = arith.constant 0 : i32
          %dma_start3A_342 = arith.constant 0 : i32
          %dma_start3A_343 = tpu.memref_slice %arg7[%dma_start3A_340, %dma_start3A_341, %dma_start3A_342] : memref<4x2x128xi32, #tpu.memory_space<vmem>> -> memref<1x1x128xi32, #tpu.memory_space<vmem>>
          %dma_start3A_344 = tpu.memref_squeeze %dma_start3A_343 : memref<1x1x128xi32, #tpu.memory_space<vmem>> -> memref<128xi32, #tpu.memory_space<vmem>>
          %dma_start3A_345 = arith.constant 0 : i32
          %dma_start3A_346 = arith.constant 0 : i32
          %dma_start3A_347 = tpu.memref_slice %arg2[%dma_start3A_345, %dma_start3A_346] : memref<10000x128xf32, #tpu.memory_space<hbm>> -> memref<10000x128xf32, #tpu.memory_space<hbm>>
          tpu.enqueue_indirect_dma source(%dma_start3A_347 : memref<10000x128xf32, #tpu.memory_space<hbm>>) target(%arg8 : memref<128x128xf32, #tpu.memory_space<vmem>>) offsets(%dma_start3A_344 : memref<128xi32, #tpu.memory_space<vmem>>) semaphore(%arg18 : memref<!tpu.dma_semaphore, #tpu.memory_space<semaphore_mem>>)
        } else {
        }
        %add3A_243 = arith.constant 1 : i32
        %add3A_244 = arith.addi %mul3A_219, %add3A_243 : i32
        %dma_wait3A_245 = arith.constant 1 : i32
        %dma_wait3A_246 = arith.constant 0 : i32
        %dma_wait3A_247 = arith.constant 0 : i32
        %dma_wait3A_248 = tpu.memref_slice %arg7[%dma_wait3A_245, %dma_wait3A_246, %dma_wait3A_247] : memref<4x2x128xi32, #tpu.memory_space<vmem>> -> memref<1x1x128xi32, #tpu.memory_space<vmem>>
        %dma_wait3A_249 = tpu.memref_squeeze %dma_wait3A_248 : memref<1x1x128xi32, #tpu.memory_space<vmem>> -> memref<128xi32, #tpu.memory_space<vmem>>
        %dma_wait3A_250 = arith.constant 0 : i32
        %dma_wait3A_251 = arith.constant 0 : i32
        %dma_wait3A_252 = tpu.memref_slice %arg2[%dma_wait3A_250, %dma_wait3A_251] : memref<10000x128xf32, #tpu.memory_space<hbm>> -> memref<10000x128xf32, #tpu.memory_space<hbm>>
        tpu.wait_indirect_dma semaphore(%arg19 : memref<!tpu.dma_semaphore, #tpu.memory_space<semaphore_mem>>) src(%dma_wait3A_252 : memref<10000x128xf32, #tpu.memory_space<hbm>>) dst(%arg9 : memref<128x128xf32, #tpu.memory_space<vmem>>)
        %run_scoped3A_253 = arith.constant 1 : i32
        %run_scoped3A_254 = arith.constant 1 : i32
        "tpu.region"() ({
          %run_scoped3A_321 = tpu.sem_alloc : memref<!tpu.dma_semaphore, #tpu.memory_space<semaphore_mem>>
          %dma_start3A_322 = arith.constant 0 : i32
          %dma_start3A_323 = tpu.memref_slice %arg7[%run_scoped3A_253, %run_scoped3A_254, %dma_start3A_322] : memref<4x2x128xi32, #tpu.memory_space<vmem>> -> memref<1x1x128xi32, #tpu.memory_space<vmem>>
          %dma_start3A_324 = tpu.memref_squeeze %dma_start3A_323 : memref<1x1x128xi32, #tpu.memory_space<vmem>> -> memref<128xi32, #tpu.memory_space<vmem>>
          %dma_start3A_325 = arith.constant 0 : i32
          %dma_start3A_326 = arith.constant 0 : i32
          %dma_start3A_327 = tpu.memref_slice %arg12[%dma_start3A_325, %dma_start3A_326] : memref<10240x128xf32, #tpu.memory_space<vmem_shared>> -> memref<10240x128xf32, #tpu.memory_space<vmem_shared>>
          tpu.enqueue_indirect_dma source(%arg9 : memref<128x128xf32, #tpu.memory_space<vmem>>) target(%dma_start3A_327 : memref<10240x128xf32, #tpu.memory_space<vmem_shared>>) offsets(%dma_start3A_324 : memref<128xi32, #tpu.memory_space<vmem>>) semaphore(%run_scoped3A_321 : memref<!tpu.dma_semaphore, #tpu.memory_space<semaphore_mem>>) {add = true}
          %dma_wait3A_328 = arith.constant 0 : i32
          %dma_wait3A_329 = tpu.memref_slice %arg7[%run_scoped3A_253, %run_scoped3A_254, %dma_wait3A_328] : memref<4x2x128xi32, #tpu.memory_space<vmem>> -> memref<1x1x128xi32, #tpu.memory_space<vmem>>
          %dma_wait3A_330 = tpu.memref_squeeze %dma_wait3A_329 : memref<1x1x128xi32, #tpu.memory_space<vmem>> -> memref<128xi32, #tpu.memory_space<vmem>>
          %dma_wait3A_331 = arith.constant 0 : i32
          %dma_wait3A_332 = arith.constant 0 : i32
          %dma_wait3A_333 = tpu.memref_slice %arg12[%dma_wait3A_331, %dma_wait3A_332] : memref<10240x128xf32, #tpu.memory_space<vmem_shared>> -> memref<10240x128xf32, #tpu.memory_space<vmem_shared>>
          tpu.wait_indirect_dma semaphore(%run_scoped3A_321 : memref<!tpu.dma_semaphore, #tpu.memory_space<semaphore_mem>>) src(%arg9 : memref<128x128xf32, #tpu.memory_space<vmem>>) dst(%dma_wait3A_333 : memref<10240x128xf32, #tpu.memory_space<vmem_shared>>)
          tpu.yield
        }) : () -> ()
        %add3A_255 = arith.constant 4 : i32
        %add3A_256 = arith.addi %add3A_244, %add3A_255 : i32
        %lt3A_257 = arith.constant 64 : i32
        %lt3A_258 = arith.cmpi slt, %add3A_256, %lt3A_257 : i32
        %convert_element_type3A_259 = arith.extui %lt3A_258 : i1 to i32
        %cond3A_260 = arith.constant 0 : i32
        %cond3A_261 = arith.cmpi ne, %convert_element_type3A_259, %cond3A_260 : i32
        scf.if %cond3A_261 {
          %add3A_321 = arith.constant 4 : i32
          %add3A_322 = arith.addi %add3A_244, %add3A_321 : i32
          %dma_start3A_323 = arith.constant 1 : i32
          %dma_start3A_324 = arith.constant 0 : i32
          %dma_start3A_325 = arith.constant 0 : i32
          %dma_start3A_326 = tpu.memref_slice %arg7[%dma_start3A_323, %dma_start3A_324, %dma_start3A_325] : memref<4x2x128xi32, #tpu.memory_space<vmem>> -> memref<1x2x128xi32, #tpu.memory_space<vmem>>
          %dma_start3A_327 = tpu.memref_squeeze %dma_start3A_326 : memref<1x2x128xi32, #tpu.memory_space<vmem>> -> memref<2x128xi32, #tpu.memory_space<vmem>>
          %dma_start3A_328 = arith.constant 0 : i32
          %dma_start3A_329 = arith.constant 0 : i32
          %dma_start3A_330 = tpu.memref_slice %arg3[%arg1, %add3A_322, %dma_start3A_328, %dma_start3A_329] : memref<16x64x2x128xi32, #tpu.memory_space<hbm>> -> memref<1x1x2x128xi32, #tpu.memory_space<hbm>>
          %dma_start3A_331 = tpu.memref_squeeze %dma_start3A_330 : memref<1x1x2x128xi32, #tpu.memory_space<hbm>> -> memref<2x128xi32, #tpu.memory_space<hbm>>
          %dma_start3A_332 = arith.constant 0 : i32
          %dma_start3A_333 = arith.constant 0 : i32
          %dma_start3A_334 = tpu.memref_slice %arg7[%dma_start3A_323, %dma_start3A_332, %dma_start3A_333] : memref<4x2x128xi32, #tpu.memory_space<vmem>> -> memref<1x2x128xi32, #tpu.memory_space<vmem>>
          %dma_start3A_335 = tpu.memref_squeeze %dma_start3A_334 : memref<1x2x128xi32, #tpu.memory_space<vmem>> -> memref<2x128xi32, #tpu.memory_space<vmem>>
          %dma_start3A_336 = arith.constant 0 : i32
          %dma_start3A_337 = arith.constant 0 : i32
          %dma_start3A_338 = tpu.memref_slice %arg3[%arg1, %add3A_322, %dma_start3A_336, %dma_start3A_337] : memref<16x64x2x128xi32, #tpu.memory_space<hbm>> -> memref<1x1x2x128xi32, #tpu.memory_space<hbm>>
          %dma_start3A_339 = tpu.memref_squeeze %dma_start3A_338 : memref<1x1x2x128xi32, #tpu.memory_space<hbm>> -> memref<2x128xi32, #tpu.memory_space<hbm>>
          tpu.enqueue_dma source(%dma_start3A_339 : memref<2x128xi32, #tpu.memory_space<hbm>>) target(%dma_start3A_335 : memref<2x128xi32, #tpu.memory_space<vmem>>) target_semaphore(%arg15 : memref<!tpu.dma_semaphore, #tpu.memory_space<semaphore_mem>>)
        } else {
        }
        %add3A_262 = arith.constant 2 : i32
        %add3A_263 = arith.addi %add3A_244, %add3A_262 : i32
        %lt3A_264 = arith.constant 64 : i32
        %lt3A_265 = arith.cmpi slt, %add3A_263, %lt3A_264 : i32
        %convert_element_type3A_266 = arith.extui %lt3A_265 : i1 to i32
        %cond3A_267 = arith.constant 0 : i32
        %cond3A_268 = arith.cmpi ne, %convert_element_type3A_266, %cond3A_267 : i32
        scf.if %cond3A_268 {
          %add3A_321 = arith.constant 2 : i32
          %add3A_322 = arith.addi %add3A_244, %add3A_321 : i32
          %dma_wait3A_323 = arith.constant 3 : i32
          %dma_wait3A_324 = arith.constant 0 : i32
          %dma_wait3A_325 = arith.constant 0 : i32
          %dma_wait3A_326 = tpu.memref_slice %arg7[%dma_wait3A_323, %dma_wait3A_324, %dma_wait3A_325] : memref<4x2x128xi32, #tpu.memory_space<vmem>> -> memref<1x2x128xi32, #tpu.memory_space<vmem>>
          %dma_wait3A_327 = tpu.memref_squeeze %dma_wait3A_326 : memref<1x2x128xi32, #tpu.memory_space<vmem>> -> memref<2x128xi32, #tpu.memory_space<vmem>>
          %dma_wait3A_328 = arith.constant 0 : i32
          %dma_wait3A_329 = arith.constant 0 : i32
          %dma_wait3A_330 = tpu.memref_slice %arg3[%arg1, %add3A_322, %dma_wait3A_328, %dma_wait3A_329] : memref<16x64x2x128xi32, #tpu.memory_space<hbm>> -> memref<1x1x2x128xi32, #tpu.memory_space<hbm>>
          %dma_wait3A_331 = tpu.memref_squeeze %dma_wait3A_330 : memref<1x1x2x128xi32, #tpu.memory_space<hbm>> -> memref<2x128xi32, #tpu.memory_space<hbm>>
          %dma_wait3A_332 = arith.constant 0 : i32
          %dma_wait3A_333 = arith.constant 0 : i32
          %dma_wait3A_334 = tpu.memref_slice %arg7[%dma_wait3A_323, %dma_wait3A_332, %dma_wait3A_333] : memref<4x2x128xi32, #tpu.memory_space<vmem>> -> memref<1x2x128xi32, #tpu.memory_space<vmem>>
          %dma_wait3A_335 = tpu.memref_squeeze %dma_wait3A_334 : memref<1x2x128xi32, #tpu.memory_space<vmem>> -> memref<2x128xi32, #tpu.memory_space<vmem>>
          %dma_wait3A_336 = arith.constant 0 : i32
          %dma_wait3A_337 = arith.constant 0 : i32
          %dma_wait3A_338 = tpu.memref_slice %arg3[%arg1, %add3A_322, %dma_wait3A_336, %dma_wait3A_337] : memref<16x64x2x128xi32, #tpu.memory_space<hbm>> -> memref<1x1x2x128xi32, #tpu.memory_space<hbm>>
          %dma_wait3A_339 = tpu.memref_squeeze %dma_wait3A_338 : memref<1x1x2x128xi32, #tpu.memory_space<hbm>> -> memref<2x128xi32, #tpu.memory_space<hbm>>
          tpu.wait_dma2 semaphore(%arg17 : memref<!tpu.dma_semaphore, #tpu.memory_space<semaphore_mem>>) src(%dma_wait3A_339 : memref<2x128xi32, #tpu.memory_space<hbm>>) dst(%dma_wait3A_335 : memref<2x128xi32, #tpu.memory_space<vmem>>)
          %dma_start3A_340 = arith.constant 3 : i32
          %dma_start3A_341 = arith.constant 0 : i32
          %dma_start3A_342 = arith.constant 0 : i32
          %dma_start3A_343 = tpu.memref_slice %arg7[%dma_start3A_340, %dma_start3A_341, %dma_start3A_342] : memref<4x2x128xi32, #tpu.memory_space<vmem>> -> memref<1x1x128xi32, #tpu.memory_space<vmem>>
          %dma_start3A_344 = tpu.memref_squeeze %dma_start3A_343 : memref<1x1x128xi32, #tpu.memory_space<vmem>> -> memref<128xi32, #tpu.memory_space<vmem>>
          %dma_start3A_345 = arith.constant 0 : i32
          %dma_start3A_346 = arith.constant 0 : i32
          %dma_start3A_347 = tpu.memref_slice %arg2[%dma_start3A_345, %dma_start3A_346] : memref<10000x128xf32, #tpu.memory_space<hbm>> -> memref<10000x128xf32, #tpu.memory_space<hbm>>
          tpu.enqueue_indirect_dma source(%dma_start3A_347 : memref<10000x128xf32, #tpu.memory_space<hbm>>) target(%arg9 : memref<128x128xf32, #tpu.memory_space<vmem>>) offsets(%dma_start3A_344 : memref<128xi32, #tpu.memory_space<vmem>>) semaphore(%arg19 : memref<!tpu.dma_semaphore, #tpu.memory_space<semaphore_mem>>)
        } else {
        }
        %add3A_269 = arith.constant 2 : i32
        %add3A_270 = arith.addi %mul3A_219, %add3A_269 : i32
        %dma_wait3A_271 = arith.constant 2 : i32
        %dma_wait3A_272 = arith.constant 0 : i32
        %dma_wait3A_273 = arith.constant 0 : i32
        %dma_wait3A_274 = tpu.memref_slice %arg7[%dma_wait3A_271, %dma_wait3A_272, %dma_wait3A_273] : memref<4x2x128xi32, #tpu.memory_space<vmem>> -> memref<1x1x128xi32, #tpu.memory_space<vmem>>
        %dma_wait3A_275 = tpu.memref_squeeze %dma_wait3A_274 : memref<1x1x128xi32, #tpu.memory_space<vmem>> -> memref<128xi32, #tpu.memory_space<vmem>>
        %dma_wait3A_276 = arith.constant 0 : i32
        %dma_wait3A_277 = arith.constant 0 : i32
        %dma_wait3A_278 = tpu.memref_slice %arg2[%dma_wait3A_276, %dma_wait3A_277] : memref<10000x128xf32, #tpu.memory_space<hbm>> -> memref<10000x128xf32, #tpu.memory_space<hbm>>
        tpu.wait_indirect_dma semaphore(%arg18 : memref<!tpu.dma_semaphore, #tpu.memory_space<semaphore_mem>>) src(%dma_wait3A_278 : memref<10000x128xf32, #tpu.memory_space<hbm>>) dst(%arg8 : memref<128x128xf32, #tpu.memory_space<vmem>>)
        %run_scoped3A_279 = arith.constant 2 : i32
        %run_scoped3A_280 = arith.constant 1 : i32
        "tpu.region"() ({
          %run_scoped3A_321 = tpu.sem_alloc : memref<!tpu.dma_semaphore, #tpu.memory_space<semaphore_mem>>
          %dma_start3A_322 = arith.constant 0 : i32
          %dma_start3A_323 = tpu.memref_slice %arg7[%run_scoped3A_279, %run_scoped3A_280, %dma_start3A_322] : memref<4x2x128xi32, #tpu.memory_space<vmem>> -> memref<1x1x128xi32, #tpu.memory_space<vmem>>
          %dma_start3A_324 = tpu.memref_squeeze %dma_start3A_323 : memref<1x1x128xi32, #tpu.memory_space<vmem>> -> memref<128xi32, #tpu.memory_space<vmem>>
          %dma_start3A_325 = arith.constant 0 : i32
          %dma_start3A_326 = arith.constant 0 : i32
          %dma_start3A_327 = tpu.memref_slice %arg12[%dma_start3A_325, %dma_start3A_326] : memref<10240x128xf32, #tpu.memory_space<vmem_shared>> -> memref<10240x128xf32, #tpu.memory_space<vmem_shared>>
          tpu.enqueue_indirect_dma source(%arg8 : memref<128x128xf32, #tpu.memory_space<vmem>>) target(%dma_start3A_327 : memref<10240x128xf32, #tpu.memory_space<vmem_shared>>) offsets(%dma_start3A_324 : memref<128xi32, #tpu.memory_space<vmem>>) semaphore(%run_scoped3A_321 : memref<!tpu.dma_semaphore, #tpu.memory_space<semaphore_mem>>) {add = true}
          %dma_wait3A_328 = arith.constant 0 : i32
          %dma_wait3A_329 = tpu.memref_slice %arg7[%run_scoped3A_279, %run_scoped3A_280, %dma_wait3A_328] : memref<4x2x128xi32, #tpu.memory_space<vmem>> -> memref<1x1x128xi32, #tpu.memory_space<vmem>>
          %dma_wait3A_330 = tpu.memref_squeeze %dma_wait3A_329 : memref<1x1x128xi32, #tpu.memory_space<vmem>> -> memref<128xi32, #tpu.memory_space<vmem>>
          %dma_wait3A_331 = arith.constant 0 : i32
          %dma_wait3A_332 = arith.constant 0 : i32
          %dma_wait3A_333 = tpu.memref_slice %arg12[%dma_wait3A_331, %dma_wait3A_332] : memref<10240x128xf32, #tpu.memory_space<vmem_shared>> -> memref<10240x128xf32, #tpu.memory_space<vmem_shared>>
          tpu.wait_indirect_dma semaphore(%run_scoped3A_321 : memref<!tpu.dma_semaphore, #tpu.memory_space<semaphore_mem>>) src(%arg8 : memref<128x128xf32, #tpu.memory_space<vmem>>) dst(%dma_wait3A_333 : memref<10240x128xf32, #tpu.memory_space<vmem_shared>>)
          tpu.yield
        }) : () -> ()
        %add3A_281 = arith.constant 4 : i32
        %add3A_282 = arith.addi %add3A_270, %add3A_281 : i32
        %lt3A_283 = arith.constant 64 : i32
        %lt3A_284 = arith.cmpi slt, %add3A_282, %lt3A_283 : i32
        %convert_element_type3A_285 = arith.extui %lt3A_284 : i1 to i32
        %cond3A_286 = arith.constant 0 : i32
        %cond3A_287 = arith.cmpi ne, %convert_element_type3A_285, %cond3A_286 : i32
        scf.if %cond3A_287 {
          %add3A_321 = arith.constant 4 : i32
          %add3A_322 = arith.addi %add3A_270, %add3A_321 : i32
          %dma_start3A_323 = arith.constant 2 : i32
          %dma_start3A_324 = arith.constant 0 : i32
          %dma_start3A_325 = arith.constant 0 : i32
          %dma_start3A_326 = tpu.memref_slice %arg7[%dma_start3A_323, %dma_start3A_324, %dma_start3A_325] : memref<4x2x128xi32, #tpu.memory_space<vmem>> -> memref<1x2x128xi32, #tpu.memory_space<vmem>>
          %dma_start3A_327 = tpu.memref_squeeze %dma_start3A_326 : memref<1x2x128xi32, #tpu.memory_space<vmem>> -> memref<2x128xi32, #tpu.memory_space<vmem>>
          %dma_start3A_328 = arith.constant 0 : i32
          %dma_start3A_329 = arith.constant 0 : i32
          %dma_start3A_330 = tpu.memref_slice %arg3[%arg1, %add3A_322, %dma_start3A_328, %dma_start3A_329] : memref<16x64x2x128xi32, #tpu.memory_space<hbm>> -> memref<1x1x2x128xi32, #tpu.memory_space<hbm>>
          %dma_start3A_331 = tpu.memref_squeeze %dma_start3A_330 : memref<1x1x2x128xi32, #tpu.memory_space<hbm>> -> memref<2x128xi32, #tpu.memory_space<hbm>>
          %dma_start3A_332 = arith.constant 0 : i32
          %dma_start3A_333 = arith.constant 0 : i32
          %dma_start3A_334 = tpu.memref_slice %arg7[%dma_start3A_323, %dma_start3A_332, %dma_start3A_333] : memref<4x2x128xi32, #tpu.memory_space<vmem>> -> memref<1x2x128xi32, #tpu.memory_space<vmem>>
          %dma_start3A_335 = tpu.memref_squeeze %dma_start3A_334 : memref<1x2x128xi32, #tpu.memory_space<vmem>> -> memref<2x128xi32, #tpu.memory_space<vmem>>
          %dma_start3A_336 = arith.constant 0 : i32
          %dma_start3A_337 = arith.constant 0 : i32
          %dma_start3A_338 = tpu.memref_slice %arg3[%arg1, %add3A_322, %dma_start3A_336, %dma_start3A_337] : memref<16x64x2x128xi32, #tpu.memory_space<hbm>> -> memref<1x1x2x128xi32, #tpu.memory_space<hbm>>
          %dma_start3A_339 = tpu.memref_squeeze %dma_start3A_338 : memref<1x1x2x128xi32, #tpu.memory_space<hbm>> -> memref<2x128xi32, #tpu.memory_space<hbm>>
          tpu.enqueue_dma source(%dma_start3A_339 : memref<2x128xi32, #tpu.memory_space<hbm>>) target(%dma_start3A_335 : memref<2x128xi32, #tpu.memory_space<vmem>>) target_semaphore(%arg16 : memref<!tpu.dma_semaphore, #tpu.memory_space<semaphore_mem>>)
        } else {
        }
        %add3A_288 = arith.constant 2 : i32
        %add3A_289 = arith.addi %add3A_270, %add3A_288 : i32
        %lt3A_290 = arith.constant 64 : i32
        %lt3A_291 = arith.cmpi slt, %add3A_289, %lt3A_290 : i32
        %convert_element_type3A_292 = arith.extui %lt3A_291 : i1 to i32
        %cond3A_293 = arith.constant 0 : i32
        %cond3A_294 = arith.cmpi ne, %convert_element_type3A_292, %cond3A_293 : i32
        scf.if %cond3A_294 {
          %add3A_321 = arith.constant 2 : i32
          %add3A_322 = arith.addi %add3A_270, %add3A_321 : i32
          %dma_wait3A_323 = arith.constant 0 : i32
          %dma_wait3A_324 = arith.constant 0 : i32
          %dma_wait3A_325 = arith.constant 0 : i32
          %dma_wait3A_326 = tpu.memref_slice %arg7[%dma_wait3A_323, %dma_wait3A_324, %dma_wait3A_325] : memref<4x2x128xi32, #tpu.memory_space<vmem>> -> memref<1x2x128xi32, #tpu.memory_space<vmem>>
          %dma_wait3A_327 = tpu.memref_squeeze %dma_wait3A_326 : memref<1x2x128xi32, #tpu.memory_space<vmem>> -> memref<2x128xi32, #tpu.memory_space<vmem>>
          %dma_wait3A_328 = arith.constant 0 : i32
          %dma_wait3A_329 = arith.constant 0 : i32
          %dma_wait3A_330 = tpu.memref_slice %arg3[%arg1, %add3A_322, %dma_wait3A_328, %dma_wait3A_329] : memref<16x64x2x128xi32, #tpu.memory_space<hbm>> -> memref<1x1x2x128xi32, #tpu.memory_space<hbm>>
          %dma_wait3A_331 = tpu.memref_squeeze %dma_wait3A_330 : memref<1x1x2x128xi32, #tpu.memory_space<hbm>> -> memref<2x128xi32, #tpu.memory_space<hbm>>
          %dma_wait3A_332 = arith.constant 0 : i32
          %dma_wait3A_333 = arith.constant 0 : i32
          %dma_wait3A_334 = tpu.memref_slice %arg7[%dma_wait3A_323, %dma_wait3A_332, %dma_wait3A_333] : memref<4x2x128xi32, #tpu.memory_space<vmem>> -> memref<1x2x128xi32, #tpu.memory_space<vmem>>
          %dma_wait3A_335 = tpu.memref_squeeze %dma_wait3A_334 : memref<1x2x128xi32, #tpu.memory_space<vmem>> -> memref<2x128xi32, #tpu.memory_space<vmem>>
          %dma_wait3A_336 = arith.constant 0 : i32
          %dma_wait3A_337 = arith.constant 0 : i32
          %dma_wait3A_338 = tpu.memref_slice %arg3[%arg1, %add3A_322, %dma_wait3A_336, %dma_wait3A_337] : memref<16x64x2x128xi32, #tpu.memory_space<hbm>> -> memref<1x1x2x128xi32, #tpu.memory_space<hbm>>
          %dma_wait3A_339 = tpu.memref_squeeze %dma_wait3A_338 : memref<1x1x2x128xi32, #tpu.memory_space<hbm>> -> memref<2x128xi32, #tpu.memory_space<hbm>>
          tpu.wait_dma2 semaphore(%arg14 : memref<!tpu.dma_semaphore, #tpu.memory_space<semaphore_mem>>) src(%dma_wait3A_339 : memref<2x128xi32, #tpu.memory_space<hbm>>) dst(%dma_wait3A_335 : memref<2x128xi32, #tpu.memory_space<vmem>>)
          %dma_start3A_340 = arith.constant 0 : i32
          %dma_start3A_341 = arith.constant 0 : i32
          %dma_start3A_342 = arith.constant 0 : i32
          %dma_start3A_343 = tpu.memref_slice %arg7[%dma_start3A_340, %dma_start3A_341, %dma_start3A_342] : memref<4x2x128xi32, #tpu.memory_space<vmem>> -> memref<1x1x128xi32, #tpu.memory_space<vmem>>
          %dma_start3A_344 = tpu.memref_squeeze %dma_start3A_343 : memref<1x1x128xi32, #tpu.memory_space<vmem>> -> memref<128xi32, #tpu.memory_space<vmem>>
          %dma_start3A_345 = arith.constant 0 : i32
          %dma_start3A_346 = arith.constant 0 : i32
          %dma_start3A_347 = tpu.memref_slice %arg2[%dma_start3A_345, %dma_start3A_346] : memref<10000x128xf32, #tpu.memory_space<hbm>> -> memref<10000x128xf32, #tpu.memory_space<hbm>>
          tpu.enqueue_indirect_dma source(%dma_start3A_347 : memref<10000x128xf32, #tpu.memory_space<hbm>>) target(%arg8 : memref<128x128xf32, #tpu.memory_space<vmem>>) offsets(%dma_start3A_344 : memref<128xi32, #tpu.memory_space<vmem>>) semaphore(%arg18 : memref<!tpu.dma_semaphore, #tpu.memory_space<semaphore_mem>>)
        } else {
        }
        %add3A_295 = arith.constant 3 : i32
        %add3A_296 = arith.addi %mul3A_219, %add3A_295 : i32
        %dma_wait3A_297 = arith.constant 3 : i32
        %dma_wait3A_298 = arith.constant 0 : i32
        %dma_wait3A_299 = arith.constant 0 : i32
        %dma_wait3A_300 = tpu.memref_slice %arg7[%dma_wait3A_297, %dma_wait3A_298, %dma_wait3A_299] : memref<4x2x128xi32, #tpu.memory_space<vmem>> -> memref<1x1x128xi32, #tpu.memory_space<vmem>>
        %dma_wait3A_301 = tpu.memref_squeeze %dma_wait3A_300 : memref<1x1x128xi32, #tpu.memory_space<vmem>> -> memref<128xi32, #tpu.memory_space<vmem>>
        %dma_wait3A_302 = arith.constant 0 : i32
        %dma_wait3A_303 = arith.constant 0 : i32
        %dma_wait3A_304 = tpu.memref_slice %arg2[%dma_wait3A_302, %dma_wait3A_303] : memref<10000x128xf32, #tpu.memory_space<hbm>> -> memref<10000x128xf32, #tpu.memory_space<hbm>>
        tpu.wait_indirect_dma semaphore(%arg19 : memref<!tpu.dma_semaphore, #tpu.memory_space<semaphore_mem>>) src(%dma_wait3A_304 : memref<10000x128xf32, #tpu.memory_space<hbm>>) dst(%arg9 : memref<128x128xf32, #tpu.memory_space<vmem>>)
        %run_scoped3A_305 = arith.constant 3 : i32
        %run_scoped3A_306 = arith.constant 1 : i32
        "tpu.region"() ({
          %run_scoped3A_321 = tpu.sem_alloc : memref<!tpu.dma_semaphore, #tpu.memory_space<semaphore_mem>>
          %dma_start3A_322 = arith.constant 0 : i32
          %dma_start3A_323 = tpu.memref_slice %arg7[%run_scoped3A_305, %run_scoped3A_306, %dma_start3A_322] : memref<4x2x128xi32, #tpu.memory_space<vmem>> -> memref<1x1x128xi32, #tpu.memory_space<vmem>>
          %dma_start3A_324 = tpu.memref_squeeze %dma_start3A_323 : memref<1x1x128xi32, #tpu.memory_space<vmem>> -> memref<128xi32, #tpu.memory_space<vmem>>
          %dma_start3A_325 = arith.constant 0 : i32
          %dma_start3A_326 = arith.constant 0 : i32
          %dma_start3A_327 = tpu.memref_slice %arg12[%dma_start3A_325, %dma_start3A_326] : memref<10240x128xf32, #tpu.memory_space<vmem_shared>> -> memref<10240x128xf32, #tpu.memory_space<vmem_shared>>
          tpu.enqueue_indirect_dma source(%arg9 : memref<128x128xf32, #tpu.memory_space<vmem>>) target(%dma_start3A_327 : memref<10240x128xf32, #tpu.memory_space<vmem_shared>>) offsets(%dma_start3A_324 : memref<128xi32, #tpu.memory_space<vmem>>) semaphore(%run_scoped3A_321 : memref<!tpu.dma_semaphore, #tpu.memory_space<semaphore_mem>>) {add = true}
          %dma_wait3A_328 = arith.constant 0 : i32
          %dma_wait3A_329 = tpu.memref_slice %arg7[%run_scoped3A_305, %run_scoped3A_306, %dma_wait3A_328] : memref<4x2x128xi32, #tpu.memory_space<vmem>> -> memref<1x1x128xi32, #tpu.memory_space<vmem>>
          %dma_wait3A_330 = tpu.memref_squeeze %dma_wait3A_329 : memref<1x1x128xi32, #tpu.memory_space<vmem>> -> memref<128xi32, #tpu.memory_space<vmem>>
          %dma_wait3A_331 = arith.constant 0 : i32
          %dma_wait3A_332 = arith.constant 0 : i32
          %dma_wait3A_333 = tpu.memref_slice %arg12[%dma_wait3A_331, %dma_wait3A_332] : memref<10240x128xf32, #tpu.memory_space<vmem_shared>> -> memref<10240x128xf32, #tpu.memory_space<vmem_shared>>
          tpu.wait_indirect_dma semaphore(%run_scoped3A_321 : memref<!tpu.dma_semaphore, #tpu.memory_space<semaphore_mem>>) src(%arg9 : memref<128x128xf32, #tpu.memory_space<vmem>>) dst(%dma_wait3A_333 : memref<10240x128xf32, #tpu.memory_space<vmem_shared>>)
          tpu.yield
        }) : () -> ()
        %add3A_307 = arith.constant 4 : i32
        %add3A_308 = arith.addi %add3A_296, %add3A_307 : i32
        %lt3A_309 = arith.constant 64 : i32
        %lt3A_310 = arith.cmpi slt, %add3A_308, %lt3A_309 : i32
        %convert_element_type3A_311 = arith.extui %lt3A_310 : i1 to i32
        %cond3A_312 = arith.constant 0 : i32
        %cond3A_313 = arith.cmpi ne, %convert_element_type3A_311, %cond3A_312 : i32
        scf.if %cond3A_313 {
          %add3A_321 = arith.constant 4 : i32
          %add3A_322 = arith.addi %add3A_296, %add3A_321 : i32
          %dma_start3A_323 = arith.constant 3 : i32
          %dma_start3A_324 = arith.constant 0 : i32
          %dma_start3A_325 = arith.constant 0 : i32
          %dma_start3A_326 = tpu.memref_slice %arg7[%dma_start3A_323, %dma_start3A_324, %dma_start3A_325] : memref<4x2x128xi32, #tpu.memory_space<vmem>> -> memref<1x2x128xi32, #tpu.memory_space<vmem>>
          %dma_start3A_327 = tpu.memref_squeeze %dma_start3A_326 : memref<1x2x128xi32, #tpu.memory_space<vmem>> -> memref<2x128xi32, #tpu.memory_space<vmem>>
          %dma_start3A_328 = arith.constant 0 : i32
          %dma_start3A_329 = arith.constant 0 : i32
          %dma_start3A_330 = tpu.memref_slice %arg3[%arg1, %add3A_322, %dma_start3A_328, %dma_start3A_329] : memref<16x64x2x128xi32, #tpu.memory_space<hbm>> -> memref<1x1x2x128xi32, #tpu.memory_space<hbm>>
          %dma_start3A_331 = tpu.memref_squeeze %dma_start3A_330 : memref<1x1x2x128xi32, #tpu.memory_space<hbm>> -> memref<2x128xi32, #tpu.memory_space<hbm>>
          %dma_start3A_332 = arith.constant 0 : i32
          %dma_start3A_333 = arith.constant 0 : i32
          %dma_start3A_334 = tpu.memref_slice %arg7[%dma_start3A_323, %dma_start3A_332, %dma_start3A_333] : memref<4x2x128xi32, #tpu.memory_space<vmem>> -> memref<1x2x128xi32, #tpu.memory_space<vmem>>
          %dma_start3A_335 = tpu.memref_squeeze %dma_start3A_334 : memref<1x2x128xi32, #tpu.memory_space<vmem>> -> memref<2x128xi32, #tpu.memory_space<vmem>>
          %dma_start3A_336 = arith.constant 0 : i32
          %dma_start3A_337 = arith.constant 0 : i32
          %dma_start3A_338 = tpu.memref_slice %arg3[%arg1, %add3A_322, %dma_start3A_336, %dma_start3A_337] : memref<16x64x2x128xi32, #tpu.memory_space<hbm>> -> memref<1x1x2x128xi32, #tpu.memory_space<hbm>>
          %dma_start3A_339 = tpu.memref_squeeze %dma_start3A_338 : memref<1x1x2x128xi32, #tpu.memory_space<hbm>> -> memref<2x128xi32, #tpu.memory_space<hbm>>
          tpu.enqueue_dma source(%dma_start3A_339 : memref<2x128xi32, #tpu.memory_space<hbm>>) target(%dma_start3A_335 : memref<2x128xi32, #tpu.memory_space<vmem>>) target_semaphore(%arg17 : memref<!tpu.dma_semaphore, #tpu.memory_space<semaphore_mem>>)
        } else {
        }
        %add3A_314 = arith.constant 2 : i32
        %add3A_315 = arith.addi %add3A_296, %add3A_314 : i32
        %lt3A_316 = arith.constant 64 : i32
        %lt3A_317 = arith.cmpi slt, %add3A_315, %lt3A_316 : i32
        %convert_element_type3A_318 = arith.extui %lt3A_317 : i1 to i32
        %cond3A_319 = arith.constant 0 : i32
        %cond3A_320 = arith.cmpi ne, %convert_element_type3A_318, %cond3A_319 : i32
        scf.if %cond3A_320 {
          %add3A_321 = arith.constant 2 : i32
          %add3A_322 = arith.addi %add3A_296, %add3A_321 : i32
          %dma_wait3A_323 = arith.constant 1 : i32
          %dma_wait3A_324 = arith.constant 0 : i32
          %dma_wait3A_325 = arith.constant 0 : i32
          %dma_wait3A_326 = tpu.memref_slice %arg7[%dma_wait3A_323, %dma_wait3A_324, %dma_wait3A_325] : memref<4x2x128xi32, #tpu.memory_space<vmem>> -> memref<1x2x128xi32, #tpu.memory_space<vmem>>
          %dma_wait3A_327 = tpu.memref_squeeze %dma_wait3A_326 : memref<1x2x128xi32, #tpu.memory_space<vmem>> -> memref<2x128xi32, #tpu.memory_space<vmem>>
          %dma_wait3A_328 = arith.constant 0 : i32
          %dma_wait3A_329 = arith.constant 0 : i32
          %dma_wait3A_330 = tpu.memref_slice %arg3[%arg1, %add3A_322, %dma_wait3A_328, %dma_wait3A_329] : memref<16x64x2x128xi32, #tpu.memory_space<hbm>> -> memref<1x1x2x128xi32, #tpu.memory_space<hbm>>
          %dma_wait3A_331 = tpu.memref_squeeze %dma_wait3A_330 : memref<1x1x2x128xi32, #tpu.memory_space<hbm>> -> memref<2x128xi32, #tpu.memory_space<hbm>>
          %dma_wait3A_332 = arith.constant 0 : i32
          %dma_wait3A_333 = arith.constant 0 : i32
          %dma_wait3A_334 = tpu.memref_slice %arg7[%dma_wait3A_323, %dma_wait3A_332, %dma_wait3A_333] : memref<4x2x128xi32, #tpu.memory_space<vmem>> -> memref<1x2x128xi32, #tpu.memory_space<vmem>>
          %dma_wait3A_335 = tpu.memref_squeeze %dma_wait3A_334 : memref<1x2x128xi32, #tpu.memory_space<vmem>> -> memref<2x128xi32, #tpu.memory_space<vmem>>
          %dma_wait3A_336 = arith.constant 0 : i32
          %dma_wait3A_337 = arith.constant 0 : i32
          %dma_wait3A_338 = tpu.memref_slice %arg3[%arg1, %add3A_322, %dma_wait3A_336, %dma_wait3A_337] : memref<16x64x2x128xi32, #tpu.memory_space<hbm>> -> memref<1x1x2x128xi32, #tpu.memory_space<hbm>>
          %dma_wait3A_339 = tpu.memref_squeeze %dma_wait3A_338 : memref<1x1x2x128xi32, #tpu.memory_space<hbm>> -> memref<2x128xi32, #tpu.memory_space<hbm>>
          tpu.wait_dma2 semaphore(%arg15 : memref<!tpu.dma_semaphore, #tpu.memory_space<semaphore_mem>>) src(%dma_wait3A_339 : memref<2x128xi32, #tpu.memory_space<hbm>>) dst(%dma_wait3A_335 : memref<2x128xi32, #tpu.memory_space<vmem>>)
          %dma_start3A_340 = arith.constant 1 : i32
          %dma_start3A_341 = arith.constant 0 : i32
          %dma_start3A_342 = arith.constant 0 : i32
          %dma_start3A_343 = tpu.memref_slice %arg7[%dma_start3A_340, %dma_start3A_341, %dma_start3A_342] : memref<4x2x128xi32, #tpu.memory_space<vmem>> -> memref<1x1x128xi32, #tpu.memory_space<vmem>>
          %dma_start3A_344 = tpu.memref_squeeze %dma_start3A_343 : memref<1x1x128xi32, #tpu.memory_space<vmem>> -> memref<128xi32, #tpu.memory_space<vmem>>
          %dma_start3A_345 = arith.constant 0 : i32
          %dma_start3A_346 = arith.constant 0 : i32
          %dma_start3A_347 = tpu.memref_slice %arg2[%dma_start3A_345, %dma_start3A_346] : memref<10000x128xf32, #tpu.memory_space<hbm>> -> memref<10000x128xf32, #tpu.memory_space<hbm>>
          tpu.enqueue_indirect_dma source(%dma_start3A_347 : memref<10000x128xf32, #tpu.memory_space<hbm>>) target(%arg9 : memref<128x128xf32, #tpu.memory_space<vmem>>) offsets(%dma_start3A_344 : memref<128xi32, #tpu.memory_space<vmem>>) semaphore(%arg19 : memref<!tpu.dma_semaphore, #tpu.memory_space<semaphore_mem>>)
        } else {
        }
      }
      %scan3A_215 = arith.constant 16 : i32
      %barrier3A_216 = arith.constant 0 : index
      tpu.barrier barrier_id(%barrier3A_216)
      %run_scoped3A = arith.constant 0 : i32
      "tpu.region"() ({
        %run_scoped3A_217 = tpu.sem_alloc : memref<!tpu.dma_semaphore, #tpu.memory_space<semaphore_mem>>
        %dma_start3A_218 = arith.constant 0 : i32
        %dma_start3A_219 = tpu.memref_slice %arg5[%run_scoped3A, %mul3A_0, %dma_start3A_218] : memref<2x10240x128xf32, #tpu.memory_space<hbm>> -> memref<1x640x128xf32, #tpu.memory_space<hbm>>
        %dma_start3A_220 = tpu.memref_squeeze %dma_start3A_219 : memref<1x640x128xf32, #tpu.memory_space<hbm>> -> memref<640x128xf32, #tpu.memory_space<hbm>>
        %dma_start3A_221 = arith.constant 0 : i32
        %dma_start3A_222 = tpu.memref_slice %arg12[%mul3A_0, %dma_start3A_221] : memref<10240x128xf32, #tpu.memory_space<vmem_shared>> -> memref<640x128xf32, #tpu.memory_space<vmem_shared>>
        tpu.enqueue_dma source(%dma_start3A_222 : memref<640x128xf32, #tpu.memory_space<vmem_shared>>) target(%dma_start3A_220 : memref<640x128xf32, #tpu.memory_space<hbm>>) target_semaphore(%run_scoped3A_217 : memref<!tpu.dma_semaphore, #tpu.memory_space<semaphore_mem>>)
        %dma_wait3A_223 = arith.constant 0 : i32
        %dma_wait3A_224 = tpu.memref_slice %arg5[%run_scoped3A, %mul3A_0, %dma_wait3A_223] : memref<2x10240x128xf32, #tpu.memory_space<hbm>> -> memref<1x640x128xf32, #tpu.memory_space<hbm>>
        %dma_wait3A_225 = tpu.memref_squeeze %dma_wait3A_224 : memref<1x640x128xf32, #tpu.memory_space<hbm>> -> memref<640x128xf32, #tpu.memory_space<hbm>>
        %dma_wait3A_226 = arith.constant 0 : i32
        %dma_wait3A_227 = tpu.memref_slice %arg12[%mul3A_0, %dma_wait3A_226] : memref<10240x128xf32, #tpu.memory_space<vmem_shared>> -> memref<640x128xf32, #tpu.memory_space<vmem_shared>>
        tpu.wait_dma2 semaphore(%run_scoped3A_217 : memref<!tpu.dma_semaphore, #tpu.memory_space<semaphore_mem>>) src(%dma_wait3A_227 : memref<640x128xf32, #tpu.memory_space<vmem_shared>>) dst(%dma_wait3A_225 : memref<640x128xf32, #tpu.memory_space<hbm>>)
        tpu.yield
      }) : () -> ()
    } else {
    }
    %eq3A_69 = arith.constant 1 : i32
    %eq3A_70 = arith.cmpi eq, %arg0, %eq3A_69 : i32
    %convert_element_type3A_71 = arith.extui %eq3A_70 : i1 to i32
    %cond3A_72 = arith.constant 0 : i32
    %cond3A_73 = arith.cmpi ne, %convert_element_type3A_71, %cond3A_72 : i32
    scf.if %cond3A_73 {
      %scan3A = arith.constant 0 : i32
      %scan3A_74 = arith.constant 0 : i32
      %scan3A_75 = arith.constant 128 : i32
      %scan3A_76 = arith.addi %scan3A_74, %scan3A_75 : i32
      %scan3A_77 = arith.constant 1 : i32
      scf.for %scan3A_383 = %scan3A_74 to %scan3A_76 step %scan3A_77  : i32 {
        %swap3A_384 = arith.index_cast %scan3A_383 : i32 to index
        %swap3A_385 = arith.constant 0 : index
        %swap3A_386 = tpu.vector_load %arg8[%swap3A_384, %swap3A_385] {strides = array<i32>} : memref<128x128xf32, #tpu.memory_space<vmem>>, vector<1x16xf32>,
        %swap3A_387 = vector.shape_cast %swap3A_386 : vector<1x16xf32> to vector<16xf32>
        %swap3A_388 = vector.shape_cast %broadcast_in_dim3A_3 : vector<16xf32> to vector<1x16xf32>
        tpu.vector_store %arg8[%swap3A_384, %swap3A_385], %swap3A_388 {strides = array<i32>} : memref<128x128xf32, #tpu.memory_space<vmem>>, vector<1x16xf32>,
        %swap3A_389 = arith.index_cast %scan3A_383 : i32 to index
        %swap3A_390 = arith.constant 16 : index
        %swap3A_391 = tpu.vector_load %arg8[%swap3A_389, %swap3A_390] {strides = array<i32>} : memref<128x128xf32, #tpu.memory_space<vmem>>, vector<1x16xf32>,
        %swap3A_392 = vector.shape_cast %swap3A_391 : vector<1x16xf32> to vector<16xf32>
        %swap3A_393 = vector.shape_cast %broadcast_in_dim3A_3 : vector<16xf32> to vector<1x16xf32>
        tpu.vector_store %arg8[%swap3A_389, %swap3A_390], %swap3A_393 {strides = array<i32>} : memref<128x128xf32, #tpu.memory_space<vmem>>, vector<1x16xf32>,
        %swap3A_394 = arith.index_cast %scan3A_383 : i32 to index
        %swap3A_395 = arith.constant 32 : index
        %swap3A_396 = tpu.vector_load %arg8[%swap3A_394, %swap3A_395] {strides = array<i32>} : memref<128x128xf32, #tpu.memory_space<vmem>>, vector<1x16xf32>,
        %swap3A_397 = vector.shape_cast %swap3A_396 : vector<1x16xf32> to vector<16xf32>
        %swap3A_398 = vector.shape_cast %broadcast_in_dim3A_3 : vector<16xf32> to vector<1x16xf32>
        tpu.vector_store %arg8[%swap3A_394, %swap3A_395], %swap3A_398 {strides = array<i32>} : memref<128x128xf32, #tpu.memory_space<vmem>>, vector<1x16xf32>,
        %swap3A_399 = arith.index_cast %scan3A_383 : i32 to index
        %swap3A_400 = arith.constant 48 : index
        %swap3A_401 = tpu.vector_load %arg8[%swap3A_399, %swap3A_400] {strides = array<i32>} : memref<128x128xf32, #tpu.memory_space<vmem>>, vector<1x16xf32>,
        %swap3A_402 = vector.shape_cast %swap3A_401 : vector<1x16xf32> to vector<16xf32>
        %swap3A_403 = vector.shape_cast %broadcast_in_dim3A_3 : vector<16xf32> to vector<1x16xf32>
        tpu.vector_store %arg8[%swap3A_399, %swap3A_400], %swap3A_403 {strides = array<i32>} : memref<128x128xf32, #tpu.memory_space<vmem>>, vector<1x16xf32>,
        %swap3A_404 = arith.index_cast %scan3A_383 : i32 to index
        %swap3A_405 = arith.constant 64 : index
        %swap3A_406 = tpu.vector_load %arg8[%swap3A_404, %swap3A_405] {strides = array<i32>} : memref<128x128xf32, #tpu.memory_space<vmem>>, vector<1x16xf32>,
        %swap3A_407 = vector.shape_cast %swap3A_406 : vector<1x16xf32> to vector<16xf32>
        %swap3A_408 = vector.shape_cast %broadcast_in_dim3A_3 : vector<16xf32> to vector<1x16xf32>
        tpu.vector_store %arg8[%swap3A_404, %swap3A_405], %swap3A_408 {strides = array<i32>} : memref<128x128xf32, #tpu.memory_space<vmem>>, vector<1x16xf32>,
        %swap3A_409 = arith.index_cast %scan3A_383 : i32 to index
        %swap3A_410 = arith.constant 80 : index
        %swap3A_411 = tpu.vector_load %arg8[%swap3A_409, %swap3A_410] {strides = array<i32>} : memref<128x128xf32, #tpu.memory_space<vmem>>, vector<1x16xf32>,
        %swap3A_412 = vector.shape_cast %swap3A_411 : vector<1x16xf32> to vector<16xf32>
        %swap3A_413 = vector.shape_cast %broadcast_in_dim3A_3 : vector<16xf32> to vector<1x16xf32>
        tpu.vector_store %arg8[%swap3A_409, %swap3A_410], %swap3A_413 {strides = array<i32>} : memref<128x128xf32, #tpu.memory_space<vmem>>, vector<1x16xf32>,
        %swap3A_414 = arith.index_cast %scan3A_383 : i32 to index
        %swap3A_415 = arith.constant 96 : index
        %swap3A_416 = tpu.vector_load %arg8[%swap3A_414, %swap3A_415] {strides = array<i32>} : memref<128x128xf32, #tpu.memory_space<vmem>>, vector<1x16xf32>,
        %swap3A_417 = vector.shape_cast %swap3A_416 : vector<1x16xf32> to vector<16xf32>
        %swap3A_418 = vector.shape_cast %broadcast_in_dim3A_3 : vector<16xf32> to vector<1x16xf32>
        tpu.vector_store %arg8[%swap3A_414, %swap3A_415], %swap3A_418 {strides = array<i32>} : memref<128x128xf32, #tpu.memory_space<vmem>>, vector<1x16xf32>,
        %swap3A_419 = arith.index_cast %scan3A_383 : i32 to index
        %swap3A_420 = arith.constant 112 : index
        %swap3A_421 = tpu.vector_load %arg8[%swap3A_419, %swap3A_420] {strides = array<i32>} : memref<128x128xf32, #tpu.memory_space<vmem>>, vector<1x16xf32>,
        %swap3A_422 = vector.shape_cast %swap3A_421 : vector<1x16xf32> to vector<16xf32>
        %swap3A_423 = vector.shape_cast %broadcast_in_dim3A_3 : vector<16xf32> to vector<1x16xf32>
        tpu.vector_store %arg8[%swap3A_419, %swap3A_420], %swap3A_423 {strides = array<i32>} : memref<128x128xf32, #tpu.memory_space<vmem>>, vector<1x16xf32>,
      }
      %scan3A_78 = arith.constant 128 : i32
      %add3A = arith.constant 0 : i32
      %add3A_79 = arith.addi %mul3A_0, %add3A : i32
      "tpu.region"() ({
        %run_scoped3A_383 = tpu.sem_alloc : memref<!tpu.dma_semaphore, #tpu.memory_space<semaphore_mem>>
        %dma_start3A_384 = arith.constant 0 : i32
        %dma_start3A_385 = tpu.memref_slice %arg12[%add3A_79, %dma_start3A_384] : memref<10240x128xf32, #tpu.memory_space<vmem_shared>> -> memref<128x128xf32, #tpu.memory_space<vmem_shared>>
        %dma_start3A_386 = arith.constant 0 : i32
        %dma_start3A_387 = tpu.memref_slice %arg12[%add3A_79, %dma_start3A_386] : memref<10240x128xf32, #tpu.memory_space<vmem_shared>> -> memref<128x128xf32, #tpu.memory_space<vmem_shared>>
        tpu.enqueue_dma source(%arg8 : memref<128x128xf32, #tpu.memory_space<vmem>>) target(%dma_start3A_387 : memref<128x128xf32, #tpu.memory_space<vmem_shared>>) target_semaphore(%run_scoped3A_383 : memref<!tpu.dma_semaphore, #tpu.memory_space<semaphore_mem>>)
        %dma_wait3A_388 = arith.constant 0 : i32
        %dma_wait3A_389 = tpu.memref_slice %arg12[%add3A_79, %dma_wait3A_388] : memref<10240x128xf32, #tpu.memory_space<vmem_shared>> -> memref<128x128xf32, #tpu.memory_space<vmem_shared>>
        %dma_wait3A_390 = arith.constant 0 : i32
        %dma_wait3A_391 = tpu.memref_slice %arg12[%add3A_79, %dma_wait3A_390] : memref<10240x128xf32, #tpu.memory_space<vmem_shared>> -> memref<128x128xf32, #tpu.memory_space<vmem_shared>>
        tpu.wait_dma2 semaphore(%run_scoped3A_383 : memref<!tpu.dma_semaphore, #tpu.memory_space<semaphore_mem>>) src(%arg8 : memref<128x128xf32, #tpu.memory_space<vmem>>) dst(%dma_wait3A_391 : memref<128x128xf32, #tpu.memory_space<vmem_shared>>)
        tpu.yield
      }) : () -> ()
      %add3A_80 = arith.constant 128 : i32
      %add3A_81 = arith.addi %mul3A_0, %add3A_80 : i32
      "tpu.region"() ({
        %run_scoped3A_383 = tpu.sem_alloc : memref<!tpu.dma_semaphore, #tpu.memory_space<semaphore_mem>>
        %dma_start3A_384 = arith.constant 0 : i32
        %dma_start3A_385 = tpu.memref_slice %arg12[%add3A_81, %dma_start3A_384] : memref<10240x128xf32, #tpu.memory_space<vmem_shared>> -> memref<128x128xf32, #tpu.memory_space<vmem_shared>>
        %dma_start3A_386 = arith.constant 0 : i32
        %dma_start3A_387 = tpu.memref_slice %arg12[%add3A_81, %dma_start3A_386] : memref<10240x128xf32, #tpu.memory_space<vmem_shared>> -> memref<128x128xf32, #tpu.memory_space<vmem_shared>>
        tpu.enqueue_dma source(%arg8 : memref<128x128xf32, #tpu.memory_space<vmem>>) target(%dma_start3A_387 : memref<128x128xf32, #tpu.memory_space<vmem_shared>>) target_semaphore(%run_scoped3A_383 : memref<!tpu.dma_semaphore, #tpu.memory_space<semaphore_mem>>)
        %dma_wait3A_388 = arith.constant 0 : i32
        %dma_wait3A_389 = tpu.memref_slice %arg12[%add3A_81, %dma_wait3A_388] : memref<10240x128xf32, #tpu.memory_space<vmem_shared>> -> memref<128x128xf32, #tpu.memory_space<vmem_shared>>
        %dma_wait3A_390 = arith.constant 0 : i32
        %dma_wait3A_391 = tpu.memref_slice %arg12[%add3A_81, %dma_wait3A_390] : memref<10240x128xf32, #tpu.memory_space<vmem_shared>> -> memref<128x128xf32, #tpu.memory_space<vmem_shared>>
        tpu.wait_dma2 semaphore(%run_scoped3A_383 : memref<!tpu.dma_semaphore, #tpu.memory_space<semaphore_mem>>) src(%arg8 : memref<128x128xf32, #tpu.memory_space<vmem>>) dst(%dma_wait3A_391 : memref<128x128xf32, #tpu.memory_space<vmem_shared>>)
        tpu.yield
      }) : () -> ()
      %add3A_82 = arith.constant 256 : i32
      %add3A_83 = arith.addi %mul3A_0, %add3A_82 : i32
      "tpu.region"() ({
        %run_scoped3A_383 = tpu.sem_alloc : memref<!tpu.dma_semaphore, #tpu.memory_space<semaphore_mem>>
        %dma_start3A_384 = arith.constant 0 : i32
        %dma_start3A_385 = tpu.memref_slice %arg12[%add3A_83, %dma_start3A_384] : memref<10240x128xf32, #tpu.memory_space<vmem_shared>> -> memref<128x128xf32, #tpu.memory_space<vmem_shared>>
        %dma_start3A_386 = arith.constant 0 : i32
        %dma_start3A_387 = tpu.memref_slice %arg12[%add3A_83, %dma_start3A_386] : memref<10240x128xf32, #tpu.memory_space<vmem_shared>> -> memref<128x128xf32, #tpu.memory_space<vmem_shared>>
        tpu.enqueue_dma source(%arg8 : memref<128x128xf32, #tpu.memory_space<vmem>>) target(%dma_start3A_387 : memref<128x128xf32, #tpu.memory_space<vmem_shared>>) target_semaphore(%run_scoped3A_383 : memref<!tpu.dma_semaphore, #tpu.memory_space<semaphore_mem>>)
        %dma_wait3A_388 = arith.constant 0 : i32
        %dma_wait3A_389 = tpu.memref_slice %arg12[%add3A_83, %dma_wait3A_388] : memref<10240x128xf32, #tpu.memory_space<vmem_shared>> -> memref<128x128xf32, #tpu.memory_space<vmem_shared>>
        %dma_wait3A_390 = arith.constant 0 : i32
        %dma_wait3A_391 = tpu.memref_slice %arg12[%add3A_83, %dma_wait3A_390] : memref<10240x128xf32, #tpu.memory_space<vmem_shared>> -> memref<128x128xf32, #tpu.memory_space<vmem_shared>>
        tpu.wait_dma2 semaphore(%run_scoped3A_383 : memref<!tpu.dma_semaphore, #tpu.memory_space<semaphore_mem>>) src(%arg8 : memref<128x128xf32, #tpu.memory_space<vmem>>) dst(%dma_wait3A_391 : memref<128x128xf32, #tpu.memory_space<vmem_shared>>)
        tpu.yield
      }) : () -> ()
      %add3A_84 = arith.constant 384 : i32
      %add3A_85 = arith.addi %mul3A_0, %add3A_84 : i32
      "tpu.region"() ({
        %run_scoped3A_383 = tpu.sem_alloc : memref<!tpu.dma_semaphore, #tpu.memory_space<semaphore_mem>>
        %dma_start3A_384 = arith.constant 0 : i32
        %dma_start3A_385 = tpu.memref_slice %arg12[%add3A_85, %dma_start3A_384] : memref<10240x128xf32, #tpu.memory_space<vmem_shared>> -> memref<128x128xf32, #tpu.memory_space<vmem_shared>>
        %dma_start3A_386 = arith.constant 0 : i32
        %dma_start3A_387 = tpu.memref_slice %arg12[%add3A_85, %dma_start3A_386] : memref<10240x128xf32, #tpu.memory_space<vmem_shared>> -> memref<128x128xf32, #tpu.memory_space<vmem_shared>>
        tpu.enqueue_dma source(%arg8 : memref<128x128xf32, #tpu.memory_space<vmem>>) target(%dma_start3A_387 : memref<128x128xf32, #tpu.memory_space<vmem_shared>>) target_semaphore(%run_scoped3A_383 : memref<!tpu.dma_semaphore, #tpu.memory_space<semaphore_mem>>)
        %dma_wait3A_388 = arith.constant 0 : i32
        %dma_wait3A_389 = tpu.memref_slice %arg12[%add3A_85, %dma_wait3A_388] : memref<10240x128xf32, #tpu.memory_space<vmem_shared>> -> memref<128x128xf32, #tpu.memory_space<vmem_shared>>
        %dma_wait3A_390 = arith.constant 0 : i32
        %dma_wait3A_391 = tpu.memref_slice %arg12[%add3A_85, %dma_wait3A_390] : memref<10240x128xf32, #tpu.memory_space<vmem_shared>> -> memref<128x128xf32, #tpu.memory_space<vmem_shared>>
        tpu.wait_dma2 semaphore(%run_scoped3A_383 : memref<!tpu.dma_semaphore, #tpu.memory_space<semaphore_mem>>) src(%arg8 : memref<128x128xf32, #tpu.memory_space<vmem>>) dst(%dma_wait3A_391 : memref<128x128xf32, #tpu.memory_space<vmem_shared>>)
        tpu.yield
      }) : () -> ()
      %add3A_86 = arith.constant 512 : i32
      %add3A_87 = arith.addi %mul3A_0, %add3A_86 : i32
      "tpu.region"() ({
        %run_scoped3A_383 = tpu.sem_alloc : memref<!tpu.dma_semaphore, #tpu.memory_space<semaphore_mem>>
        %dma_start3A_384 = arith.constant 0 : i32
        %dma_start3A_385 = tpu.memref_slice %arg12[%add3A_87, %dma_start3A_384] : memref<10240x128xf32, #tpu.memory_space<vmem_shared>> -> memref<128x128xf32, #tpu.memory_space<vmem_shared>>
        %dma_start3A_386 = arith.constant 0 : i32
        %dma_start3A_387 = tpu.memref_slice %arg12[%add3A_87, %dma_start3A_386] : memref<10240x128xf32, #tpu.memory_space<vmem_shared>> -> memref<128x128xf32, #tpu.memory_space<vmem_shared>>
        tpu.enqueue_dma source(%arg8 : memref<128x128xf32, #tpu.memory_space<vmem>>) target(%dma_start3A_387 : memref<128x128xf32, #tpu.memory_space<vmem_shared>>) target_semaphore(%run_scoped3A_383 : memref<!tpu.dma_semaphore, #tpu.memory_space<semaphore_mem>>)
        %dma_wait3A_388 = arith.constant 0 : i32
        %dma_wait3A_389 = tpu.memref_slice %arg12[%add3A_87, %dma_wait3A_388] : memref<10240x128xf32, #tpu.memory_space<vmem_shared>> -> memref<128x128xf32, #tpu.memory_space<vmem_shared>>
        %dma_wait3A_390 = arith.constant 0 : i32
        %dma_wait3A_391 = tpu.memref_slice %arg12[%add3A_87, %dma_wait3A_390] : memref<10240x128xf32, #tpu.memory_space<vmem_shared>> -> memref<128x128xf32, #tpu.memory_space<vmem_shared>>
        tpu.wait_dma2 semaphore(%run_scoped3A_383 : memref<!tpu.dma_semaphore, #tpu.memory_space<semaphore_mem>>) src(%arg8 : memref<128x128xf32, #tpu.memory_space<vmem>>) dst(%dma_wait3A_391 : memref<128x128xf32, #tpu.memory_space<vmem_shared>>)
        tpu.yield
      }) : () -> ()
      %add3A_88 = arith.constant 0 : i32
      %add3A_89 = arith.addi %mul3A_0, %add3A_88 : i32
      "tpu.region"() ({
        %run_scoped3A_383 = tpu.sem_alloc : memref<!tpu.dma_semaphore, #tpu.memory_space<semaphore_mem>>
        %dma_start3A_384 = tpu.memref_slice %arg13[%add3A_89] : memref<10240xf32, #tpu.memory_space<vmem_shared>> -> memref<128xf32, #tpu.memory_space<vmem_shared>>
        %dma_start3A_385 = tpu.memref_slice %arg13[%add3A_89] : memref<10240xf32, #tpu.memory_space<vmem_shared>> -> memref<128xf32, #tpu.memory_space<vmem_shared>>
        tpu.enqueue_dma source(%arg11 : memref<128xf32, #tpu.memory_space<vmem>>) target(%dma_start3A_385 : memref<128xf32, #tpu.memory_space<vmem_shared>>) target_semaphore(%run_scoped3A_383 : memref<!tpu.dma_semaphore, #tpu.memory_space<semaphore_mem>>)
        %dma_wait3A_386 = tpu.memref_slice %arg13[%add3A_89] : memref<10240xf32, #tpu.memory_space<vmem_shared>> -> memref<128xf32, #tpu.memory_space<vmem_shared>>
        %dma_wait3A_387 = tpu.memref_slice %arg13[%add3A_89] : memref<10240xf32, #tpu.memory_space<vmem_shared>> -> memref<128xf32, #tpu.memory_space<vmem_shared>>
        tpu.wait_dma2 semaphore(%run_scoped3A_383 : memref<!tpu.dma_semaphore, #tpu.memory_space<semaphore_mem>>) src(%arg11 : memref<128xf32, #tpu.memory_space<vmem>>) dst(%dma_wait3A_387 : memref<128xf32, #tpu.memory_space<vmem_shared>>)
        tpu.yield
      }) : () -> ()
      %add3A_90 = arith.constant 128 : i32
      %add3A_91 = arith.addi %mul3A_0, %add3A_90 : i32
      "tpu.region"() ({
        %run_scoped3A_383 = tpu.sem_alloc : memref<!tpu.dma_semaphore, #tpu.memory_space<semaphore_mem>>
        %dma_start3A_384 = tpu.memref_slice %arg13[%add3A_91] : memref<10240xf32, #tpu.memory_space<vmem_shared>> -> memref<128xf32, #tpu.memory_space<vmem_shared>>
        %dma_start3A_385 = tpu.memref_slice %arg13[%add3A_91] : memref<10240xf32, #tpu.memory_space<vmem_shared>> -> memref<128xf32, #tpu.memory_space<vmem_shared>>
        tpu.enqueue_dma source(%arg11 : memref<128xf32, #tpu.memory_space<vmem>>) target(%dma_start3A_385 : memref<128xf32, #tpu.memory_space<vmem_shared>>) target_semaphore(%run_scoped3A_383 : memref<!tpu.dma_semaphore, #tpu.memory_space<semaphore_mem>>)
        %dma_wait3A_386 = tpu.memref_slice %arg13[%add3A_91] : memref<10240xf32, #tpu.memory_space<vmem_shared>> -> memref<128xf32, #tpu.memory_space<vmem_shared>>
        %dma_wait3A_387 = tpu.memref_slice %arg13[%add3A_91] : memref<10240xf32, #tpu.memory_space<vmem_shared>> -> memref<128xf32, #tpu.memory_space<vmem_shared>>
        tpu.wait_dma2 semaphore(%run_scoped3A_383 : memref<!tpu.dma_semaphore, #tpu.memory_space<semaphore_mem>>) src(%arg11 : memref<128xf32, #tpu.memory_space<vmem>>) dst(%dma_wait3A_387 : memref<128xf32, #tpu.memory_space<vmem_shared>>)
        tpu.yield
      }) : () -> ()
      %add3A_92 = arith.constant 256 : i32
      %add3A_93 = arith.addi %mul3A_0, %add3A_92 : i32
      "tpu.region"() ({
        %run_scoped3A_383 = tpu.sem_alloc : memref<!tpu.dma_semaphore, #tpu.memory_space<semaphore_mem>>
        %dma_start3A_384 = tpu.memref_slice %arg13[%add3A_93] : memref<10240xf32, #tpu.memory_space<vmem_shared>> -> memref<128xf32, #tpu.memory_space<vmem_shared>>
        %dma_start3A_385 = tpu.memref_slice %arg13[%add3A_93] : memref<10240xf32, #tpu.memory_space<vmem_shared>> -> memref<128xf32, #tpu.memory_space<vmem_shared>>
        tpu.enqueue_dma source(%arg11 : memref<128xf32, #tpu.memory_space<vmem>>) target(%dma_start3A_385 : memref<128xf32, #tpu.memory_space<vmem_shared>>) target_semaphore(%run_scoped3A_383 : memref<!tpu.dma_semaphore, #tpu.memory_space<semaphore_mem>>)
        %dma_wait3A_386 = tpu.memref_slice %arg13[%add3A_93] : memref<10240xf32, #tpu.memory_space<vmem_shared>> -> memref<128xf32, #tpu.memory_space<vmem_shared>>
        %dma_wait3A_387 = tpu.memref_slice %arg13[%add3A_93] : memref<10240xf32, #tpu.memory_space<vmem_shared>> -> memref<128xf32, #tpu.memory_space<vmem_shared>>
        tpu.wait_dma2 semaphore(%run_scoped3A_383 : memref<!tpu.dma_semaphore, #tpu.memory_space<semaphore_mem>>) src(%arg11 : memref<128xf32, #tpu.memory_space<vmem>>) dst(%dma_wait3A_387 : memref<128xf32, #tpu.memory_space<vmem_shared>>)
        tpu.yield
      }) : () -> ()
      %add3A_94 = arith.constant 384 : i32
      %add3A_95 = arith.addi %mul3A_0, %add3A_94 : i32
      "tpu.region"() ({
        %run_scoped3A_383 = tpu.sem_alloc : memref<!tpu.dma_semaphore, #tpu.memory_space<semaphore_mem>>
        %dma_start3A_384 = tpu.memref_slice %arg13[%add3A_95] : memref<10240xf32, #tpu.memory_space<vmem_shared>> -> memref<128xf32, #tpu.memory_space<vmem_shared>>
        %dma_start3A_385 = tpu.memref_slice %arg13[%add3A_95] : memref<10240xf32, #tpu.memory_space<vmem_shared>> -> memref<128xf32, #tpu.memory_space<vmem_shared>>
        tpu.enqueue_dma source(%arg11 : memref<128xf32, #tpu.memory_space<vmem>>) target(%dma_start3A_385 : memref<128xf32, #tpu.memory_space<vmem_shared>>) target_semaphore(%run_scoped3A_383 : memref<!tpu.dma_semaphore, #tpu.memory_space<semaphore_mem>>)
        %dma_wait3A_386 = tpu.memref_slice %arg13[%add3A_95] : memref<10240xf32, #tpu.memory_space<vmem_shared>> -> memref<128xf32, #tpu.memory_space<vmem_shared>>
        %dma_wait3A_387 = tpu.memref_slice %arg13[%add3A_95] : memref<10240xf32, #tpu.memory_space<vmem_shared>> -> memref<128xf32, #tpu.memory_space<vmem_shared>>
        tpu.wait_dma2 semaphore(%run_scoped3A_383 : memref<!tpu.dma_semaphore, #tpu.memory_space<semaphore_mem>>) src(%arg11 : memref<128xf32, #tpu.memory_space<vmem>>) dst(%dma_wait3A_387 : memref<128xf32, #tpu.memory_space<vmem_shared>>)
        tpu.yield
      }) : () -> ()
      %add3A_96 = arith.constant 512 : i32
      %add3A_97 = arith.addi %mul3A_0, %add3A_96 : i32
      "tpu.region"() ({
        %run_scoped3A_383 = tpu.sem_alloc : memref<!tpu.dma_semaphore, #tpu.memory_space<semaphore_mem>>
        %dma_start3A_384 = tpu.memref_slice %arg13[%add3A_97] : memref<10240xf32, #tpu.memory_space<vmem_shared>> -> memref<128xf32, #tpu.memory_space<vmem_shared>>
        %dma_start3A_385 = tpu.memref_slice %arg13[%add3A_97] : memref<10240xf32, #tpu.memory_space<vmem_shared>> -> memref<128xf32, #tpu.memory_space<vmem_shared>>
        tpu.enqueue_dma source(%arg11 : memref<128xf32, #tpu.memory_space<vmem>>) target(%dma_start3A_385 : memref<128xf32, #tpu.memory_space<vmem_shared>>) target_semaphore(%run_scoped3A_383 : memref<!tpu.dma_semaphore, #tpu.memory_space<semaphore_mem>>)
        %dma_wait3A_386 = tpu.memref_slice %arg13[%add3A_97] : memref<10240xf32, #tpu.memory_space<vmem_shared>> -> memref<128xf32, #tpu.memory_space<vmem_shared>>
        %dma_wait3A_387 = tpu.memref_slice %arg13[%add3A_97] : memref<10240xf32, #tpu.memory_space<vmem_shared>> -> memref<128xf32, #tpu.memory_space<vmem_shared>>
        tpu.wait_dma2 semaphore(%run_scoped3A_383 : memref<!tpu.dma_semaphore, #tpu.memory_space<semaphore_mem>>) src(%arg11 : memref<128xf32, #tpu.memory_space<vmem>>) dst(%dma_wait3A_387 : memref<128xf32, #tpu.memory_space<vmem_shared>>)
        tpu.yield
      }) : () -> ()
      %barrier3A = arith.constant 0 : index
      tpu.barrier barrier_id(%barrier3A)
      %dma_start3A = arith.constant 0 : i32
      %dma_start3A_98 = arith.constant 0 : i32
      %dma_start3A_99 = arith.constant 0 : i32
      %dma_start3A_100 = arith.constant 0 : i32
      %dma_start3A_101 = tpu.memref_slice %arg7[%dma_start3A_98, %dma_start3A_99, %dma_start3A_100] : memref<4x2x128xi32, #tpu.memory_space<vmem>> -> memref<1x2x128xi32, #tpu.memory_space<vmem>>
      %dma_start3A_102 = tpu.memref_squeeze %dma_start3A_101 : memref<1x2x128xi32, #tpu.memory_space<vmem>> -> memref<2x128xi32, #tpu.memory_space<vmem>>
      %dma_start3A_103 = arith.constant 0 : i32
      %dma_start3A_104 = arith.constant 0 : i32
      %dma_start3A_105 = tpu.memref_slice %arg4[%arg1, %dma_start3A, %dma_start3A_103, %dma_start3A_104] : memref<16x16x2x128xi32, #tpu.memory_space<hbm>> -> memref<1x1x2x128xi32, #tpu.memory_space<hbm>>
      %dma_start3A_106 = tpu.memref_squeeze %dma_start3A_105 : memref<1x1x2x128xi32, #tpu.memory_space<hbm>> -> memref<2x128xi32, #tpu.memory_space<hbm>>
      %dma_start3A_107 = arith.constant 0 : i32
      %dma_start3A_108 = arith.constant 0 : i32
      %dma_start3A_109 = tpu.memref_slice %arg7[%dma_start3A_98, %dma_start3A_107, %dma_start3A_108] : memref<4x2x128xi32, #tpu.memory_space<vmem>> -> memref<1x2x128xi32, #tpu.memory_space<vmem>>
      %dma_start3A_110 = tpu.memref_squeeze %dma_start3A_109 : memref<1x2x128xi32, #tpu.memory_space<vmem>> -> memref<2x128xi32, #tpu.memory_space<vmem>>
      %dma_start3A_111 = arith.constant 0 : i32
      %dma_start3A_112 = arith.constant 0 : i32
      %dma_start3A_113 = tpu.memref_slice %arg4[%arg1, %dma_start3A, %dma_start3A_111, %dma_start3A_112] : memref<16x16x2x128xi32, #tpu.memory_space<hbm>> -> memref<1x1x2x128xi32, #tpu.memory_space<hbm>>
      %dma_start3A_114 = tpu.memref_squeeze %dma_start3A_113 : memref<1x1x2x128xi32, #tpu.memory_space<hbm>> -> memref<2x128xi32, #tpu.memory_space<hbm>>
      tpu.enqueue_dma source(%dma_start3A_114 : memref<2x128xi32, #tpu.memory_space<hbm>>) target(%dma_start3A_110 : memref<2x128xi32, #tpu.memory_space<vmem>>) target_semaphore(%arg14 : memref<!tpu.dma_semaphore, #tpu.memory_space<semaphore_mem>>)
      %dma_start3A_115 = arith.constant 1 : i32
      %dma_start3A_116 = arith.constant 1 : i32
      %dma_start3A_117 = arith.constant 0 : i32
      %dma_start3A_118 = arith.constant 0 : i32
      %dma_start3A_119 = tpu.memref_slice %arg7[%dma_start3A_116, %dma_start3A_117, %dma_start3A_118] : memref<4x2x128xi32, #tpu.memory_space<vmem>> -> memref<1x2x128xi32, #tpu.memory_space<vmem>>
      %dma_start3A_120 = tpu.memref_squeeze %dma_start3A_119 : memref<1x2x128xi32, #tpu.memory_space<vmem>> -> memref<2x128xi32, #tpu.memory_space<vmem>>
      %dma_start3A_121 = arith.constant 0 : i32
      %dma_start3A_122 = arith.constant 0 : i32
      %dma_start3A_123 = tpu.memref_slice %arg4[%arg1, %dma_start3A_115, %dma_start3A_121, %dma_start3A_122] : memref<16x16x2x128xi32, #tpu.memory_space<hbm>> -> memref<1x1x2x128xi32, #tpu.memory_space<hbm>>
      %dma_start3A_124 = tpu.memref_squeeze %dma_start3A_123 : memref<1x1x2x128xi32, #tpu.memory_space<hbm>> -> memref<2x128xi32, #tpu.memory_space<hbm>>
      %dma_start3A_125 = arith.constant 0 : i32
      %dma_start3A_126 = arith.constant 0 : i32
      %dma_start3A_127 = tpu.memref_slice %arg7[%dma_start3A_116, %dma_start3A_125, %dma_start3A_126] : memref<4x2x128xi32, #tpu.memory_space<vmem>> -> memref<1x2x128xi32, #tpu.memory_space<vmem>>
      %dma_start3A_128 = tpu.memref_squeeze %dma_start3A_127 : memref<1x2x128xi32, #tpu.memory_space<vmem>> -> memref<2x128xi32, #tpu.memory_space<vmem>>
      %dma_start3A_129 = arith.constant 0 : i32
      %dma_start3A_130 = arith.constant 0 : i32
      %dma_start3A_131 = tpu.memref_slice %arg4[%arg1, %dma_start3A_115, %dma_start3A_129, %dma_start3A_130] : memref<16x16x2x128xi32, #tpu.memory_space<hbm>> -> memref<1x1x2x128xi32, #tpu.memory_space<hbm>>
      %dma_start3A_132 = tpu.memref_squeeze %dma_start3A_131 : memref<1x1x2x128xi32, #tpu.memory_space<hbm>> -> memref<2x128xi32, #tpu.memory_space<hbm>>
      tpu.enqueue_dma source(%dma_start3A_132 : memref<2x128xi32, #tpu.memory_space<hbm>>) target(%dma_start3A_128 : memref<2x128xi32, #tpu.memory_space<vmem>>) target_semaphore(%arg15 : memref<!tpu.dma_semaphore, #tpu.memory_space<semaphore_mem>>)
      %dma_start3A_133 = arith.constant 2 : i32
      %dma_start3A_134 = arith.constant 2 : i32
      %dma_start3A_135 = arith.constant 0 : i32
      %dma_start3A_136 = arith.constant 0 : i32
      %dma_start3A_137 = tpu.memref_slice %arg7[%dma_start3A_134, %dma_start3A_135, %dma_start3A_136] : memref<4x2x128xi32, #tpu.memory_space<vmem>> -> memref<1x2x128xi32, #tpu.memory_space<vmem>>
      %dma_start3A_138 = tpu.memref_squeeze %dma_start3A_137 : memref<1x2x128xi32, #tpu.memory_space<vmem>> -> memref<2x128xi32, #tpu.memory_space<vmem>>
      %dma_start3A_139 = arith.constant 0 : i32
      %dma_start3A_140 = arith.constant 0 : i32
      %dma_start3A_141 = tpu.memref_slice %arg4[%arg1, %dma_start3A_133, %dma_start3A_139, %dma_start3A_140] : memref<16x16x2x128xi32, #tpu.memory_space<hbm>> -> memref<1x1x2x128xi32, #tpu.memory_space<hbm>>
      %dma_start3A_142 = tpu.memref_squeeze %dma_start3A_141 : memref<1x1x2x128xi32, #tpu.memory_space<hbm>> -> memref<2x128xi32, #tpu.memory_space<hbm>>
      %dma_start3A_143 = arith.constant 0 : i32
      %dma_start3A_144 = arith.constant 0 : i32
      %dma_start3A_145 = tpu.memref_slice %arg7[%dma_start3A_134, %dma_start3A_143, %dma_start3A_144] : memref<4x2x128xi32, #tpu.memory_space<vmem>> -> memref<1x2x128xi32, #tpu.memory_space<vmem>>
      %dma_start3A_146 = tpu.memref_squeeze %dma_start3A_145 : memref<1x2x128xi32, #tpu.memory_space<vmem>> -> memref<2x128xi32, #tpu.memory_space<vmem>>
      %dma_start3A_147 = arith.constant 0 : i32
      %dma_start3A_148 = arith.constant 0 : i32
      %dma_start3A_149 = tpu.memref_slice %arg4[%arg1, %dma_start3A_133, %dma_start3A_147, %dma_start3A_148] : memref<16x16x2x128xi32, #tpu.memory_space<hbm>> -> memref<1x1x2x128xi32, #tpu.memory_space<hbm>>
      %dma_start3A_150 = tpu.memref_squeeze %dma_start3A_149 : memref<1x1x2x128xi32, #tpu.memory_space<hbm>> -> memref<2x128xi32, #tpu.memory_space<hbm>>
      tpu.enqueue_dma source(%dma_start3A_150 : memref<2x128xi32, #tpu.memory_space<hbm>>) target(%dma_start3A_146 : memref<2x128xi32, #tpu.memory_space<vmem>>) target_semaphore(%arg16 : memref<!tpu.dma_semaphore, #tpu.memory_space<semaphore_mem>>)
      %dma_start3A_151 = arith.constant 3 : i32
      %dma_start3A_152 = arith.constant 3 : i32
      %dma_start3A_153 = arith.constant 0 : i32
      %dma_start3A_154 = arith.constant 0 : i32
      %dma_start3A_155 = tpu.memref_slice %arg7[%dma_start3A_152, %dma_start3A_153, %dma_start3A_154] : memref<4x2x128xi32, #tpu.memory_space<vmem>> -> memref<1x2x128xi32, #tpu.memory_space<vmem>>
      %dma_start3A_156 = tpu.memref_squeeze %dma_start3A_155 : memref<1x2x128xi32, #tpu.memory_space<vmem>> -> memref<2x128xi32, #tpu.memory_space<vmem>>
      %dma_start3A_157 = arith.constant 0 : i32
      %dma_start3A_158 = arith.constant 0 : i32
      %dma_start3A_159 = tpu.memref_slice %arg4[%arg1, %dma_start3A_151, %dma_start3A_157, %dma_start3A_158] : memref<16x16x2x128xi32, #tpu.memory_space<hbm>> -> memref<1x1x2x128xi32, #tpu.memory_space<hbm>>
      %dma_start3A_160 = tpu.memref_squeeze %dma_start3A_159 : memref<1x1x2x128xi32, #tpu.memory_space<hbm>> -> memref<2x128xi32, #tpu.memory_space<hbm>>
      %dma_start3A_161 = arith.constant 0 : i32
      %dma_start3A_162 = arith.constant 0 : i32
      %dma_start3A_163 = tpu.memref_slice %arg7[%dma_start3A_152, %dma_start3A_161, %dma_start3A_162] : memref<4x2x128xi32, #tpu.memory_space<vmem>> -> memref<1x2x128xi32, #tpu.memory_space<vmem>>
      %dma_start3A_164 = tpu.memref_squeeze %dma_start3A_163 : memref<1x2x128xi32, #tpu.memory_space<vmem>> -> memref<2x128xi32, #tpu.memory_space<vmem>>
      %dma_start3A_165 = arith.constant 0 : i32
      %dma_start3A_166 = arith.constant 0 : i32
      %dma_start3A_167 = tpu.memref_slice %arg4[%arg1, %dma_start3A_151, %dma_start3A_165, %dma_start3A_166] : memref<16x16x2x128xi32, #tpu.memory_space<hbm>> -> memref<1x1x2x128xi32, #tpu.memory_space<hbm>>
      %dma_start3A_168 = tpu.memref_squeeze %dma_start3A_167 : memref<1x1x2x128xi32, #tpu.memory_space<hbm>> -> memref<2x128xi32, #tpu.memory_space<hbm>>
      tpu.enqueue_dma source(%dma_start3A_168 : memref<2x128xi32, #tpu.memory_space<hbm>>) target(%dma_start3A_164 : memref<2x128xi32, #tpu.memory_space<vmem>>) target_semaphore(%arg17 : memref<!tpu.dma_semaphore, #tpu.memory_space<semaphore_mem>>)
      %dma_wait3A = arith.constant 0 : i32
      %dma_wait3A_169 = arith.constant 0 : i32
      %dma_wait3A_170 = arith.constant 0 : i32
      %dma_wait3A_171 = arith.constant 0 : i32
      %dma_wait3A_172 = tpu.memref_slice %arg7[%dma_wait3A_169, %dma_wait3A_170, %dma_wait3A_171] : memref<4x2x128xi32, #tpu.memory_space<vmem>> -> memref<1x2x128xi32, #tpu.memory_space<vmem>>
      %dma_wait3A_173 = tpu.memref_squeeze %dma_wait3A_172 : memref<1x2x128xi32, #tpu.memory_space<vmem>> -> memref<2x128xi32, #tpu.memory_space<vmem>>
      %dma_wait3A_174 = arith.constant 0 : i32
      %dma_wait3A_175 = arith.constant 0 : i32
      %dma_wait3A_176 = tpu.memref_slice %arg4[%arg1, %dma_wait3A, %dma_wait3A_174, %dma_wait3A_175] : memref<16x16x2x128xi32, #tpu.memory_space<hbm>> -> memref<1x1x2x128xi32, #tpu.memory_space<hbm>>
      %dma_wait3A_177 = tpu.memref_squeeze %dma_wait3A_176 : memref<1x1x2x128xi32, #tpu.memory_space<hbm>> -> memref<2x128xi32, #tpu.memory_space<hbm>>
      %dma_wait3A_178 = arith.constant 0 : i32
      %dma_wait3A_179 = arith.constant 0 : i32
      %dma_wait3A_180 = tpu.memref_slice %arg7[%dma_wait3A_169, %dma_wait3A_178, %dma_wait3A_179] : memref<4x2x128xi32, #tpu.memory_space<vmem>> -> memref<1x2x128xi32, #tpu.memory_space<vmem>>
      %dma_wait3A_181 = tpu.memref_squeeze %dma_wait3A_180 : memref<1x2x128xi32, #tpu.memory_space<vmem>> -> memref<2x128xi32, #tpu.memory_space<vmem>>
      %dma_wait3A_182 = arith.constant 0 : i32
      %dma_wait3A_183 = arith.constant 0 : i32
      %dma_wait3A_184 = tpu.memref_slice %arg4[%arg1, %dma_wait3A, %dma_wait3A_182, %dma_wait3A_183] : memref<16x16x2x128xi32, #tpu.memory_space<hbm>> -> memref<1x1x2x128xi32, #tpu.memory_space<hbm>>
      %dma_wait3A_185 = tpu.memref_squeeze %dma_wait3A_184 : memref<1x1x2x128xi32, #tpu.memory_space<hbm>> -> memref<2x128xi32, #tpu.memory_space<hbm>>
      tpu.wait_dma2 semaphore(%arg14 : memref<!tpu.dma_semaphore, #tpu.memory_space<semaphore_mem>>) src(%dma_wait3A_185 : memref<2x128xi32, #tpu.memory_space<hbm>>) dst(%dma_wait3A_181 : memref<2x128xi32, #tpu.memory_space<vmem>>)
      %dma_start3A_186 = arith.constant 0 : i32
      %dma_start3A_187 = arith.constant 0 : i32
      %dma_start3A_188 = arith.constant 0 : i32
      %dma_start3A_189 = tpu.memref_slice %arg7[%dma_start3A_186, %dma_start3A_187, %dma_start3A_188] : memref<4x2x128xi32, #tpu.memory_space<vmem>> -> memref<1x1x128xi32, #tpu.memory_space<vmem>>
      %dma_start3A_190 = tpu.memref_squeeze %dma_start3A_189 : memref<1x1x128xi32, #tpu.memory_space<vmem>> -> memref<128xi32, #tpu.memory_space<vmem>>
      %dma_start3A_191 = arith.constant 0 : i32
      %dma_start3A_192 = arith.constant 0 : i32
      %dma_start3A_193 = tpu.memref_slice %arg2[%dma_start3A_191, %dma_start3A_192] : memref<10000x128xf32, #tpu.memory_space<hbm>> -> memref<10000x128xf32, #tpu.memory_space<hbm>>
      tpu.enqueue_indirect_dma source(%dma_start3A_193 : memref<10000x128xf32, #tpu.memory_space<hbm>>) target(%arg8 : memref<128x128xf32, #tpu.memory_space<vmem>>) offsets(%dma_start3A_190 : memref<128xi32, #tpu.memory_space<vmem>>) semaphore(%arg18 : memref<!tpu.dma_semaphore, #tpu.memory_space<semaphore_mem>>)
      %dma_wait3A_194 = arith.constant 1 : i32
      %dma_wait3A_195 = arith.constant 1 : i32
      %dma_wait3A_196 = arith.constant 0 : i32
      %dma_wait3A_197 = arith.constant 0 : i32
      %dma_wait3A_198 = tpu.memref_slice %arg7[%dma_wait3A_195, %dma_wait3A_196, %dma_wait3A_197] : memref<4x2x128xi32, #tpu.memory_space<vmem>> -> memref<1x2x128xi32, #tpu.memory_space<vmem>>
      %dma_wait3A_199 = tpu.memref_squeeze %dma_wait3A_198 : memref<1x2x128xi32, #tpu.memory_space<vmem>> -> memref<2x128xi32, #tpu.memory_space<vmem>>
      %dma_wait3A_200 = arith.constant 0 : i32
      %dma_wait3A_201 = arith.constant 0 : i32
      %dma_wait3A_202 = tpu.memref_slice %arg4[%arg1, %dma_wait3A_194, %dma_wait3A_200, %dma_wait3A_201] : memref<16x16x2x128xi32, #tpu.memory_space<hbm>> -> memref<1x1x2x128xi32, #tpu.memory_space<hbm>>
      %dma_wait3A_203 = tpu.memref_squeeze %dma_wait3A_202 : memref<1x1x2x128xi32, #tpu.memory_space<hbm>> -> memref<2x128xi32, #tpu.memory_space<hbm>>
      %dma_wait3A_204 = arith.constant 0 : i32
      %dma_wait3A_205 = arith.constant 0 : i32
      %dma_wait3A_206 = tpu.memref_slice %arg7[%dma_wait3A_195, %dma_wait3A_204, %dma_wait3A_205] : memref<4x2x128xi32, #tpu.memory_space<vmem>> -> memref<1x2x128xi32, #tpu.memory_space<vmem>>
      %dma_wait3A_207 = tpu.memref_squeeze %dma_wait3A_206 : memref<1x2x128xi32, #tpu.memory_space<vmem>> -> memref<2x128xi32, #tpu.memory_space<vmem>>
      %dma_wait3A_208 = arith.constant 0 : i32
      %dma_wait3A_209 = arith.constant 0 : i32
      %dma_wait3A_210 = tpu.memref_slice %arg4[%arg1, %dma_wait3A_194, %dma_wait3A_208, %dma_wait3A_209] : memref<16x16x2x128xi32, #tpu.memory_space<hbm>> -> memref<1x1x2x128xi32, #tpu.memory_space<hbm>>
      %dma_wait3A_211 = tpu.memref_squeeze %dma_wait3A_210 : memref<1x1x2x128xi32, #tpu.memory_space<hbm>> -> memref<2x128xi32, #tpu.memory_space<hbm>>
      tpu.wait_dma2 semaphore(%arg15 : memref<!tpu.dma_semaphore, #tpu.memory_space<semaphore_mem>>) src(%dma_wait3A_211 : memref<2x128xi32, #tpu.memory_space<hbm>>) dst(%dma_wait3A_207 : memref<2x128xi32, #tpu.memory_space<vmem>>)
      %dma_start3A_212 = arith.constant 1 : i32
      %dma_start3A_213 = arith.constant 0 : i32
      %dma_start3A_214 = arith.constant 0 : i32
      %dma_start3A_215 = tpu.memref_slice %arg7[%dma_start3A_212, %dma_start3A_213, %dma_start3A_214] : memref<4x2x128xi32, #tpu.memory_space<vmem>> -> memref<1x1x128xi32, #tpu.memory_space<vmem>>
      %dma_start3A_216 = tpu.memref_squeeze %dma_start3A_215 : memref<1x1x128xi32, #tpu.memory_space<vmem>> -> memref<128xi32, #tpu.memory_space<vmem>>
      %dma_start3A_217 = arith.constant 0 : i32
      %dma_start3A_218 = arith.constant 0 : i32
      %dma_start3A_219 = tpu.memref_slice %arg2[%dma_start3A_217, %dma_start3A_218] : memref<10000x128xf32, #tpu.memory_space<hbm>> -> memref<10000x128xf32, #tpu.memory_space<hbm>>
      tpu.enqueue_indirect_dma source(%dma_start3A_219 : memref<10000x128xf32, #tpu.memory_space<hbm>>) target(%arg9 : memref<128x128xf32, #tpu.memory_space<vmem>>) offsets(%dma_start3A_216 : memref<128xi32, #tpu.memory_space<vmem>>) semaphore(%arg19 : memref<!tpu.dma_semaphore, #tpu.memory_space<semaphore_mem>>)
      %scan3A_220 = arith.constant 0 : i32
      %scan3A_221 = arith.constant 0 : i32
      %scan3A_222 = arith.constant 4 : i32
      %scan3A_223 = arith.addi %scan3A_221, %scan3A_222 : i32
      %scan3A_224 = arith.constant 1 : i32
      scf.for %scan3A_383 = %scan3A_221 to %scan3A_223 step %scan3A_224  : i32 {
        %mul3A_384 = arith.constant 4 : i32
        %mul3A_385 = arith.muli %mul3A_384, %scan3A_383 : i32
        %dma_wait3A_386 = arith.constant 0 : i32
        %dma_wait3A_387 = arith.constant 0 : i32
        %dma_wait3A_388 = arith.constant 0 : i32
        %dma_wait3A_389 = tpu.memref_slice %arg7[%dma_wait3A_386, %dma_wait3A_387, %dma_wait3A_388] : memref<4x2x128xi32, #tpu.memory_space<vmem>> -> memref<1x1x128xi32, #tpu.memory_space<vmem>>
        %dma_wait3A_390 = tpu.memref_squeeze %dma_wait3A_389 : memref<1x1x128xi32, #tpu.memory_space<vmem>> -> memref<128xi32, #tpu.memory_space<vmem>>
        %dma_wait3A_391 = arith.constant 0 : i32
        %dma_wait3A_392 = arith.constant 0 : i32
        %dma_wait3A_393 = tpu.memref_slice %arg2[%dma_wait3A_391, %dma_wait3A_392] : memref<10000x128xf32, #tpu.memory_space<hbm>> -> memref<10000x128xf32, #tpu.memory_space<hbm>>
        tpu.wait_indirect_dma semaphore(%arg18 : memref<!tpu.dma_semaphore, #tpu.memory_space<semaphore_mem>>) src(%dma_wait3A_393 : memref<10000x128xf32, #tpu.memory_space<hbm>>) dst(%arg8 : memref<128x128xf32, #tpu.memory_space<vmem>>)
        %run_scoped3A_394 = arith.constant 0 : i32
        %run_scoped3A_395 = arith.constant 1 : i32
        "tpu.region"() ({
          %run_scoped3A_487 = tpu.sem_alloc : memref<!tpu.dma_semaphore, #tpu.memory_space<semaphore_mem>>
          %dma_start3A_488 = arith.constant 0 : i32
          %dma_start3A_489 = tpu.memref_slice %arg7[%run_scoped3A_394, %run_scoped3A_395, %dma_start3A_488] : memref<4x2x128xi32, #tpu.memory_space<vmem>> -> memref<1x1x128xi32, #tpu.memory_space<vmem>>
          %dma_start3A_490 = tpu.memref_squeeze %dma_start3A_489 : memref<1x1x128xi32, #tpu.memory_space<vmem>> -> memref<128xi32, #tpu.memory_space<vmem>>
          %dma_start3A_491 = arith.constant 0 : i32
          %dma_start3A_492 = arith.constant 0 : i32
          %dma_start3A_493 = tpu.memref_slice %arg12[%dma_start3A_491, %dma_start3A_492] : memref<10240x128xf32, #tpu.memory_space<vmem_shared>> -> memref<10240x128xf32, #tpu.memory_space<vmem_shared>>
          tpu.enqueue_indirect_dma source(%arg8 : memref<128x128xf32, #tpu.memory_space<vmem>>) target(%dma_start3A_493 : memref<10240x128xf32, #tpu.memory_space<vmem_shared>>) offsets(%dma_start3A_490 : memref<128xi32, #tpu.memory_space<vmem>>) semaphore(%run_scoped3A_487 : memref<!tpu.dma_semaphore, #tpu.memory_space<semaphore_mem>>) {add = true}
          %dma_wait3A_494 = arith.constant 0 : i32
          %dma_wait3A_495 = tpu.memref_slice %arg7[%run_scoped3A_394, %run_scoped3A_395, %dma_wait3A_494] : memref<4x2x128xi32, #tpu.memory_space<vmem>> -> memref<1x1x128xi32, #tpu.memory_space<vmem>>
          %dma_wait3A_496 = tpu.memref_squeeze %dma_wait3A_495 : memref<1x1x128xi32, #tpu.memory_space<vmem>> -> memref<128xi32, #tpu.memory_space<vmem>>
          %dma_wait3A_497 = arith.constant 0 : i32
          %dma_wait3A_498 = arith.constant 0 : i32
          %dma_wait3A_499 = tpu.memref_slice %arg12[%dma_wait3A_497, %dma_wait3A_498] : memref<10240x128xf32, #tpu.memory_space<vmem_shared>> -> memref<10240x128xf32, #tpu.memory_space<vmem_shared>>
          tpu.wait_indirect_dma semaphore(%run_scoped3A_487 : memref<!tpu.dma_semaphore, #tpu.memory_space<semaphore_mem>>) src(%arg8 : memref<128x128xf32, #tpu.memory_space<vmem>>) dst(%dma_wait3A_499 : memref<10240x128xf32, #tpu.memory_space<vmem_shared>>)
          tpu.yield
        }) : () -> ()
        %add3A_396 = arith.constant 4 : i32
        %add3A_397 = arith.addi %mul3A_385, %add3A_396 : i32
        %lt3A = arith.constant 16 : i32
        %lt3A_398 = arith.cmpi slt, %add3A_397, %lt3A : i32
        %convert_element_type3A_399 = arith.extui %lt3A_398 : i1 to i32
        %cond3A_400 = arith.constant 0 : i32
        %cond3A_401 = arith.cmpi ne, %convert_element_type3A_399, %cond3A_400 : i32
        scf.if %cond3A_401 {
          %add3A_487 = arith.constant 4 : i32
          %add3A_488 = arith.addi %mul3A_385, %add3A_487 : i32
          %dma_start3A_489 = arith.constant 0 : i32
          %dma_start3A_490 = arith.constant 0 : i32
          %dma_start3A_491 = arith.constant 0 : i32
          %dma_start3A_492 = tpu.memref_slice %arg7[%dma_start3A_489, %dma_start3A_490, %dma_start3A_491] : memref<4x2x128xi32, #tpu.memory_space<vmem>> -> memref<1x2x128xi32, #tpu.memory_space<vmem>>
          %dma_start3A_493 = tpu.memref_squeeze %dma_start3A_492 : memref<1x2x128xi32, #tpu.memory_space<vmem>> -> memref<2x128xi32, #tpu.memory_space<vmem>>
          %dma_start3A_494 = arith.constant 0 : i32
          %dma_start3A_495 = arith.constant 0 : i32
          %dma_start3A_496 = tpu.memref_slice %arg4[%arg1, %add3A_488, %dma_start3A_494, %dma_start3A_495] : memref<16x16x2x128xi32, #tpu.memory_space<hbm>> -> memref<1x1x2x128xi32, #tpu.memory_space<hbm>>
          %dma_start3A_497 = tpu.memref_squeeze %dma_start3A_496 : memref<1x1x2x128xi32, #tpu.memory_space<hbm>> -> memref<2x128xi32, #tpu.memory_space<hbm>>
          %dma_start3A_498 = arith.constant 0 : i32
          %dma_start3A_499 = arith.constant 0 : i32
          %dma_start3A_500 = tpu.memref_slice %arg7[%dma_start3A_489, %dma_start3A_498, %dma_start3A_499] : memref<4x2x128xi32, #tpu.memory_space<vmem>> -> memref<1x2x128xi32, #tpu.memory_space<vmem>>
          %dma_start3A_501 = tpu.memref_squeeze %dma_start3A_500 : memref<1x2x128xi32, #tpu.memory_space<vmem>> -> memref<2x128xi32, #tpu.memory_space<vmem>>
          %dma_start3A_502 = arith.constant 0 : i32
          %dma_start3A_503 = arith.constant 0 : i32
          %dma_start3A_504 = tpu.memref_slice %arg4[%arg1, %add3A_488, %dma_start3A_502, %dma_start3A_503] : memref<16x16x2x128xi32, #tpu.memory_space<hbm>> -> memref<1x1x2x128xi32, #tpu.memory_space<hbm>>
          %dma_start3A_505 = tpu.memref_squeeze %dma_start3A_504 : memref<1x1x2x128xi32, #tpu.memory_space<hbm>> -> memref<2x128xi32, #tpu.memory_space<hbm>>
          tpu.enqueue_dma source(%dma_start3A_505 : memref<2x128xi32, #tpu.memory_space<hbm>>) target(%dma_start3A_501 : memref<2x128xi32, #tpu.memory_space<vmem>>) target_semaphore(%arg14 : memref<!tpu.dma_semaphore, #tpu.memory_space<semaphore_mem>>)
        } else {
        }
        %add3A_402 = arith.constant 2 : i32
        %add3A_403 = arith.addi %mul3A_385, %add3A_402 : i32
        %lt3A_404 = arith.constant 16 : i32
        %lt3A_405 = arith.cmpi slt, %add3A_403, %lt3A_404 : i32
        %convert_element_type3A_406 = arith.extui %lt3A_405 : i1 to i32
        %cond3A_407 = arith.constant 0 : i32
        %cond3A_408 = arith.cmpi ne, %convert_element_type3A_406, %cond3A_407 : i32
        scf.if %cond3A_408 {
          %add3A_487 = arith.constant 2 : i32
          %add3A_488 = arith.addi %mul3A_385, %add3A_487 : i32
          %dma_wait3A_489 = arith.constant 2 : i32
          %dma_wait3A_490 = arith.constant 0 : i32
          %dma_wait3A_491 = arith.constant 0 : i32
          %dma_wait3A_492 = tpu.memref_slice %arg7[%dma_wait3A_489, %dma_wait3A_490, %dma_wait3A_491] : memref<4x2x128xi32, #tpu.memory_space<vmem>> -> memref<1x2x128xi32, #tpu.memory_space<vmem>>
          %dma_wait3A_493 = tpu.memref_squeeze %dma_wait3A_492 : memref<1x2x128xi32, #tpu.memory_space<vmem>> -> memref<2x128xi32, #tpu.memory_space<vmem>>
          %dma_wait3A_494 = arith.constant 0 : i32
          %dma_wait3A_495 = arith.constant 0 : i32
          %dma_wait3A_496 = tpu.memref_slice %arg4[%arg1, %add3A_488, %dma_wait3A_494, %dma_wait3A_495] : memref<16x16x2x128xi32, #tpu.memory_space<hbm>> -> memref<1x1x2x128xi32, #tpu.memory_space<hbm>>
          %dma_wait3A_497 = tpu.memref_squeeze %dma_wait3A_496 : memref<1x1x2x128xi32, #tpu.memory_space<hbm>> -> memref<2x128xi32, #tpu.memory_space<hbm>>
          %dma_wait3A_498 = arith.constant 0 : i32
          %dma_wait3A_499 = arith.constant 0 : i32
          %dma_wait3A_500 = tpu.memref_slice %arg7[%dma_wait3A_489, %dma_wait3A_498, %dma_wait3A_499] : memref<4x2x128xi32, #tpu.memory_space<vmem>> -> memref<1x2x128xi32, #tpu.memory_space<vmem>>
          %dma_wait3A_501 = tpu.memref_squeeze %dma_wait3A_500 : memref<1x2x128xi32, #tpu.memory_space<vmem>> -> memref<2x128xi32, #tpu.memory_space<vmem>>
          %dma_wait3A_502 = arith.constant 0 : i32
          %dma_wait3A_503 = arith.constant 0 : i32
          %dma_wait3A_504 = tpu.memref_slice %arg4[%arg1, %add3A_488, %dma_wait3A_502, %dma_wait3A_503] : memref<16x16x2x128xi32, #tpu.memory_space<hbm>> -> memref<1x1x2x128xi32, #tpu.memory_space<hbm>>
          %dma_wait3A_505 = tpu.memref_squeeze %dma_wait3A_504 : memref<1x1x2x128xi32, #tpu.memory_space<hbm>> -> memref<2x128xi32, #tpu.memory_space<hbm>>
          tpu.wait_dma2 semaphore(%arg16 : memref<!tpu.dma_semaphore, #tpu.memory_space<semaphore_mem>>) src(%dma_wait3A_505 : memref<2x128xi32, #tpu.memory_space<hbm>>) dst(%dma_wait3A_501 : memref<2x128xi32, #tpu.memory_space<vmem>>)
          %dma_start3A_506 = arith.constant 2 : i32
          %dma_start3A_507 = arith.constant 0 : i32
          %dma_start3A_508 = arith.constant 0 : i32
          %dma_start3A_509 = tpu.memref_slice %arg7[%dma_start3A_506, %dma_start3A_507, %dma_start3A_508] : memref<4x2x128xi32, #tpu.memory_space<vmem>> -> memref<1x1x128xi32, #tpu.memory_space<vmem>>
          %dma_start3A_510 = tpu.memref_squeeze %dma_start3A_509 : memref<1x1x128xi32, #tpu.memory_space<vmem>> -> memref<128xi32, #tpu.memory_space<vmem>>
          %dma_start3A_511 = arith.constant 0 : i32
          %dma_start3A_512 = arith.constant 0 : i32
          %dma_start3A_513 = tpu.memref_slice %arg2[%dma_start3A_511, %dma_start3A_512] : memref<10000x128xf32, #tpu.memory_space<hbm>> -> memref<10000x128xf32, #tpu.memory_space<hbm>>
          tpu.enqueue_indirect_dma source(%dma_start3A_513 : memref<10000x128xf32, #tpu.memory_space<hbm>>) target(%arg8 : memref<128x128xf32, #tpu.memory_space<vmem>>) offsets(%dma_start3A_510 : memref<128xi32, #tpu.memory_space<vmem>>) semaphore(%arg18 : memref<!tpu.dma_semaphore, #tpu.memory_space<semaphore_mem>>)
        } else {
        }
        %add3A_409 = arith.constant 1 : i32
        %add3A_410 = arith.addi %mul3A_385, %add3A_409 : i32
        %dma_wait3A_411 = arith.constant 1 : i32
        %dma_wait3A_412 = arith.constant 0 : i32
        %dma_wait3A_413 = arith.constant 0 : i32
        %dma_wait3A_414 = tpu.memref_slice %arg7[%dma_wait3A_411, %dma_wait3A_412, %dma_wait3A_413] : memref<4x2x128xi32, #tpu.memory_space<vmem>> -> memref<1x1x128xi32, #tpu.memory_space<vmem>>
        %dma_wait3A_415 = tpu.memref_squeeze %dma_wait3A_414 : memref<1x1x128xi32, #tpu.memory_space<vmem>> -> memref<128xi32, #tpu.memory_space<vmem>>
        %dma_wait3A_416 = arith.constant 0 : i32
        %dma_wait3A_417 = arith.constant 0 : i32
        %dma_wait3A_418 = tpu.memref_slice %arg2[%dma_wait3A_416, %dma_wait3A_417] : memref<10000x128xf32, #tpu.memory_space<hbm>> -> memref<10000x128xf32, #tpu.memory_space<hbm>>
        tpu.wait_indirect_dma semaphore(%arg19 : memref<!tpu.dma_semaphore, #tpu.memory_space<semaphore_mem>>) src(%dma_wait3A_418 : memref<10000x128xf32, #tpu.memory_space<hbm>>) dst(%arg9 : memref<128x128xf32, #tpu.memory_space<vmem>>)
        %run_scoped3A_419 = arith.constant 1 : i32
        %run_scoped3A_420 = arith.constant 1 : i32
        "tpu.region"() ({
          %run_scoped3A_487 = tpu.sem_alloc : memref<!tpu.dma_semaphore, #tpu.memory_space<semaphore_mem>>
          %dma_start3A_488 = arith.constant 0 : i32
          %dma_start3A_489 = tpu.memref_slice %arg7[%run_scoped3A_419, %run_scoped3A_420, %dma_start3A_488] : memref<4x2x128xi32, #tpu.memory_space<vmem>> -> memref<1x1x128xi32, #tpu.memory_space<vmem>>
          %dma_start3A_490 = tpu.memref_squeeze %dma_start3A_489 : memref<1x1x128xi32, #tpu.memory_space<vmem>> -> memref<128xi32, #tpu.memory_space<vmem>>
          %dma_start3A_491 = arith.constant 0 : i32
          %dma_start3A_492 = arith.constant 0 : i32
          %dma_start3A_493 = tpu.memref_slice %arg12[%dma_start3A_491, %dma_start3A_492] : memref<10240x128xf32, #tpu.memory_space<vmem_shared>> -> memref<10240x128xf32, #tpu.memory_space<vmem_shared>>
          tpu.enqueue_indirect_dma source(%arg9 : memref<128x128xf32, #tpu.memory_space<vmem>>) target(%dma_start3A_493 : memref<10240x128xf32, #tpu.memory_space<vmem_shared>>) offsets(%dma_start3A_490 : memref<128xi32, #tpu.memory_space<vmem>>) semaphore(%run_scoped3A_487 : memref<!tpu.dma_semaphore, #tpu.memory_space<semaphore_mem>>) {add = true}
          %dma_wait3A_494 = arith.constant 0 : i32
          %dma_wait3A_495 = tpu.memref_slice %arg7[%run_scoped3A_419, %run_scoped3A_420, %dma_wait3A_494] : memref<4x2x128xi32, #tpu.memory_space<vmem>> -> memref<1x1x128xi32, #tpu.memory_space<vmem>>
          %dma_wait3A_496 = tpu.memref_squeeze %dma_wait3A_495 : memref<1x1x128xi32, #tpu.memory_space<vmem>> -> memref<128xi32, #tpu.memory_space<vmem>>
          %dma_wait3A_497 = arith.constant 0 : i32
          %dma_wait3A_498 = arith.constant 0 : i32
          %dma_wait3A_499 = tpu.memref_slice %arg12[%dma_wait3A_497, %dma_wait3A_498] : memref<10240x128xf32, #tpu.memory_space<vmem_shared>> -> memref<10240x128xf32, #tpu.memory_space<vmem_shared>>
          tpu.wait_indirect_dma semaphore(%run_scoped3A_487 : memref<!tpu.dma_semaphore, #tpu.memory_space<semaphore_mem>>) src(%arg9 : memref<128x128xf32, #tpu.memory_space<vmem>>) dst(%dma_wait3A_499 : memref<10240x128xf32, #tpu.memory_space<vmem_shared>>)
          tpu.yield
        }) : () -> ()
        %add3A_421 = arith.constant 4 : i32
        %add3A_422 = arith.addi %add3A_410, %add3A_421 : i32
        %lt3A_423 = arith.constant 16 : i32
        %lt3A_424 = arith.cmpi slt, %add3A_422, %lt3A_423 : i32
        %convert_element_type3A_425 = arith.extui %lt3A_424 : i1 to i32
        %cond3A_426 = arith.constant 0 : i32
        %cond3A_427 = arith.cmpi ne, %convert_element_type3A_425, %cond3A_426 : i32
        scf.if %cond3A_427 {
          %add3A_487 = arith.constant 4 : i32
          %add3A_488 = arith.addi %add3A_410, %add3A_487 : i32
          %dma_start3A_489 = arith.constant 1 : i32
          %dma_start3A_490 = arith.constant 0 : i32
          %dma_start3A_491 = arith.constant 0 : i32
          %dma_start3A_492 = tpu.memref_slice %arg7[%dma_start3A_489, %dma_start3A_490, %dma_start3A_491] : memref<4x2x128xi32, #tpu.memory_space<vmem>> -> memref<1x2x128xi32, #tpu.memory_space<vmem>>
          %dma_start3A_493 = tpu.memref_squeeze %dma_start3A_492 : memref<1x2x128xi32, #tpu.memory_space<vmem>> -> memref<2x128xi32, #tpu.memory_space<vmem>>
          %dma_start3A_494 = arith.constant 0 : i32
          %dma_start3A_495 = arith.constant 0 : i32
          %dma_start3A_496 = tpu.memref_slice %arg4[%arg1, %add3A_488, %dma_start3A_494, %dma_start3A_495] : memref<16x16x2x128xi32, #tpu.memory_space<hbm>> -> memref<1x1x2x128xi32, #tpu.memory_space<hbm>>
          %dma_start3A_497 = tpu.memref_squeeze %dma_start3A_496 : memref<1x1x2x128xi32, #tpu.memory_space<hbm>> -> memref<2x128xi32, #tpu.memory_space<hbm>>
          %dma_start3A_498 = arith.constant 0 : i32
          %dma_start3A_499 = arith.constant 0 : i32
          %dma_start3A_500 = tpu.memref_slice %arg7[%dma_start3A_489, %dma_start3A_498, %dma_start3A_499] : memref<4x2x128xi32, #tpu.memory_space<vmem>> -> memref<1x2x128xi32, #tpu.memory_space<vmem>>
          %dma_start3A_501 = tpu.memref_squeeze %dma_start3A_500 : memref<1x2x128xi32, #tpu.memory_space<vmem>> -> memref<2x128xi32, #tpu.memory_space<vmem>>
          %dma_start3A_502 = arith.constant 0 : i32
          %dma_start3A_503 = arith.constant 0 : i32
          %dma_start3A_504 = tpu.memref_slice %arg4[%arg1, %add3A_488, %dma_start3A_502, %dma_start3A_503] : memref<16x16x2x128xi32, #tpu.memory_space<hbm>> -> memref<1x1x2x128xi32, #tpu.memory_space<hbm>>
          %dma_start3A_505 = tpu.memref_squeeze %dma_start3A_504 : memref<1x1x2x128xi32, #tpu.memory_space<hbm>> -> memref<2x128xi32, #tpu.memory_space<hbm>>
          tpu.enqueue_dma source(%dma_start3A_505 : memref<2x128xi32, #tpu.memory_space<hbm>>) target(%dma_start3A_501 : memref<2x128xi32, #tpu.memory_space<vmem>>) target_semaphore(%arg15 : memref<!tpu.dma_semaphore, #tpu.memory_space<semaphore_mem>>)
        } else {
        }
        %add3A_428 = arith.constant 2 : i32
        %add3A_429 = arith.addi %add3A_410, %add3A_428 : i32
        %lt3A_430 = arith.constant 16 : i32
        %lt3A_431 = arith.cmpi slt, %add3A_429, %lt3A_430 : i32
        %convert_element_type3A_432 = arith.extui %lt3A_431 : i1 to i32
        %cond3A_433 = arith.constant 0 : i32
        %cond3A_434 = arith.cmpi ne, %convert_element_type3A_432, %cond3A_433 : i32
        scf.if %cond3A_434 {
          %add3A_487 = arith.constant 2 : i32
          %add3A_488 = arith.addi %add3A_410, %add3A_487 : i32
          %dma_wait3A_489 = arith.constant 3 : i32
          %dma_wait3A_490 = arith.constant 0 : i32
          %dma_wait3A_491 = arith.constant 0 : i32
          %dma_wait3A_492 = tpu.memref_slice %arg7[%dma_wait3A_489, %dma_wait3A_490, %dma_wait3A_491] : memref<4x2x128xi32, #tpu.memory_space<vmem>> -> memref<1x2x128xi32, #tpu.memory_space<vmem>>
          %dma_wait3A_493 = tpu.memref_squeeze %dma_wait3A_492 : memref<1x2x128xi32, #tpu.memory_space<vmem>> -> memref<2x128xi32, #tpu.memory_space<vmem>>
          %dma_wait3A_494 = arith.constant 0 : i32
          %dma_wait3A_495 = arith.constant 0 : i32
          %dma_wait3A_496 = tpu.memref_slice %arg4[%arg1, %add3A_488, %dma_wait3A_494, %dma_wait3A_495] : memref<16x16x2x128xi32, #tpu.memory_space<hbm>> -> memref<1x1x2x128xi32, #tpu.memory_space<hbm>>
          %dma_wait3A_497 = tpu.memref_squeeze %dma_wait3A_496 : memref<1x1x2x128xi32, #tpu.memory_space<hbm>> -> memref<2x128xi32, #tpu.memory_space<hbm>>
          %dma_wait3A_498 = arith.constant 0 : i32
          %dma_wait3A_499 = arith.constant 0 : i32
          %dma_wait3A_500 = tpu.memref_slice %arg7[%dma_wait3A_489, %dma_wait3A_498, %dma_wait3A_499] : memref<4x2x128xi32, #tpu.memory_space<vmem>> -> memref<1x2x128xi32, #tpu.memory_space<vmem>>
          %dma_wait3A_501 = tpu.memref_squeeze %dma_wait3A_500 : memref<1x2x128xi32, #tpu.memory_space<vmem>> -> memref<2x128xi32, #tpu.memory_space<vmem>>
          %dma_wait3A_502 = arith.constant 0 : i32
          %dma_wait3A_503 = arith.constant 0 : i32
          %dma_wait3A_504 = tpu.memref_slice %arg4[%arg1, %add3A_488, %dma_wait3A_502, %dma_wait3A_503] : memref<16x16x2x128xi32, #tpu.memory_space<hbm>> -> memref<1x1x2x128xi32, #tpu.memory_space<hbm>>
          %dma_wait3A_505 = tpu.memref_squeeze %dma_wait3A_504 : memref<1x1x2x128xi32, #tpu.memory_space<hbm>> -> memref<2x128xi32, #tpu.memory_space<hbm>>
          tpu.wait_dma2 semaphore(%arg17 : memref<!tpu.dma_semaphore, #tpu.memory_space<semaphore_mem>>) src(%dma_wait3A_505 : memref<2x128xi32, #tpu.memory_space<hbm>>) dst(%dma_wait3A_501 : memref<2x128xi32, #tpu.memory_space<vmem>>)
          %dma_start3A_506 = arith.constant 3 : i32
          %dma_start3A_507 = arith.constant 0 : i32
          %dma_start3A_508 = arith.constant 0 : i32
          %dma_start3A_509 = tpu.memref_slice %arg7[%dma_start3A_506, %dma_start3A_507, %dma_start3A_508] : memref<4x2x128xi32, #tpu.memory_space<vmem>> -> memref<1x1x128xi32, #tpu.memory_space<vmem>>
          %dma_start3A_510 = tpu.memref_squeeze %dma_start3A_509 : memref<1x1x128xi32, #tpu.memory_space<vmem>> -> memref<128xi32, #tpu.memory_space<vmem>>
          %dma_start3A_511 = arith.constant 0 : i32
          %dma_start3A_512 = arith.constant 0 : i32
          %dma_start3A_513 = tpu.memref_slice %arg2[%dma_start3A_511, %dma_start3A_512] : memref<10000x128xf32, #tpu.memory_space<hbm>> -> memref<10000x128xf32, #tpu.memory_space<hbm>>
          tpu.enqueue_indirect_dma source(%dma_start3A_513 : memref<10000x128xf32, #tpu.memory_space<hbm>>) target(%arg9 : memref<128x128xf32, #tpu.memory_space<vmem>>) offsets(%dma_start3A_510 : memref<128xi32, #tpu.memory_space<vmem>>) semaphore(%arg19 : memref<!tpu.dma_semaphore, #tpu.memory_space<semaphore_mem>>)
        } else {
        }
        %add3A_435 = arith.constant 2 : i32
        %add3A_436 = arith.addi %mul3A_385, %add3A_435 : i32
        %dma_wait3A_437 = arith.constant 2 : i32
        %dma_wait3A_438 = arith.constant 0 : i32
        %dma_wait3A_439 = arith.constant 0 : i32
        %dma_wait3A_440 = tpu.memref_slice %arg7[%dma_wait3A_437, %dma_wait3A_438, %dma_wait3A_439] : memref<4x2x128xi32, #tpu.memory_space<vmem>> -> memref<1x1x128xi32, #tpu.memory_space<vmem>>
        %dma_wait3A_441 = tpu.memref_squeeze %dma_wait3A_440 : memref<1x1x128xi32, #tpu.memory_space<vmem>> -> memref<128xi32, #tpu.memory_space<vmem>>
        %dma_wait3A_442 = arith.constant 0 : i32
        %dma_wait3A_443 = arith.constant 0 : i32
        %dma_wait3A_444 = tpu.memref_slice %arg2[%dma_wait3A_442, %dma_wait3A_443] : memref<10000x128xf32, #tpu.memory_space<hbm>> -> memref<10000x128xf32, #tpu.memory_space<hbm>>
        tpu.wait_indirect_dma semaphore(%arg18 : memref<!tpu.dma_semaphore, #tpu.memory_space<semaphore_mem>>) src(%dma_wait3A_444 : memref<10000x128xf32, #tpu.memory_space<hbm>>) dst(%arg8 : memref<128x128xf32, #tpu.memory_space<vmem>>)
        %run_scoped3A_445 = arith.constant 2 : i32
        %run_scoped3A_446 = arith.constant 1 : i32
        "tpu.region"() ({
          %run_scoped3A_487 = tpu.sem_alloc : memref<!tpu.dma_semaphore, #tpu.memory_space<semaphore_mem>>
          %dma_start3A_488 = arith.constant 0 : i32
          %dma_start3A_489 = tpu.memref_slice %arg7[%run_scoped3A_445, %run_scoped3A_446, %dma_start3A_488] : memref<4x2x128xi32, #tpu.memory_space<vmem>> -> memref<1x1x128xi32, #tpu.memory_space<vmem>>
          %dma_start3A_490 = tpu.memref_squeeze %dma_start3A_489 : memref<1x1x128xi32, #tpu.memory_space<vmem>> -> memref<128xi32, #tpu.memory_space<vmem>>
          %dma_start3A_491 = arith.constant 0 : i32
          %dma_start3A_492 = arith.constant 0 : i32
          %dma_start3A_493 = tpu.memref_slice %arg12[%dma_start3A_491, %dma_start3A_492] : memref<10240x128xf32, #tpu.memory_space<vmem_shared>> -> memref<10240x128xf32, #tpu.memory_space<vmem_shared>>
          tpu.enqueue_indirect_dma source(%arg8 : memref<128x128xf32, #tpu.memory_space<vmem>>) target(%dma_start3A_493 : memref<10240x128xf32, #tpu.memory_space<vmem_shared>>) offsets(%dma_start3A_490 : memref<128xi32, #tpu.memory_space<vmem>>) semaphore(%run_scoped3A_487 : memref<!tpu.dma_semaphore, #tpu.memory_space<semaphore_mem>>) {add = true}
          %dma_wait3A_494 = arith.constant 0 : i32
          %dma_wait3A_495 = tpu.memref_slice %arg7[%run_scoped3A_445, %run_scoped3A_446, %dma_wait3A_494] : memref<4x2x128xi32, #tpu.memory_space<vmem>> -> memref<1x1x128xi32, #tpu.memory_space<vmem>>
          %dma_wait3A_496 = tpu.memref_squeeze %dma_wait3A_495 : memref<1x1x128xi32, #tpu.memory_space<vmem>> -> memref<128xi32, #tpu.memory_space<vmem>>
          %dma_wait3A_497 = arith.constant 0 : i32
          %dma_wait3A_498 = arith.constant 0 : i32
          %dma_wait3A_499 = tpu.memref_slice %arg12[%dma_wait3A_497, %dma_wait3A_498] : memref<10240x128xf32, #tpu.memory_space<vmem_shared>> -> memref<10240x128xf32, #tpu.memory_space<vmem_shared>>
          tpu.wait_indirect_dma semaphore(%run_scoped3A_487 : memref<!tpu.dma_semaphore, #tpu.memory_space<semaphore_mem>>) src(%arg8 : memref<128x128xf32, #tpu.memory_space<vmem>>) dst(%dma_wait3A_499 : memref<10240x128xf32, #tpu.memory_space<vmem_shared>>)
          tpu.yield
        }) : () -> ()
        %add3A_447 = arith.constant 4 : i32
        %add3A_448 = arith.addi %add3A_436, %add3A_447 : i32
        %lt3A_449 = arith.constant 16 : i32
        %lt3A_450 = arith.cmpi slt, %add3A_448, %lt3A_449 : i32
        %convert_element_type3A_451 = arith.extui %lt3A_450 : i1 to i32
        %cond3A_452 = arith.constant 0 : i32
        %cond3A_453 = arith.cmpi ne, %convert_element_type3A_451, %cond3A_452 : i32
        scf.if %cond3A_453 {
          %add3A_487 = arith.constant 4 : i32
          %add3A_488 = arith.addi %add3A_436, %add3A_487 : i32
          %dma_start3A_489 = arith.constant 2 : i32
          %dma_start3A_490 = arith.constant 0 : i32
          %dma_start3A_491 = arith.constant 0 : i32
          %dma_start3A_492 = tpu.memref_slice %arg7[%dma_start3A_489, %dma_start3A_490, %dma_start3A_491] : memref<4x2x128xi32, #tpu.memory_space<vmem>> -> memref<1x2x128xi32, #tpu.memory_space<vmem>>
          %dma_start3A_493 = tpu.memref_squeeze %dma_start3A_492 : memref<1x2x128xi32, #tpu.memory_space<vmem>> -> memref<2x128xi32, #tpu.memory_space<vmem>>
          %dma_start3A_494 = arith.constant 0 : i32
          %dma_start3A_495 = arith.constant 0 : i32
          %dma_start3A_496 = tpu.memref_slice %arg4[%arg1, %add3A_488, %dma_start3A_494, %dma_start3A_495] : memref<16x16x2x128xi32, #tpu.memory_space<hbm>> -> memref<1x1x2x128xi32, #tpu.memory_space<hbm>>
          %dma_start3A_497 = tpu.memref_squeeze %dma_start3A_496 : memref<1x1x2x128xi32, #tpu.memory_space<hbm>> -> memref<2x128xi32, #tpu.memory_space<hbm>>
          %dma_start3A_498 = arith.constant 0 : i32
          %dma_start3A_499 = arith.constant 0 : i32
          %dma_start3A_500 = tpu.memref_slice %arg7[%dma_start3A_489, %dma_start3A_498, %dma_start3A_499] : memref<4x2x128xi32, #tpu.memory_space<vmem>> -> memref<1x2x128xi32, #tpu.memory_space<vmem>>
          %dma_start3A_501 = tpu.memref_squeeze %dma_start3A_500 : memref<1x2x128xi32, #tpu.memory_space<vmem>> -> memref<2x128xi32, #tpu.memory_space<vmem>>
          %dma_start3A_502 = arith.constant 0 : i32
          %dma_start3A_503 = arith.constant 0 : i32
          %dma_start3A_504 = tpu.memref_slice %arg4[%arg1, %add3A_488, %dma_start3A_502, %dma_start3A_503] : memref<16x16x2x128xi32, #tpu.memory_space<hbm>> -> memref<1x1x2x128xi32, #tpu.memory_space<hbm>>
          %dma_start3A_505 = tpu.memref_squeeze %dma_start3A_504 : memref<1x1x2x128xi32, #tpu.memory_space<hbm>> -> memref<2x128xi32, #tpu.memory_space<hbm>>
          tpu.enqueue_dma source(%dma_start3A_505 : memref<2x128xi32, #tpu.memory_space<hbm>>) target(%dma_start3A_501 : memref<2x128xi32, #tpu.memory_space<vmem>>) target_semaphore(%arg16 : memref<!tpu.dma_semaphore, #tpu.memory_space<semaphore_mem>>)
        } else {
        }
        %add3A_454 = arith.constant 2 : i32
        %add3A_455 = arith.addi %add3A_436, %add3A_454 : i32
        %lt3A_456 = arith.constant 16 : i32
        %lt3A_457 = arith.cmpi slt, %add3A_455, %lt3A_456 : i32
        %convert_element_type3A_458 = arith.extui %lt3A_457 : i1 to i32
        %cond3A_459 = arith.constant 0 : i32
        %cond3A_460 = arith.cmpi ne, %convert_element_type3A_458, %cond3A_459 : i32
        scf.if %cond3A_460 {
          %add3A_487 = arith.constant 2 : i32
          %add3A_488 = arith.addi %add3A_436, %add3A_487 : i32
          %dma_wait3A_489 = arith.constant 0 : i32
          %dma_wait3A_490 = arith.constant 0 : i32
          %dma_wait3A_491 = arith.constant 0 : i32
          %dma_wait3A_492 = tpu.memref_slice %arg7[%dma_wait3A_489, %dma_wait3A_490, %dma_wait3A_491] : memref<4x2x128xi32, #tpu.memory_space<vmem>> -> memref<1x2x128xi32, #tpu.memory_space<vmem>>
          %dma_wait3A_493 = tpu.memref_squeeze %dma_wait3A_492 : memref<1x2x128xi32, #tpu.memory_space<vmem>> -> memref<2x128xi32, #tpu.memory_space<vmem>>
          %dma_wait3A_494 = arith.constant 0 : i32
          %dma_wait3A_495 = arith.constant 0 : i32
          %dma_wait3A_496 = tpu.memref_slice %arg4[%arg1, %add3A_488, %dma_wait3A_494, %dma_wait3A_495] : memref<16x16x2x128xi32, #tpu.memory_space<hbm>> -> memref<1x1x2x128xi32, #tpu.memory_space<hbm>>
          %dma_wait3A_497 = tpu.memref_squeeze %dma_wait3A_496 : memref<1x1x2x128xi32, #tpu.memory_space<hbm>> -> memref<2x128xi32, #tpu.memory_space<hbm>>
          %dma_wait3A_498 = arith.constant 0 : i32
          %dma_wait3A_499 = arith.constant 0 : i32
          %dma_wait3A_500 = tpu.memref_slice %arg7[%dma_wait3A_489, %dma_wait3A_498, %dma_wait3A_499] : memref<4x2x128xi32, #tpu.memory_space<vmem>> -> memref<1x2x128xi32, #tpu.memory_space<vmem>>
          %dma_wait3A_501 = tpu.memref_squeeze %dma_wait3A_500 : memref<1x2x128xi32, #tpu.memory_space<vmem>> -> memref<2x128xi32, #tpu.memory_space<vmem>>
          %dma_wait3A_502 = arith.constant 0 : i32
          %dma_wait3A_503 = arith.constant 0 : i32
          %dma_wait3A_504 = tpu.memref_slice %arg4[%arg1, %add3A_488, %dma_wait3A_502, %dma_wait3A_503] : memref<16x16x2x128xi32, #tpu.memory_space<hbm>> -> memref<1x1x2x128xi32, #tpu.memory_space<hbm>>
          %dma_wait3A_505 = tpu.memref_squeeze %dma_wait3A_504 : memref<1x1x2x128xi32, #tpu.memory_space<hbm>> -> memref<2x128xi32, #tpu.memory_space<hbm>>
          tpu.wait_dma2 semaphore(%arg14 : memref<!tpu.dma_semaphore, #tpu.memory_space<semaphore_mem>>) src(%dma_wait3A_505 : memref<2x128xi32, #tpu.memory_space<hbm>>) dst(%dma_wait3A_501 : memref<2x128xi32, #tpu.memory_space<vmem>>)
          %dma_start3A_506 = arith.constant 0 : i32
          %dma_start3A_507 = arith.constant 0 : i32
          %dma_start3A_508 = arith.constant 0 : i32
          %dma_start3A_509 = tpu.memref_slice %arg7[%dma_start3A_506, %dma_start3A_507, %dma_start3A_508] : memref<4x2x128xi32, #tpu.memory_space<vmem>> -> memref<1x1x128xi32, #tpu.memory_space<vmem>>
          %dma_start3A_510 = tpu.memref_squeeze %dma_start3A_509 : memref<1x1x128xi32, #tpu.memory_space<vmem>> -> memref<128xi32, #tpu.memory_space<vmem>>
          %dma_start3A_511 = arith.constant 0 : i32
          %dma_start3A_512 = arith.constant 0 : i32
          %dma_start3A_513 = tpu.memref_slice %arg2[%dma_start3A_511, %dma_start3A_512] : memref<10000x128xf32, #tpu.memory_space<hbm>> -> memref<10000x128xf32, #tpu.memory_space<hbm>>
          tpu.enqueue_indirect_dma source(%dma_start3A_513 : memref<10000x128xf32, #tpu.memory_space<hbm>>) target(%arg8 : memref<128x128xf32, #tpu.memory_space<vmem>>) offsets(%dma_start3A_510 : memref<128xi32, #tpu.memory_space<vmem>>) semaphore(%arg18 : memref<!tpu.dma_semaphore, #tpu.memory_space<semaphore_mem>>)
        } else {
        }
        %add3A_461 = arith.constant 3 : i32
        %add3A_462 = arith.addi %mul3A_385, %add3A_461 : i32
        %dma_wait3A_463 = arith.constant 3 : i32
        %dma_wait3A_464 = arith.constant 0 : i32
        %dma_wait3A_465 = arith.constant 0 : i32
        %dma_wait3A_466 = tpu.memref_slice %arg7[%dma_wait3A_463, %dma_wait3A_464, %dma_wait3A_465] : memref<4x2x128xi32, #tpu.memory_space<vmem>> -> memref<1x1x128xi32, #tpu.memory_space<vmem>>
        %dma_wait3A_467 = tpu.memref_squeeze %dma_wait3A_466 : memref<1x1x128xi32, #tpu.memory_space<vmem>> -> memref<128xi32, #tpu.memory_space<vmem>>
        %dma_wait3A_468 = arith.constant 0 : i32
        %dma_wait3A_469 = arith.constant 0 : i32
        %dma_wait3A_470 = tpu.memref_slice %arg2[%dma_wait3A_468, %dma_wait3A_469] : memref<10000x128xf32, #tpu.memory_space<hbm>> -> memref<10000x128xf32, #tpu.memory_space<hbm>>
        tpu.wait_indirect_dma semaphore(%arg19 : memref<!tpu.dma_semaphore, #tpu.memory_space<semaphore_mem>>) src(%dma_wait3A_470 : memref<10000x128xf32, #tpu.memory_space<hbm>>) dst(%arg9 : memref<128x128xf32, #tpu.memory_space<vmem>>)
        %run_scoped3A_471 = arith.constant 3 : i32
        %run_scoped3A_472 = arith.constant 1 : i32
        "tpu.region"() ({
          %run_scoped3A_487 = tpu.sem_alloc : memref<!tpu.dma_semaphore, #tpu.memory_space<semaphore_mem>>
          %dma_start3A_488 = arith.constant 0 : i32
          %dma_start3A_489 = tpu.memref_slice %arg7[%run_scoped3A_471, %run_scoped3A_472, %dma_start3A_488] : memref<4x2x128xi32, #tpu.memory_space<vmem>> -> memref<1x1x128xi32, #tpu.memory_space<vmem>>
          %dma_start3A_490 = tpu.memref_squeeze %dma_start3A_489 : memref<1x1x128xi32, #tpu.memory_space<vmem>> -> memref<128xi32, #tpu.memory_space<vmem>>
          %dma_start3A_491 = arith.constant 0 : i32
          %dma_start3A_492 = arith.constant 0 : i32
          %dma_start3A_493 = tpu.memref_slice %arg12[%dma_start3A_491, %dma_start3A_492] : memref<10240x128xf32, #tpu.memory_space<vmem_shared>> -> memref<10240x128xf32, #tpu.memory_space<vmem_shared>>
          tpu.enqueue_indirect_dma source(%arg9 : memref<128x128xf32, #tpu.memory_space<vmem>>) target(%dma_start3A_493 : memref<10240x128xf32, #tpu.memory_space<vmem_shared>>) offsets(%dma_start3A_490 : memref<128xi32, #tpu.memory_space<vmem>>) semaphore(%run_scoped3A_487 : memref<!tpu.dma_semaphore, #tpu.memory_space<semaphore_mem>>) {add = true}
          %dma_wait3A_494 = arith.constant 0 : i32
          %dma_wait3A_495 = tpu.memref_slice %arg7[%run_scoped3A_471, %run_scoped3A_472, %dma_wait3A_494] : memref<4x2x128xi32, #tpu.memory_space<vmem>> -> memref<1x1x128xi32, #tpu.memory_space<vmem>>
          %dma_wait3A_496 = tpu.memref_squeeze %dma_wait3A_495 : memref<1x1x128xi32, #tpu.memory_space<vmem>> -> memref<128xi32, #tpu.memory_space<vmem>>
          %dma_wait3A_497 = arith.constant 0 : i32
          %dma_wait3A_498 = arith.constant 0 : i32
          %dma_wait3A_499 = tpu.memref_slice %arg12[%dma_wait3A_497, %dma_wait3A_498] : memref<10240x128xf32, #tpu.memory_space<vmem_shared>> -> memref<10240x128xf32, #tpu.memory_space<vmem_shared>>
          tpu.wait_indirect_dma semaphore(%run_scoped3A_487 : memref<!tpu.dma_semaphore, #tpu.memory_space<semaphore_mem>>) src(%arg9 : memref<128x128xf32, #tpu.memory_space<vmem>>) dst(%dma_wait3A_499 : memref<10240x128xf32, #tpu.memory_space<vmem_shared>>)
          tpu.yield
        }) : () -> ()
        %add3A_473 = arith.constant 4 : i32
        %add3A_474 = arith.addi %add3A_462, %add3A_473 : i32
        %lt3A_475 = arith.constant 16 : i32
        %lt3A_476 = arith.cmpi slt, %add3A_474, %lt3A_475 : i32
        %convert_element_type3A_477 = arith.extui %lt3A_476 : i1 to i32
        %cond3A_478 = arith.constant 0 : i32
        %cond3A_479 = arith.cmpi ne, %convert_element_type3A_477, %cond3A_478 : i32
        scf.if %cond3A_479 {
          %add3A_487 = arith.constant 4 : i32
          %add3A_488 = arith.addi %add3A_462, %add3A_487 : i32
          %dma_start3A_489 = arith.constant 3 : i32
          %dma_start3A_490 = arith.constant 0 : i32
          %dma_start3A_491 = arith.constant 0 : i32
          %dma_start3A_492 = tpu.memref_slice %arg7[%dma_start3A_489, %dma_start3A_490, %dma_start3A_491] : memref<4x2x128xi32, #tpu.memory_space<vmem>> -> memref<1x2x128xi32, #tpu.memory_space<vmem>>
          %dma_start3A_493 = tpu.memref_squeeze %dma_start3A_492 : memref<1x2x128xi32, #tpu.memory_space<vmem>> -> memref<2x128xi32, #tpu.memory_space<vmem>>
          %dma_start3A_494 = arith.constant 0 : i32
          %dma_start3A_495 = arith.constant 0 : i32
          %dma_start3A_496 = tpu.memref_slice %arg4[%arg1, %add3A_488, %dma_start3A_494, %dma_start3A_495] : memref<16x16x2x128xi32, #tpu.memory_space<hbm>> -> memref<1x1x2x128xi32, #tpu.memory_space<hbm>>
          %dma_start3A_497 = tpu.memref_squeeze %dma_start3A_496 : memref<1x1x2x128xi32, #tpu.memory_space<hbm>> -> memref<2x128xi32, #tpu.memory_space<hbm>>
          %dma_start3A_498 = arith.constant 0 : i32
          %dma_start3A_499 = arith.constant 0 : i32
          %dma_start3A_500 = tpu.memref_slice %arg7[%dma_start3A_489, %dma_start3A_498, %dma_start3A_499] : memref<4x2x128xi32, #tpu.memory_space<vmem>> -> memref<1x2x128xi32, #tpu.memory_space<vmem>>
          %dma_start3A_501 = tpu.memref_squeeze %dma_start3A_500 : memref<1x2x128xi32, #tpu.memory_space<vmem>> -> memref<2x128xi32, #tpu.memory_space<vmem>>
          %dma_start3A_502 = arith.constant 0 : i32
          %dma_start3A_503 = arith.constant 0 : i32
          %dma_start3A_504 = tpu.memref_slice %arg4[%arg1, %add3A_488, %dma_start3A_502, %dma_start3A_503] : memref<16x16x2x128xi32, #tpu.memory_space<hbm>> -> memref<1x1x2x128xi32, #tpu.memory_space<hbm>>
          %dma_start3A_505 = tpu.memref_squeeze %dma_start3A_504 : memref<1x1x2x128xi32, #tpu.memory_space<hbm>> -> memref<2x128xi32, #tpu.memory_space<hbm>>
          tpu.enqueue_dma source(%dma_start3A_505 : memref<2x128xi32, #tpu.memory_space<hbm>>) target(%dma_start3A_501 : memref<2x128xi32, #tpu.memory_space<vmem>>) target_semaphore(%arg17 : memref<!tpu.dma_semaphore, #tpu.memory_space<semaphore_mem>>)
        } else {
        }
        %add3A_480 = arith.constant 2 : i32
        %add3A_481 = arith.addi %add3A_462, %add3A_480 : i32
        %lt3A_482 = arith.constant 16 : i32
        %lt3A_483 = arith.cmpi slt, %add3A_481, %lt3A_482 : i32
        %convert_element_type3A_484 = arith.extui %lt3A_483 : i1 to i32
        %cond3A_485 = arith.constant 0 : i32
        %cond3A_486 = arith.cmpi ne, %convert_element_type3A_484, %cond3A_485 : i32
        scf.if %cond3A_486 {
          %add3A_487 = arith.constant 2 : i32
          %add3A_488 = arith.addi %add3A_462, %add3A_487 : i32
          %dma_wait3A_489 = arith.constant 1 : i32
          %dma_wait3A_490 = arith.constant 0 : i32
          %dma_wait3A_491 = arith.constant 0 : i32
          %dma_wait3A_492 = tpu.memref_slice %arg7[%dma_wait3A_489, %dma_wait3A_490, %dma_wait3A_491] : memref<4x2x128xi32, #tpu.memory_space<vmem>> -> memref<1x2x128xi32, #tpu.memory_space<vmem>>
          %dma_wait3A_493 = tpu.memref_squeeze %dma_wait3A_492 : memref<1x2x128xi32, #tpu.memory_space<vmem>> -> memref<2x128xi32, #tpu.memory_space<vmem>>
          %dma_wait3A_494 = arith.constant 0 : i32
          %dma_wait3A_495 = arith.constant 0 : i32
          %dma_wait3A_496 = tpu.memref_slice %arg4[%arg1, %add3A_488, %dma_wait3A_494, %dma_wait3A_495] : memref<16x16x2x128xi32, #tpu.memory_space<hbm>> -> memref<1x1x2x128xi32, #tpu.memory_space<hbm>>
          %dma_wait3A_497 = tpu.memref_squeeze %dma_wait3A_496 : memref<1x1x2x128xi32, #tpu.memory_space<hbm>> -> memref<2x128xi32, #tpu.memory_space<hbm>>
          %dma_wait3A_498 = arith.constant 0 : i32
          %dma_wait3A_499 = arith.constant 0 : i32
          %dma_wait3A_500 = tpu.memref_slice %arg7[%dma_wait3A_489, %dma_wait3A_498, %dma_wait3A_499] : memref<4x2x128xi32, #tpu.memory_space<vmem>> -> memref<1x2x128xi32, #tpu.memory_space<vmem>>
          %dma_wait3A_501 = tpu.memref_squeeze %dma_wait3A_500 : memref<1x2x128xi32, #tpu.memory_space<vmem>> -> memref<2x128xi32, #tpu.memory_space<vmem>>
          %dma_wait3A_502 = arith.constant 0 : i32
          %dma_wait3A_503 = arith.constant 0 : i32
          %dma_wait3A_504 = tpu.memref_slice %arg4[%arg1, %add3A_488, %dma_wait3A_502, %dma_wait3A_503] : memref<16x16x2x128xi32, #tpu.memory_space<hbm>> -> memref<1x1x2x128xi32, #tpu.memory_space<hbm>>
          %dma_wait3A_505 = tpu.memref_squeeze %dma_wait3A_504 : memref<1x1x2x128xi32, #tpu.memory_space<hbm>> -> memref<2x128xi32, #tpu.memory_space<hbm>>
          tpu.wait_dma2 semaphore(%arg15 : memref<!tpu.dma_semaphore, #tpu.memory_space<semaphore_mem>>) src(%dma_wait3A_505 : memref<2x128xi32, #tpu.memory_space<hbm>>) dst(%dma_wait3A_501 : memref<2x128xi32, #tpu.memory_space<vmem>>)
          %dma_start3A_506 = arith.constant 1 : i32
          %dma_start3A_507 = arith.constant 0 : i32
          %dma_start3A_508 = arith.constant 0 : i32
          %dma_start3A_509 = tpu.memref_slice %arg7[%dma_start3A_506, %dma_start3A_507, %dma_start3A_508] : memref<4x2x128xi32, #tpu.memory_space<vmem>> -> memref<1x1x128xi32, #tpu.memory_space<vmem>>
          %dma_start3A_510 = tpu.memref_squeeze %dma_start3A_509 : memref<1x1x128xi32, #tpu.memory_space<vmem>> -> memref<128xi32, #tpu.memory_space<vmem>>
          %dma_start3A_511 = arith.constant 0 : i32
          %dma_start3A_512 = arith.constant 0 : i32
          %dma_start3A_513 = tpu.memref_slice %arg2[%dma_start3A_511, %dma_start3A_512] : memref<10000x128xf32, #tpu.memory_space<hbm>> -> memref<10000x128xf32, #tpu.memory_space<hbm>>
          tpu.enqueue_indirect_dma source(%dma_start3A_513 : memref<10000x128xf32, #tpu.memory_space<hbm>>) target(%arg9 : memref<128x128xf32, #tpu.memory_space<vmem>>) offsets(%dma_start3A_510 : memref<128xi32, #tpu.memory_space<vmem>>) semaphore(%arg19 : memref<!tpu.dma_semaphore, #tpu.memory_space<semaphore_mem>>)
        } else {
        }
      }
      %scan3A_225 = arith.constant 4 : i32
      %dma_start3A_226 = arith.constant 0 : i32
      %dma_start3A_227 = arith.constant 0 : i32
      %dma_start3A_228 = arith.constant 0 : i32
      %dma_start3A_229 = arith.constant 0 : i32
      %dma_start3A_230 = tpu.memref_slice %arg7[%dma_start3A_227, %dma_start3A_228, %dma_start3A_229] : memref<4x2x128xi32, #tpu.memory_space<vmem>> -> memref<1x2x128xi32, #tpu.memory_space<vmem>>
      %dma_start3A_231 = tpu.memref_squeeze %dma_start3A_230 : memref<1x2x128xi32, #tpu.memory_space<vmem>> -> memref<2x128xi32, #tpu.memory_space<vmem>>
      %dma_start3A_232 = arith.constant 0 : i32
      %dma_start3A_233 = arith.constant 0 : i32
      %dma_start3A_234 = tpu.memref_slice %arg3[%arg1, %dma_start3A_226, %dma_start3A_232, %dma_start3A_233] : memref<16x64x2x128xi32, #tpu.memory_space<hbm>> -> memref<1x1x2x128xi32, #tpu.memory_space<hbm>>
      %dma_start3A_235 = tpu.memref_squeeze %dma_start3A_234 : memref<1x1x2x128xi32, #tpu.memory_space<hbm>> -> memref<2x128xi32, #tpu.memory_space<hbm>>
      %dma_start3A_236 = arith.constant 0 : i32
      %dma_start3A_237 = arith.constant 0 : i32
      %dma_start3A_238 = tpu.memref_slice %arg7[%dma_start3A_227, %dma_start3A_236, %dma_start3A_237] : memref<4x2x128xi32, #tpu.memory_space<vmem>> -> memref<1x2x128xi32, #tpu.memory_space<vmem>>
      %dma_start3A_239 = tpu.memref_squeeze %dma_start3A_238 : memref<1x2x128xi32, #tpu.memory_space<vmem>> -> memref<2x128xi32, #tpu.memory_space<vmem>>
      %dma_start3A_240 = arith.constant 0 : i32
      %dma_start3A_241 = arith.constant 0 : i32
      %dma_start3A_242 = tpu.memref_slice %arg3[%arg1, %dma_start3A_226, %dma_start3A_240, %dma_start3A_241] : memref<16x64x2x128xi32, #tpu.memory_space<hbm>> -> memref<1x1x2x128xi32, #tpu.memory_space<hbm>>
      %dma_start3A_243 = tpu.memref_squeeze %dma_start3A_242 : memref<1x1x2x128xi32, #tpu.memory_space<hbm>> -> memref<2x128xi32, #tpu.memory_space<hbm>>
      tpu.enqueue_dma source(%dma_start3A_243 : memref<2x128xi32, #tpu.memory_space<hbm>>) target(%dma_start3A_239 : memref<2x128xi32, #tpu.memory_space<vmem>>) target_semaphore(%arg14 : memref<!tpu.dma_semaphore, #tpu.memory_space<semaphore_mem>>)
      %dma_start3A_244 = arith.constant 1 : i32
      %dma_start3A_245 = arith.constant 1 : i32
      %dma_start3A_246 = arith.constant 0 : i32
      %dma_start3A_247 = arith.constant 0 : i32
      %dma_start3A_248 = tpu.memref_slice %arg7[%dma_start3A_245, %dma_start3A_246, %dma_start3A_247] : memref<4x2x128xi32, #tpu.memory_space<vmem>> -> memref<1x2x128xi32, #tpu.memory_space<vmem>>
      %dma_start3A_249 = tpu.memref_squeeze %dma_start3A_248 : memref<1x2x128xi32, #tpu.memory_space<vmem>> -> memref<2x128xi32, #tpu.memory_space<vmem>>
      %dma_start3A_250 = arith.constant 0 : i32
      %dma_start3A_251 = arith.constant 0 : i32
      %dma_start3A_252 = tpu.memref_slice %arg3[%arg1, %dma_start3A_244, %dma_start3A_250, %dma_start3A_251] : memref<16x64x2x128xi32, #tpu.memory_space<hbm>> -> memref<1x1x2x128xi32, #tpu.memory_space<hbm>>
      %dma_start3A_253 = tpu.memref_squeeze %dma_start3A_252 : memref<1x1x2x128xi32, #tpu.memory_space<hbm>> -> memref<2x128xi32, #tpu.memory_space<hbm>>
      %dma_start3A_254 = arith.constant 0 : i32
      %dma_start3A_255 = arith.constant 0 : i32
      %dma_start3A_256 = tpu.memref_slice %arg7[%dma_start3A_245, %dma_start3A_254, %dma_start3A_255] : memref<4x2x128xi32, #tpu.memory_space<vmem>> -> memref<1x2x128xi32, #tpu.memory_space<vmem>>
      %dma_start3A_257 = tpu.memref_squeeze %dma_start3A_256 : memref<1x2x128xi32, #tpu.memory_space<vmem>> -> memref<2x128xi32, #tpu.memory_space<vmem>>
      %dma_start3A_258 = arith.constant 0 : i32
      %dma_start3A_259 = arith.constant 0 : i32
      %dma_start3A_260 = tpu.memref_slice %arg3[%arg1, %dma_start3A_244, %dma_start3A_258, %dma_start3A_259] : memref<16x64x2x128xi32, #tpu.memory_space<hbm>> -> memref<1x1x2x128xi32, #tpu.memory_space<hbm>>
      %dma_start3A_261 = tpu.memref_squeeze %dma_start3A_260 : memref<1x1x2x128xi32, #tpu.memory_space<hbm>> -> memref<2x128xi32, #tpu.memory_space<hbm>>
      tpu.enqueue_dma source(%dma_start3A_261 : memref<2x128xi32, #tpu.memory_space<hbm>>) target(%dma_start3A_257 : memref<2x128xi32, #tpu.memory_space<vmem>>) target_semaphore(%arg15 : memref<!tpu.dma_semaphore, #tpu.memory_space<semaphore_mem>>)
      %dma_start3A_262 = arith.constant 2 : i32
      %dma_start3A_263 = arith.constant 2 : i32
      %dma_start3A_264 = arith.constant 0 : i32
      %dma_start3A_265 = arith.constant 0 : i32
      %dma_start3A_266 = tpu.memref_slice %arg7[%dma_start3A_263, %dma_start3A_264, %dma_start3A_265] : memref<4x2x128xi32, #tpu.memory_space<vmem>> -> memref<1x2x128xi32, #tpu.memory_space<vmem>>
      %dma_start3A_267 = tpu.memref_squeeze %dma_start3A_266 : memref<1x2x128xi32, #tpu.memory_space<vmem>> -> memref<2x128xi32, #tpu.memory_space<vmem>>
      %dma_start3A_268 = arith.constant 0 : i32
      %dma_start3A_269 = arith.constant 0 : i32
      %dma_start3A_270 = tpu.memref_slice %arg3[%arg1, %dma_start3A_262, %dma_start3A_268, %dma_start3A_269] : memref<16x64x2x128xi32, #tpu.memory_space<hbm>> -> memref<1x1x2x128xi32, #tpu.memory_space<hbm>>
      %dma_start3A_271 = tpu.memref_squeeze %dma_start3A_270 : memref<1x1x2x128xi32, #tpu.memory_space<hbm>> -> memref<2x128xi32, #tpu.memory_space<hbm>>
      %dma_start3A_272 = arith.constant 0 : i32
      %dma_start3A_273 = arith.constant 0 : i32
      %dma_start3A_274 = tpu.memref_slice %arg7[%dma_start3A_263, %dma_start3A_272, %dma_start3A_273] : memref<4x2x128xi32, #tpu.memory_space<vmem>> -> memref<1x2x128xi32, #tpu.memory_space<vmem>>
      %dma_start3A_275 = tpu.memref_squeeze %dma_start3A_274 : memref<1x2x128xi32, #tpu.memory_space<vmem>> -> memref<2x128xi32, #tpu.memory_space<vmem>>
      %dma_start3A_276 = arith.constant 0 : i32
      %dma_start3A_277 = arith.constant 0 : i32
      %dma_start3A_278 = tpu.memref_slice %arg3[%arg1, %dma_start3A_262, %dma_start3A_276, %dma_start3A_277] : memref<16x64x2x128xi32, #tpu.memory_space<hbm>> -> memref<1x1x2x128xi32, #tpu.memory_space<hbm>>
      %dma_start3A_279 = tpu.memref_squeeze %dma_start3A_278 : memref<1x1x2x128xi32, #tpu.memory_space<hbm>> -> memref<2x128xi32, #tpu.memory_space<hbm>>
      tpu.enqueue_dma source(%dma_start3A_279 : memref<2x128xi32, #tpu.memory_space<hbm>>) target(%dma_start3A_275 : memref<2x128xi32, #tpu.memory_space<vmem>>) target_semaphore(%arg16 : memref<!tpu.dma_semaphore, #tpu.memory_space<semaphore_mem>>)
      %dma_start3A_280 = arith.constant 3 : i32
      %dma_start3A_281 = arith.constant 3 : i32
      %dma_start3A_282 = arith.constant 0 : i32
      %dma_start3A_283 = arith.constant 0 : i32
      %dma_start3A_284 = tpu.memref_slice %arg7[%dma_start3A_281, %dma_start3A_282, %dma_start3A_283] : memref<4x2x128xi32, #tpu.memory_space<vmem>> -> memref<1x2x128xi32, #tpu.memory_space<vmem>>
      %dma_start3A_285 = tpu.memref_squeeze %dma_start3A_284 : memref<1x2x128xi32, #tpu.memory_space<vmem>> -> memref<2x128xi32, #tpu.memory_space<vmem>>
      %dma_start3A_286 = arith.constant 0 : i32
      %dma_start3A_287 = arith.constant 0 : i32
      %dma_start3A_288 = tpu.memref_slice %arg3[%arg1, %dma_start3A_280, %dma_start3A_286, %dma_start3A_287] : memref<16x64x2x128xi32, #tpu.memory_space<hbm>> -> memref<1x1x2x128xi32, #tpu.memory_space<hbm>>
      %dma_start3A_289 = tpu.memref_squeeze %dma_start3A_288 : memref<1x1x2x128xi32, #tpu.memory_space<hbm>> -> memref<2x128xi32, #tpu.memory_space<hbm>>
      %dma_start3A_290 = arith.constant 0 : i32
      %dma_start3A_291 = arith.constant 0 : i32
      %dma_start3A_292 = tpu.memref_slice %arg7[%dma_start3A_281, %dma_start3A_290, %dma_start3A_291] : memref<4x2x128xi32, #tpu.memory_space<vmem>> -> memref<1x2x128xi32, #tpu.memory_space<vmem>>
      %dma_start3A_293 = tpu.memref_squeeze %dma_start3A_292 : memref<1x2x128xi32, #tpu.memory_space<vmem>> -> memref<2x128xi32, #tpu.memory_space<vmem>>
      %dma_start3A_294 = arith.constant 0 : i32
      %dma_start3A_295 = arith.constant 0 : i32
      %dma_start3A_296 = tpu.memref_slice %arg3[%arg1, %dma_start3A_280, %dma_start3A_294, %dma_start3A_295] : memref<16x64x2x128xi32, #tpu.memory_space<hbm>> -> memref<1x1x2x128xi32, #tpu.memory_space<hbm>>
      %dma_start3A_297 = tpu.memref_squeeze %dma_start3A_296 : memref<1x1x2x128xi32, #tpu.memory_space<hbm>> -> memref<2x128xi32, #tpu.memory_space<hbm>>
      tpu.enqueue_dma source(%dma_start3A_297 : memref<2x128xi32, #tpu.memory_space<hbm>>) target(%dma_start3A_293 : memref<2x128xi32, #tpu.memory_space<vmem>>) target_semaphore(%arg17 : memref<!tpu.dma_semaphore, #tpu.memory_space<semaphore_mem>>)
      %scan3A_298 = arith.constant 0 : i32
      %scan3A_299 = arith.constant 0 : i32
      %scan3A_300 = arith.constant 16 : i32
      %scan3A_301 = arith.addi %scan3A_299, %scan3A_300 : i32
      %scan3A_302 = arith.constant 1 : i32
      scf.for %scan3A_383 = %scan3A_299 to %scan3A_301 step %scan3A_302  : i32 {
        %mul3A_384 = arith.constant 4 : i32
        %mul3A_385 = arith.muli %mul3A_384, %scan3A_383 : i32
        %dma_wait3A_386 = arith.constant 0 : i32
        %dma_wait3A_387 = arith.constant 0 : i32
        %dma_wait3A_388 = arith.constant 0 : i32
        %dma_wait3A_389 = tpu.memref_slice %arg7[%dma_wait3A_386, %dma_wait3A_387, %dma_wait3A_388] : memref<4x2x128xi32, #tpu.memory_space<vmem>> -> memref<1x2x128xi32, #tpu.memory_space<vmem>>
        %dma_wait3A_390 = tpu.memref_squeeze %dma_wait3A_389 : memref<1x2x128xi32, #tpu.memory_space<vmem>> -> memref<2x128xi32, #tpu.memory_space<vmem>>
        %dma_wait3A_391 = arith.constant 0 : i32
        %dma_wait3A_392 = arith.constant 0 : i32
        %dma_wait3A_393 = tpu.memref_slice %arg3[%arg1, %mul3A_385, %dma_wait3A_391, %dma_wait3A_392] : memref<16x64x2x128xi32, #tpu.memory_space<hbm>> -> memref<1x1x2x128xi32, #tpu.memory_space<hbm>>
        %dma_wait3A_394 = tpu.memref_squeeze %dma_wait3A_393 : memref<1x1x2x128xi32, #tpu.memory_space<hbm>> -> memref<2x128xi32, #tpu.memory_space<hbm>>
        %dma_wait3A_395 = arith.constant 0 : i32
        %dma_wait3A_396 = arith.constant 0 : i32
        %dma_wait3A_397 = tpu.memref_slice %arg7[%dma_wait3A_386, %dma_wait3A_395, %dma_wait3A_396] : memref<4x2x128xi32, #tpu.memory_space<vmem>> -> memref<1x2x128xi32, #tpu.memory_space<vmem>>
        %dma_wait3A_398 = tpu.memref_squeeze %dma_wait3A_397 : memref<1x2x128xi32, #tpu.memory_space<vmem>> -> memref<2x128xi32, #tpu.memory_space<vmem>>
        %dma_wait3A_399 = arith.constant 0 : i32
        %dma_wait3A_400 = arith.constant 0 : i32
        %dma_wait3A_401 = tpu.memref_slice %arg3[%arg1, %mul3A_385, %dma_wait3A_399, %dma_wait3A_400] : memref<16x64x2x128xi32, #tpu.memory_space<hbm>> -> memref<1x1x2x128xi32, #tpu.memory_space<hbm>>
        %dma_wait3A_402 = tpu.memref_squeeze %dma_wait3A_401 : memref<1x1x2x128xi32, #tpu.memory_space<hbm>> -> memref<2x128xi32, #tpu.memory_space<hbm>>
        tpu.wait_dma2 semaphore(%arg14 : memref<!tpu.dma_semaphore, #tpu.memory_space<semaphore_mem>>) src(%dma_wait3A_402 : memref<2x128xi32, #tpu.memory_space<hbm>>) dst(%dma_wait3A_398 : memref<2x128xi32, #tpu.memory_space<vmem>>)
        %run_scoped3A_403 = arith.constant 0 : i32
        %run_scoped3A_404 = arith.constant 1 : i32
        "tpu.region"() ({
          %run_scoped3A_495 = tpu.sem_alloc : memref<!tpu.dma_semaphore, #tpu.memory_space<semaphore_mem>>
          %dma_start3A_496 = arith.constant 0 : i32
          %dma_start3A_497 = tpu.memref_slice %arg7[%run_scoped3A_403, %run_scoped3A_404, %dma_start3A_496] : memref<4x2x128xi32, #tpu.memory_space<vmem>> -> memref<1x1x128xi32, #tpu.memory_space<vmem>>
          %dma_start3A_498 = tpu.memref_squeeze %dma_start3A_497 : memref<1x1x128xi32, #tpu.memory_space<vmem>> -> memref<128xi32, #tpu.memory_space<vmem>>
          %dma_start3A_499 = arith.constant 0 : i32
          %dma_start3A_500 = tpu.memref_slice %arg13[%dma_start3A_499] : memref<10240xf32, #tpu.memory_space<vmem_shared>> -> memref<10240xf32, #tpu.memory_space<vmem_shared>>
          tpu.enqueue_indirect_dma source(%arg10 : memref<128xf32, #tpu.memory_space<vmem>>) target(%dma_start3A_500 : memref<10240xf32, #tpu.memory_space<vmem_shared>>) offsets(%dma_start3A_498 : memref<128xi32, #tpu.memory_space<vmem>>) semaphore(%run_scoped3A_495 : memref<!tpu.dma_semaphore, #tpu.memory_space<semaphore_mem>>) {add = true}
          %dma_wait3A_501 = arith.constant 0 : i32
          %dma_wait3A_502 = tpu.memref_slice %arg7[%run_scoped3A_403, %run_scoped3A_404, %dma_wait3A_501] : memref<4x2x128xi32, #tpu.memory_space<vmem>> -> memref<1x1x128xi32, #tpu.memory_space<vmem>>
          %dma_wait3A_503 = tpu.memref_squeeze %dma_wait3A_502 : memref<1x1x128xi32, #tpu.memory_space<vmem>> -> memref<128xi32, #tpu.memory_space<vmem>>
          %dma_wait3A_504 = arith.constant 0 : i32
          %dma_wait3A_505 = tpu.memref_slice %arg13[%dma_wait3A_504] : memref<10240xf32, #tpu.memory_space<vmem_shared>> -> memref<10240xf32, #tpu.memory_space<vmem_shared>>
          tpu.wait_indirect_dma semaphore(%run_scoped3A_495 : memref<!tpu.dma_semaphore, #tpu.memory_space<semaphore_mem>>) src(%arg10 : memref<128xf32, #tpu.memory_space<vmem>>) dst(%dma_wait3A_505 : memref<10240xf32, #tpu.memory_space<vmem_shared>>)
          tpu.yield
        }) : () -> ()
        %add3A_405 = arith.constant 4 : i32
        %add3A_406 = arith.addi %mul3A_385, %add3A_405 : i32
        %lt3A = arith.constant 64 : i32
        %lt3A_407 = arith.cmpi slt, %add3A_406, %lt3A : i32
        %convert_element_type3A_408 = arith.extui %lt3A_407 : i1 to i32
        %cond3A_409 = arith.constant 0 : i32
        %cond3A_410 = arith.cmpi ne, %convert_element_type3A_408, %cond3A_409 : i32
        scf.if %cond3A_410 {
          %add3A_495 = arith.constant 4 : i32
          %add3A_496 = arith.addi %mul3A_385, %add3A_495 : i32
          %dma_start3A_497 = arith.constant 0 : i32
          %dma_start3A_498 = arith.constant 0 : i32
          %dma_start3A_499 = arith.constant 0 : i32
          %dma_start3A_500 = tpu.memref_slice %arg7[%dma_start3A_497, %dma_start3A_498, %dma_start3A_499] : memref<4x2x128xi32, #tpu.memory_space<vmem>> -> memref<1x2x128xi32, #tpu.memory_space<vmem>>
          %dma_start3A_501 = tpu.memref_squeeze %dma_start3A_500 : memref<1x2x128xi32, #tpu.memory_space<vmem>> -> memref<2x128xi32, #tpu.memory_space<vmem>>
          %dma_start3A_502 = arith.constant 0 : i32
          %dma_start3A_503 = arith.constant 0 : i32
          %dma_start3A_504 = tpu.memref_slice %arg3[%arg1, %add3A_496, %dma_start3A_502, %dma_start3A_503] : memref<16x64x2x128xi32, #tpu.memory_space<hbm>> -> memref<1x1x2x128xi32, #tpu.memory_space<hbm>>
          %dma_start3A_505 = tpu.memref_squeeze %dma_start3A_504 : memref<1x1x2x128xi32, #tpu.memory_space<hbm>> -> memref<2x128xi32, #tpu.memory_space<hbm>>
          %dma_start3A_506 = arith.constant 0 : i32
          %dma_start3A_507 = arith.constant 0 : i32
          %dma_start3A_508 = tpu.memref_slice %arg7[%dma_start3A_497, %dma_start3A_506, %dma_start3A_507] : memref<4x2x128xi32, #tpu.memory_space<vmem>> -> memref<1x2x128xi32, #tpu.memory_space<vmem>>
          %dma_start3A_509 = tpu.memref_squeeze %dma_start3A_508 : memref<1x2x128xi32, #tpu.memory_space<vmem>> -> memref<2x128xi32, #tpu.memory_space<vmem>>
          %dma_start3A_510 = arith.constant 0 : i32
          %dma_start3A_511 = arith.constant 0 : i32
          %dma_start3A_512 = tpu.memref_slice %arg3[%arg1, %add3A_496, %dma_start3A_510, %dma_start3A_511] : memref<16x64x2x128xi32, #tpu.memory_space<hbm>> -> memref<1x1x2x128xi32, #tpu.memory_space<hbm>>
          %dma_start3A_513 = tpu.memref_squeeze %dma_start3A_512 : memref<1x1x2x128xi32, #tpu.memory_space<hbm>> -> memref<2x128xi32, #tpu.memory_space<hbm>>
          tpu.enqueue_dma source(%dma_start3A_513 : memref<2x128xi32, #tpu.memory_space<hbm>>) target(%dma_start3A_509 : memref<2x128xi32, #tpu.memory_space<vmem>>) target_semaphore(%arg14 : memref<!tpu.dma_semaphore, #tpu.memory_space<semaphore_mem>>)
        } else {
        }
        %add3A_411 = arith.constant 1 : i32
        %add3A_412 = arith.addi %mul3A_385, %add3A_411 : i32
        %dma_wait3A_413 = arith.constant 1 : i32
        %dma_wait3A_414 = arith.constant 0 : i32
        %dma_wait3A_415 = arith.constant 0 : i32
        %dma_wait3A_416 = tpu.memref_slice %arg7[%dma_wait3A_413, %dma_wait3A_414, %dma_wait3A_415] : memref<4x2x128xi32, #tpu.memory_space<vmem>> -> memref<1x2x128xi32, #tpu.memory_space<vmem>>
        %dma_wait3A_417 = tpu.memref_squeeze %dma_wait3A_416 : memref<1x2x128xi32, #tpu.memory_space<vmem>> -> memref<2x128xi32, #tpu.memory_space<vmem>>
        %dma_wait3A_418 = arith.constant 0 : i32
        %dma_wait3A_419 = arith.constant 0 : i32
        %dma_wait3A_420 = tpu.memref_slice %arg3[%arg1, %add3A_412, %dma_wait3A_418, %dma_wait3A_419] : memref<16x64x2x128xi32, #tpu.memory_space<hbm>> -> memref<1x1x2x128xi32, #tpu.memory_space<hbm>>
        %dma_wait3A_421 = tpu.memref_squeeze %dma_wait3A_420 : memref<1x1x2x128xi32, #tpu.memory_space<hbm>> -> memref<2x128xi32, #tpu.memory_space<hbm>>
        %dma_wait3A_422 = arith.constant 0 : i32
        %dma_wait3A_423 = arith.constant 0 : i32
        %dma_wait3A_424 = tpu.memref_slice %arg7[%dma_wait3A_413, %dma_wait3A_422, %dma_wait3A_423] : memref<4x2x128xi32, #tpu.memory_space<vmem>> -> memref<1x2x128xi32, #tpu.memory_space<vmem>>
        %dma_wait3A_425 = tpu.memref_squeeze %dma_wait3A_424 : memref<1x2x128xi32, #tpu.memory_space<vmem>> -> memref<2x128xi32, #tpu.memory_space<vmem>>
        %dma_wait3A_426 = arith.constant 0 : i32
        %dma_wait3A_427 = arith.constant 0 : i32
        %dma_wait3A_428 = tpu.memref_slice %arg3[%arg1, %add3A_412, %dma_wait3A_426, %dma_wait3A_427] : memref<16x64x2x128xi32, #tpu.memory_space<hbm>> -> memref<1x1x2x128xi32, #tpu.memory_space<hbm>>
        %dma_wait3A_429 = tpu.memref_squeeze %dma_wait3A_428 : memref<1x1x2x128xi32, #tpu.memory_space<hbm>> -> memref<2x128xi32, #tpu.memory_space<hbm>>
        tpu.wait_dma2 semaphore(%arg15 : memref<!tpu.dma_semaphore, #tpu.memory_space<semaphore_mem>>) src(%dma_wait3A_429 : memref<2x128xi32, #tpu.memory_space<hbm>>) dst(%dma_wait3A_425 : memref<2x128xi32, #tpu.memory_space<vmem>>)
        %run_scoped3A_430 = arith.constant 1 : i32
        %run_scoped3A_431 = arith.constant 1 : i32
        "tpu.region"() ({
          %run_scoped3A_495 = tpu.sem_alloc : memref<!tpu.dma_semaphore, #tpu.memory_space<semaphore_mem>>
          %dma_start3A_496 = arith.constant 0 : i32
          %dma_start3A_497 = tpu.memref_slice %arg7[%run_scoped3A_430, %run_scoped3A_431, %dma_start3A_496] : memref<4x2x128xi32, #tpu.memory_space<vmem>> -> memref<1x1x128xi32, #tpu.memory_space<vmem>>
          %dma_start3A_498 = tpu.memref_squeeze %dma_start3A_497 : memref<1x1x128xi32, #tpu.memory_space<vmem>> -> memref<128xi32, #tpu.memory_space<vmem>>
          %dma_start3A_499 = arith.constant 0 : i32
          %dma_start3A_500 = tpu.memref_slice %arg13[%dma_start3A_499] : memref<10240xf32, #tpu.memory_space<vmem_shared>> -> memref<10240xf32, #tpu.memory_space<vmem_shared>>
          tpu.enqueue_indirect_dma source(%arg10 : memref<128xf32, #tpu.memory_space<vmem>>) target(%dma_start3A_500 : memref<10240xf32, #tpu.memory_space<vmem_shared>>) offsets(%dma_start3A_498 : memref<128xi32, #tpu.memory_space<vmem>>) semaphore(%run_scoped3A_495 : memref<!tpu.dma_semaphore, #tpu.memory_space<semaphore_mem>>) {add = true}
          %dma_wait3A_501 = arith.constant 0 : i32
          %dma_wait3A_502 = tpu.memref_slice %arg7[%run_scoped3A_430, %run_scoped3A_431, %dma_wait3A_501] : memref<4x2x128xi32, #tpu.memory_space<vmem>> -> memref<1x1x128xi32, #tpu.memory_space<vmem>>
          %dma_wait3A_503 = tpu.memref_squeeze %dma_wait3A_502 : memref<1x1x128xi32, #tpu.memory_space<vmem>> -> memref<128xi32, #tpu.memory_space<vmem>>
          %dma_wait3A_504 = arith.constant 0 : i32
          %dma_wait3A_505 = tpu.memref_slice %arg13[%dma_wait3A_504] : memref<10240xf32, #tpu.memory_space<vmem_shared>> -> memref<10240xf32, #tpu.memory_space<vmem_shared>>
          tpu.wait_indirect_dma semaphore(%run_scoped3A_495 : memref<!tpu.dma_semaphore, #tpu.memory_space<semaphore_mem>>) src(%arg10 : memref<128xf32, #tpu.memory_space<vmem>>) dst(%dma_wait3A_505 : memref<10240xf32, #tpu.memory_space<vmem_shared>>)
          tpu.yield
        }) : () -> ()
        %add3A_432 = arith.constant 4 : i32
        %add3A_433 = arith.addi %add3A_412, %add3A_432 : i32
        %lt3A_434 = arith.constant 64 : i32
        %lt3A_435 = arith.cmpi slt, %add3A_433, %lt3A_434 : i32
        %convert_element_type3A_436 = arith.extui %lt3A_435 : i1 to i32
        %cond3A_437 = arith.constant 0 : i32
        %cond3A_438 = arith.cmpi ne, %convert_element_type3A_436, %cond3A_437 : i32
        scf.if %cond3A_438 {
          %add3A_495 = arith.constant 4 : i32
          %add3A_496 = arith.addi %add3A_412, %add3A_495 : i32
          %dma_start3A_497 = arith.constant 1 : i32
          %dma_start3A_498 = arith.constant 0 : i32
          %dma_start3A_499 = arith.constant 0 : i32
          %dma_start3A_500 = tpu.memref_slice %arg7[%dma_start3A_497, %dma_start3A_498, %dma_start3A_499] : memref<4x2x128xi32, #tpu.memory_space<vmem>> -> memref<1x2x128xi32, #tpu.memory_space<vmem>>
          %dma_start3A_501 = tpu.memref_squeeze %dma_start3A_500 : memref<1x2x128xi32, #tpu.memory_space<vmem>> -> memref<2x128xi32, #tpu.memory_space<vmem>>
          %dma_start3A_502 = arith.constant 0 : i32
          %dma_start3A_503 = arith.constant 0 : i32
          %dma_start3A_504 = tpu.memref_slice %arg3[%arg1, %add3A_496, %dma_start3A_502, %dma_start3A_503] : memref<16x64x2x128xi32, #tpu.memory_space<hbm>> -> memref<1x1x2x128xi32, #tpu.memory_space<hbm>>
          %dma_start3A_505 = tpu.memref_squeeze %dma_start3A_504 : memref<1x1x2x128xi32, #tpu.memory_space<hbm>> -> memref<2x128xi32, #tpu.memory_space<hbm>>
          %dma_start3A_506 = arith.constant 0 : i32
          %dma_start3A_507 = arith.constant 0 : i32
          %dma_start3A_508 = tpu.memref_slice %arg7[%dma_start3A_497, %dma_start3A_506, %dma_start3A_507] : memref<4x2x128xi32, #tpu.memory_space<vmem>> -> memref<1x2x128xi32, #tpu.memory_space<vmem>>
          %dma_start3A_509 = tpu.memref_squeeze %dma_start3A_508 : memref<1x2x128xi32, #tpu.memory_space<vmem>> -> memref<2x128xi32, #tpu.memory_space<vmem>>
          %dma_start3A_510 = arith.constant 0 : i32
          %dma_start3A_511 = arith.constant 0 : i32
          %dma_start3A_512 = tpu.memref_slice %arg3[%arg1, %add3A_496, %dma_start3A_510, %dma_start3A_511] : memref<16x64x2x128xi32, #tpu.memory_space<hbm>> -> memref<1x1x2x128xi32, #tpu.memory_space<hbm>>
          %dma_start3A_513 = tpu.memref_squeeze %dma_start3A_512 : memref<1x1x2x128xi32, #tpu.memory_space<hbm>> -> memref<2x128xi32, #tpu.memory_space<hbm>>
          tpu.enqueue_dma source(%dma_start3A_513 : memref<2x128xi32, #tpu.memory_space<hbm>>) target(%dma_start3A_509 : memref<2x128xi32, #tpu.memory_space<vmem>>) target_semaphore(%arg15 : memref<!tpu.dma_semaphore, #tpu.memory_space<semaphore_mem>>)
        } else {
        }
        %add3A_439 = arith.constant 2 : i32
        %add3A_440 = arith.addi %mul3A_385, %add3A_439 : i32
        %dma_wait3A_441 = arith.constant 2 : i32
        %dma_wait3A_442 = arith.constant 0 : i32
        %dma_wait3A_443 = arith.constant 0 : i32
        %dma_wait3A_444 = tpu.memref_slice %arg7[%dma_wait3A_441, %dma_wait3A_442, %dma_wait3A_443] : memref<4x2x128xi32, #tpu.memory_space<vmem>> -> memref<1x2x128xi32, #tpu.memory_space<vmem>>
        %dma_wait3A_445 = tpu.memref_squeeze %dma_wait3A_444 : memref<1x2x128xi32, #tpu.memory_space<vmem>> -> memref<2x128xi32, #tpu.memory_space<vmem>>
        %dma_wait3A_446 = arith.constant 0 : i32
        %dma_wait3A_447 = arith.constant 0 : i32
        %dma_wait3A_448 = tpu.memref_slice %arg3[%arg1, %add3A_440, %dma_wait3A_446, %dma_wait3A_447] : memref<16x64x2x128xi32, #tpu.memory_space<hbm>> -> memref<1x1x2x128xi32, #tpu.memory_space<hbm>>
        %dma_wait3A_449 = tpu.memref_squeeze %dma_wait3A_448 : memref<1x1x2x128xi32, #tpu.memory_space<hbm>> -> memref<2x128xi32, #tpu.memory_space<hbm>>
        %dma_wait3A_450 = arith.constant 0 : i32
        %dma_wait3A_451 = arith.constant 0 : i32
        %dma_wait3A_452 = tpu.memref_slice %arg7[%dma_wait3A_441, %dma_wait3A_450, %dma_wait3A_451] : memref<4x2x128xi32, #tpu.memory_space<vmem>> -> memref<1x2x128xi32, #tpu.memory_space<vmem>>
        %dma_wait3A_453 = tpu.memref_squeeze %dma_wait3A_452 : memref<1x2x128xi32, #tpu.memory_space<vmem>> -> memref<2x128xi32, #tpu.memory_space<vmem>>
        %dma_wait3A_454 = arith.constant 0 : i32
        %dma_wait3A_455 = arith.constant 0 : i32
        %dma_wait3A_456 = tpu.memref_slice %arg3[%arg1, %add3A_440, %dma_wait3A_454, %dma_wait3A_455] : memref<16x64x2x128xi32, #tpu.memory_space<hbm>> -> memref<1x1x2x128xi32, #tpu.memory_space<hbm>>
        %dma_wait3A_457 = tpu.memref_squeeze %dma_wait3A_456 : memref<1x1x2x128xi32, #tpu.memory_space<hbm>> -> memref<2x128xi32, #tpu.memory_space<hbm>>
        tpu.wait_dma2 semaphore(%arg16 : memref<!tpu.dma_semaphore, #tpu.memory_space<semaphore_mem>>) src(%dma_wait3A_457 : memref<2x128xi32, #tpu.memory_space<hbm>>) dst(%dma_wait3A_453 : memref<2x128xi32, #tpu.memory_space<vmem>>)
        %run_scoped3A_458 = arith.constant 2 : i32
        %run_scoped3A_459 = arith.constant 1 : i32
        "tpu.region"() ({
          %run_scoped3A_495 = tpu.sem_alloc : memref<!tpu.dma_semaphore, #tpu.memory_space<semaphore_mem>>
          %dma_start3A_496 = arith.constant 0 : i32
          %dma_start3A_497 = tpu.memref_slice %arg7[%run_scoped3A_458, %run_scoped3A_459, %dma_start3A_496] : memref<4x2x128xi32, #tpu.memory_space<vmem>> -> memref<1x1x128xi32, #tpu.memory_space<vmem>>
          %dma_start3A_498 = tpu.memref_squeeze %dma_start3A_497 : memref<1x1x128xi32, #tpu.memory_space<vmem>> -> memref<128xi32, #tpu.memory_space<vmem>>
          %dma_start3A_499 = arith.constant 0 : i32
          %dma_start3A_500 = tpu.memref_slice %arg13[%dma_start3A_499] : memref<10240xf32, #tpu.memory_space<vmem_shared>> -> memref<10240xf32, #tpu.memory_space<vmem_shared>>
          tpu.enqueue_indirect_dma source(%arg10 : memref<128xf32, #tpu.memory_space<vmem>>) target(%dma_start3A_500 : memref<10240xf32, #tpu.memory_space<vmem_shared>>) offsets(%dma_start3A_498 : memref<128xi32, #tpu.memory_space<vmem>>) semaphore(%run_scoped3A_495 : memref<!tpu.dma_semaphore, #tpu.memory_space<semaphore_mem>>) {add = true}
          %dma_wait3A_501 = arith.constant 0 : i32
          %dma_wait3A_502 = tpu.memref_slice %arg7[%run_scoped3A_458, %run_scoped3A_459, %dma_wait3A_501] : memref<4x2x128xi32, #tpu.memory_space<vmem>> -> memref<1x1x128xi32, #tpu.memory_space<vmem>>
          %dma_wait3A_503 = tpu.memref_squeeze %dma_wait3A_502 : memref<1x1x128xi32, #tpu.memory_space<vmem>> -> memref<128xi32, #tpu.memory_space<vmem>>
          %dma_wait3A_504 = arith.constant 0 : i32
          %dma_wait3A_505 = tpu.memref_slice %arg13[%dma_wait3A_504] : memref<10240xf32, #tpu.memory_space<vmem_shared>> -> memref<10240xf32, #tpu.memory_space<vmem_shared>>
          tpu.wait_indirect_dma semaphore(%run_scoped3A_495 : memref<!tpu.dma_semaphore, #tpu.memory_space<semaphore_mem>>) src(%arg10 : memref<128xf32, #tpu.memory_space<vmem>>) dst(%dma_wait3A_505 : memref<10240xf32, #tpu.memory_space<vmem_shared>>)
          tpu.yield
        }) : () -> ()
        %add3A_460 = arith.constant 4 : i32
        %add3A_461 = arith.addi %add3A_440, %add3A_460 : i32
        %lt3A_462 = arith.constant 64 : i32
        %lt3A_463 = arith.cmpi slt, %add3A_461, %lt3A_462 : i32
        %convert_element_type3A_464 = arith.extui %lt3A_463 : i1 to i32
        %cond3A_465 = arith.constant 0 : i32
        %cond3A_466 = arith.cmpi ne, %convert_element_type3A_464, %cond3A_465 : i32
        scf.if %cond3A_466 {
          %add3A_495 = arith.constant 4 : i32
          %add3A_496 = arith.addi %add3A_440, %add3A_495 : i32
          %dma_start3A_497 = arith.constant 2 : i32
          %dma_start3A_498 = arith.constant 0 : i32
          %dma_start3A_499 = arith.constant 0 : i32
          %dma_start3A_500 = tpu.memref_slice %arg7[%dma_start3A_497, %dma_start3A_498, %dma_start3A_499] : memref<4x2x128xi32, #tpu.memory_space<vmem>> -> memref<1x2x128xi32, #tpu.memory_space<vmem>>
          %dma_start3A_501 = tpu.memref_squeeze %dma_start3A_500 : memref<1x2x128xi32, #tpu.memory_space<vmem>> -> memref<2x128xi32, #tpu.memory_space<vmem>>
          %dma_start3A_502 = arith.constant 0 : i32
          %dma_start3A_503 = arith.constant 0 : i32
          %dma_start3A_504 = tpu.memref_slice %arg3[%arg1, %add3A_496, %dma_start3A_502, %dma_start3A_503] : memref<16x64x2x128xi32, #tpu.memory_space<hbm>> -> memref<1x1x2x128xi32, #tpu.memory_space<hbm>>
          %dma_start3A_505 = tpu.memref_squeeze %dma_start3A_504 : memref<1x1x2x128xi32, #tpu.memory_space<hbm>> -> memref<2x128xi32, #tpu.memory_space<hbm>>
          %dma_start3A_506 = arith.constant 0 : i32
          %dma_start3A_507 = arith.constant 0 : i32
          %dma_start3A_508 = tpu.memref_slice %arg7[%dma_start3A_497, %dma_start3A_506, %dma_start3A_507] : memref<4x2x128xi32, #tpu.memory_space<vmem>> -> memref<1x2x128xi32, #tpu.memory_space<vmem>>
          %dma_start3A_509 = tpu.memref_squeeze %dma_start3A_508 : memref<1x2x128xi32, #tpu.memory_space<vmem>> -> memref<2x128xi32, #tpu.memory_space<vmem>>
          %dma_start3A_510 = arith.constant 0 : i32
          %dma_start3A_511 = arith.constant 0 : i32
          %dma_start3A_512 = tpu.memref_slice %arg3[%arg1, %add3A_496, %dma_start3A_510, %dma_start3A_511] : memref<16x64x2x128xi32, #tpu.memory_space<hbm>> -> memref<1x1x2x128xi32, #tpu.memory_space<hbm>>
          %dma_start3A_513 = tpu.memref_squeeze %dma_start3A_512 : memref<1x1x2x128xi32, #tpu.memory_space<hbm>> -> memref<2x128xi32, #tpu.memory_space<hbm>>
          tpu.enqueue_dma source(%dma_start3A_513 : memref<2x128xi32, #tpu.memory_space<hbm>>) target(%dma_start3A_509 : memref<2x128xi32, #tpu.memory_space<vmem>>) target_semaphore(%arg16 : memref<!tpu.dma_semaphore, #tpu.memory_space<semaphore_mem>>)
        } else {
        }
        %add3A_467 = arith.constant 3 : i32
        %add3A_468 = arith.addi %mul3A_385, %add3A_467 : i32
        %dma_wait3A_469 = arith.constant 3 : i32
        %dma_wait3A_470 = arith.constant 0 : i32
        %dma_wait3A_471 = arith.constant 0 : i32
        %dma_wait3A_472 = tpu.memref_slice %arg7[%dma_wait3A_469, %dma_wait3A_470, %dma_wait3A_471] : memref<4x2x128xi32, #tpu.memory_space<vmem>> -> memref<1x2x128xi32, #tpu.memory_space<vmem>>
        %dma_wait3A_473 = tpu.memref_squeeze %dma_wait3A_472 : memref<1x2x128xi32, #tpu.memory_space<vmem>> -> memref<2x128xi32, #tpu.memory_space<vmem>>
        %dma_wait3A_474 = arith.constant 0 : i32
        %dma_wait3A_475 = arith.constant 0 : i32
        %dma_wait3A_476 = tpu.memref_slice %arg3[%arg1, %add3A_468, %dma_wait3A_474, %dma_wait3A_475] : memref<16x64x2x128xi32, #tpu.memory_space<hbm>> -> memref<1x1x2x128xi32, #tpu.memory_space<hbm>>
        %dma_wait3A_477 = tpu.memref_squeeze %dma_wait3A_476 : memref<1x1x2x128xi32, #tpu.memory_space<hbm>> -> memref<2x128xi32, #tpu.memory_space<hbm>>
        %dma_wait3A_478 = arith.constant 0 : i32
        %dma_wait3A_479 = arith.constant 0 : i32
        %dma_wait3A_480 = tpu.memref_slice %arg7[%dma_wait3A_469, %dma_wait3A_478, %dma_wait3A_479] : memref<4x2x128xi32, #tpu.memory_space<vmem>> -> memref<1x2x128xi32, #tpu.memory_space<vmem>>
        %dma_wait3A_481 = tpu.memref_squeeze %dma_wait3A_480 : memref<1x2x128xi32, #tpu.memory_space<vmem>> -> memref<2x128xi32, #tpu.memory_space<vmem>>
        %dma_wait3A_482 = arith.constant 0 : i32
        %dma_wait3A_483 = arith.constant 0 : i32
        %dma_wait3A_484 = tpu.memref_slice %arg3[%arg1, %add3A_468, %dma_wait3A_482, %dma_wait3A_483] : memref<16x64x2x128xi32, #tpu.memory_space<hbm>> -> memref<1x1x2x128xi32, #tpu.memory_space<hbm>>
        %dma_wait3A_485 = tpu.memref_squeeze %dma_wait3A_484 : memref<1x1x2x128xi32, #tpu.memory_space<hbm>> -> memref<2x128xi32, #tpu.memory_space<hbm>>
        tpu.wait_dma2 semaphore(%arg17 : memref<!tpu.dma_semaphore, #tpu.memory_space<semaphore_mem>>) src(%dma_wait3A_485 : memref<2x128xi32, #tpu.memory_space<hbm>>) dst(%dma_wait3A_481 : memref<2x128xi32, #tpu.memory_space<vmem>>)
        %run_scoped3A_486 = arith.constant 3 : i32
        %run_scoped3A_487 = arith.constant 1 : i32
        "tpu.region"() ({
          %run_scoped3A_495 = tpu.sem_alloc : memref<!tpu.dma_semaphore, #tpu.memory_space<semaphore_mem>>
          %dma_start3A_496 = arith.constant 0 : i32
          %dma_start3A_497 = tpu.memref_slice %arg7[%run_scoped3A_486, %run_scoped3A_487, %dma_start3A_496] : memref<4x2x128xi32, #tpu.memory_space<vmem>> -> memref<1x1x128xi32, #tpu.memory_space<vmem>>
          %dma_start3A_498 = tpu.memref_squeeze %dma_start3A_497 : memref<1x1x128xi32, #tpu.memory_space<vmem>> -> memref<128xi32, #tpu.memory_space<vmem>>
          %dma_start3A_499 = arith.constant 0 : i32
          %dma_start3A_500 = tpu.memref_slice %arg13[%dma_start3A_499] : memref<10240xf32, #tpu.memory_space<vmem_shared>> -> memref<10240xf32, #tpu.memory_space<vmem_shared>>
          tpu.enqueue_indirect_dma source(%arg10 : memref<128xf32, #tpu.memory_space<vmem>>) target(%dma_start3A_500 : memref<10240xf32, #tpu.memory_space<vmem_shared>>) offsets(%dma_start3A_498 : memref<128xi32, #tpu.memory_space<vmem>>) semaphore(%run_scoped3A_495 : memref<!tpu.dma_semaphore, #tpu.memory_space<semaphore_mem>>) {add = true}
          %dma_wait3A_501 = arith.constant 0 : i32
          %dma_wait3A_502 = tpu.memref_slice %arg7[%run_scoped3A_486, %run_scoped3A_487, %dma_wait3A_501] : memref<4x2x128xi32, #tpu.memory_space<vmem>> -> memref<1x1x128xi32, #tpu.memory_space<vmem>>
          %dma_wait3A_503 = tpu.memref_squeeze %dma_wait3A_502 : memref<1x1x128xi32, #tpu.memory_space<vmem>> -> memref<128xi32, #tpu.memory_space<vmem>>
          %dma_wait3A_504 = arith.constant 0 : i32
          %dma_wait3A_505 = tpu.memref_slice %arg13[%dma_wait3A_504] : memref<10240xf32, #tpu.memory_space<vmem_shared>> -> memref<10240xf32, #tpu.memory_space<vmem_shared>>
          tpu.wait_indirect_dma semaphore(%run_scoped3A_495 : memref<!tpu.dma_semaphore, #tpu.memory_space<semaphore_mem>>) src(%arg10 : memref<128xf32, #tpu.memory_space<vmem>>) dst(%dma_wait3A_505 : memref<10240xf32, #tpu.memory_space<vmem_shared>>)
          tpu.yield
        }) : () -> ()
        %add3A_488 = arith.constant 4 : i32
        %add3A_489 = arith.addi %add3A_468, %add3A_488 : i32
        %lt3A_490 = arith.constant 64 : i32
        %lt3A_491 = arith.cmpi slt, %add3A_489, %lt3A_490 : i32
        %convert_element_type3A_492 = arith.extui %lt3A_491 : i1 to i32
        %cond3A_493 = arith.constant 0 : i32
        %cond3A_494 = arith.cmpi ne, %convert_element_type3A_492, %cond3A_493 : i32
        scf.if %cond3A_494 {
          %add3A_495 = arith.constant 4 : i32
          %add3A_496 = arith.addi %add3A_468, %add3A_495 : i32
          %dma_start3A_497 = arith.constant 3 : i32
          %dma_start3A_498 = arith.constant 0 : i32
          %dma_start3A_499 = arith.constant 0 : i32
          %dma_start3A_500 = tpu.memref_slice %arg7[%dma_start3A_497, %dma_start3A_498, %dma_start3A_499] : memref<4x2x128xi32, #tpu.memory_space<vmem>> -> memref<1x2x128xi32, #tpu.memory_space<vmem>>
          %dma_start3A_501 = tpu.memref_squeeze %dma_start3A_500 : memref<1x2x128xi32, #tpu.memory_space<vmem>> -> memref<2x128xi32, #tpu.memory_space<vmem>>
          %dma_start3A_502 = arith.constant 0 : i32
          %dma_start3A_503 = arith.constant 0 : i32
          %dma_start3A_504 = tpu.memref_slice %arg3[%arg1, %add3A_496, %dma_start3A_502, %dma_start3A_503] : memref<16x64x2x128xi32, #tpu.memory_space<hbm>> -> memref<1x1x2x128xi32, #tpu.memory_space<hbm>>
          %dma_start3A_505 = tpu.memref_squeeze %dma_start3A_504 : memref<1x1x2x128xi32, #tpu.memory_space<hbm>> -> memref<2x128xi32, #tpu.memory_space<hbm>>
          %dma_start3A_506 = arith.constant 0 : i32
          %dma_start3A_507 = arith.constant 0 : i32
          %dma_start3A_508 = tpu.memref_slice %arg7[%dma_start3A_497, %dma_start3A_506, %dma_start3A_507] : memref<4x2x128xi32, #tpu.memory_space<vmem>> -> memref<1x2x128xi32, #tpu.memory_space<vmem>>
          %dma_start3A_509 = tpu.memref_squeeze %dma_start3A_508 : memref<1x2x128xi32, #tpu.memory_space<vmem>> -> memref<2x128xi32, #tpu.memory_space<vmem>>
          %dma_start3A_510 = arith.constant 0 : i32
          %dma_start3A_511 = arith.constant 0 : i32
          %dma_start3A_512 = tpu.memref_slice %arg3[%arg1, %add3A_496, %dma_start3A_510, %dma_start3A_511] : memref<16x64x2x128xi32, #tpu.memory_space<hbm>> -> memref<1x1x2x128xi32, #tpu.memory_space<hbm>>
          %dma_start3A_513 = tpu.memref_squeeze %dma_start3A_512 : memref<1x1x2x128xi32, #tpu.memory_space<hbm>> -> memref<2x128xi32, #tpu.memory_space<hbm>>
          tpu.enqueue_dma source(%dma_start3A_513 : memref<2x128xi32, #tpu.memory_space<hbm>>) target(%dma_start3A_509 : memref<2x128xi32, #tpu.memory_space<vmem>>) target_semaphore(%arg17 : memref<!tpu.dma_semaphore, #tpu.memory_space<semaphore_mem>>)
        } else {
        }
      }
      %scan3A_303 = arith.constant 16 : i32
      %dma_start3A_304 = arith.constant 0 : i32
      %dma_start3A_305 = arith.constant 0 : i32
      %dma_start3A_306 = arith.constant 0 : i32
      %dma_start3A_307 = arith.constant 0 : i32
      %dma_start3A_308 = tpu.memref_slice %arg7[%dma_start3A_305, %dma_start3A_306, %dma_start3A_307] : memref<4x2x128xi32, #tpu.memory_space<vmem>> -> memref<1x2x128xi32, #tpu.memory_space<vmem>>
      %dma_start3A_309 = tpu.memref_squeeze %dma_start3A_308 : memref<1x2x128xi32, #tpu.memory_space<vmem>> -> memref<2x128xi32, #tpu.memory_space<vmem>>
      %dma_start3A_310 = arith.constant 0 : i32
      %dma_start3A_311 = arith.constant 0 : i32
      %dma_start3A_312 = tpu.memref_slice %arg4[%arg1, %dma_start3A_304, %dma_start3A_310, %dma_start3A_311] : memref<16x16x2x128xi32, #tpu.memory_space<hbm>> -> memref<1x1x2x128xi32, #tpu.memory_space<hbm>>
      %dma_start3A_313 = tpu.memref_squeeze %dma_start3A_312 : memref<1x1x2x128xi32, #tpu.memory_space<hbm>> -> memref<2x128xi32, #tpu.memory_space<hbm>>
      %dma_start3A_314 = arith.constant 0 : i32
      %dma_start3A_315 = arith.constant 0 : i32
      %dma_start3A_316 = tpu.memref_slice %arg7[%dma_start3A_305, %dma_start3A_314, %dma_start3A_315] : memref<4x2x128xi32, #tpu.memory_space<vmem>> -> memref<1x2x128xi32, #tpu.memory_space<vmem>>
      %dma_start3A_317 = tpu.memref_squeeze %dma_start3A_316 : memref<1x2x128xi32, #tpu.memory_space<vmem>> -> memref<2x128xi32, #tpu.memory_space<vmem>>
      %dma_start3A_318 = arith.constant 0 : i32
      %dma_start3A_319 = arith.constant 0 : i32
      %dma_start3A_320 = tpu.memref_slice %arg4[%arg1, %dma_start3A_304, %dma_start3A_318, %dma_start3A_319] : memref<16x16x2x128xi32, #tpu.memory_space<hbm>> -> memref<1x1x2x128xi32, #tpu.memory_space<hbm>>
      %dma_start3A_321 = tpu.memref_squeeze %dma_start3A_320 : memref<1x1x2x128xi32, #tpu.memory_space<hbm>> -> memref<2x128xi32, #tpu.memory_space<hbm>>
      tpu.enqueue_dma source(%dma_start3A_321 : memref<2x128xi32, #tpu.memory_space<hbm>>) target(%dma_start3A_317 : memref<2x128xi32, #tpu.memory_space<vmem>>) target_semaphore(%arg14 : memref<!tpu.dma_semaphore, #tpu.memory_space<semaphore_mem>>)
      %dma_start3A_322 = arith.constant 1 : i32
      %dma_start3A_323 = arith.constant 1 : i32
      %dma_start3A_324 = arith.constant 0 : i32
      %dma_start3A_325 = arith.constant 0 : i32
      %dma_start3A_326 = tpu.memref_slice %arg7[%dma_start3A_323, %dma_start3A_324, %dma_start3A_325] : memref<4x2x128xi32, #tpu.memory_space<vmem>> -> memref<1x2x128xi32, #tpu.memory_space<vmem>>
      %dma_start3A_327 = tpu.memref_squeeze %dma_start3A_326 : memref<1x2x128xi32, #tpu.memory_space<vmem>> -> memref<2x128xi32, #tpu.memory_space<vmem>>
      %dma_start3A_328 = arith.constant 0 : i32
      %dma_start3A_329 = arith.constant 0 : i32
      %dma_start3A_330 = tpu.memref_slice %arg4[%arg1, %dma_start3A_322, %dma_start3A_328, %dma_start3A_329] : memref<16x16x2x128xi32, #tpu.memory_space<hbm>> -> memref<1x1x2x128xi32, #tpu.memory_space<hbm>>
      %dma_start3A_331 = tpu.memref_squeeze %dma_start3A_330 : memref<1x1x2x128xi32, #tpu.memory_space<hbm>> -> memref<2x128xi32, #tpu.memory_space<hbm>>
      %dma_start3A_332 = arith.constant 0 : i32
      %dma_start3A_333 = arith.constant 0 : i32
      %dma_start3A_334 = tpu.memref_slice %arg7[%dma_start3A_323, %dma_start3A_332, %dma_start3A_333] : memref<4x2x128xi32, #tpu.memory_space<vmem>> -> memref<1x2x128xi32, #tpu.memory_space<vmem>>
      %dma_start3A_335 = tpu.memref_squeeze %dma_start3A_334 : memref<1x2x128xi32, #tpu.memory_space<vmem>> -> memref<2x128xi32, #tpu.memory_space<vmem>>
      %dma_start3A_336 = arith.constant 0 : i32
      %dma_start3A_337 = arith.constant 0 : i32
      %dma_start3A_338 = tpu.memref_slice %arg4[%arg1, %dma_start3A_322, %dma_start3A_336, %dma_start3A_337] : memref<16x16x2x128xi32, #tpu.memory_space<hbm>> -> memref<1x1x2x128xi32, #tpu.memory_space<hbm>>
      %dma_start3A_339 = tpu.memref_squeeze %dma_start3A_338 : memref<1x1x2x128xi32, #tpu.memory_space<hbm>> -> memref<2x128xi32, #tpu.memory_space<hbm>>
      tpu.enqueue_dma source(%dma_start3A_339 : memref<2x128xi32, #tpu.memory_space<hbm>>) target(%dma_start3A_335 : memref<2x128xi32, #tpu.memory_space<vmem>>) target_semaphore(%arg15 : memref<!tpu.dma_semaphore, #tpu.memory_space<semaphore_mem>>)
      %dma_start3A_340 = arith.constant 2 : i32
      %dma_start3A_341 = arith.constant 2 : i32
      %dma_start3A_342 = arith.constant 0 : i32
      %dma_start3A_343 = arith.constant 0 : i32
      %dma_start3A_344 = tpu.memref_slice %arg7[%dma_start3A_341, %dma_start3A_342, %dma_start3A_343] : memref<4x2x128xi32, #tpu.memory_space<vmem>> -> memref<1x2x128xi32, #tpu.memory_space<vmem>>
      %dma_start3A_345 = tpu.memref_squeeze %dma_start3A_344 : memref<1x2x128xi32, #tpu.memory_space<vmem>> -> memref<2x128xi32, #tpu.memory_space<vmem>>
      %dma_start3A_346 = arith.constant 0 : i32
      %dma_start3A_347 = arith.constant 0 : i32
      %dma_start3A_348 = tpu.memref_slice %arg4[%arg1, %dma_start3A_340, %dma_start3A_346, %dma_start3A_347] : memref<16x16x2x128xi32, #tpu.memory_space<hbm>> -> memref<1x1x2x128xi32, #tpu.memory_space<hbm>>
      %dma_start3A_349 = tpu.memref_squeeze %dma_start3A_348 : memref<1x1x2x128xi32, #tpu.memory_space<hbm>> -> memref<2x128xi32, #tpu.memory_space<hbm>>
      %dma_start3A_350 = arith.constant 0 : i32
      %dma_start3A_351 = arith.constant 0 : i32
      %dma_start3A_352 = tpu.memref_slice %arg7[%dma_start3A_341, %dma_start3A_350, %dma_start3A_351] : memref<4x2x128xi32, #tpu.memory_space<vmem>> -> memref<1x2x128xi32, #tpu.memory_space<vmem>>
      %dma_start3A_353 = tpu.memref_squeeze %dma_start3A_352 : memref<1x2x128xi32, #tpu.memory_space<vmem>> -> memref<2x128xi32, #tpu.memory_space<vmem>>
      %dma_start3A_354 = arith.constant 0 : i32
      %dma_start3A_355 = arith.constant 0 : i32
      %dma_start3A_356 = tpu.memref_slice %arg4[%arg1, %dma_start3A_340, %dma_start3A_354, %dma_start3A_355] : memref<16x16x2x128xi32, #tpu.memory_space<hbm>> -> memref<1x1x2x128xi32, #tpu.memory_space<hbm>>
      %dma_start3A_357 = tpu.memref_squeeze %dma_start3A_356 : memref<1x1x2x128xi32, #tpu.memory_space<hbm>> -> memref<2x128xi32, #tpu.memory_space<hbm>>
      tpu.enqueue_dma source(%dma_start3A_357 : memref<2x128xi32, #tpu.memory_space<hbm>>) target(%dma_start3A_353 : memref<2x128xi32, #tpu.memory_space<vmem>>) target_semaphore(%arg16 : memref<!tpu.dma_semaphore, #tpu.memory_space<semaphore_mem>>)
      %dma_start3A_358 = arith.constant 3 : i32
      %dma_start3A_359 = arith.constant 3 : i32
      %dma_start3A_360 = arith.constant 0 : i32
      %dma_start3A_361 = arith.constant 0 : i32
      %dma_start3A_362 = tpu.memref_slice %arg7[%dma_start3A_359, %dma_start3A_360, %dma_start3A_361] : memref<4x2x128xi32, #tpu.memory_space<vmem>> -> memref<1x2x128xi32, #tpu.memory_space<vmem>>
      %dma_start3A_363 = tpu.memref_squeeze %dma_start3A_362 : memref<1x2x128xi32, #tpu.memory_space<vmem>> -> memref<2x128xi32, #tpu.memory_space<vmem>>
      %dma_start3A_364 = arith.constant 0 : i32
      %dma_start3A_365 = arith.constant 0 : i32
      %dma_start3A_366 = tpu.memref_slice %arg4[%arg1, %dma_start3A_358, %dma_start3A_364, %dma_start3A_365] : memref<16x16x2x128xi32, #tpu.memory_space<hbm>> -> memref<1x1x2x128xi32, #tpu.memory_space<hbm>>
      %dma_start3A_367 = tpu.memref_squeeze %dma_start3A_366 : memref<1x1x2x128xi32, #tpu.memory_space<hbm>> -> memref<2x128xi32, #tpu.memory_space<hbm>>
      %dma_start3A_368 = arith.constant 0 : i32
      %dma_start3A_369 = arith.constant 0 : i32
      %dma_start3A_370 = tpu.memref_slice %arg7[%dma_start3A_359, %dma_start3A_368, %dma_start3A_369] : memref<4x2x128xi32, #tpu.memory_space<vmem>> -> memref<1x2x128xi32, #tpu.memory_space<vmem>>
      %dma_start3A_371 = tpu.memref_squeeze %dma_start3A_370 : memref<1x2x128xi32, #tpu.memory_space<vmem>> -> memref<2x128xi32, #tpu.memory_space<vmem>>
      %dma_start3A_372 = arith.constant 0 : i32
      %dma_start3A_373 = arith.constant 0 : i32
      %dma_start3A_374 = tpu.memref_slice %arg4[%arg1, %dma_start3A_358, %dma_start3A_372, %dma_start3A_373] : memref<16x16x2x128xi32, #tpu.memory_space<hbm>> -> memref<1x1x2x128xi32, #tpu.memory_space<hbm>>
      %dma_start3A_375 = tpu.memref_squeeze %dma_start3A_374 : memref<1x1x2x128xi32, #tpu.memory_space<hbm>> -> memref<2x128xi32, #tpu.memory_space<hbm>>
      tpu.enqueue_dma source(%dma_start3A_375 : memref<2x128xi32, #tpu.memory_space<hbm>>) target(%dma_start3A_371 : memref<2x128xi32, #tpu.memory_space<vmem>>) target_semaphore(%arg17 : memref<!tpu.dma_semaphore, #tpu.memory_space<semaphore_mem>>)
      %scan3A_376 = arith.constant 0 : i32
      %scan3A_377 = arith.constant 0 : i32
      %scan3A_378 = arith.constant 4 : i32
      %scan3A_379 = arith.addi %scan3A_377, %scan3A_378 : i32
      %scan3A_380 = arith.constant 1 : i32
      scf.for %scan3A_383 = %scan3A_377 to %scan3A_379 step %scan3A_380  : i32 {
        %mul3A_384 = arith.constant 4 : i32
        %mul3A_385 = arith.muli %mul3A_384, %scan3A_383 : i32
        %dma_wait3A_386 = arith.constant 0 : i32
        %dma_wait3A_387 = arith.constant 0 : i32
        %dma_wait3A_388 = arith.constant 0 : i32
        %dma_wait3A_389 = tpu.memref_slice %arg7[%dma_wait3A_386, %dma_wait3A_387, %dma_wait3A_388] : memref<4x2x128xi32, #tpu.memory_space<vmem>> -> memref<1x2x128xi32, #tpu.memory_space<vmem>>
        %dma_wait3A_390 = tpu.memref_squeeze %dma_wait3A_389 : memref<1x2x128xi32, #tpu.memory_space<vmem>> -> memref<2x128xi32, #tpu.memory_space<vmem>>
        %dma_wait3A_391 = arith.constant 0 : i32
        %dma_wait3A_392 = arith.constant 0 : i32
        %dma_wait3A_393 = tpu.memref_slice %arg4[%arg1, %mul3A_385, %dma_wait3A_391, %dma_wait3A_392] : memref<16x16x2x128xi32, #tpu.memory_space<hbm>> -> memref<1x1x2x128xi32, #tpu.memory_space<hbm>>
        %dma_wait3A_394 = tpu.memref_squeeze %dma_wait3A_393 : memref<1x1x2x128xi32, #tpu.memory_space<hbm>> -> memref<2x128xi32, #tpu.memory_space<hbm>>
        %dma_wait3A_395 = arith.constant 0 : i32
        %dma_wait3A_396 = arith.constant 0 : i32
        %dma_wait3A_397 = tpu.memref_slice %arg7[%dma_wait3A_386, %dma_wait3A_395, %dma_wait3A_396] : memref<4x2x128xi32, #tpu.memory_space<vmem>> -> memref<1x2x128xi32, #tpu.memory_space<vmem>>
        %dma_wait3A_398 = tpu.memref_squeeze %dma_wait3A_397 : memref<1x2x128xi32, #tpu.memory_space<vmem>> -> memref<2x128xi32, #tpu.memory_space<vmem>>
        %dma_wait3A_399 = arith.constant 0 : i32
        %dma_wait3A_400 = arith.constant 0 : i32
        %dma_wait3A_401 = tpu.memref_slice %arg4[%arg1, %mul3A_385, %dma_wait3A_399, %dma_wait3A_400] : memref<16x16x2x128xi32, #tpu.memory_space<hbm>> -> memref<1x1x2x128xi32, #tpu.memory_space<hbm>>
        %dma_wait3A_402 = tpu.memref_squeeze %dma_wait3A_401 : memref<1x1x2x128xi32, #tpu.memory_space<hbm>> -> memref<2x128xi32, #tpu.memory_space<hbm>>
        tpu.wait_dma2 semaphore(%arg14 : memref<!tpu.dma_semaphore, #tpu.memory_space<semaphore_mem>>) src(%dma_wait3A_402 : memref<2x128xi32, #tpu.memory_space<hbm>>) dst(%dma_wait3A_398 : memref<2x128xi32, #tpu.memory_space<vmem>>)
        %run_scoped3A_403 = arith.constant 0 : i32
        %run_scoped3A_404 = arith.constant 1 : i32
        "tpu.region"() ({
          %run_scoped3A_495 = tpu.sem_alloc : memref<!tpu.dma_semaphore, #tpu.memory_space<semaphore_mem>>
          %dma_start3A_496 = arith.constant 0 : i32
          %dma_start3A_497 = tpu.memref_slice %arg7[%run_scoped3A_403, %run_scoped3A_404, %dma_start3A_496] : memref<4x2x128xi32, #tpu.memory_space<vmem>> -> memref<1x1x128xi32, #tpu.memory_space<vmem>>
          %dma_start3A_498 = tpu.memref_squeeze %dma_start3A_497 : memref<1x1x128xi32, #tpu.memory_space<vmem>> -> memref<128xi32, #tpu.memory_space<vmem>>
          %dma_start3A_499 = arith.constant 0 : i32
          %dma_start3A_500 = tpu.memref_slice %arg13[%dma_start3A_499] : memref<10240xf32, #tpu.memory_space<vmem_shared>> -> memref<10240xf32, #tpu.memory_space<vmem_shared>>
          tpu.enqueue_indirect_dma source(%arg10 : memref<128xf32, #tpu.memory_space<vmem>>) target(%dma_start3A_500 : memref<10240xf32, #tpu.memory_space<vmem_shared>>) offsets(%dma_start3A_498 : memref<128xi32, #tpu.memory_space<vmem>>) semaphore(%run_scoped3A_495 : memref<!tpu.dma_semaphore, #tpu.memory_space<semaphore_mem>>) {add = true}
          %dma_wait3A_501 = arith.constant 0 : i32
          %dma_wait3A_502 = tpu.memref_slice %arg7[%run_scoped3A_403, %run_scoped3A_404, %dma_wait3A_501] : memref<4x2x128xi32, #tpu.memory_space<vmem>> -> memref<1x1x128xi32, #tpu.memory_space<vmem>>
          %dma_wait3A_503 = tpu.memref_squeeze %dma_wait3A_502 : memref<1x1x128xi32, #tpu.memory_space<vmem>> -> memref<128xi32, #tpu.memory_space<vmem>>
          %dma_wait3A_504 = arith.constant 0 : i32
          %dma_wait3A_505 = tpu.memref_slice %arg13[%dma_wait3A_504] : memref<10240xf32, #tpu.memory_space<vmem_shared>> -> memref<10240xf32, #tpu.memory_space<vmem_shared>>
          tpu.wait_indirect_dma semaphore(%run_scoped3A_495 : memref<!tpu.dma_semaphore, #tpu.memory_space<semaphore_mem>>) src(%arg10 : memref<128xf32, #tpu.memory_space<vmem>>) dst(%dma_wait3A_505 : memref<10240xf32, #tpu.memory_space<vmem_shared>>)
          tpu.yield
        }) : () -> ()
        %add3A_405 = arith.constant 4 : i32
        %add3A_406 = arith.addi %mul3A_385, %add3A_405 : i32
        %lt3A = arith.constant 16 : i32
        %lt3A_407 = arith.cmpi slt, %add3A_406, %lt3A : i32
        %convert_element_type3A_408 = arith.extui %lt3A_407 : i1 to i32
        %cond3A_409 = arith.constant 0 : i32
        %cond3A_410 = arith.cmpi ne, %convert_element_type3A_408, %cond3A_409 : i32
        scf.if %cond3A_410 {
          %add3A_495 = arith.constant 4 : i32
          %add3A_496 = arith.addi %mul3A_385, %add3A_495 : i32
          %dma_start3A_497 = arith.constant 0 : i32
          %dma_start3A_498 = arith.constant 0 : i32
          %dma_start3A_499 = arith.constant 0 : i32
          %dma_start3A_500 = tpu.memref_slice %arg7[%dma_start3A_497, %dma_start3A_498, %dma_start3A_499] : memref<4x2x128xi32, #tpu.memory_space<vmem>> -> memref<1x2x128xi32, #tpu.memory_space<vmem>>
          %dma_start3A_501 = tpu.memref_squeeze %dma_start3A_500 : memref<1x2x128xi32, #tpu.memory_space<vmem>> -> memref<2x128xi32, #tpu.memory_space<vmem>>
          %dma_start3A_502 = arith.constant 0 : i32
          %dma_start3A_503 = arith.constant 0 : i32
          %dma_start3A_504 = tpu.memref_slice %arg4[%arg1, %add3A_496, %dma_start3A_502, %dma_start3A_503] : memref<16x16x2x128xi32, #tpu.memory_space<hbm>> -> memref<1x1x2x128xi32, #tpu.memory_space<hbm>>
          %dma_start3A_505 = tpu.memref_squeeze %dma_start3A_504 : memref<1x1x2x128xi32, #tpu.memory_space<hbm>> -> memref<2x128xi32, #tpu.memory_space<hbm>>
          %dma_start3A_506 = arith.constant 0 : i32
          %dma_start3A_507 = arith.constant 0 : i32
          %dma_start3A_508 = tpu.memref_slice %arg7[%dma_start3A_497, %dma_start3A_506, %dma_start3A_507] : memref<4x2x128xi32, #tpu.memory_space<vmem>> -> memref<1x2x128xi32, #tpu.memory_space<vmem>>
          %dma_start3A_509 = tpu.memref_squeeze %dma_start3A_508 : memref<1x2x128xi32, #tpu.memory_space<vmem>> -> memref<2x128xi32, #tpu.memory_space<vmem>>
          %dma_start3A_510 = arith.constant 0 : i32
          %dma_start3A_511 = arith.constant 0 : i32
          %dma_start3A_512 = tpu.memref_slice %arg4[%arg1, %add3A_496, %dma_start3A_510, %dma_start3A_511] : memref<16x16x2x128xi32, #tpu.memory_space<hbm>> -> memref<1x1x2x128xi32, #tpu.memory_space<hbm>>
          %dma_start3A_513 = tpu.memref_squeeze %dma_start3A_512 : memref<1x1x2x128xi32, #tpu.memory_space<hbm>> -> memref<2x128xi32, #tpu.memory_space<hbm>>
          tpu.enqueue_dma source(%dma_start3A_513 : memref<2x128xi32, #tpu.memory_space<hbm>>) target(%dma_start3A_509 : memref<2x128xi32, #tpu.memory_space<vmem>>) target_semaphore(%arg14 : memref<!tpu.dma_semaphore, #tpu.memory_space<semaphore_mem>>)
        } else {
        }
        %add3A_411 = arith.constant 1 : i32
        %add3A_412 = arith.addi %mul3A_385, %add3A_411 : i32
        %dma_wait3A_413 = arith.constant 1 : i32
        %dma_wait3A_414 = arith.constant 0 : i32
        %dma_wait3A_415 = arith.constant 0 : i32
        %dma_wait3A_416 = tpu.memref_slice %arg7[%dma_wait3A_413, %dma_wait3A_414, %dma_wait3A_415] : memref<4x2x128xi32, #tpu.memory_space<vmem>> -> memref<1x2x128xi32, #tpu.memory_space<vmem>>
        %dma_wait3A_417 = tpu.memref_squeeze %dma_wait3A_416 : memref<1x2x128xi32, #tpu.memory_space<vmem>> -> memref<2x128xi32, #tpu.memory_space<vmem>>
        %dma_wait3A_418 = arith.constant 0 : i32
        %dma_wait3A_419 = arith.constant 0 : i32
        %dma_wait3A_420 = tpu.memref_slice %arg4[%arg1, %add3A_412, %dma_wait3A_418, %dma_wait3A_419] : memref<16x16x2x128xi32, #tpu.memory_space<hbm>> -> memref<1x1x2x128xi32, #tpu.memory_space<hbm>>
        %dma_wait3A_421 = tpu.memref_squeeze %dma_wait3A_420 : memref<1x1x2x128xi32, #tpu.memory_space<hbm>> -> memref<2x128xi32, #tpu.memory_space<hbm>>
        %dma_wait3A_422 = arith.constant 0 : i32
        %dma_wait3A_423 = arith.constant 0 : i32
        %dma_wait3A_424 = tpu.memref_slice %arg7[%dma_wait3A_413, %dma_wait3A_422, %dma_wait3A_423] : memref<4x2x128xi32, #tpu.memory_space<vmem>> -> memref<1x2x128xi32, #tpu.memory_space<vmem>>
        %dma_wait3A_425 = tpu.memref_squeeze %dma_wait3A_424 : memref<1x2x128xi32, #tpu.memory_space<vmem>> -> memref<2x128xi32, #tpu.memory_space<vmem>>
        %dma_wait3A_426 = arith.constant 0 : i32
        %dma_wait3A_427 = arith.constant 0 : i32
        %dma_wait3A_428 = tpu.memref_slice %arg4[%arg1, %add3A_412, %dma_wait3A_426, %dma_wait3A_427] : memref<16x16x2x128xi32, #tpu.memory_space<hbm>> -> memref<1x1x2x128xi32, #tpu.memory_space<hbm>>
        %dma_wait3A_429 = tpu.memref_squeeze %dma_wait3A_428 : memref<1x1x2x128xi32, #tpu.memory_space<hbm>> -> memref<2x128xi32, #tpu.memory_space<hbm>>
        tpu.wait_dma2 semaphore(%arg15 : memref<!tpu.dma_semaphore, #tpu.memory_space<semaphore_mem>>) src(%dma_wait3A_429 : memref<2x128xi32, #tpu.memory_space<hbm>>) dst(%dma_wait3A_425 : memref<2x128xi32, #tpu.memory_space<vmem>>)
        %run_scoped3A_430 = arith.constant 1 : i32
        %run_scoped3A_431 = arith.constant 1 : i32
        "tpu.region"() ({
          %run_scoped3A_495 = tpu.sem_alloc : memref<!tpu.dma_semaphore, #tpu.memory_space<semaphore_mem>>
          %dma_start3A_496 = arith.constant 0 : i32
          %dma_start3A_497 = tpu.memref_slice %arg7[%run_scoped3A_430, %run_scoped3A_431, %dma_start3A_496] : memref<4x2x128xi32, #tpu.memory_space<vmem>> -> memref<1x1x128xi32, #tpu.memory_space<vmem>>
          %dma_start3A_498 = tpu.memref_squeeze %dma_start3A_497 : memref<1x1x128xi32, #tpu.memory_space<vmem>> -> memref<128xi32, #tpu.memory_space<vmem>>
          %dma_start3A_499 = arith.constant 0 : i32
          %dma_start3A_500 = tpu.memref_slice %arg13[%dma_start3A_499] : memref<10240xf32, #tpu.memory_space<vmem_shared>> -> memref<10240xf32, #tpu.memory_space<vmem_shared>>
          tpu.enqueue_indirect_dma source(%arg10 : memref<128xf32, #tpu.memory_space<vmem>>) target(%dma_start3A_500 : memref<10240xf32, #tpu.memory_space<vmem_shared>>) offsets(%dma_start3A_498 : memref<128xi32, #tpu.memory_space<vmem>>) semaphore(%run_scoped3A_495 : memref<!tpu.dma_semaphore, #tpu.memory_space<semaphore_mem>>) {add = true}
          %dma_wait3A_501 = arith.constant 0 : i32
          %dma_wait3A_502 = tpu.memref_slice %arg7[%run_scoped3A_430, %run_scoped3A_431, %dma_wait3A_501] : memref<4x2x128xi32, #tpu.memory_space<vmem>> -> memref<1x1x128xi32, #tpu.memory_space<vmem>>
          %dma_wait3A_503 = tpu.memref_squeeze %dma_wait3A_502 : memref<1x1x128xi32, #tpu.memory_space<vmem>> -> memref<128xi32, #tpu.memory_space<vmem>>
          %dma_wait3A_504 = arith.constant 0 : i32
          %dma_wait3A_505 = tpu.memref_slice %arg13[%dma_wait3A_504] : memref<10240xf32, #tpu.memory_space<vmem_shared>> -> memref<10240xf32, #tpu.memory_space<vmem_shared>>
          tpu.wait_indirect_dma semaphore(%run_scoped3A_495 : memref<!tpu.dma_semaphore, #tpu.memory_space<semaphore_mem>>) src(%arg10 : memref<128xf32, #tpu.memory_space<vmem>>) dst(%dma_wait3A_505 : memref<10240xf32, #tpu.memory_space<vmem_shared>>)
          tpu.yield
        }) : () -> ()
        %add3A_432 = arith.constant 4 : i32
        %add3A_433 = arith.addi %add3A_412, %add3A_432 : i32
        %lt3A_434 = arith.constant 16 : i32
        %lt3A_435 = arith.cmpi slt, %add3A_433, %lt3A_434 : i32
        %convert_element_type3A_436 = arith.extui %lt3A_435 : i1 to i32
        %cond3A_437 = arith.constant 0 : i32
        %cond3A_438 = arith.cmpi ne, %convert_element_type3A_436, %cond3A_437 : i32
        scf.if %cond3A_438 {
          %add3A_495 = arith.constant 4 : i32
          %add3A_496 = arith.addi %add3A_412, %add3A_495 : i32
          %dma_start3A_497 = arith.constant 1 : i32
          %dma_start3A_498 = arith.constant 0 : i32
          %dma_start3A_499 = arith.constant 0 : i32
          %dma_start3A_500 = tpu.memref_slice %arg7[%dma_start3A_497, %dma_start3A_498, %dma_start3A_499] : memref<4x2x128xi32, #tpu.memory_space<vmem>> -> memref<1x2x128xi32, #tpu.memory_space<vmem>>
          %dma_start3A_501 = tpu.memref_squeeze %dma_start3A_500 : memref<1x2x128xi32, #tpu.memory_space<vmem>> -> memref<2x128xi32, #tpu.memory_space<vmem>>
          %dma_start3A_502 = arith.constant 0 : i32
          %dma_start3A_503 = arith.constant 0 : i32
          %dma_start3A_504 = tpu.memref_slice %arg4[%arg1, %add3A_496, %dma_start3A_502, %dma_start3A_503] : memref<16x16x2x128xi32, #tpu.memory_space<hbm>> -> memref<1x1x2x128xi32, #tpu.memory_space<hbm>>
          %dma_start3A_505 = tpu.memref_squeeze %dma_start3A_504 : memref<1x1x2x128xi32, #tpu.memory_space<hbm>> -> memref<2x128xi32, #tpu.memory_space<hbm>>
          %dma_start3A_506 = arith.constant 0 : i32
          %dma_start3A_507 = arith.constant 0 : i32
          %dma_start3A_508 = tpu.memref_slice %arg7[%dma_start3A_497, %dma_start3A_506, %dma_start3A_507] : memref<4x2x128xi32, #tpu.memory_space<vmem>> -> memref<1x2x128xi32, #tpu.memory_space<vmem>>
          %dma_start3A_509 = tpu.memref_squeeze %dma_start3A_508 : memref<1x2x128xi32, #tpu.memory_space<vmem>> -> memref<2x128xi32, #tpu.memory_space<vmem>>
          %dma_start3A_510 = arith.constant 0 : i32
          %dma_start3A_511 = arith.constant 0 : i32
          %dma_start3A_512 = tpu.memref_slice %arg4[%arg1, %add3A_496, %dma_start3A_510, %dma_start3A_511] : memref<16x16x2x128xi32, #tpu.memory_space<hbm>> -> memref<1x1x2x128xi32, #tpu.memory_space<hbm>>
          %dma_start3A_513 = tpu.memref_squeeze %dma_start3A_512 : memref<1x1x2x128xi32, #tpu.memory_space<hbm>> -> memref<2x128xi32, #tpu.memory_space<hbm>>
          tpu.enqueue_dma source(%dma_start3A_513 : memref<2x128xi32, #tpu.memory_space<hbm>>) target(%dma_start3A_509 : memref<2x128xi32, #tpu.memory_space<vmem>>) target_semaphore(%arg15 : memref<!tpu.dma_semaphore, #tpu.memory_space<semaphore_mem>>)
        } else {
        }
        %add3A_439 = arith.constant 2 : i32
        %add3A_440 = arith.addi %mul3A_385, %add3A_439 : i32
        %dma_wait3A_441 = arith.constant 2 : i32
        %dma_wait3A_442 = arith.constant 0 : i32
        %dma_wait3A_443 = arith.constant 0 : i32
        %dma_wait3A_444 = tpu.memref_slice %arg7[%dma_wait3A_441, %dma_wait3A_442, %dma_wait3A_443] : memref<4x2x128xi32, #tpu.memory_space<vmem>> -> memref<1x2x128xi32, #tpu.memory_space<vmem>>
        %dma_wait3A_445 = tpu.memref_squeeze %dma_wait3A_444 : memref<1x2x128xi32, #tpu.memory_space<vmem>> -> memref<2x128xi32, #tpu.memory_space<vmem>>
        %dma_wait3A_446 = arith.constant 0 : i32
        %dma_wait3A_447 = arith.constant 0 : i32
        %dma_wait3A_448 = tpu.memref_slice %arg4[%arg1, %add3A_440, %dma_wait3A_446, %dma_wait3A_447] : memref<16x16x2x128xi32, #tpu.memory_space<hbm>> -> memref<1x1x2x128xi32, #tpu.memory_space<hbm>>
        %dma_wait3A_449 = tpu.memref_squeeze %dma_wait3A_448 : memref<1x1x2x128xi32, #tpu.memory_space<hbm>> -> memref<2x128xi32, #tpu.memory_space<hbm>>
        %dma_wait3A_450 = arith.constant 0 : i32
        %dma_wait3A_451 = arith.constant 0 : i32
        %dma_wait3A_452 = tpu.memref_slice %arg7[%dma_wait3A_441, %dma_wait3A_450, %dma_wait3A_451] : memref<4x2x128xi32, #tpu.memory_space<vmem>> -> memref<1x2x128xi32, #tpu.memory_space<vmem>>
        %dma_wait3A_453 = tpu.memref_squeeze %dma_wait3A_452 : memref<1x2x128xi32, #tpu.memory_space<vmem>> -> memref<2x128xi32, #tpu.memory_space<vmem>>
        %dma_wait3A_454 = arith.constant 0 : i32
        %dma_wait3A_455 = arith.constant 0 : i32
        %dma_wait3A_456 = tpu.memref_slice %arg4[%arg1, %add3A_440, %dma_wait3A_454, %dma_wait3A_455] : memref<16x16x2x128xi32, #tpu.memory_space<hbm>> -> memref<1x1x2x128xi32, #tpu.memory_space<hbm>>
        %dma_wait3A_457 = tpu.memref_squeeze %dma_wait3A_456 : memref<1x1x2x128xi32, #tpu.memory_space<hbm>> -> memref<2x128xi32, #tpu.memory_space<hbm>>
        tpu.wait_dma2 semaphore(%arg16 : memref<!tpu.dma_semaphore, #tpu.memory_space<semaphore_mem>>) src(%dma_wait3A_457 : memref<2x128xi32, #tpu.memory_space<hbm>>) dst(%dma_wait3A_453 : memref<2x128xi32, #tpu.memory_space<vmem>>)
        %run_scoped3A_458 = arith.constant 2 : i32
        %run_scoped3A_459 = arith.constant 1 : i32
        "tpu.region"() ({
          %run_scoped3A_495 = tpu.sem_alloc : memref<!tpu.dma_semaphore, #tpu.memory_space<semaphore_mem>>
          %dma_start3A_496 = arith.constant 0 : i32
          %dma_start3A_497 = tpu.memref_slice %arg7[%run_scoped3A_458, %run_scoped3A_459, %dma_start3A_496] : memref<4x2x128xi32, #tpu.memory_space<vmem>> -> memref<1x1x128xi32, #tpu.memory_space<vmem>>
          %dma_start3A_498 = tpu.memref_squeeze %dma_start3A_497 : memref<1x1x128xi32, #tpu.memory_space<vmem>> -> memref<128xi32, #tpu.memory_space<vmem>>
          %dma_start3A_499 = arith.constant 0 : i32
          %dma_start3A_500 = tpu.memref_slice %arg13[%dma_start3A_499] : memref<10240xf32, #tpu.memory_space<vmem_shared>> -> memref<10240xf32, #tpu.memory_space<vmem_shared>>
          tpu.enqueue_indirect_dma source(%arg10 : memref<128xf32, #tpu.memory_space<vmem>>) target(%dma_start3A_500 : memref<10240xf32, #tpu.memory_space<vmem_shared>>) offsets(%dma_start3A_498 : memref<128xi32, #tpu.memory_space<vmem>>) semaphore(%run_scoped3A_495 : memref<!tpu.dma_semaphore, #tpu.memory_space<semaphore_mem>>) {add = true}
          %dma_wait3A_501 = arith.constant 0 : i32
          %dma_wait3A_502 = tpu.memref_slice %arg7[%run_scoped3A_458, %run_scoped3A_459, %dma_wait3A_501] : memref<4x2x128xi32, #tpu.memory_space<vmem>> -> memref<1x1x128xi32, #tpu.memory_space<vmem>>
          %dma_wait3A_503 = tpu.memref_squeeze %dma_wait3A_502 : memref<1x1x128xi32, #tpu.memory_space<vmem>> -> memref<128xi32, #tpu.memory_space<vmem>>
          %dma_wait3A_504 = arith.constant 0 : i32
          %dma_wait3A_505 = tpu.memref_slice %arg13[%dma_wait3A_504] : memref<10240xf32, #tpu.memory_space<vmem_shared>> -> memref<10240xf32, #tpu.memory_space<vmem_shared>>
          tpu.wait_indirect_dma semaphore(%run_scoped3A_495 : memref<!tpu.dma_semaphore, #tpu.memory_space<semaphore_mem>>) src(%arg10 : memref<128xf32, #tpu.memory_space<vmem>>) dst(%dma_wait3A_505 : memref<10240xf32, #tpu.memory_space<vmem_shared>>)
          tpu.yield
        }) : () -> ()
        %add3A_460 = arith.constant 4 : i32
        %add3A_461 = arith.addi %add3A_440, %add3A_460 : i32
        %lt3A_462 = arith.constant 16 : i32
        %lt3A_463 = arith.cmpi slt, %add3A_461, %lt3A_462 : i32
        %convert_element_type3A_464 = arith.extui %lt3A_463 : i1 to i32
        %cond3A_465 = arith.constant 0 : i32
        %cond3A_466 = arith.cmpi ne, %convert_element_type3A_464, %cond3A_465 : i32
        scf.if %cond3A_466 {
          %add3A_495 = arith.constant 4 : i32
          %add3A_496 = arith.addi %add3A_440, %add3A_495 : i32
          %dma_start3A_497 = arith.constant 2 : i32
          %dma_start3A_498 = arith.constant 0 : i32
          %dma_start3A_499 = arith.constant 0 : i32
          %dma_start3A_500 = tpu.memref_slice %arg7[%dma_start3A_497, %dma_start3A_498, %dma_start3A_499] : memref<4x2x128xi32, #tpu.memory_space<vmem>> -> memref<1x2x128xi32, #tpu.memory_space<vmem>>
          %dma_start3A_501 = tpu.memref_squeeze %dma_start3A_500 : memref<1x2x128xi32, #tpu.memory_space<vmem>> -> memref<2x128xi32, #tpu.memory_space<vmem>>
          %dma_start3A_502 = arith.constant 0 : i32
          %dma_start3A_503 = arith.constant 0 : i32
          %dma_start3A_504 = tpu.memref_slice %arg4[%arg1, %add3A_496, %dma_start3A_502, %dma_start3A_503] : memref<16x16x2x128xi32, #tpu.memory_space<hbm>> -> memref<1x1x2x128xi32, #tpu.memory_space<hbm>>
          %dma_start3A_505 = tpu.memref_squeeze %dma_start3A_504 : memref<1x1x2x128xi32, #tpu.memory_space<hbm>> -> memref<2x128xi32, #tpu.memory_space<hbm>>
          %dma_start3A_506 = arith.constant 0 : i32
          %dma_start3A_507 = arith.constant 0 : i32
          %dma_start3A_508 = tpu.memref_slice %arg7[%dma_start3A_497, %dma_start3A_506, %dma_start3A_507] : memref<4x2x128xi32, #tpu.memory_space<vmem>> -> memref<1x2x128xi32, #tpu.memory_space<vmem>>
          %dma_start3A_509 = tpu.memref_squeeze %dma_start3A_508 : memref<1x2x128xi32, #tpu.memory_space<vmem>> -> memref<2x128xi32, #tpu.memory_space<vmem>>
          %dma_start3A_510 = arith.constant 0 : i32
          %dma_start3A_511 = arith.constant 0 : i32
          %dma_start3A_512 = tpu.memref_slice %arg4[%arg1, %add3A_496, %dma_start3A_510, %dma_start3A_511] : memref<16x16x2x128xi32, #tpu.memory_space<hbm>> -> memref<1x1x2x128xi32, #tpu.memory_space<hbm>>
          %dma_start3A_513 = tpu.memref_squeeze %dma_start3A_512 : memref<1x1x2x128xi32, #tpu.memory_space<hbm>> -> memref<2x128xi32, #tpu.memory_space<hbm>>
          tpu.enqueue_dma source(%dma_start3A_513 : memref<2x128xi32, #tpu.memory_space<hbm>>) target(%dma_start3A_509 : memref<2x128xi32, #tpu.memory_space<vmem>>) target_semaphore(%arg16 : memref<!tpu.dma_semaphore, #tpu.memory_space<semaphore_mem>>)
        } else {
        }
        %add3A_467 = arith.constant 3 : i32
        %add3A_468 = arith.addi %mul3A_385, %add3A_467 : i32
        %dma_wait3A_469 = arith.constant 3 : i32
        %dma_wait3A_470 = arith.constant 0 : i32
        %dma_wait3A_471 = arith.constant 0 : i32
        %dma_wait3A_472 = tpu.memref_slice %arg7[%dma_wait3A_469, %dma_wait3A_470, %dma_wait3A_471] : memref<4x2x128xi32, #tpu.memory_space<vmem>> -> memref<1x2x128xi32, #tpu.memory_space<vmem>>
        %dma_wait3A_473 = tpu.memref_squeeze %dma_wait3A_472 : memref<1x2x128xi32, #tpu.memory_space<vmem>> -> memref<2x128xi32, #tpu.memory_space<vmem>>
        %dma_wait3A_474 = arith.constant 0 : i32
        %dma_wait3A_475 = arith.constant 0 : i32
        %dma_wait3A_476 = tpu.memref_slice %arg4[%arg1, %add3A_468, %dma_wait3A_474, %dma_wait3A_475] : memref<16x16x2x128xi32, #tpu.memory_space<hbm>> -> memref<1x1x2x128xi32, #tpu.memory_space<hbm>>
        %dma_wait3A_477 = tpu.memref_squeeze %dma_wait3A_476 : memref<1x1x2x128xi32, #tpu.memory_space<hbm>> -> memref<2x128xi32, #tpu.memory_space<hbm>>
        %dma_wait3A_478 = arith.constant 0 : i32
        %dma_wait3A_479 = arith.constant 0 : i32
        %dma_wait3A_480 = tpu.memref_slice %arg7[%dma_wait3A_469, %dma_wait3A_478, %dma_wait3A_479] : memref<4x2x128xi32, #tpu.memory_space<vmem>> -> memref<1x2x128xi32, #tpu.memory_space<vmem>>
        %dma_wait3A_481 = tpu.memref_squeeze %dma_wait3A_480 : memref<1x2x128xi32, #tpu.memory_space<vmem>> -> memref<2x128xi32, #tpu.memory_space<vmem>>
        %dma_wait3A_482 = arith.constant 0 : i32
        %dma_wait3A_483 = arith.constant 0 : i32
        %dma_wait3A_484 = tpu.memref_slice %arg4[%arg1, %add3A_468, %dma_wait3A_482, %dma_wait3A_483] : memref<16x16x2x128xi32, #tpu.memory_space<hbm>> -> memref<1x1x2x128xi32, #tpu.memory_space<hbm>>
        %dma_wait3A_485 = tpu.memref_squeeze %dma_wait3A_484 : memref<1x1x2x128xi32, #tpu.memory_space<hbm>> -> memref<2x128xi32, #tpu.memory_space<hbm>>
        tpu.wait_dma2 semaphore(%arg17 : memref<!tpu.dma_semaphore, #tpu.memory_space<semaphore_mem>>) src(%dma_wait3A_485 : memref<2x128xi32, #tpu.memory_space<hbm>>) dst(%dma_wait3A_481 : memref<2x128xi32, #tpu.memory_space<vmem>>)
        %run_scoped3A_486 = arith.constant 3 : i32
        %run_scoped3A_487 = arith.constant 1 : i32
        "tpu.region"() ({
          %run_scoped3A_495 = tpu.sem_alloc : memref<!tpu.dma_semaphore, #tpu.memory_space<semaphore_mem>>
          %dma_start3A_496 = arith.constant 0 : i32
          %dma_start3A_497 = tpu.memref_slice %arg7[%run_scoped3A_486, %run_scoped3A_487, %dma_start3A_496] : memref<4x2x128xi32, #tpu.memory_space<vmem>> -> memref<1x1x128xi32, #tpu.memory_space<vmem>>
          %dma_start3A_498 = tpu.memref_squeeze %dma_start3A_497 : memref<1x1x128xi32, #tpu.memory_space<vmem>> -> memref<128xi32, #tpu.memory_space<vmem>>
          %dma_start3A_499 = arith.constant 0 : i32
          %dma_start3A_500 = tpu.memref_slice %arg13[%dma_start3A_499] : memref<10240xf32, #tpu.memory_space<vmem_shared>> -> memref<10240xf32, #tpu.memory_space<vmem_shared>>
          tpu.enqueue_indirect_dma source(%arg10 : memref<128xf32, #tpu.memory_space<vmem>>) target(%dma_start3A_500 : memref<10240xf32, #tpu.memory_space<vmem_shared>>) offsets(%dma_start3A_498 : memref<128xi32, #tpu.memory_space<vmem>>) semaphore(%run_scoped3A_495 : memref<!tpu.dma_semaphore, #tpu.memory_space<semaphore_mem>>) {add = true}
          %dma_wait3A_501 = arith.constant 0 : i32
          %dma_wait3A_502 = tpu.memref_slice %arg7[%run_scoped3A_486, %run_scoped3A_487, %dma_wait3A_501] : memref<4x2x128xi32, #tpu.memory_space<vmem>> -> memref<1x1x128xi32, #tpu.memory_space<vmem>>
          %dma_wait3A_503 = tpu.memref_squeeze %dma_wait3A_502 : memref<1x1x128xi32, #tpu.memory_space<vmem>> -> memref<128xi32, #tpu.memory_space<vmem>>
          %dma_wait3A_504 = arith.constant 0 : i32
          %dma_wait3A_505 = tpu.memref_slice %arg13[%dma_wait3A_504] : memref<10240xf32, #tpu.memory_space<vmem_shared>> -> memref<10240xf32, #tpu.memory_space<vmem_shared>>
          tpu.wait_indirect_dma semaphore(%run_scoped3A_495 : memref<!tpu.dma_semaphore, #tpu.memory_space<semaphore_mem>>) src(%arg10 : memref<128xf32, #tpu.memory_space<vmem>>) dst(%dma_wait3A_505 : memref<10240xf32, #tpu.memory_space<vmem_shared>>)
          tpu.yield
        }) : () -> ()
        %add3A_488 = arith.constant 4 : i32
        %add3A_489 = arith.addi %add3A_468, %add3A_488 : i32
        %lt3A_490 = arith.constant 16 : i32
        %lt3A_491 = arith.cmpi slt, %add3A_489, %lt3A_490 : i32
        %convert_element_type3A_492 = arith.extui %lt3A_491 : i1 to i32
        %cond3A_493 = arith.constant 0 : i32
        %cond3A_494 = arith.cmpi ne, %convert_element_type3A_492, %cond3A_493 : i32
        scf.if %cond3A_494 {
          %add3A_495 = arith.constant 4 : i32
          %add3A_496 = arith.addi %add3A_468, %add3A_495 : i32
          %dma_start3A_497 = arith.constant 3 : i32
          %dma_start3A_498 = arith.constant 0 : i32
          %dma_start3A_499 = arith.constant 0 : i32
          %dma_start3A_500 = tpu.memref_slice %arg7[%dma_start3A_497, %dma_start3A_498, %dma_start3A_499] : memref<4x2x128xi32, #tpu.memory_space<vmem>> -> memref<1x2x128xi32, #tpu.memory_space<vmem>>
          %dma_start3A_501 = tpu.memref_squeeze %dma_start3A_500 : memref<1x2x128xi32, #tpu.memory_space<vmem>> -> memref<2x128xi32, #tpu.memory_space<vmem>>
          %dma_start3A_502 = arith.constant 0 : i32
          %dma_start3A_503 = arith.constant 0 : i32
          %dma_start3A_504 = tpu.memref_slice %arg4[%arg1, %add3A_496, %dma_start3A_502, %dma_start3A_503] : memref<16x16x2x128xi32, #tpu.memory_space<hbm>> -> memref<1x1x2x128xi32, #tpu.memory_space<hbm>>
          %dma_start3A_505 = tpu.memref_squeeze %dma_start3A_504 : memref<1x1x2x128xi32, #tpu.memory_space<hbm>> -> memref<2x128xi32, #tpu.memory_space<hbm>>
          %dma_start3A_506 = arith.constant 0 : i32
          %dma_start3A_507 = arith.constant 0 : i32
          %dma_start3A_508 = tpu.memref_slice %arg7[%dma_start3A_497, %dma_start3A_506, %dma_start3A_507] : memref<4x2x128xi32, #tpu.memory_space<vmem>> -> memref<1x2x128xi32, #tpu.memory_space<vmem>>
          %dma_start3A_509 = tpu.memref_squeeze %dma_start3A_508 : memref<1x2x128xi32, #tpu.memory_space<vmem>> -> memref<2x128xi32, #tpu.memory_space<vmem>>
          %dma_start3A_510 = arith.constant 0 : i32
          %dma_start3A_511 = arith.constant 0 : i32
          %dma_start3A_512 = tpu.memref_slice %arg4[%arg1, %add3A_496, %dma_start3A_510, %dma_start3A_511] : memref<16x16x2x128xi32, #tpu.memory_space<hbm>> -> memref<1x1x2x128xi32, #tpu.memory_space<hbm>>
          %dma_start3A_513 = tpu.memref_squeeze %dma_start3A_512 : memref<1x1x2x128xi32, #tpu.memory_space<hbm>> -> memref<2x128xi32, #tpu.memory_space<hbm>>
          tpu.enqueue_dma source(%dma_start3A_513 : memref<2x128xi32, #tpu.memory_space<hbm>>) target(%dma_start3A_509 : memref<2x128xi32, #tpu.memory_space<vmem>>) target_semaphore(%arg17 : memref<!tpu.dma_semaphore, #tpu.memory_space<semaphore_mem>>)
        } else {
        }
      }
      %scan3A_381 = arith.constant 4 : i32
      %barrier3A_382 = arith.constant 0 : index
      tpu.barrier barrier_id(%barrier3A_382)
      %run_scoped3A = arith.constant 1 : i32
      "tpu.region"() ({
        %run_scoped3A_383 = tpu.sem_alloc : memref<!tpu.dma_semaphore, #tpu.memory_space<semaphore_mem>>
        %dma_start3A_384 = arith.constant 0 : i32
        %dma_start3A_385 = tpu.memref_slice %arg5[%run_scoped3A, %mul3A_0, %dma_start3A_384] : memref<2x10240x128xf32, #tpu.memory_space<hbm>> -> memref<1x640x128xf32, #tpu.memory_space<hbm>>
        %dma_start3A_386 = tpu.memref_squeeze %dma_start3A_385 : memref<1x640x128xf32, #tpu.memory_space<hbm>> -> memref<640x128xf32, #tpu.memory_space<hbm>>
        %dma_start3A_387 = arith.constant 0 : i32
        %dma_start3A_388 = tpu.memref_slice %arg12[%mul3A_0, %dma_start3A_387] : memref<10240x128xf32, #tpu.memory_space<vmem_shared>> -> memref<640x128xf32, #tpu.memory_space<vmem_shared>>
        tpu.enqueue_dma source(%dma_start3A_388 : memref<640x128xf32, #tpu.memory_space<vmem_shared>>) target(%dma_start3A_386 : memref<640x128xf32, #tpu.memory_space<hbm>>) target_semaphore(%run_scoped3A_383 : memref<!tpu.dma_semaphore, #tpu.memory_space<semaphore_mem>>)
        %dma_wait3A_389 = arith.constant 0 : i32
        %dma_wait3A_390 = tpu.memref_slice %arg5[%run_scoped3A, %mul3A_0, %dma_wait3A_389] : memref<2x10240x128xf32, #tpu.memory_space<hbm>> -> memref<1x640x128xf32, #tpu.memory_space<hbm>>
        %dma_wait3A_391 = tpu.memref_squeeze %dma_wait3A_390 : memref<1x640x128xf32, #tpu.memory_space<hbm>> -> memref<640x128xf32, #tpu.memory_space<hbm>>
        %dma_wait3A_392 = arith.constant 0 : i32
        %dma_wait3A_393 = tpu.memref_slice %arg12[%mul3A_0, %dma_wait3A_392] : memref<10240x128xf32, #tpu.memory_space<vmem_shared>> -> memref<640x128xf32, #tpu.memory_space<vmem_shared>>
        tpu.wait_dma2 semaphore(%run_scoped3A_383 : memref<!tpu.dma_semaphore, #tpu.memory_space<semaphore_mem>>) src(%dma_wait3A_393 : memref<640x128xf32, #tpu.memory_space<vmem_shared>>) dst(%dma_wait3A_391 : memref<640x128xf32, #tpu.memory_space<hbm>>)
        tpu.yield
      }) : () -> ()
      "tpu.region"() ({
        %run_scoped3A_383 = tpu.sem_alloc : memref<!tpu.dma_semaphore, #tpu.memory_space<semaphore_mem>>
        %dma_start3A_384 = tpu.memref_slice %arg6[%mul3A_0] : memref<10240xf32, #tpu.memory_space<hbm>> -> memref<640xf32, #tpu.memory_space<hbm>>
        %dma_start3A_385 = tpu.memref_slice %arg13[%mul3A_0] : memref<10240xf32, #tpu.memory_space<vmem_shared>> -> memref<640xf32, #tpu.memory_space<vmem_shared>>
        tpu.enqueue_dma source(%dma_start3A_385 : memref<640xf32, #tpu.memory_space<vmem_shared>>) target(%dma_start3A_384 : memref<640xf32, #tpu.memory_space<hbm>>) target_semaphore(%run_scoped3A_383 : memref<!tpu.dma_semaphore, #tpu.memory_space<semaphore_mem>>)
        %dma_wait3A_386 = tpu.memref_slice %arg6[%mul3A_0] : memref<10240xf32, #tpu.memory_space<hbm>> -> memref<640xf32, #tpu.memory_space<hbm>>
        %dma_wait3A_387 = tpu.memref_slice %arg13[%mul3A_0] : memref<10240xf32, #tpu.memory_space<vmem_shared>> -> memref<640xf32, #tpu.memory_space<vmem_shared>>
        tpu.wait_dma2 semaphore(%run_scoped3A_383 : memref<!tpu.dma_semaphore, #tpu.memory_space<semaphore_mem>>) src(%dma_wait3A_387 : memref<640xf32, #tpu.memory_space<vmem_shared>>) dst(%dma_wait3A_386 : memref<640xf32, #tpu.memory_space<hbm>>)
        tpu.yield
      }) : () -> ()
    } else {
    }
    return
  }
}

#map = affine_map<(d0, d1) -> (0, 0)>
#map1 = affine_map<(d0, d1) -> (0, 0, 0, 0)>
#map2 = affine_map<(d0, d1) -> (0, 0, 0)>
module attributes {stable_mosaic.version = 14 : i64} {
  func.func @body(%arg0: i32, %arg1: i32, %arg2: memref<10000x128xf32, #tpu.memory_space<hbm>>, %arg3: memref<16x64x2x128xi32, #tpu.memory_space<hbm>>, %arg4: memref<16x16x2x128xi32, #tpu.memory_space<hbm>>, %arg5: memref<2x10240x128xf32, #tpu.memory_space<hbm>>, %arg6: memref<4x2x128xi32, #tpu.memory_space<vmem>>, %arg7: memref<128x128xf32, #tpu.memory_space<vmem>>, %arg8: memref<128x128xf32, #tpu.memory_space<vmem>>, %arg9: memref<128xf32, #tpu.memory_space<vmem>>, %arg10: memref<128xf32, #tpu.memory_space<vmem>>, %arg11: memref<10240x128xf32, #tpu.memory_space<vmem_shared>>, %arg12: memref<!tpu.dma_semaphore, #tpu.memory_space<semaphore_mem>>, %arg13: memref<!tpu.dma_semaphore, #tpu.memory_space<semaphore_mem>>, %arg14: memref<!tpu.dma_semaphore, #tpu.memory_space<semaphore_mem>>, %arg15: memref<!tpu.dma_semaphore, #tpu.memory_space<semaphore_mem>>, %arg16: memref<!tpu.dma_semaphore, #tpu.memory_space<semaphore_mem>>, %arg17: memref<!tpu.dma_semaphore, #tpu.memory_space<semaphore_mem>>) attributes {dimension_semantics = [#tpu.dimension_semantics<core_parallel>, #tpu.dimension_semantics<subcore_parallel>], iteration_bounds = array<i64: 2, 16>, scalar_prefetch = 0 : i64, scratch_operands = 12 : i64, tpu.core_type = #tpu.core_type<sc_vector_subcore>, window_params = [{transform_indices = #map}, {transform_indices = #map1}, {transform_indices = #map1}, {transform_indices = #map2}]} {
    %mul3A = arith.constant 640 : i32
    %mul3A_0 = arith.muli %arg1, %mul3A : i32
    %broadcast_in_dim3A = arith.constant 1.000000e+00 : f32
    %broadcast_in_dim3A_1 = vector.broadcast %broadcast_in_dim3A : f32 to vector<16xf32>
    %broadcast_in_dim3A_2 = arith.constant 0.000000e+00 : f32
    %broadcast_in_dim3A_3 = vector.broadcast %broadcast_in_dim3A_2 : f32 to vector<16xf32>
    %swap3A = arith.constant 0 : index
    %swap3A_4 = tpu.vector_load %arg9[%swap3A] {strides = array<i32>} : memref<128xf32, #tpu.memory_space<vmem>>, vector<16xf32>,
    %swap3A_5 = vector.shape_cast %swap3A_4 : vector<16xf32> to vector<16xf32>
    %swap3A_6 = vector.shape_cast %broadcast_in_dim3A_1 : vector<16xf32> to vector<16xf32>
    tpu.vector_store %arg9[%swap3A], %swap3A_6 {strides = array<i32>} : memref<128xf32, #tpu.memory_space<vmem>>, vector<16xf32>,
    %swap3A_7 = arith.constant 0 : index
    %swap3A_8 = tpu.vector_load %arg10[%swap3A_7] {strides = array<i32>} : memref<128xf32, #tpu.memory_space<vmem>>, vector<16xf32>,
    %swap3A_9 = vector.shape_cast %swap3A_8 : vector<16xf32> to vector<16xf32>
    %swap3A_10 = vector.shape_cast %broadcast_in_dim3A_3 : vector<16xf32> to vector<16xf32>
    tpu.vector_store %arg10[%swap3A_7], %swap3A_10 {strides = array<i32>} : memref<128xf32, #tpu.memory_space<vmem>>, vector<16xf32>,
    %swap3A_11 = arith.constant 16 : index
    %swap3A_12 = tpu.vector_load %arg9[%swap3A_11] {strides = array<i32>} : memref<128xf32, #tpu.memory_space<vmem>>, vector<16xf32>,
    %swap3A_13 = vector.shape_cast %swap3A_12 : vector<16xf32> to vector<16xf32>
    %swap3A_14 = vector.shape_cast %broadcast_in_dim3A_1 : vector<16xf32> to vector<16xf32>
    tpu.vector_store %arg9[%swap3A_11], %swap3A_14 {strides = array<i32>} : memref<128xf32, #tpu.memory_space<vmem>>, vector<16xf32>,
    %swap3A_15 = arith.constant 16 : index
    %swap3A_16 = tpu.vector_load %arg10[%swap3A_15] {strides = array<i32>} : memref<128xf32, #tpu.memory_space<vmem>>, vector<16xf32>,
    %swap3A_17 = vector.shape_cast %swap3A_16 : vector<16xf32> to vector<16xf32>
    %swap3A_18 = vector.shape_cast %broadcast_in_dim3A_3 : vector<16xf32> to vector<16xf32>
    tpu.vector_store %arg10[%swap3A_15], %swap3A_18 {strides = array<i32>} : memref<128xf32, #tpu.memory_space<vmem>>, vector<16xf32>,
    %swap3A_19 = arith.constant 32 : index
    %swap3A_20 = tpu.vector_load %arg9[%swap3A_19] {strides = array<i32>} : memref<128xf32, #tpu.memory_space<vmem>>, vector<16xf32>,
    %swap3A_21 = vector.shape_cast %swap3A_20 : vector<16xf32> to vector<16xf32>
    %swap3A_22 = vector.shape_cast %broadcast_in_dim3A_1 : vector<16xf32> to vector<16xf32>
    tpu.vector_store %arg9[%swap3A_19], %swap3A_22 {strides = array<i32>} : memref<128xf32, #tpu.memory_space<vmem>>, vector<16xf32>,
    %swap3A_23 = arith.constant 32 : index
    %swap3A_24 = tpu.vector_load %arg10[%swap3A_23] {strides = array<i32>} : memref<128xf32, #tpu.memory_space<vmem>>, vector<16xf32>,
    %swap3A_25 = vector.shape_cast %swap3A_24 : vector<16xf32> to vector<16xf32>
    %swap3A_26 = vector.shape_cast %broadcast_in_dim3A_3 : vector<16xf32> to vector<16xf32>
    tpu.vector_store %arg10[%swap3A_23], %swap3A_26 {strides = array<i32>} : memref<128xf32, #tpu.memory_space<vmem>>, vector<16xf32>,
    %swap3A_27 = arith.constant 48 : index
    %swap3A_28 = tpu.vector_load %arg9[%swap3A_27] {strides = array<i32>} : memref<128xf32, #tpu.memory_space<vmem>>, vector<16xf32>,
    %swap3A_29 = vector.shape_cast %swap3A_28 : vector<16xf32> to vector<16xf32>
    %swap3A_30 = vector.shape_cast %broadcast_in_dim3A_1 : vector<16xf32> to vector<16xf32>
    tpu.vector_store %arg9[%swap3A_27], %swap3A_30 {strides = array<i32>} : memref<128xf32, #tpu.memory_space<vmem>>, vector<16xf32>,
    %swap3A_31 = arith.constant 48 : index
    %swap3A_32 = tpu.vector_load %arg10[%swap3A_31] {strides = array<i32>} : memref<128xf32, #tpu.memory_space<vmem>>, vector<16xf32>,
    %swap3A_33 = vector.shape_cast %swap3A_32 : vector<16xf32> to vector<16xf32>
    %swap3A_34 = vector.shape_cast %broadcast_in_dim3A_3 : vector<16xf32> to vector<16xf32>
    tpu.vector_store %arg10[%swap3A_31], %swap3A_34 {strides = array<i32>} : memref<128xf32, #tpu.memory_space<vmem>>, vector<16xf32>,
    %swap3A_35 = arith.constant 64 : index
    %swap3A_36 = tpu.vector_load %arg9[%swap3A_35] {strides = array<i32>} : memref<128xf32, #tpu.memory_space<vmem>>, vector<16xf32>,
    %swap3A_37 = vector.shape_cast %swap3A_36 : vector<16xf32> to vector<16xf32>
    %swap3A_38 = vector.shape_cast %broadcast_in_dim3A_1 : vector<16xf32> to vector<16xf32>
    tpu.vector_store %arg9[%swap3A_35], %swap3A_38 {strides = array<i32>} : memref<128xf32, #tpu.memory_space<vmem>>, vector<16xf32>,
    %swap3A_39 = arith.constant 64 : index
    %swap3A_40 = tpu.vector_load %arg10[%swap3A_39] {strides = array<i32>} : memref<128xf32, #tpu.memory_space<vmem>>, vector<16xf32>,
    %swap3A_41 = vector.shape_cast %swap3A_40 : vector<16xf32> to vector<16xf32>
    %swap3A_42 = vector.shape_cast %broadcast_in_dim3A_3 : vector<16xf32> to vector<16xf32>
    tpu.vector_store %arg10[%swap3A_39], %swap3A_42 {strides = array<i32>} : memref<128xf32, #tpu.memory_space<vmem>>, vector<16xf32>,
    %swap3A_43 = arith.constant 80 : index
    %swap3A_44 = tpu.vector_load %arg9[%swap3A_43] {strides = array<i32>} : memref<128xf32, #tpu.memory_space<vmem>>, vector<16xf32>,
    %swap3A_45 = vector.shape_cast %swap3A_44 : vector<16xf32> to vector<16xf32>
    %swap3A_46 = vector.shape_cast %broadcast_in_dim3A_1 : vector<16xf32> to vector<16xf32>
    tpu.vector_store %arg9[%swap3A_43], %swap3A_46 {strides = array<i32>} : memref<128xf32, #tpu.memory_space<vmem>>, vector<16xf32>,
    %swap3A_47 = arith.constant 80 : index
    %swap3A_48 = tpu.vector_load %arg10[%swap3A_47] {strides = array<i32>} : memref<128xf32, #tpu.memory_space<vmem>>, vector<16xf32>,
    %swap3A_49 = vector.shape_cast %swap3A_48 : vector<16xf32> to vector<16xf32>
    %swap3A_50 = vector.shape_cast %broadcast_in_dim3A_3 : vector<16xf32> to vector<16xf32>
    tpu.vector_store %arg10[%swap3A_47], %swap3A_50 {strides = array<i32>} : memref<128xf32, #tpu.memory_space<vmem>>, vector<16xf32>,
    %swap3A_51 = arith.constant 96 : index
    %swap3A_52 = tpu.vector_load %arg9[%swap3A_51] {strides = array<i32>} : memref<128xf32, #tpu.memory_space<vmem>>, vector<16xf32>,
    %swap3A_53 = vector.shape_cast %swap3A_52 : vector<16xf32> to vector<16xf32>
    %swap3A_54 = vector.shape_cast %broadcast_in_dim3A_1 : vector<16xf32> to vector<16xf32>
    tpu.vector_store %arg9[%swap3A_51], %swap3A_54 {strides = array<i32>} : memref<128xf32, #tpu.memory_space<vmem>>, vector<16xf32>,
    %swap3A_55 = arith.constant 96 : index
    %swap3A_56 = tpu.vector_load %arg10[%swap3A_55] {strides = array<i32>} : memref<128xf32, #tpu.memory_space<vmem>>, vector<16xf32>,
    %swap3A_57 = vector.shape_cast %swap3A_56 : vector<16xf32> to vector<16xf32>
    %swap3A_58 = vector.shape_cast %broadcast_in_dim3A_3 : vector<16xf32> to vector<16xf32>
    tpu.vector_store %arg10[%swap3A_55], %swap3A_58 {strides = array<i32>} : memref<128xf32, #tpu.memory_space<vmem>>, vector<16xf32>,
    %swap3A_59 = arith.constant 112 : index
    %swap3A_60 = tpu.vector_load %arg9[%swap3A_59] {strides = array<i32>} : memref<128xf32, #tpu.memory_space<vmem>>, vector<16xf32>,
    %swap3A_61 = vector.shape_cast %swap3A_60 : vector<16xf32> to vector<16xf32>
    %swap3A_62 = vector.shape_cast %broadcast_in_dim3A_1 : vector<16xf32> to vector<16xf32>
    tpu.vector_store %arg9[%swap3A_59], %swap3A_62 {strides = array<i32>} : memref<128xf32, #tpu.memory_space<vmem>>, vector<16xf32>,
    %swap3A_63 = arith.constant 112 : index
    %swap3A_64 = tpu.vector_load %arg10[%swap3A_63] {strides = array<i32>} : memref<128xf32, #tpu.memory_space<vmem>>, vector<16xf32>,
    %swap3A_65 = vector.shape_cast %swap3A_64 : vector<16xf32> to vector<16xf32>
    %swap3A_66 = vector.shape_cast %broadcast_in_dim3A_3 : vector<16xf32> to vector<16xf32>
    tpu.vector_store %arg10[%swap3A_63], %swap3A_66 {strides = array<i32>} : memref<128xf32, #tpu.memory_space<vmem>>, vector<16xf32>,
    %eq3A = arith.constant 0 : i32
    %eq3A_67 = arith.cmpi eq, %arg0, %eq3A : i32
    %convert_element_type3A = arith.extui %eq3A_67 : i1 to i32
    %cond3A = arith.constant 0 : i32
    %cond3A_68 = arith.cmpi ne, %convert_element_type3A, %cond3A : i32
    scf.if %cond3A_68 {
      %scan3A = arith.constant 0 : i32
      %scan3A_74 = arith.constant 0 : i32
      %scan3A_75 = arith.constant 128 : i32
      %scan3A_76 = arith.addi %scan3A_74, %scan3A_75 : i32
      %scan3A_77 = arith.constant 1 : i32
      scf.for %scan3A_217 = %scan3A_74 to %scan3A_76 step %scan3A_77  : i32 {
        %swap3A_218 = arith.index_cast %scan3A_217 : i32 to index
        %swap3A_219 = arith.constant 0 : index
        %swap3A_220 = tpu.vector_load %arg7[%swap3A_218, %swap3A_219] {strides = array<i32>} : memref<128x128xf32, #tpu.memory_space<vmem>>, vector<1x16xf32>,
        %swap3A_221 = vector.shape_cast %swap3A_220 : vector<1x16xf32> to vector<16xf32>
        %swap3A_222 = vector.shape_cast %broadcast_in_dim3A_3 : vector<16xf32> to vector<1x16xf32>
        tpu.vector_store %arg7[%swap3A_218, %swap3A_219], %swap3A_222 {strides = array<i32>} : memref<128x128xf32, #tpu.memory_space<vmem>>, vector<1x16xf32>,
        %swap3A_223 = arith.index_cast %scan3A_217 : i32 to index
        %swap3A_224 = arith.constant 16 : index
        %swap3A_225 = tpu.vector_load %arg7[%swap3A_223, %swap3A_224] {strides = array<i32>} : memref<128x128xf32, #tpu.memory_space<vmem>>, vector<1x16xf32>,
        %swap3A_226 = vector.shape_cast %swap3A_225 : vector<1x16xf32> to vector<16xf32>
        %swap3A_227 = vector.shape_cast %broadcast_in_dim3A_3 : vector<16xf32> to vector<1x16xf32>
        tpu.vector_store %arg7[%swap3A_223, %swap3A_224], %swap3A_227 {strides = array<i32>} : memref<128x128xf32, #tpu.memory_space<vmem>>, vector<1x16xf32>,
        %swap3A_228 = arith.index_cast %scan3A_217 : i32 to index
        %swap3A_229 = arith.constant 32 : index
        %swap3A_230 = tpu.vector_load %arg7[%swap3A_228, %swap3A_229] {strides = array<i32>} : memref<128x128xf32, #tpu.memory_space<vmem>>, vector<1x16xf32>,
        %swap3A_231 = vector.shape_cast %swap3A_230 : vector<1x16xf32> to vector<16xf32>
        %swap3A_232 = vector.shape_cast %broadcast_in_dim3A_3 : vector<16xf32> to vector<1x16xf32>
        tpu.vector_store %arg7[%swap3A_228, %swap3A_229], %swap3A_232 {strides = array<i32>} : memref<128x128xf32, #tpu.memory_space<vmem>>, vector<1x16xf32>,
        %swap3A_233 = arith.index_cast %scan3A_217 : i32 to index
        %swap3A_234 = arith.constant 48 : index
        %swap3A_235 = tpu.vector_load %arg7[%swap3A_233, %swap3A_234] {strides = array<i32>} : memref<128x128xf32, #tpu.memory_space<vmem>>, vector<1x16xf32>,
        %swap3A_236 = vector.shape_cast %swap3A_235 : vector<1x16xf32> to vector<16xf32>
        %swap3A_237 = vector.shape_cast %broadcast_in_dim3A_3 : vector<16xf32> to vector<1x16xf32>
        tpu.vector_store %arg7[%swap3A_233, %swap3A_234], %swap3A_237 {strides = array<i32>} : memref<128x128xf32, #tpu.memory_space<vmem>>, vector<1x16xf32>,
        %swap3A_238 = arith.index_cast %scan3A_217 : i32 to index
        %swap3A_239 = arith.constant 64 : index
        %swap3A_240 = tpu.vector_load %arg7[%swap3A_238, %swap3A_239] {strides = array<i32>} : memref<128x128xf32, #tpu.memory_space<vmem>>, vector<1x16xf32>,
        %swap3A_241 = vector.shape_cast %swap3A_240 : vector<1x16xf32> to vector<16xf32>
        %swap3A_242 = vector.shape_cast %broadcast_in_dim3A_3 : vector<16xf32> to vector<1x16xf32>
        tpu.vector_store %arg7[%swap3A_238, %swap3A_239], %swap3A_242 {strides = array<i32>} : memref<128x128xf32, #tpu.memory_space<vmem>>, vector<1x16xf32>,
        %swap3A_243 = arith.index_cast %scan3A_217 : i32 to index
        %swap3A_244 = arith.constant 80 : index
        %swap3A_245 = tpu.vector_load %arg7[%swap3A_243, %swap3A_244] {strides = array<i32>} : memref<128x128xf32, #tpu.memory_space<vmem>>, vector<1x16xf32>,
        %swap3A_246 = vector.shape_cast %swap3A_245 : vector<1x16xf32> to vector<16xf32>
        %swap3A_247 = vector.shape_cast %broadcast_in_dim3A_3 : vector<16xf32> to vector<1x16xf32>
        tpu.vector_store %arg7[%swap3A_243, %swap3A_244], %swap3A_247 {strides = array<i32>} : memref<128x128xf32, #tpu.memory_space<vmem>>, vector<1x16xf32>,
        %swap3A_248 = arith.index_cast %scan3A_217 : i32 to index
        %swap3A_249 = arith.constant 96 : index
        %swap3A_250 = tpu.vector_load %arg7[%swap3A_248, %swap3A_249] {strides = array<i32>} : memref<128x128xf32, #tpu.memory_space<vmem>>, vector<1x16xf32>,
        %swap3A_251 = vector.shape_cast %swap3A_250 : vector<1x16xf32> to vector<16xf32>
        %swap3A_252 = vector.shape_cast %broadcast_in_dim3A_3 : vector<16xf32> to vector<1x16xf32>
        tpu.vector_store %arg7[%swap3A_248, %swap3A_249], %swap3A_252 {strides = array<i32>} : memref<128x128xf32, #tpu.memory_space<vmem>>, vector<1x16xf32>,
        %swap3A_253 = arith.index_cast %scan3A_217 : i32 to index
        %swap3A_254 = arith.constant 112 : index
        %swap3A_255 = tpu.vector_load %arg7[%swap3A_253, %swap3A_254] {strides = array<i32>} : memref<128x128xf32, #tpu.memory_space<vmem>>, vector<1x16xf32>,
        %swap3A_256 = vector.shape_cast %swap3A_255 : vector<1x16xf32> to vector<16xf32>
        %swap3A_257 = vector.shape_cast %broadcast_in_dim3A_3 : vector<16xf32> to vector<1x16xf32>
        tpu.vector_store %arg7[%swap3A_253, %swap3A_254], %swap3A_257 {strides = array<i32>} : memref<128x128xf32, #tpu.memory_space<vmem>>, vector<1x16xf32>,
      }
      %scan3A_78 = arith.constant 128 : i32
      %add3A = arith.constant 0 : i32
      %add3A_79 = arith.addi %mul3A_0, %add3A : i32
      "tpu.region"() ({
        %run_scoped3A_217 = tpu.sem_alloc : memref<!tpu.dma_semaphore, #tpu.memory_space<semaphore_mem>>
        %dma_start3A_218 = arith.constant 0 : i32
        %dma_start3A_219 = tpu.memref_slice %arg11[%add3A_79, %dma_start3A_218] : memref<10240x128xf32, #tpu.memory_space<vmem_shared>> -> memref<128x128xf32, #tpu.memory_space<vmem_shared>>
        %dma_start3A_220 = arith.constant 0 : i32
        %dma_start3A_221 = tpu.memref_slice %arg11[%add3A_79, %dma_start3A_220] : memref<10240x128xf32, #tpu.memory_space<vmem_shared>> -> memref<128x128xf32, #tpu.memory_space<vmem_shared>>
        tpu.enqueue_dma source(%arg7 : memref<128x128xf32, #tpu.memory_space<vmem>>) target(%dma_start3A_221 : memref<128x128xf32, #tpu.memory_space<vmem_shared>>) target_semaphore(%run_scoped3A_217 : memref<!tpu.dma_semaphore, #tpu.memory_space<semaphore_mem>>)
        %dma_wait3A_222 = arith.constant 0 : i32
        %dma_wait3A_223 = tpu.memref_slice %arg11[%add3A_79, %dma_wait3A_222] : memref<10240x128xf32, #tpu.memory_space<vmem_shared>> -> memref<128x128xf32, #tpu.memory_space<vmem_shared>>
        %dma_wait3A_224 = arith.constant 0 : i32
        %dma_wait3A_225 = tpu.memref_slice %arg11[%add3A_79, %dma_wait3A_224] : memref<10240x128xf32, #tpu.memory_space<vmem_shared>> -> memref<128x128xf32, #tpu.memory_space<vmem_shared>>
        tpu.wait_dma2 semaphore(%run_scoped3A_217 : memref<!tpu.dma_semaphore, #tpu.memory_space<semaphore_mem>>) src(%arg7 : memref<128x128xf32, #tpu.memory_space<vmem>>) dst(%dma_wait3A_225 : memref<128x128xf32, #tpu.memory_space<vmem_shared>>)
        tpu.yield
      }) : () -> ()
      %add3A_80 = arith.constant 128 : i32
      %add3A_81 = arith.addi %mul3A_0, %add3A_80 : i32
      "tpu.region"() ({
        %run_scoped3A_217 = tpu.sem_alloc : memref<!tpu.dma_semaphore, #tpu.memory_space<semaphore_mem>>
        %dma_start3A_218 = arith.constant 0 : i32
        %dma_start3A_219 = tpu.memref_slice %arg11[%add3A_81, %dma_start3A_218] : memref<10240x128xf32, #tpu.memory_space<vmem_shared>> -> memref<128x128xf32, #tpu.memory_space<vmem_shared>>
        %dma_start3A_220 = arith.constant 0 : i32
        %dma_start3A_221 = tpu.memref_slice %arg11[%add3A_81, %dma_start3A_220] : memref<10240x128xf32, #tpu.memory_space<vmem_shared>> -> memref<128x128xf32, #tpu.memory_space<vmem_shared>>
        tpu.enqueue_dma source(%arg7 : memref<128x128xf32, #tpu.memory_space<vmem>>) target(%dma_start3A_221 : memref<128x128xf32, #tpu.memory_space<vmem_shared>>) target_semaphore(%run_scoped3A_217 : memref<!tpu.dma_semaphore, #tpu.memory_space<semaphore_mem>>)
        %dma_wait3A_222 = arith.constant 0 : i32
        %dma_wait3A_223 = tpu.memref_slice %arg11[%add3A_81, %dma_wait3A_222] : memref<10240x128xf32, #tpu.memory_space<vmem_shared>> -> memref<128x128xf32, #tpu.memory_space<vmem_shared>>
        %dma_wait3A_224 = arith.constant 0 : i32
        %dma_wait3A_225 = tpu.memref_slice %arg11[%add3A_81, %dma_wait3A_224] : memref<10240x128xf32, #tpu.memory_space<vmem_shared>> -> memref<128x128xf32, #tpu.memory_space<vmem_shared>>
        tpu.wait_dma2 semaphore(%run_scoped3A_217 : memref<!tpu.dma_semaphore, #tpu.memory_space<semaphore_mem>>) src(%arg7 : memref<128x128xf32, #tpu.memory_space<vmem>>) dst(%dma_wait3A_225 : memref<128x128xf32, #tpu.memory_space<vmem_shared>>)
        tpu.yield
      }) : () -> ()
      %add3A_82 = arith.constant 256 : i32
      %add3A_83 = arith.addi %mul3A_0, %add3A_82 : i32
      "tpu.region"() ({
        %run_scoped3A_217 = tpu.sem_alloc : memref<!tpu.dma_semaphore, #tpu.memory_space<semaphore_mem>>
        %dma_start3A_218 = arith.constant 0 : i32
        %dma_start3A_219 = tpu.memref_slice %arg11[%add3A_83, %dma_start3A_218] : memref<10240x128xf32, #tpu.memory_space<vmem_shared>> -> memref<128x128xf32, #tpu.memory_space<vmem_shared>>
        %dma_start3A_220 = arith.constant 0 : i32
        %dma_start3A_221 = tpu.memref_slice %arg11[%add3A_83, %dma_start3A_220] : memref<10240x128xf32, #tpu.memory_space<vmem_shared>> -> memref<128x128xf32, #tpu.memory_space<vmem_shared>>
        tpu.enqueue_dma source(%arg7 : memref<128x128xf32, #tpu.memory_space<vmem>>) target(%dma_start3A_221 : memref<128x128xf32, #tpu.memory_space<vmem_shared>>) target_semaphore(%run_scoped3A_217 : memref<!tpu.dma_semaphore, #tpu.memory_space<semaphore_mem>>)
        %dma_wait3A_222 = arith.constant 0 : i32
        %dma_wait3A_223 = tpu.memref_slice %arg11[%add3A_83, %dma_wait3A_222] : memref<10240x128xf32, #tpu.memory_space<vmem_shared>> -> memref<128x128xf32, #tpu.memory_space<vmem_shared>>
        %dma_wait3A_224 = arith.constant 0 : i32
        %dma_wait3A_225 = tpu.memref_slice %arg11[%add3A_83, %dma_wait3A_224] : memref<10240x128xf32, #tpu.memory_space<vmem_shared>> -> memref<128x128xf32, #tpu.memory_space<vmem_shared>>
        tpu.wait_dma2 semaphore(%run_scoped3A_217 : memref<!tpu.dma_semaphore, #tpu.memory_space<semaphore_mem>>) src(%arg7 : memref<128x128xf32, #tpu.memory_space<vmem>>) dst(%dma_wait3A_225 : memref<128x128xf32, #tpu.memory_space<vmem_shared>>)
        tpu.yield
      }) : () -> ()
      %add3A_84 = arith.constant 384 : i32
      %add3A_85 = arith.addi %mul3A_0, %add3A_84 : i32
      "tpu.region"() ({
        %run_scoped3A_217 = tpu.sem_alloc : memref<!tpu.dma_semaphore, #tpu.memory_space<semaphore_mem>>
        %dma_start3A_218 = arith.constant 0 : i32
        %dma_start3A_219 = tpu.memref_slice %arg11[%add3A_85, %dma_start3A_218] : memref<10240x128xf32, #tpu.memory_space<vmem_shared>> -> memref<128x128xf32, #tpu.memory_space<vmem_shared>>
        %dma_start3A_220 = arith.constant 0 : i32
        %dma_start3A_221 = tpu.memref_slice %arg11[%add3A_85, %dma_start3A_220] : memref<10240x128xf32, #tpu.memory_space<vmem_shared>> -> memref<128x128xf32, #tpu.memory_space<vmem_shared>>
        tpu.enqueue_dma source(%arg7 : memref<128x128xf32, #tpu.memory_space<vmem>>) target(%dma_start3A_221 : memref<128x128xf32, #tpu.memory_space<vmem_shared>>) target_semaphore(%run_scoped3A_217 : memref<!tpu.dma_semaphore, #tpu.memory_space<semaphore_mem>>)
        %dma_wait3A_222 = arith.constant 0 : i32
        %dma_wait3A_223 = tpu.memref_slice %arg11[%add3A_85, %dma_wait3A_222] : memref<10240x128xf32, #tpu.memory_space<vmem_shared>> -> memref<128x128xf32, #tpu.memory_space<vmem_shared>>
        %dma_wait3A_224 = arith.constant 0 : i32
        %dma_wait3A_225 = tpu.memref_slice %arg11[%add3A_85, %dma_wait3A_224] : memref<10240x128xf32, #tpu.memory_space<vmem_shared>> -> memref<128x128xf32, #tpu.memory_space<vmem_shared>>
        tpu.wait_dma2 semaphore(%run_scoped3A_217 : memref<!tpu.dma_semaphore, #tpu.memory_space<semaphore_mem>>) src(%arg7 : memref<128x128xf32, #tpu.memory_space<vmem>>) dst(%dma_wait3A_225 : memref<128x128xf32, #tpu.memory_space<vmem_shared>>)
        tpu.yield
      }) : () -> ()
      %add3A_86 = arith.constant 512 : i32
      %add3A_87 = arith.addi %mul3A_0, %add3A_86 : i32
      "tpu.region"() ({
        %run_scoped3A_217 = tpu.sem_alloc : memref<!tpu.dma_semaphore, #tpu.memory_space<semaphore_mem>>
        %dma_start3A_218 = arith.constant 0 : i32
        %dma_start3A_219 = tpu.memref_slice %arg11[%add3A_87, %dma_start3A_218] : memref<10240x128xf32, #tpu.memory_space<vmem_shared>> -> memref<128x128xf32, #tpu.memory_space<vmem_shared>>
        %dma_start3A_220 = arith.constant 0 : i32
        %dma_start3A_221 = tpu.memref_slice %arg11[%add3A_87, %dma_start3A_220] : memref<10240x128xf32, #tpu.memory_space<vmem_shared>> -> memref<128x128xf32, #tpu.memory_space<vmem_shared>>
        tpu.enqueue_dma source(%arg7 : memref<128x128xf32, #tpu.memory_space<vmem>>) target(%dma_start3A_221 : memref<128x128xf32, #tpu.memory_space<vmem_shared>>) target_semaphore(%run_scoped3A_217 : memref<!tpu.dma_semaphore, #tpu.memory_space<semaphore_mem>>)
        %dma_wait3A_222 = arith.constant 0 : i32
        %dma_wait3A_223 = tpu.memref_slice %arg11[%add3A_87, %dma_wait3A_222] : memref<10240x128xf32, #tpu.memory_space<vmem_shared>> -> memref<128x128xf32, #tpu.memory_space<vmem_shared>>
        %dma_wait3A_224 = arith.constant 0 : i32
        %dma_wait3A_225 = tpu.memref_slice %arg11[%add3A_87, %dma_wait3A_224] : memref<10240x128xf32, #tpu.memory_space<vmem_shared>> -> memref<128x128xf32, #tpu.memory_space<vmem_shared>>
        tpu.wait_dma2 semaphore(%run_scoped3A_217 : memref<!tpu.dma_semaphore, #tpu.memory_space<semaphore_mem>>) src(%arg7 : memref<128x128xf32, #tpu.memory_space<vmem>>) dst(%dma_wait3A_225 : memref<128x128xf32, #tpu.memory_space<vmem_shared>>)
        tpu.yield
      }) : () -> ()
      %barrier3A = arith.constant 0 : index
      tpu.barrier barrier_id(%barrier3A)
      %dma_start3A = arith.constant 0 : i32
      %dma_start3A_88 = arith.constant 0 : i32
      %dma_start3A_89 = arith.constant 0 : i32
      %dma_start3A_90 = arith.constant 0 : i32
      %dma_start3A_91 = tpu.memref_slice %arg6[%dma_start3A_88, %dma_start3A_89, %dma_start3A_90] : memref<4x2x128xi32, #tpu.memory_space<vmem>> -> memref<1x2x128xi32, #tpu.memory_space<vmem>>
      %dma_start3A_92 = tpu.memref_squeeze %dma_start3A_91 : memref<1x2x128xi32, #tpu.memory_space<vmem>> -> memref<2x128xi32, #tpu.memory_space<vmem>>
      %dma_start3A_93 = arith.constant 0 : i32
      %dma_start3A_94 = arith.constant 0 : i32
      %dma_start3A_95 = tpu.memref_slice %arg3[%arg1, %dma_start3A, %dma_start3A_93, %dma_start3A_94] : memref<16x64x2x128xi32, #tpu.memory_space<hbm>> -> memref<1x1x2x128xi32, #tpu.memory_space<hbm>>
      %dma_start3A_96 = tpu.memref_squeeze %dma_start3A_95 : memref<1x1x2x128xi32, #tpu.memory_space<hbm>> -> memref<2x128xi32, #tpu.memory_space<hbm>>
      %dma_start3A_97 = arith.constant 0 : i32
      %dma_start3A_98 = arith.constant 0 : i32
      %dma_start3A_99 = tpu.memref_slice %arg6[%dma_start3A_88, %dma_start3A_97, %dma_start3A_98] : memref<4x2x128xi32, #tpu.memory_space<vmem>> -> memref<1x2x128xi32, #tpu.memory_space<vmem>>
      %dma_start3A_100 = tpu.memref_squeeze %dma_start3A_99 : memref<1x2x128xi32, #tpu.memory_space<vmem>> -> memref<2x128xi32, #tpu.memory_space<vmem>>
      %dma_start3A_101 = arith.constant 0 : i32
      %dma_start3A_102 = arith.constant 0 : i32
      %dma_start3A_103 = tpu.memref_slice %arg3[%arg1, %dma_start3A, %dma_start3A_101, %dma_start3A_102] : memref<16x64x2x128xi32, #tpu.memory_space<hbm>> -> memref<1x1x2x128xi32, #tpu.memory_space<hbm>>
      %dma_start3A_104 = tpu.memref_squeeze %dma_start3A_103 : memref<1x1x2x128xi32, #tpu.memory_space<hbm>> -> memref<2x128xi32, #tpu.memory_space<hbm>>
      tpu.enqueue_dma source(%dma_start3A_104 : memref<2x128xi32, #tpu.memory_space<hbm>>) target(%dma_start3A_100 : memref<2x128xi32, #tpu.memory_space<vmem>>) target_semaphore(%arg12 : memref<!tpu.dma_semaphore, #tpu.memory_space<semaphore_mem>>)
      %dma_start3A_105 = arith.constant 1 : i32
      %dma_start3A_106 = arith.constant 1 : i32
      %dma_start3A_107 = arith.constant 0 : i32
      %dma_start3A_108 = arith.constant 0 : i32
      %dma_start3A_109 = tpu.memref_slice %arg6[%dma_start3A_106, %dma_start3A_107, %dma_start3A_108] : memref<4x2x128xi32, #tpu.memory_space<vmem>> -> memref<1x2x128xi32, #tpu.memory_space<vmem>>
      %dma_start3A_110 = tpu.memref_squeeze %dma_start3A_109 : memref<1x2x128xi32, #tpu.memory_space<vmem>> -> memref<2x128xi32, #tpu.memory_space<vmem>>
      %dma_start3A_111 = arith.constant 0 : i32
      %dma_start3A_112 = arith.constant 0 : i32
      %dma_start3A_113 = tpu.memref_slice %arg3[%arg1, %dma_start3A_105, %dma_start3A_111, %dma_start3A_112] : memref<16x64x2x128xi32, #tpu.memory_space<hbm>> -> memref<1x1x2x128xi32, #tpu.memory_space<hbm>>
      %dma_start3A_114 = tpu.memref_squeeze %dma_start3A_113 : memref<1x1x2x128xi32, #tpu.memory_space<hbm>> -> memref<2x128xi32, #tpu.memory_space<hbm>>
      %dma_start3A_115 = arith.constant 0 : i32
      %dma_start3A_116 = arith.constant 0 : i32
      %dma_start3A_117 = tpu.memref_slice %arg6[%dma_start3A_106, %dma_start3A_115, %dma_start3A_116] : memref<4x2x128xi32, #tpu.memory_space<vmem>> -> memref<1x2x128xi32, #tpu.memory_space<vmem>>
      %dma_start3A_118 = tpu.memref_squeeze %dma_start3A_117 : memref<1x2x128xi32, #tpu.memory_space<vmem>> -> memref<2x128xi32, #tpu.memory_space<vmem>>
      %dma_start3A_119 = arith.constant 0 : i32
      %dma_start3A_120 = arith.constant 0 : i32
      %dma_start3A_121 = tpu.memref_slice %arg3[%arg1, %dma_start3A_105, %dma_start3A_119, %dma_start3A_120] : memref<16x64x2x128xi32, #tpu.memory_space<hbm>> -> memref<1x1x2x128xi32, #tpu.memory_space<hbm>>
      %dma_start3A_122 = tpu.memref_squeeze %dma_start3A_121 : memref<1x1x2x128xi32, #tpu.memory_space<hbm>> -> memref<2x128xi32, #tpu.memory_space<hbm>>
      tpu.enqueue_dma source(%dma_start3A_122 : memref<2x128xi32, #tpu.memory_space<hbm>>) target(%dma_start3A_118 : memref<2x128xi32, #tpu.memory_space<vmem>>) target_semaphore(%arg13 : memref<!tpu.dma_semaphore, #tpu.memory_space<semaphore_mem>>)
      %dma_start3A_123 = arith.constant 2 : i32
      %dma_start3A_124 = arith.constant 2 : i32
      %dma_start3A_125 = arith.constant 0 : i32
      %dma_start3A_126 = arith.constant 0 : i32
      %dma_start3A_127 = tpu.memref_slice %arg6[%dma_start3A_124, %dma_start3A_125, %dma_start3A_126] : memref<4x2x128xi32, #tpu.memory_space<vmem>> -> memref<1x2x128xi32, #tpu.memory_space<vmem>>
      %dma_start3A_128 = tpu.memref_squeeze %dma_start3A_127 : memref<1x2x128xi32, #tpu.memory_space<vmem>> -> memref<2x128xi32, #tpu.memory_space<vmem>>
      %dma_start3A_129 = arith.constant 0 : i32
      %dma_start3A_130 = arith.constant 0 : i32
      %dma_start3A_131 = tpu.memref_slice %arg3[%arg1, %dma_start3A_123, %dma_start3A_129, %dma_start3A_130] : memref<16x64x2x128xi32, #tpu.memory_space<hbm>> -> memref<1x1x2x128xi32, #tpu.memory_space<hbm>>
      %dma_start3A_132 = tpu.memref_squeeze %dma_start3A_131 : memref<1x1x2x128xi32, #tpu.memory_space<hbm>> -> memref<2x128xi32, #tpu.memory_space<hbm>>
      %dma_start3A_133 = arith.constant 0 : i32
      %dma_start3A_134 = arith.constant 0 : i32
      %dma_start3A_135 = tpu.memref_slice %arg6[%dma_start3A_124, %dma_start3A_133, %dma_start3A_134] : memref<4x2x128xi32, #tpu.memory_space<vmem>> -> memref<1x2x128xi32, #tpu.memory_space<vmem>>
      %dma_start3A_136 = tpu.memref_squeeze %dma_start3A_135 : memref<1x2x128xi32, #tpu.memory_space<vmem>> -> memref<2x128xi32, #tpu.memory_space<vmem>>
      %dma_start3A_137 = arith.constant 0 : i32
      %dma_start3A_138 = arith.constant 0 : i32
      %dma_start3A_139 = tpu.memref_slice %arg3[%arg1, %dma_start3A_123, %dma_start3A_137, %dma_start3A_138] : memref<16x64x2x128xi32, #tpu.memory_space<hbm>> -> memref<1x1x2x128xi32, #tpu.memory_space<hbm>>
      %dma_start3A_140 = tpu.memref_squeeze %dma_start3A_139 : memref<1x1x2x128xi32, #tpu.memory_space<hbm>> -> memref<2x128xi32, #tpu.memory_space<hbm>>
      tpu.enqueue_dma source(%dma_start3A_140 : memref<2x128xi32, #tpu.memory_space<hbm>>) target(%dma_start3A_136 : memref<2x128xi32, #tpu.memory_space<vmem>>) target_semaphore(%arg14 : memref<!tpu.dma_semaphore, #tpu.memory_space<semaphore_mem>>)
      %dma_start3A_141 = arith.constant 3 : i32
      %dma_start3A_142 = arith.constant 3 : i32
      %dma_start3A_143 = arith.constant 0 : i32
      %dma_start3A_144 = arith.constant 0 : i32
      %dma_start3A_145 = tpu.memref_slice %arg6[%dma_start3A_142, %dma_start3A_143, %dma_start3A_144] : memref<4x2x128xi32, #tpu.memory_space<vmem>> -> memref<1x2x128xi32, #tpu.memory_space<vmem>>
      %dma_start3A_146 = tpu.memref_squeeze %dma_start3A_145 : memref<1x2x128xi32, #tpu.memory_space<vmem>> -> memref<2x128xi32, #tpu.memory_space<vmem>>
      %dma_start3A_147 = arith.constant 0 : i32
      %dma_start3A_148 = arith.constant 0 : i32
      %dma_start3A_149 = tpu.memref_slice %arg3[%arg1, %dma_start3A_141, %dma_start3A_147, %dma_start3A_148] : memref<16x64x2x128xi32, #tpu.memory_space<hbm>> -> memref<1x1x2x128xi32, #tpu.memory_space<hbm>>
      %dma_start3A_150 = tpu.memref_squeeze %dma_start3A_149 : memref<1x1x2x128xi32, #tpu.memory_space<hbm>> -> memref<2x128xi32, #tpu.memory_space<hbm>>
      %dma_start3A_151 = arith.constant 0 : i32
      %dma_start3A_152 = arith.constant 0 : i32
      %dma_start3A_153 = tpu.memref_slice %arg6[%dma_start3A_142, %dma_start3A_151, %dma_start3A_152] : memref<4x2x128xi32, #tpu.memory_space<vmem>> -> memref<1x2x128xi32, #tpu.memory_space<vmem>>
      %dma_start3A_154 = tpu.memref_squeeze %dma_start3A_153 : memref<1x2x128xi32, #tpu.memory_space<vmem>> -> memref<2x128xi32, #tpu.memory_space<vmem>>
      %dma_start3A_155 = arith.constant 0 : i32
      %dma_start3A_156 = arith.constant 0 : i32
      %dma_start3A_157 = tpu.memref_slice %arg3[%arg1, %dma_start3A_141, %dma_start3A_155, %dma_start3A_156] : memref<16x64x2x128xi32, #tpu.memory_space<hbm>> -> memref<1x1x2x128xi32, #tpu.memory_space<hbm>>
      %dma_start3A_158 = tpu.memref_squeeze %dma_start3A_157 : memref<1x1x2x128xi32, #tpu.memory_space<hbm>> -> memref<2x128xi32, #tpu.memory_space<hbm>>
      tpu.enqueue_dma source(%dma_start3A_158 : memref<2x128xi32, #tpu.memory_space<hbm>>) target(%dma_start3A_154 : memref<2x128xi32, #tpu.memory_space<vmem>>) target_semaphore(%arg15 : memref<!tpu.dma_semaphore, #tpu.memory_space<semaphore_mem>>)
      %dma_wait3A = arith.constant 0 : i32
      %dma_wait3A_159 = arith.constant 0 : i32
      %dma_wait3A_160 = arith.constant 0 : i32
      %dma_wait3A_161 = arith.constant 0 : i32
      %dma_wait3A_162 = tpu.memref_slice %arg6[%dma_wait3A_159, %dma_wait3A_160, %dma_wait3A_161] : memref<4x2x128xi32, #tpu.memory_space<vmem>> -> memref<1x2x128xi32, #tpu.memory_space<vmem>>
      %dma_wait3A_163 = tpu.memref_squeeze %dma_wait3A_162 : memref<1x2x128xi32, #tpu.memory_space<vmem>> -> memref<2x128xi32, #tpu.memory_space<vmem>>
      %dma_wait3A_164 = arith.constant 0 : i32
      %dma_wait3A_165 = arith.constant 0 : i32
      %dma_wait3A_166 = tpu.memref_slice %arg3[%arg1, %dma_wait3A, %dma_wait3A_164, %dma_wait3A_165] : memref<16x64x2x128xi32, #tpu.memory_space<hbm>> -> memref<1x1x2x128xi32, #tpu.memory_space<hbm>>
      %dma_wait3A_167 = tpu.memref_squeeze %dma_wait3A_166 : memref<1x1x2x128xi32, #tpu.memory_space<hbm>> -> memref<2x128xi32, #tpu.memory_space<hbm>>
      %dma_wait3A_168 = arith.constant 0 : i32
      %dma_wait3A_169 = arith.constant 0 : i32
      %dma_wait3A_170 = tpu.memref_slice %arg6[%dma_wait3A_159, %dma_wait3A_168, %dma_wait3A_169] : memref<4x2x128xi32, #tpu.memory_space<vmem>> -> memref<1x2x128xi32, #tpu.memory_space<vmem>>
      %dma_wait3A_171 = tpu.memref_squeeze %dma_wait3A_170 : memref<1x2x128xi32, #tpu.memory_space<vmem>> -> memref<2x128xi32, #tpu.memory_space<vmem>>
      %dma_wait3A_172 = arith.constant 0 : i32
      %dma_wait3A_173 = arith.constant 0 : i32
      %dma_wait3A_174 = tpu.memref_slice %arg3[%arg1, %dma_wait3A, %dma_wait3A_172, %dma_wait3A_173] : memref<16x64x2x128xi32, #tpu.memory_space<hbm>> -> memref<1x1x2x128xi32, #tpu.memory_space<hbm>>
      %dma_wait3A_175 = tpu.memref_squeeze %dma_wait3A_174 : memref<1x1x2x128xi32, #tpu.memory_space<hbm>> -> memref<2x128xi32, #tpu.memory_space<hbm>>
      tpu.wait_dma2 semaphore(%arg12 : memref<!tpu.dma_semaphore, #tpu.memory_space<semaphore_mem>>) src(%dma_wait3A_175 : memref<2x128xi32, #tpu.memory_space<hbm>>) dst(%dma_wait3A_171 : memref<2x128xi32, #tpu.memory_space<vmem>>)
      %dma_start3A_176 = arith.constant 0 : i32
      %dma_start3A_177 = arith.constant 0 : i32
      %dma_start3A_178 = arith.constant 0 : i32
      %dma_start3A_179 = tpu.memref_slice %arg6[%dma_start3A_176, %dma_start3A_177, %dma_start3A_178] : memref<4x2x128xi32, #tpu.memory_space<vmem>> -> memref<1x1x128xi32, #tpu.memory_space<vmem>>
      %dma_start3A_180 = tpu.memref_squeeze %dma_start3A_179 : memref<1x1x128xi32, #tpu.memory_space<vmem>> -> memref<128xi32, #tpu.memory_space<vmem>>
      %dma_start3A_181 = arith.constant 0 : i32
      %dma_start3A_182 = arith.constant 0 : i32
      %dma_start3A_183 = tpu.memref_slice %arg2[%dma_start3A_181, %dma_start3A_182] : memref<10000x128xf32, #tpu.memory_space<hbm>> -> memref<10000x128xf32, #tpu.memory_space<hbm>>
      tpu.enqueue_indirect_dma source(%dma_start3A_183 : memref<10000x128xf32, #tpu.memory_space<hbm>>) target(%arg7 : memref<128x128xf32, #tpu.memory_space<vmem>>) offsets(%dma_start3A_180 : memref<128xi32, #tpu.memory_space<vmem>>) semaphore(%arg16 : memref<!tpu.dma_semaphore, #tpu.memory_space<semaphore_mem>>)
      %dma_wait3A_184 = arith.constant 1 : i32
      %dma_wait3A_185 = arith.constant 1 : i32
      %dma_wait3A_186 = arith.constant 0 : i32
      %dma_wait3A_187 = arith.constant 0 : i32
      %dma_wait3A_188 = tpu.memref_slice %arg6[%dma_wait3A_185, %dma_wait3A_186, %dma_wait3A_187] : memref<4x2x128xi32, #tpu.memory_space<vmem>> -> memref<1x2x128xi32, #tpu.memory_space<vmem>>
      %dma_wait3A_189 = tpu.memref_squeeze %dma_wait3A_188 : memref<1x2x128xi32, #tpu.memory_space<vmem>> -> memref<2x128xi32, #tpu.memory_space<vmem>>
      %dma_wait3A_190 = arith.constant 0 : i32
      %dma_wait3A_191 = arith.constant 0 : i32
      %dma_wait3A_192 = tpu.memref_slice %arg3[%arg1, %dma_wait3A_184, %dma_wait3A_190, %dma_wait3A_191] : memref<16x64x2x128xi32, #tpu.memory_space<hbm>> -> memref<1x1x2x128xi32, #tpu.memory_space<hbm>>
      %dma_wait3A_193 = tpu.memref_squeeze %dma_wait3A_192 : memref<1x1x2x128xi32, #tpu.memory_space<hbm>> -> memref<2x128xi32, #tpu.memory_space<hbm>>
      %dma_wait3A_194 = arith.constant 0 : i32
      %dma_wait3A_195 = arith.constant 0 : i32
      %dma_wait3A_196 = tpu.memref_slice %arg6[%dma_wait3A_185, %dma_wait3A_194, %dma_wait3A_195] : memref<4x2x128xi32, #tpu.memory_space<vmem>> -> memref<1x2x128xi32, #tpu.memory_space<vmem>>
      %dma_wait3A_197 = tpu.memref_squeeze %dma_wait3A_196 : memref<1x2x128xi32, #tpu.memory_space<vmem>> -> memref<2x128xi32, #tpu.memory_space<vmem>>
      %dma_wait3A_198 = arith.constant 0 : i32
      %dma_wait3A_199 = arith.constant 0 : i32
      %dma_wait3A_200 = tpu.memref_slice %arg3[%arg1, %dma_wait3A_184, %dma_wait3A_198, %dma_wait3A_199] : memref<16x64x2x128xi32, #tpu.memory_space<hbm>> -> memref<1x1x2x128xi32, #tpu.memory_space<hbm>>
      %dma_wait3A_201 = tpu.memref_squeeze %dma_wait3A_200 : memref<1x1x2x128xi32, #tpu.memory_space<hbm>> -> memref<2x128xi32, #tpu.memory_space<hbm>>
      tpu.wait_dma2 semaphore(%arg13 : memref<!tpu.dma_semaphore, #tpu.memory_space<semaphore_mem>>) src(%dma_wait3A_201 : memref<2x128xi32, #tpu.memory_space<hbm>>) dst(%dma_wait3A_197 : memref<2x128xi32, #tpu.memory_space<vmem>>)
      %dma_start3A_202 = arith.constant 1 : i32
      %dma_start3A_203 = arith.constant 0 : i32
      %dma_start3A_204 = arith.constant 0 : i32
      %dma_start3A_205 = tpu.memref_slice %arg6[%dma_start3A_202, %dma_start3A_203, %dma_start3A_204] : memref<4x2x128xi32, #tpu.memory_space<vmem>> -> memref<1x1x128xi32, #tpu.memory_space<vmem>>
      %dma_start3A_206 = tpu.memref_squeeze %dma_start3A_205 : memref<1x1x128xi32, #tpu.memory_space<vmem>> -> memref<128xi32, #tpu.memory_space<vmem>>
      %dma_start3A_207 = arith.constant 0 : i32
      %dma_start3A_208 = arith.constant 0 : i32
      %dma_start3A_209 = tpu.memref_slice %arg2[%dma_start3A_207, %dma_start3A_208] : memref<10000x128xf32, #tpu.memory_space<hbm>> -> memref<10000x128xf32, #tpu.memory_space<hbm>>
      tpu.enqueue_indirect_dma source(%dma_start3A_209 : memref<10000x128xf32, #tpu.memory_space<hbm>>) target(%arg8 : memref<128x128xf32, #tpu.memory_space<vmem>>) offsets(%dma_start3A_206 : memref<128xi32, #tpu.memory_space<vmem>>) semaphore(%arg17 : memref<!tpu.dma_semaphore, #tpu.memory_space<semaphore_mem>>)
      %scan3A_210 = arith.constant 0 : i32
      %scan3A_211 = arith.constant 0 : i32
      %scan3A_212 = arith.constant 16 : i32
      %scan3A_213 = arith.addi %scan3A_211, %scan3A_212 : i32
      %scan3A_214 = arith.constant 1 : i32
      scf.for %scan3A_217 = %scan3A_211 to %scan3A_213 step %scan3A_214  : i32 {
        %mul3A_218 = arith.constant 4 : i32
        %mul3A_219 = arith.muli %mul3A_218, %scan3A_217 : i32
        %dma_wait3A_220 = arith.constant 0 : i32
        %dma_wait3A_221 = arith.constant 0 : i32
        %dma_wait3A_222 = arith.constant 0 : i32
        %dma_wait3A_223 = tpu.memref_slice %arg6[%dma_wait3A_220, %dma_wait3A_221, %dma_wait3A_222] : memref<4x2x128xi32, #tpu.memory_space<vmem>> -> memref<1x1x128xi32, #tpu.memory_space<vmem>>
        %dma_wait3A_224 = tpu.memref_squeeze %dma_wait3A_223 : memref<1x1x128xi32, #tpu.memory_space<vmem>> -> memref<128xi32, #tpu.memory_space<vmem>>
        %dma_wait3A_225 = arith.constant 0 : i32
        %dma_wait3A_226 = arith.constant 0 : i32
        %dma_wait3A_227 = tpu.memref_slice %arg2[%dma_wait3A_225, %dma_wait3A_226] : memref<10000x128xf32, #tpu.memory_space<hbm>> -> memref<10000x128xf32, #tpu.memory_space<hbm>>
        tpu.wait_indirect_dma semaphore(%arg16 : memref<!tpu.dma_semaphore, #tpu.memory_space<semaphore_mem>>) src(%dma_wait3A_227 : memref<10000x128xf32, #tpu.memory_space<hbm>>) dst(%arg7 : memref<128x128xf32, #tpu.memory_space<vmem>>)
        %run_scoped3A_228 = arith.constant 0 : i32
        %run_scoped3A_229 = arith.constant 1 : i32
        "tpu.region"() ({
          %run_scoped3A_321 = tpu.sem_alloc : memref<!tpu.dma_semaphore, #tpu.memory_space<semaphore_mem>>
          %dma_start3A_322 = arith.constant 0 : i32
          %dma_start3A_323 = tpu.memref_slice %arg6[%run_scoped3A_228, %run_scoped3A_229, %dma_start3A_322] : memref<4x2x128xi32, #tpu.memory_space<vmem>> -> memref<1x1x128xi32, #tpu.memory_space<vmem>>
          %dma_start3A_324 = tpu.memref_squeeze %dma_start3A_323 : memref<1x1x128xi32, #tpu.memory_space<vmem>> -> memref<128xi32, #tpu.memory_space<vmem>>
          %dma_start3A_325 = arith.constant 0 : i32
          %dma_start3A_326 = arith.constant 0 : i32
          %dma_start3A_327 = tpu.memref_slice %arg11[%dma_start3A_325, %dma_start3A_326] : memref<10240x128xf32, #tpu.memory_space<vmem_shared>> -> memref<10240x128xf32, #tpu.memory_space<vmem_shared>>
          tpu.enqueue_indirect_dma source(%arg7 : memref<128x128xf32, #tpu.memory_space<vmem>>) target(%dma_start3A_327 : memref<10240x128xf32, #tpu.memory_space<vmem_shared>>) offsets(%dma_start3A_324 : memref<128xi32, #tpu.memory_space<vmem>>) semaphore(%run_scoped3A_321 : memref<!tpu.dma_semaphore, #tpu.memory_space<semaphore_mem>>) {add = true}
          %dma_wait3A_328 = arith.constant 0 : i32
          %dma_wait3A_329 = tpu.memref_slice %arg6[%run_scoped3A_228, %run_scoped3A_229, %dma_wait3A_328] : memref<4x2x128xi32, #tpu.memory_space<vmem>> -> memref<1x1x128xi32, #tpu.memory_space<vmem>>
          %dma_wait3A_330 = tpu.memref_squeeze %dma_wait3A_329 : memref<1x1x128xi32, #tpu.memory_space<vmem>> -> memref<128xi32, #tpu.memory_space<vmem>>
          %dma_wait3A_331 = arith.constant 0 : i32
          %dma_wait3A_332 = arith.constant 0 : i32
          %dma_wait3A_333 = tpu.memref_slice %arg11[%dma_wait3A_331, %dma_wait3A_332] : memref<10240x128xf32, #tpu.memory_space<vmem_shared>> -> memref<10240x128xf32, #tpu.memory_space<vmem_shared>>
          tpu.wait_indirect_dma semaphore(%run_scoped3A_321 : memref<!tpu.dma_semaphore, #tpu.memory_space<semaphore_mem>>) src(%arg7 : memref<128x128xf32, #tpu.memory_space<vmem>>) dst(%dma_wait3A_333 : memref<10240x128xf32, #tpu.memory_space<vmem_shared>>)
          tpu.yield
        }) : () -> ()
        %add3A_230 = arith.constant 4 : i32
        %add3A_231 = arith.addi %mul3A_219, %add3A_230 : i32
        %lt3A = arith.constant 64 : i32
        %lt3A_232 = arith.cmpi slt, %add3A_231, %lt3A : i32
        %convert_element_type3A_233 = arith.extui %lt3A_232 : i1 to i32
        %cond3A_234 = arith.constant 0 : i32
        %cond3A_235 = arith.cmpi ne, %convert_element_type3A_233, %cond3A_234 : i32
        scf.if %cond3A_235 {
          %add3A_321 = arith.constant 4 : i32
          %add3A_322 = arith.addi %mul3A_219, %add3A_321 : i32
          %dma_start3A_323 = arith.constant 0 : i32
          %dma_start3A_324 = arith.constant 0 : i32
          %dma_start3A_325 = arith.constant 0 : i32
          %dma_start3A_326 = tpu.memref_slice %arg6[%dma_start3A_323, %dma_start3A_324, %dma_start3A_325] : memref<4x2x128xi32, #tpu.memory_space<vmem>> -> memref<1x2x128xi32, #tpu.memory_space<vmem>>
          %dma_start3A_327 = tpu.memref_squeeze %dma_start3A_326 : memref<1x2x128xi32, #tpu.memory_space<vmem>> -> memref<2x128xi32, #tpu.memory_space<vmem>>
          %dma_start3A_328 = arith.constant 0 : i32
          %dma_start3A_329 = arith.constant 0 : i32
          %dma_start3A_330 = tpu.memref_slice %arg3[%arg1, %add3A_322, %dma_start3A_328, %dma_start3A_329] : memref<16x64x2x128xi32, #tpu.memory_space<hbm>> -> memref<1x1x2x128xi32, #tpu.memory_space<hbm>>
          %dma_start3A_331 = tpu.memref_squeeze %dma_start3A_330 : memref<1x1x2x128xi32, #tpu.memory_space<hbm>> -> memref<2x128xi32, #tpu.memory_space<hbm>>
          %dma_start3A_332 = arith.constant 0 : i32
          %dma_start3A_333 = arith.constant 0 : i32
          %dma_start3A_334 = tpu.memref_slice %arg6[%dma_start3A_323, %dma_start3A_332, %dma_start3A_333] : memref<4x2x128xi32, #tpu.memory_space<vmem>> -> memref<1x2x128xi32, #tpu.memory_space<vmem>>
          %dma_start3A_335 = tpu.memref_squeeze %dma_start3A_334 : memref<1x2x128xi32, #tpu.memory_space<vmem>> -> memref<2x128xi32, #tpu.memory_space<vmem>>
          %dma_start3A_336 = arith.constant 0 : i32
          %dma_start3A_337 = arith.constant 0 : i32
          %dma_start3A_338 = tpu.memref_slice %arg3[%arg1, %add3A_322, %dma_start3A_336, %dma_start3A_337] : memref<16x64x2x128xi32, #tpu.memory_space<hbm>> -> memref<1x1x2x128xi32, #tpu.memory_space<hbm>>
          %dma_start3A_339 = tpu.memref_squeeze %dma_start3A_338 : memref<1x1x2x128xi32, #tpu.memory_space<hbm>> -> memref<2x128xi32, #tpu.memory_space<hbm>>
          tpu.enqueue_dma source(%dma_start3A_339 : memref<2x128xi32, #tpu.memory_space<hbm>>) target(%dma_start3A_335 : memref<2x128xi32, #tpu.memory_space<vmem>>) target_semaphore(%arg12 : memref<!tpu.dma_semaphore, #tpu.memory_space<semaphore_mem>>)
        } else {
        }
        %add3A_236 = arith.constant 2 : i32
        %add3A_237 = arith.addi %mul3A_219, %add3A_236 : i32
        %lt3A_238 = arith.constant 64 : i32
        %lt3A_239 = arith.cmpi slt, %add3A_237, %lt3A_238 : i32
        %convert_element_type3A_240 = arith.extui %lt3A_239 : i1 to i32
        %cond3A_241 = arith.constant 0 : i32
        %cond3A_242 = arith.cmpi ne, %convert_element_type3A_240, %cond3A_241 : i32
        scf.if %cond3A_242 {
          %add3A_321 = arith.constant 2 : i32
          %add3A_322 = arith.addi %mul3A_219, %add3A_321 : i32
          %dma_wait3A_323 = arith.constant 2 : i32
          %dma_wait3A_324 = arith.constant 0 : i32
          %dma_wait3A_325 = arith.constant 0 : i32
          %dma_wait3A_326 = tpu.memref_slice %arg6[%dma_wait3A_323, %dma_wait3A_324, %dma_wait3A_325] : memref<4x2x128xi32, #tpu.memory_space<vmem>> -> memref<1x2x128xi32, #tpu.memory_space<vmem>>
          %dma_wait3A_327 = tpu.memref_squeeze %dma_wait3A_326 : memref<1x2x128xi32, #tpu.memory_space<vmem>> -> memref<2x128xi32, #tpu.memory_space<vmem>>
          %dma_wait3A_328 = arith.constant 0 : i32
          %dma_wait3A_329 = arith.constant 0 : i32
          %dma_wait3A_330 = tpu.memref_slice %arg3[%arg1, %add3A_322, %dma_wait3A_328, %dma_wait3A_329] : memref<16x64x2x128xi32, #tpu.memory_space<hbm>> -> memref<1x1x2x128xi32, #tpu.memory_space<hbm>>
          %dma_wait3A_331 = tpu.memref_squeeze %dma_wait3A_330 : memref<1x1x2x128xi32, #tpu.memory_space<hbm>> -> memref<2x128xi32, #tpu.memory_space<hbm>>
          %dma_wait3A_332 = arith.constant 0 : i32
          %dma_wait3A_333 = arith.constant 0 : i32
          %dma_wait3A_334 = tpu.memref_slice %arg6[%dma_wait3A_323, %dma_wait3A_332, %dma_wait3A_333] : memref<4x2x128xi32, #tpu.memory_space<vmem>> -> memref<1x2x128xi32, #tpu.memory_space<vmem>>
          %dma_wait3A_335 = tpu.memref_squeeze %dma_wait3A_334 : memref<1x2x128xi32, #tpu.memory_space<vmem>> -> memref<2x128xi32, #tpu.memory_space<vmem>>
          %dma_wait3A_336 = arith.constant 0 : i32
          %dma_wait3A_337 = arith.constant 0 : i32
          %dma_wait3A_338 = tpu.memref_slice %arg3[%arg1, %add3A_322, %dma_wait3A_336, %dma_wait3A_337] : memref<16x64x2x128xi32, #tpu.memory_space<hbm>> -> memref<1x1x2x128xi32, #tpu.memory_space<hbm>>
          %dma_wait3A_339 = tpu.memref_squeeze %dma_wait3A_338 : memref<1x1x2x128xi32, #tpu.memory_space<hbm>> -> memref<2x128xi32, #tpu.memory_space<hbm>>
          tpu.wait_dma2 semaphore(%arg14 : memref<!tpu.dma_semaphore, #tpu.memory_space<semaphore_mem>>) src(%dma_wait3A_339 : memref<2x128xi32, #tpu.memory_space<hbm>>) dst(%dma_wait3A_335 : memref<2x128xi32, #tpu.memory_space<vmem>>)
          %dma_start3A_340 = arith.constant 2 : i32
          %dma_start3A_341 = arith.constant 0 : i32
          %dma_start3A_342 = arith.constant 0 : i32
          %dma_start3A_343 = tpu.memref_slice %arg6[%dma_start3A_340, %dma_start3A_341, %dma_start3A_342] : memref<4x2x128xi32, #tpu.memory_space<vmem>> -> memref<1x1x128xi32, #tpu.memory_space<vmem>>
          %dma_start3A_344 = tpu.memref_squeeze %dma_start3A_343 : memref<1x1x128xi32, #tpu.memory_space<vmem>> -> memref<128xi32, #tpu.memory_space<vmem>>
          %dma_start3A_345 = arith.constant 0 : i32
          %dma_start3A_346 = arith.constant 0 : i32
          %dma_start3A_347 = tpu.memref_slice %arg2[%dma_start3A_345, %dma_start3A_346] : memref<10000x128xf32, #tpu.memory_space<hbm>> -> memref<10000x128xf32, #tpu.memory_space<hbm>>
          tpu.enqueue_indirect_dma source(%dma_start3A_347 : memref<10000x128xf32, #tpu.memory_space<hbm>>) target(%arg7 : memref<128x128xf32, #tpu.memory_space<vmem>>) offsets(%dma_start3A_344 : memref<128xi32, #tpu.memory_space<vmem>>) semaphore(%arg16 : memref<!tpu.dma_semaphore, #tpu.memory_space<semaphore_mem>>)
        } else {
        }
        %add3A_243 = arith.constant 1 : i32
        %add3A_244 = arith.addi %mul3A_219, %add3A_243 : i32
        %dma_wait3A_245 = arith.constant 1 : i32
        %dma_wait3A_246 = arith.constant 0 : i32
        %dma_wait3A_247 = arith.constant 0 : i32
        %dma_wait3A_248 = tpu.memref_slice %arg6[%dma_wait3A_245, %dma_wait3A_246, %dma_wait3A_247] : memref<4x2x128xi32, #tpu.memory_space<vmem>> -> memref<1x1x128xi32, #tpu.memory_space<vmem>>
        %dma_wait3A_249 = tpu.memref_squeeze %dma_wait3A_248 : memref<1x1x128xi32, #tpu.memory_space<vmem>> -> memref<128xi32, #tpu.memory_space<vmem>>
        %dma_wait3A_250 = arith.constant 0 : i32
        %dma_wait3A_251 = arith.constant 0 : i32
        %dma_wait3A_252 = tpu.memref_slice %arg2[%dma_wait3A_250, %dma_wait3A_251] : memref<10000x128xf32, #tpu.memory_space<hbm>> -> memref<10000x128xf32, #tpu.memory_space<hbm>>
        tpu.wait_indirect_dma semaphore(%arg17 : memref<!tpu.dma_semaphore, #tpu.memory_space<semaphore_mem>>) src(%dma_wait3A_252 : memref<10000x128xf32, #tpu.memory_space<hbm>>) dst(%arg8 : memref<128x128xf32, #tpu.memory_space<vmem>>)
        %run_scoped3A_253 = arith.constant 1 : i32
        %run_scoped3A_254 = arith.constant 1 : i32
        "tpu.region"() ({
          %run_scoped3A_321 = tpu.sem_alloc : memref<!tpu.dma_semaphore, #tpu.memory_space<semaphore_mem>>
          %dma_start3A_322 = arith.constant 0 : i32
          %dma_start3A_323 = tpu.memref_slice %arg6[%run_scoped3A_253, %run_scoped3A_254, %dma_start3A_322] : memref<4x2x128xi32, #tpu.memory_space<vmem>> -> memref<1x1x128xi32, #tpu.memory_space<vmem>>
          %dma_start3A_324 = tpu.memref_squeeze %dma_start3A_323 : memref<1x1x128xi32, #tpu.memory_space<vmem>> -> memref<128xi32, #tpu.memory_space<vmem>>
          %dma_start3A_325 = arith.constant 0 : i32
          %dma_start3A_326 = arith.constant 0 : i32
          %dma_start3A_327 = tpu.memref_slice %arg11[%dma_start3A_325, %dma_start3A_326] : memref<10240x128xf32, #tpu.memory_space<vmem_shared>> -> memref<10240x128xf32, #tpu.memory_space<vmem_shared>>
          tpu.enqueue_indirect_dma source(%arg8 : memref<128x128xf32, #tpu.memory_space<vmem>>) target(%dma_start3A_327 : memref<10240x128xf32, #tpu.memory_space<vmem_shared>>) offsets(%dma_start3A_324 : memref<128xi32, #tpu.memory_space<vmem>>) semaphore(%run_scoped3A_321 : memref<!tpu.dma_semaphore, #tpu.memory_space<semaphore_mem>>) {add = true}
          %dma_wait3A_328 = arith.constant 0 : i32
          %dma_wait3A_329 = tpu.memref_slice %arg6[%run_scoped3A_253, %run_scoped3A_254, %dma_wait3A_328] : memref<4x2x128xi32, #tpu.memory_space<vmem>> -> memref<1x1x128xi32, #tpu.memory_space<vmem>>
          %dma_wait3A_330 = tpu.memref_squeeze %dma_wait3A_329 : memref<1x1x128xi32, #tpu.memory_space<vmem>> -> memref<128xi32, #tpu.memory_space<vmem>>
          %dma_wait3A_331 = arith.constant 0 : i32
          %dma_wait3A_332 = arith.constant 0 : i32
          %dma_wait3A_333 = tpu.memref_slice %arg11[%dma_wait3A_331, %dma_wait3A_332] : memref<10240x128xf32, #tpu.memory_space<vmem_shared>> -> memref<10240x128xf32, #tpu.memory_space<vmem_shared>>
          tpu.wait_indirect_dma semaphore(%run_scoped3A_321 : memref<!tpu.dma_semaphore, #tpu.memory_space<semaphore_mem>>) src(%arg8 : memref<128x128xf32, #tpu.memory_space<vmem>>) dst(%dma_wait3A_333 : memref<10240x128xf32, #tpu.memory_space<vmem_shared>>)
          tpu.yield
        }) : () -> ()
        %add3A_255 = arith.constant 4 : i32
        %add3A_256 = arith.addi %add3A_244, %add3A_255 : i32
        %lt3A_257 = arith.constant 64 : i32
        %lt3A_258 = arith.cmpi slt, %add3A_256, %lt3A_257 : i32
        %convert_element_type3A_259 = arith.extui %lt3A_258 : i1 to i32
        %cond3A_260 = arith.constant 0 : i32
        %cond3A_261 = arith.cmpi ne, %convert_element_type3A_259, %cond3A_260 : i32
        scf.if %cond3A_261 {
          %add3A_321 = arith.constant 4 : i32
          %add3A_322 = arith.addi %add3A_244, %add3A_321 : i32
          %dma_start3A_323 = arith.constant 1 : i32
          %dma_start3A_324 = arith.constant 0 : i32
          %dma_start3A_325 = arith.constant 0 : i32
          %dma_start3A_326 = tpu.memref_slice %arg6[%dma_start3A_323, %dma_start3A_324, %dma_start3A_325] : memref<4x2x128xi32, #tpu.memory_space<vmem>> -> memref<1x2x128xi32, #tpu.memory_space<vmem>>
          %dma_start3A_327 = tpu.memref_squeeze %dma_start3A_326 : memref<1x2x128xi32, #tpu.memory_space<vmem>> -> memref<2x128xi32, #tpu.memory_space<vmem>>
          %dma_start3A_328 = arith.constant 0 : i32
          %dma_start3A_329 = arith.constant 0 : i32
          %dma_start3A_330 = tpu.memref_slice %arg3[%arg1, %add3A_322, %dma_start3A_328, %dma_start3A_329] : memref<16x64x2x128xi32, #tpu.memory_space<hbm>> -> memref<1x1x2x128xi32, #tpu.memory_space<hbm>>
          %dma_start3A_331 = tpu.memref_squeeze %dma_start3A_330 : memref<1x1x2x128xi32, #tpu.memory_space<hbm>> -> memref<2x128xi32, #tpu.memory_space<hbm>>
          %dma_start3A_332 = arith.constant 0 : i32
          %dma_start3A_333 = arith.constant 0 : i32
          %dma_start3A_334 = tpu.memref_slice %arg6[%dma_start3A_323, %dma_start3A_332, %dma_start3A_333] : memref<4x2x128xi32, #tpu.memory_space<vmem>> -> memref<1x2x128xi32, #tpu.memory_space<vmem>>
          %dma_start3A_335 = tpu.memref_squeeze %dma_start3A_334 : memref<1x2x128xi32, #tpu.memory_space<vmem>> -> memref<2x128xi32, #tpu.memory_space<vmem>>
          %dma_start3A_336 = arith.constant 0 : i32
          %dma_start3A_337 = arith.constant 0 : i32
          %dma_start3A_338 = tpu.memref_slice %arg3[%arg1, %add3A_322, %dma_start3A_336, %dma_start3A_337] : memref<16x64x2x128xi32, #tpu.memory_space<hbm>> -> memref<1x1x2x128xi32, #tpu.memory_space<hbm>>
          %dma_start3A_339 = tpu.memref_squeeze %dma_start3A_338 : memref<1x1x2x128xi32, #tpu.memory_space<hbm>> -> memref<2x128xi32, #tpu.memory_space<hbm>>
          tpu.enqueue_dma source(%dma_start3A_339 : memref<2x128xi32, #tpu.memory_space<hbm>>) target(%dma_start3A_335 : memref<2x128xi32, #tpu.memory_space<vmem>>) target_semaphore(%arg13 : memref<!tpu.dma_semaphore, #tpu.memory_space<semaphore_mem>>)
        } else {
        }
        %add3A_262 = arith.constant 2 : i32
        %add3A_263 = arith.addi %add3A_244, %add3A_262 : i32
        %lt3A_264 = arith.constant 64 : i32
        %lt3A_265 = arith.cmpi slt, %add3A_263, %lt3A_264 : i32
        %convert_element_type3A_266 = arith.extui %lt3A_265 : i1 to i32
        %cond3A_267 = arith.constant 0 : i32
        %cond3A_268 = arith.cmpi ne, %convert_element_type3A_266, %cond3A_267 : i32
        scf.if %cond3A_268 {
          %add3A_321 = arith.constant 2 : i32
          %add3A_322 = arith.addi %add3A_244, %add3A_321 : i32
          %dma_wait3A_323 = arith.constant 3 : i32
          %dma_wait3A_324 = arith.constant 0 : i32
          %dma_wait3A_325 = arith.constant 0 : i32
          %dma_wait3A_326 = tpu.memref_slice %arg6[%dma_wait3A_323, %dma_wait3A_324, %dma_wait3A_325] : memref<4x2x128xi32, #tpu.memory_space<vmem>> -> memref<1x2x128xi32, #tpu.memory_space<vmem>>
          %dma_wait3A_327 = tpu.memref_squeeze %dma_wait3A_326 : memref<1x2x128xi32, #tpu.memory_space<vmem>> -> memref<2x128xi32, #tpu.memory_space<vmem>>
          %dma_wait3A_328 = arith.constant 0 : i32
          %dma_wait3A_329 = arith.constant 0 : i32
          %dma_wait3A_330 = tpu.memref_slice %arg3[%arg1, %add3A_322, %dma_wait3A_328, %dma_wait3A_329] : memref<16x64x2x128xi32, #tpu.memory_space<hbm>> -> memref<1x1x2x128xi32, #tpu.memory_space<hbm>>
          %dma_wait3A_331 = tpu.memref_squeeze %dma_wait3A_330 : memref<1x1x2x128xi32, #tpu.memory_space<hbm>> -> memref<2x128xi32, #tpu.memory_space<hbm>>
          %dma_wait3A_332 = arith.constant 0 : i32
          %dma_wait3A_333 = arith.constant 0 : i32
          %dma_wait3A_334 = tpu.memref_slice %arg6[%dma_wait3A_323, %dma_wait3A_332, %dma_wait3A_333] : memref<4x2x128xi32, #tpu.memory_space<vmem>> -> memref<1x2x128xi32, #tpu.memory_space<vmem>>
          %dma_wait3A_335 = tpu.memref_squeeze %dma_wait3A_334 : memref<1x2x128xi32, #tpu.memory_space<vmem>> -> memref<2x128xi32, #tpu.memory_space<vmem>>
          %dma_wait3A_336 = arith.constant 0 : i32
          %dma_wait3A_337 = arith.constant 0 : i32
          %dma_wait3A_338 = tpu.memref_slice %arg3[%arg1, %add3A_322, %dma_wait3A_336, %dma_wait3A_337] : memref<16x64x2x128xi32, #tpu.memory_space<hbm>> -> memref<1x1x2x128xi32, #tpu.memory_space<hbm>>
          %dma_wait3A_339 = tpu.memref_squeeze %dma_wait3A_338 : memref<1x1x2x128xi32, #tpu.memory_space<hbm>> -> memref<2x128xi32, #tpu.memory_space<hbm>>
          tpu.wait_dma2 semaphore(%arg15 : memref<!tpu.dma_semaphore, #tpu.memory_space<semaphore_mem>>) src(%dma_wait3A_339 : memref<2x128xi32, #tpu.memory_space<hbm>>) dst(%dma_wait3A_335 : memref<2x128xi32, #tpu.memory_space<vmem>>)
          %dma_start3A_340 = arith.constant 3 : i32
          %dma_start3A_341 = arith.constant 0 : i32
          %dma_start3A_342 = arith.constant 0 : i32
          %dma_start3A_343 = tpu.memref_slice %arg6[%dma_start3A_340, %dma_start3A_341, %dma_start3A_342] : memref<4x2x128xi32, #tpu.memory_space<vmem>> -> memref<1x1x128xi32, #tpu.memory_space<vmem>>
          %dma_start3A_344 = tpu.memref_squeeze %dma_start3A_343 : memref<1x1x128xi32, #tpu.memory_space<vmem>> -> memref<128xi32, #tpu.memory_space<vmem>>
          %dma_start3A_345 = arith.constant 0 : i32
          %dma_start3A_346 = arith.constant 0 : i32
          %dma_start3A_347 = tpu.memref_slice %arg2[%dma_start3A_345, %dma_start3A_346] : memref<10000x128xf32, #tpu.memory_space<hbm>> -> memref<10000x128xf32, #tpu.memory_space<hbm>>
          tpu.enqueue_indirect_dma source(%dma_start3A_347 : memref<10000x128xf32, #tpu.memory_space<hbm>>) target(%arg8 : memref<128x128xf32, #tpu.memory_space<vmem>>) offsets(%dma_start3A_344 : memref<128xi32, #tpu.memory_space<vmem>>) semaphore(%arg17 : memref<!tpu.dma_semaphore, #tpu.memory_space<semaphore_mem>>)
        } else {
        }
        %add3A_269 = arith.constant 2 : i32
        %add3A_270 = arith.addi %mul3A_219, %add3A_269 : i32
        %dma_wait3A_271 = arith.constant 2 : i32
        %dma_wait3A_272 = arith.constant 0 : i32
        %dma_wait3A_273 = arith.constant 0 : i32
        %dma_wait3A_274 = tpu.memref_slice %arg6[%dma_wait3A_271, %dma_wait3A_272, %dma_wait3A_273] : memref<4x2x128xi32, #tpu.memory_space<vmem>> -> memref<1x1x128xi32, #tpu.memory_space<vmem>>
        %dma_wait3A_275 = tpu.memref_squeeze %dma_wait3A_274 : memref<1x1x128xi32, #tpu.memory_space<vmem>> -> memref<128xi32, #tpu.memory_space<vmem>>
        %dma_wait3A_276 = arith.constant 0 : i32
        %dma_wait3A_277 = arith.constant 0 : i32
        %dma_wait3A_278 = tpu.memref_slice %arg2[%dma_wait3A_276, %dma_wait3A_277] : memref<10000x128xf32, #tpu.memory_space<hbm>> -> memref<10000x128xf32, #tpu.memory_space<hbm>>
        tpu.wait_indirect_dma semaphore(%arg16 : memref<!tpu.dma_semaphore, #tpu.memory_space<semaphore_mem>>) src(%dma_wait3A_278 : memref<10000x128xf32, #tpu.memory_space<hbm>>) dst(%arg7 : memref<128x128xf32, #tpu.memory_space<vmem>>)
        %run_scoped3A_279 = arith.constant 2 : i32
        %run_scoped3A_280 = arith.constant 1 : i32
        "tpu.region"() ({
          %run_scoped3A_321 = tpu.sem_alloc : memref<!tpu.dma_semaphore, #tpu.memory_space<semaphore_mem>>
          %dma_start3A_322 = arith.constant 0 : i32
          %dma_start3A_323 = tpu.memref_slice %arg6[%run_scoped3A_279, %run_scoped3A_280, %dma_start3A_322] : memref<4x2x128xi32, #tpu.memory_space<vmem>> -> memref<1x1x128xi32, #tpu.memory_space<vmem>>
          %dma_start3A_324 = tpu.memref_squeeze %dma_start3A_323 : memref<1x1x128xi32, #tpu.memory_space<vmem>> -> memref<128xi32, #tpu.memory_space<vmem>>
          %dma_start3A_325 = arith.constant 0 : i32
          %dma_start3A_326 = arith.constant 0 : i32
          %dma_start3A_327 = tpu.memref_slice %arg11[%dma_start3A_325, %dma_start3A_326] : memref<10240x128xf32, #tpu.memory_space<vmem_shared>> -> memref<10240x128xf32, #tpu.memory_space<vmem_shared>>
          tpu.enqueue_indirect_dma source(%arg7 : memref<128x128xf32, #tpu.memory_space<vmem>>) target(%dma_start3A_327 : memref<10240x128xf32, #tpu.memory_space<vmem_shared>>) offsets(%dma_start3A_324 : memref<128xi32, #tpu.memory_space<vmem>>) semaphore(%run_scoped3A_321 : memref<!tpu.dma_semaphore, #tpu.memory_space<semaphore_mem>>) {add = true}
          %dma_wait3A_328 = arith.constant 0 : i32
          %dma_wait3A_329 = tpu.memref_slice %arg6[%run_scoped3A_279, %run_scoped3A_280, %dma_wait3A_328] : memref<4x2x128xi32, #tpu.memory_space<vmem>> -> memref<1x1x128xi32, #tpu.memory_space<vmem>>
          %dma_wait3A_330 = tpu.memref_squeeze %dma_wait3A_329 : memref<1x1x128xi32, #tpu.memory_space<vmem>> -> memref<128xi32, #tpu.memory_space<vmem>>
          %dma_wait3A_331 = arith.constant 0 : i32
          %dma_wait3A_332 = arith.constant 0 : i32
          %dma_wait3A_333 = tpu.memref_slice %arg11[%dma_wait3A_331, %dma_wait3A_332] : memref<10240x128xf32, #tpu.memory_space<vmem_shared>> -> memref<10240x128xf32, #tpu.memory_space<vmem_shared>>
          tpu.wait_indirect_dma semaphore(%run_scoped3A_321 : memref<!tpu.dma_semaphore, #tpu.memory_space<semaphore_mem>>) src(%arg7 : memref<128x128xf32, #tpu.memory_space<vmem>>) dst(%dma_wait3A_333 : memref<10240x128xf32, #tpu.memory_space<vmem_shared>>)
          tpu.yield
        }) : () -> ()
        %add3A_281 = arith.constant 4 : i32
        %add3A_282 = arith.addi %add3A_270, %add3A_281 : i32
        %lt3A_283 = arith.constant 64 : i32
        %lt3A_284 = arith.cmpi slt, %add3A_282, %lt3A_283 : i32
        %convert_element_type3A_285 = arith.extui %lt3A_284 : i1 to i32
        %cond3A_286 = arith.constant 0 : i32
        %cond3A_287 = arith.cmpi ne, %convert_element_type3A_285, %cond3A_286 : i32
        scf.if %cond3A_287 {
          %add3A_321 = arith.constant 4 : i32
          %add3A_322 = arith.addi %add3A_270, %add3A_321 : i32
          %dma_start3A_323 = arith.constant 2 : i32
          %dma_start3A_324 = arith.constant 0 : i32
          %dma_start3A_325 = arith.constant 0 : i32
          %dma_start3A_326 = tpu.memref_slice %arg6[%dma_start3A_323, %dma_start3A_324, %dma_start3A_325] : memref<4x2x128xi32, #tpu.memory_space<vmem>> -> memref<1x2x128xi32, #tpu.memory_space<vmem>>
          %dma_start3A_327 = tpu.memref_squeeze %dma_start3A_326 : memref<1x2x128xi32, #tpu.memory_space<vmem>> -> memref<2x128xi32, #tpu.memory_space<vmem>>
          %dma_start3A_328 = arith.constant 0 : i32
          %dma_start3A_329 = arith.constant 0 : i32
          %dma_start3A_330 = tpu.memref_slice %arg3[%arg1, %add3A_322, %dma_start3A_328, %dma_start3A_329] : memref<16x64x2x128xi32, #tpu.memory_space<hbm>> -> memref<1x1x2x128xi32, #tpu.memory_space<hbm>>
          %dma_start3A_331 = tpu.memref_squeeze %dma_start3A_330 : memref<1x1x2x128xi32, #tpu.memory_space<hbm>> -> memref<2x128xi32, #tpu.memory_space<hbm>>
          %dma_start3A_332 = arith.constant 0 : i32
          %dma_start3A_333 = arith.constant 0 : i32
          %dma_start3A_334 = tpu.memref_slice %arg6[%dma_start3A_323, %dma_start3A_332, %dma_start3A_333] : memref<4x2x128xi32, #tpu.memory_space<vmem>> -> memref<1x2x128xi32, #tpu.memory_space<vmem>>
          %dma_start3A_335 = tpu.memref_squeeze %dma_start3A_334 : memref<1x2x128xi32, #tpu.memory_space<vmem>> -> memref<2x128xi32, #tpu.memory_space<vmem>>
          %dma_start3A_336 = arith.constant 0 : i32
          %dma_start3A_337 = arith.constant 0 : i32
          %dma_start3A_338 = tpu.memref_slice %arg3[%arg1, %add3A_322, %dma_start3A_336, %dma_start3A_337] : memref<16x64x2x128xi32, #tpu.memory_space<hbm>> -> memref<1x1x2x128xi32, #tpu.memory_space<hbm>>
          %dma_start3A_339 = tpu.memref_squeeze %dma_start3A_338 : memref<1x1x2x128xi32, #tpu.memory_space<hbm>> -> memref<2x128xi32, #tpu.memory_space<hbm>>
          tpu.enqueue_dma source(%dma_start3A_339 : memref<2x128xi32, #tpu.memory_space<hbm>>) target(%dma_start3A_335 : memref<2x128xi32, #tpu.memory_space<vmem>>) target_semaphore(%arg14 : memref<!tpu.dma_semaphore, #tpu.memory_space<semaphore_mem>>)
        } else {
        }
        %add3A_288 = arith.constant 2 : i32
        %add3A_289 = arith.addi %add3A_270, %add3A_288 : i32
        %lt3A_290 = arith.constant 64 : i32
        %lt3A_291 = arith.cmpi slt, %add3A_289, %lt3A_290 : i32
        %convert_element_type3A_292 = arith.extui %lt3A_291 : i1 to i32
        %cond3A_293 = arith.constant 0 : i32
        %cond3A_294 = arith.cmpi ne, %convert_element_type3A_292, %cond3A_293 : i32
        scf.if %cond3A_294 {
          %add3A_321 = arith.constant 2 : i32
          %add3A_322 = arith.addi %add3A_270, %add3A_321 : i32
          %dma_wait3A_323 = arith.constant 0 : i32
          %dma_wait3A_324 = arith.constant 0 : i32
          %dma_wait3A_325 = arith.constant 0 : i32
          %dma_wait3A_326 = tpu.memref_slice %arg6[%dma_wait3A_323, %dma_wait3A_324, %dma_wait3A_325] : memref<4x2x128xi32, #tpu.memory_space<vmem>> -> memref<1x2x128xi32, #tpu.memory_space<vmem>>
          %dma_wait3A_327 = tpu.memref_squeeze %dma_wait3A_326 : memref<1x2x128xi32, #tpu.memory_space<vmem>> -> memref<2x128xi32, #tpu.memory_space<vmem>>
          %dma_wait3A_328 = arith.constant 0 : i32
          %dma_wait3A_329 = arith.constant 0 : i32
          %dma_wait3A_330 = tpu.memref_slice %arg3[%arg1, %add3A_322, %dma_wait3A_328, %dma_wait3A_329] : memref<16x64x2x128xi32, #tpu.memory_space<hbm>> -> memref<1x1x2x128xi32, #tpu.memory_space<hbm>>
          %dma_wait3A_331 = tpu.memref_squeeze %dma_wait3A_330 : memref<1x1x2x128xi32, #tpu.memory_space<hbm>> -> memref<2x128xi32, #tpu.memory_space<hbm>>
          %dma_wait3A_332 = arith.constant 0 : i32
          %dma_wait3A_333 = arith.constant 0 : i32
          %dma_wait3A_334 = tpu.memref_slice %arg6[%dma_wait3A_323, %dma_wait3A_332, %dma_wait3A_333] : memref<4x2x128xi32, #tpu.memory_space<vmem>> -> memref<1x2x128xi32, #tpu.memory_space<vmem>>
          %dma_wait3A_335 = tpu.memref_squeeze %dma_wait3A_334 : memref<1x2x128xi32, #tpu.memory_space<vmem>> -> memref<2x128xi32, #tpu.memory_space<vmem>>
          %dma_wait3A_336 = arith.constant 0 : i32
          %dma_wait3A_337 = arith.constant 0 : i32
          %dma_wait3A_338 = tpu.memref_slice %arg3[%arg1, %add3A_322, %dma_wait3A_336, %dma_wait3A_337] : memref<16x64x2x128xi32, #tpu.memory_space<hbm>> -> memref<1x1x2x128xi32, #tpu.memory_space<hbm>>
          %dma_wait3A_339 = tpu.memref_squeeze %dma_wait3A_338 : memref<1x1x2x128xi32, #tpu.memory_space<hbm>> -> memref<2x128xi32, #tpu.memory_space<hbm>>
          tpu.wait_dma2 semaphore(%arg12 : memref<!tpu.dma_semaphore, #tpu.memory_space<semaphore_mem>>) src(%dma_wait3A_339 : memref<2x128xi32, #tpu.memory_space<hbm>>) dst(%dma_wait3A_335 : memref<2x128xi32, #tpu.memory_space<vmem>>)
          %dma_start3A_340 = arith.constant 0 : i32
          %dma_start3A_341 = arith.constant 0 : i32
          %dma_start3A_342 = arith.constant 0 : i32
          %dma_start3A_343 = tpu.memref_slice %arg6[%dma_start3A_340, %dma_start3A_341, %dma_start3A_342] : memref<4x2x128xi32, #tpu.memory_space<vmem>> -> memref<1x1x128xi32, #tpu.memory_space<vmem>>
          %dma_start3A_344 = tpu.memref_squeeze %dma_start3A_343 : memref<1x1x128xi32, #tpu.memory_space<vmem>> -> memref<128xi32, #tpu.memory_space<vmem>>
          %dma_start3A_345 = arith.constant 0 : i32
          %dma_start3A_346 = arith.constant 0 : i32
          %dma_start3A_347 = tpu.memref_slice %arg2[%dma_start3A_345, %dma_start3A_346] : memref<10000x128xf32, #tpu.memory_space<hbm>> -> memref<10000x128xf32, #tpu.memory_space<hbm>>
          tpu.enqueue_indirect_dma source(%dma_start3A_347 : memref<10000x128xf32, #tpu.memory_space<hbm>>) target(%arg7 : memref<128x128xf32, #tpu.memory_space<vmem>>) offsets(%dma_start3A_344 : memref<128xi32, #tpu.memory_space<vmem>>) semaphore(%arg16 : memref<!tpu.dma_semaphore, #tpu.memory_space<semaphore_mem>>)
        } else {
        }
        %add3A_295 = arith.constant 3 : i32
        %add3A_296 = arith.addi %mul3A_219, %add3A_295 : i32
        %dma_wait3A_297 = arith.constant 3 : i32
        %dma_wait3A_298 = arith.constant 0 : i32
        %dma_wait3A_299 = arith.constant 0 : i32
        %dma_wait3A_300 = tpu.memref_slice %arg6[%dma_wait3A_297, %dma_wait3A_298, %dma_wait3A_299] : memref<4x2x128xi32, #tpu.memory_space<vmem>> -> memref<1x1x128xi32, #tpu.memory_space<vmem>>
        %dma_wait3A_301 = tpu.memref_squeeze %dma_wait3A_300 : memref<1x1x128xi32, #tpu.memory_space<vmem>> -> memref<128xi32, #tpu.memory_space<vmem>>
        %dma_wait3A_302 = arith.constant 0 : i32
        %dma_wait3A_303 = arith.constant 0 : i32
        %dma_wait3A_304 = tpu.memref_slice %arg2[%dma_wait3A_302, %dma_wait3A_303] : memref<10000x128xf32, #tpu.memory_space<hbm>> -> memref<10000x128xf32, #tpu.memory_space<hbm>>
        tpu.wait_indirect_dma semaphore(%arg17 : memref<!tpu.dma_semaphore, #tpu.memory_space<semaphore_mem>>) src(%dma_wait3A_304 : memref<10000x128xf32, #tpu.memory_space<hbm>>) dst(%arg8 : memref<128x128xf32, #tpu.memory_space<vmem>>)
        %run_scoped3A_305 = arith.constant 3 : i32
        %run_scoped3A_306 = arith.constant 1 : i32
        "tpu.region"() ({
          %run_scoped3A_321 = tpu.sem_alloc : memref<!tpu.dma_semaphore, #tpu.memory_space<semaphore_mem>>
          %dma_start3A_322 = arith.constant 0 : i32
          %dma_start3A_323 = tpu.memref_slice %arg6[%run_scoped3A_305, %run_scoped3A_306, %dma_start3A_322] : memref<4x2x128xi32, #tpu.memory_space<vmem>> -> memref<1x1x128xi32, #tpu.memory_space<vmem>>
          %dma_start3A_324 = tpu.memref_squeeze %dma_start3A_323 : memref<1x1x128xi32, #tpu.memory_space<vmem>> -> memref<128xi32, #tpu.memory_space<vmem>>
          %dma_start3A_325 = arith.constant 0 : i32
          %dma_start3A_326 = arith.constant 0 : i32
          %dma_start3A_327 = tpu.memref_slice %arg11[%dma_start3A_325, %dma_start3A_326] : memref<10240x128xf32, #tpu.memory_space<vmem_shared>> -> memref<10240x128xf32, #tpu.memory_space<vmem_shared>>
          tpu.enqueue_indirect_dma source(%arg8 : memref<128x128xf32, #tpu.memory_space<vmem>>) target(%dma_start3A_327 : memref<10240x128xf32, #tpu.memory_space<vmem_shared>>) offsets(%dma_start3A_324 : memref<128xi32, #tpu.memory_space<vmem>>) semaphore(%run_scoped3A_321 : memref<!tpu.dma_semaphore, #tpu.memory_space<semaphore_mem>>) {add = true}
          %dma_wait3A_328 = arith.constant 0 : i32
          %dma_wait3A_329 = tpu.memref_slice %arg6[%run_scoped3A_305, %run_scoped3A_306, %dma_wait3A_328] : memref<4x2x128xi32, #tpu.memory_space<vmem>> -> memref<1x1x128xi32, #tpu.memory_space<vmem>>
          %dma_wait3A_330 = tpu.memref_squeeze %dma_wait3A_329 : memref<1x1x128xi32, #tpu.memory_space<vmem>> -> memref<128xi32, #tpu.memory_space<vmem>>
          %dma_wait3A_331 = arith.constant 0 : i32
          %dma_wait3A_332 = arith.constant 0 : i32
          %dma_wait3A_333 = tpu.memref_slice %arg11[%dma_wait3A_331, %dma_wait3A_332] : memref<10240x128xf32, #tpu.memory_space<vmem_shared>> -> memref<10240x128xf32, #tpu.memory_space<vmem_shared>>
          tpu.wait_indirect_dma semaphore(%run_scoped3A_321 : memref<!tpu.dma_semaphore, #tpu.memory_space<semaphore_mem>>) src(%arg8 : memref<128x128xf32, #tpu.memory_space<vmem>>) dst(%dma_wait3A_333 : memref<10240x128xf32, #tpu.memory_space<vmem_shared>>)
          tpu.yield
        }) : () -> ()
        %add3A_307 = arith.constant 4 : i32
        %add3A_308 = arith.addi %add3A_296, %add3A_307 : i32
        %lt3A_309 = arith.constant 64 : i32
        %lt3A_310 = arith.cmpi slt, %add3A_308, %lt3A_309 : i32
        %convert_element_type3A_311 = arith.extui %lt3A_310 : i1 to i32
        %cond3A_312 = arith.constant 0 : i32
        %cond3A_313 = arith.cmpi ne, %convert_element_type3A_311, %cond3A_312 : i32
        scf.if %cond3A_313 {
          %add3A_321 = arith.constant 4 : i32
          %add3A_322 = arith.addi %add3A_296, %add3A_321 : i32
          %dma_start3A_323 = arith.constant 3 : i32
          %dma_start3A_324 = arith.constant 0 : i32
          %dma_start3A_325 = arith.constant 0 : i32
          %dma_start3A_326 = tpu.memref_slice %arg6[%dma_start3A_323, %dma_start3A_324, %dma_start3A_325] : memref<4x2x128xi32, #tpu.memory_space<vmem>> -> memref<1x2x128xi32, #tpu.memory_space<vmem>>
          %dma_start3A_327 = tpu.memref_squeeze %dma_start3A_326 : memref<1x2x128xi32, #tpu.memory_space<vmem>> -> memref<2x128xi32, #tpu.memory_space<vmem>>
          %dma_start3A_328 = arith.constant 0 : i32
          %dma_start3A_329 = arith.constant 0 : i32
          %dma_start3A_330 = tpu.memref_slice %arg3[%arg1, %add3A_322, %dma_start3A_328, %dma_start3A_329] : memref<16x64x2x128xi32, #tpu.memory_space<hbm>> -> memref<1x1x2x128xi32, #tpu.memory_space<hbm>>
          %dma_start3A_331 = tpu.memref_squeeze %dma_start3A_330 : memref<1x1x2x128xi32, #tpu.memory_space<hbm>> -> memref<2x128xi32, #tpu.memory_space<hbm>>
          %dma_start3A_332 = arith.constant 0 : i32
          %dma_start3A_333 = arith.constant 0 : i32
          %dma_start3A_334 = tpu.memref_slice %arg6[%dma_start3A_323, %dma_start3A_332, %dma_start3A_333] : memref<4x2x128xi32, #tpu.memory_space<vmem>> -> memref<1x2x128xi32, #tpu.memory_space<vmem>>
          %dma_start3A_335 = tpu.memref_squeeze %dma_start3A_334 : memref<1x2x128xi32, #tpu.memory_space<vmem>> -> memref<2x128xi32, #tpu.memory_space<vmem>>
          %dma_start3A_336 = arith.constant 0 : i32
          %dma_start3A_337 = arith.constant 0 : i32
          %dma_start3A_338 = tpu.memref_slice %arg3[%arg1, %add3A_322, %dma_start3A_336, %dma_start3A_337] : memref<16x64x2x128xi32, #tpu.memory_space<hbm>> -> memref<1x1x2x128xi32, #tpu.memory_space<hbm>>
          %dma_start3A_339 = tpu.memref_squeeze %dma_start3A_338 : memref<1x1x2x128xi32, #tpu.memory_space<hbm>> -> memref<2x128xi32, #tpu.memory_space<hbm>>
          tpu.enqueue_dma source(%dma_start3A_339 : memref<2x128xi32, #tpu.memory_space<hbm>>) target(%dma_start3A_335 : memref<2x128xi32, #tpu.memory_space<vmem>>) target_semaphore(%arg15 : memref<!tpu.dma_semaphore, #tpu.memory_space<semaphore_mem>>)
        } else {
        }
        %add3A_314 = arith.constant 2 : i32
        %add3A_315 = arith.addi %add3A_296, %add3A_314 : i32
        %lt3A_316 = arith.constant 64 : i32
        %lt3A_317 = arith.cmpi slt, %add3A_315, %lt3A_316 : i32
        %convert_element_type3A_318 = arith.extui %lt3A_317 : i1 to i32
        %cond3A_319 = arith.constant 0 : i32
        %cond3A_320 = arith.cmpi ne, %convert_element_type3A_318, %cond3A_319 : i32
        scf.if %cond3A_320 {
          %add3A_321 = arith.constant 2 : i32
          %add3A_322 = arith.addi %add3A_296, %add3A_321 : i32
          %dma_wait3A_323 = arith.constant 1 : i32
          %dma_wait3A_324 = arith.constant 0 : i32
          %dma_wait3A_325 = arith.constant 0 : i32
          %dma_wait3A_326 = tpu.memref_slice %arg6[%dma_wait3A_323, %dma_wait3A_324, %dma_wait3A_325] : memref<4x2x128xi32, #tpu.memory_space<vmem>> -> memref<1x2x128xi32, #tpu.memory_space<vmem>>
          %dma_wait3A_327 = tpu.memref_squeeze %dma_wait3A_326 : memref<1x2x128xi32, #tpu.memory_space<vmem>> -> memref<2x128xi32, #tpu.memory_space<vmem>>
          %dma_wait3A_328 = arith.constant 0 : i32
          %dma_wait3A_329 = arith.constant 0 : i32
          %dma_wait3A_330 = tpu.memref_slice %arg3[%arg1, %add3A_322, %dma_wait3A_328, %dma_wait3A_329] : memref<16x64x2x128xi32, #tpu.memory_space<hbm>> -> memref<1x1x2x128xi32, #tpu.memory_space<hbm>>
          %dma_wait3A_331 = tpu.memref_squeeze %dma_wait3A_330 : memref<1x1x2x128xi32, #tpu.memory_space<hbm>> -> memref<2x128xi32, #tpu.memory_space<hbm>>
          %dma_wait3A_332 = arith.constant 0 : i32
          %dma_wait3A_333 = arith.constant 0 : i32
          %dma_wait3A_334 = tpu.memref_slice %arg6[%dma_wait3A_323, %dma_wait3A_332, %dma_wait3A_333] : memref<4x2x128xi32, #tpu.memory_space<vmem>> -> memref<1x2x128xi32, #tpu.memory_space<vmem>>
          %dma_wait3A_335 = tpu.memref_squeeze %dma_wait3A_334 : memref<1x2x128xi32, #tpu.memory_space<vmem>> -> memref<2x128xi32, #tpu.memory_space<vmem>>
          %dma_wait3A_336 = arith.constant 0 : i32
          %dma_wait3A_337 = arith.constant 0 : i32
          %dma_wait3A_338 = tpu.memref_slice %arg3[%arg1, %add3A_322, %dma_wait3A_336, %dma_wait3A_337] : memref<16x64x2x128xi32, #tpu.memory_space<hbm>> -> memref<1x1x2x128xi32, #tpu.memory_space<hbm>>
          %dma_wait3A_339 = tpu.memref_squeeze %dma_wait3A_338 : memref<1x1x2x128xi32, #tpu.memory_space<hbm>> -> memref<2x128xi32, #tpu.memory_space<hbm>>
          tpu.wait_dma2 semaphore(%arg13 : memref<!tpu.dma_semaphore, #tpu.memory_space<semaphore_mem>>) src(%dma_wait3A_339 : memref<2x128xi32, #tpu.memory_space<hbm>>) dst(%dma_wait3A_335 : memref<2x128xi32, #tpu.memory_space<vmem>>)
          %dma_start3A_340 = arith.constant 1 : i32
          %dma_start3A_341 = arith.constant 0 : i32
          %dma_start3A_342 = arith.constant 0 : i32
          %dma_start3A_343 = tpu.memref_slice %arg6[%dma_start3A_340, %dma_start3A_341, %dma_start3A_342] : memref<4x2x128xi32, #tpu.memory_space<vmem>> -> memref<1x1x128xi32, #tpu.memory_space<vmem>>
          %dma_start3A_344 = tpu.memref_squeeze %dma_start3A_343 : memref<1x1x128xi32, #tpu.memory_space<vmem>> -> memref<128xi32, #tpu.memory_space<vmem>>
          %dma_start3A_345 = arith.constant 0 : i32
          %dma_start3A_346 = arith.constant 0 : i32
          %dma_start3A_347 = tpu.memref_slice %arg2[%dma_start3A_345, %dma_start3A_346] : memref<10000x128xf32, #tpu.memory_space<hbm>> -> memref<10000x128xf32, #tpu.memory_space<hbm>>
          tpu.enqueue_indirect_dma source(%dma_start3A_347 : memref<10000x128xf32, #tpu.memory_space<hbm>>) target(%arg8 : memref<128x128xf32, #tpu.memory_space<vmem>>) offsets(%dma_start3A_344 : memref<128xi32, #tpu.memory_space<vmem>>) semaphore(%arg17 : memref<!tpu.dma_semaphore, #tpu.memory_space<semaphore_mem>>)
        } else {
        }
      }
      %scan3A_215 = arith.constant 16 : i32
      %barrier3A_216 = arith.constant 0 : index
      tpu.barrier barrier_id(%barrier3A_216)
      %run_scoped3A = arith.constant 0 : i32
      "tpu.region"() ({
        %run_scoped3A_217 = tpu.sem_alloc : memref<!tpu.dma_semaphore, #tpu.memory_space<semaphore_mem>>
        %dma_start3A_218 = arith.constant 0 : i32
        %dma_start3A_219 = tpu.memref_slice %arg5[%run_scoped3A, %mul3A_0, %dma_start3A_218] : memref<2x10240x128xf32, #tpu.memory_space<hbm>> -> memref<1x640x128xf32, #tpu.memory_space<hbm>>
        %dma_start3A_220 = tpu.memref_squeeze %dma_start3A_219 : memref<1x640x128xf32, #tpu.memory_space<hbm>> -> memref<640x128xf32, #tpu.memory_space<hbm>>
        %dma_start3A_221 = arith.constant 0 : i32
        %dma_start3A_222 = tpu.memref_slice %arg11[%mul3A_0, %dma_start3A_221] : memref<10240x128xf32, #tpu.memory_space<vmem_shared>> -> memref<640x128xf32, #tpu.memory_space<vmem_shared>>
        tpu.enqueue_dma source(%dma_start3A_222 : memref<640x128xf32, #tpu.memory_space<vmem_shared>>) target(%dma_start3A_220 : memref<640x128xf32, #tpu.memory_space<hbm>>) target_semaphore(%run_scoped3A_217 : memref<!tpu.dma_semaphore, #tpu.memory_space<semaphore_mem>>)
        %dma_wait3A_223 = arith.constant 0 : i32
        %dma_wait3A_224 = tpu.memref_slice %arg5[%run_scoped3A, %mul3A_0, %dma_wait3A_223] : memref<2x10240x128xf32, #tpu.memory_space<hbm>> -> memref<1x640x128xf32, #tpu.memory_space<hbm>>
        %dma_wait3A_225 = tpu.memref_squeeze %dma_wait3A_224 : memref<1x640x128xf32, #tpu.memory_space<hbm>> -> memref<640x128xf32, #tpu.memory_space<hbm>>
        %dma_wait3A_226 = arith.constant 0 : i32
        %dma_wait3A_227 = tpu.memref_slice %arg11[%mul3A_0, %dma_wait3A_226] : memref<10240x128xf32, #tpu.memory_space<vmem_shared>> -> memref<640x128xf32, #tpu.memory_space<vmem_shared>>
        tpu.wait_dma2 semaphore(%run_scoped3A_217 : memref<!tpu.dma_semaphore, #tpu.memory_space<semaphore_mem>>) src(%dma_wait3A_227 : memref<640x128xf32, #tpu.memory_space<vmem_shared>>) dst(%dma_wait3A_225 : memref<640x128xf32, #tpu.memory_space<hbm>>)
        tpu.yield
      }) : () -> ()
    } else {
    }
    %eq3A_69 = arith.constant 1 : i32
    %eq3A_70 = arith.cmpi eq, %arg0, %eq3A_69 : i32
    %convert_element_type3A_71 = arith.extui %eq3A_70 : i1 to i32
    %cond3A_72 = arith.constant 0 : i32
    %cond3A_73 = arith.cmpi ne, %convert_element_type3A_71, %cond3A_72 : i32
    scf.if %cond3A_73 {
      %scan3A = arith.constant 0 : i32
      %scan3A_74 = arith.constant 0 : i32
      %scan3A_75 = arith.constant 128 : i32
      %scan3A_76 = arith.addi %scan3A_74, %scan3A_75 : i32
      %scan3A_77 = arith.constant 1 : i32
      scf.for %scan3A_217 = %scan3A_74 to %scan3A_76 step %scan3A_77  : i32 {
        %swap3A_218 = arith.index_cast %scan3A_217 : i32 to index
        %swap3A_219 = arith.constant 0 : index
        %swap3A_220 = tpu.vector_load %arg7[%swap3A_218, %swap3A_219] {strides = array<i32>} : memref<128x128xf32, #tpu.memory_space<vmem>>, vector<1x16xf32>,
        %swap3A_221 = vector.shape_cast %swap3A_220 : vector<1x16xf32> to vector<16xf32>
        %swap3A_222 = vector.shape_cast %broadcast_in_dim3A_3 : vector<16xf32> to vector<1x16xf32>
        tpu.vector_store %arg7[%swap3A_218, %swap3A_219], %swap3A_222 {strides = array<i32>} : memref<128x128xf32, #tpu.memory_space<vmem>>, vector<1x16xf32>,
        %swap3A_223 = arith.index_cast %scan3A_217 : i32 to index
        %swap3A_224 = arith.constant 16 : index
        %swap3A_225 = tpu.vector_load %arg7[%swap3A_223, %swap3A_224] {strides = array<i32>} : memref<128x128xf32, #tpu.memory_space<vmem>>, vector<1x16xf32>,
        %swap3A_226 = vector.shape_cast %swap3A_225 : vector<1x16xf32> to vector<16xf32>
        %swap3A_227 = vector.shape_cast %broadcast_in_dim3A_3 : vector<16xf32> to vector<1x16xf32>
        tpu.vector_store %arg7[%swap3A_223, %swap3A_224], %swap3A_227 {strides = array<i32>} : memref<128x128xf32, #tpu.memory_space<vmem>>, vector<1x16xf32>,
        %swap3A_228 = arith.index_cast %scan3A_217 : i32 to index
        %swap3A_229 = arith.constant 32 : index
        %swap3A_230 = tpu.vector_load %arg7[%swap3A_228, %swap3A_229] {strides = array<i32>} : memref<128x128xf32, #tpu.memory_space<vmem>>, vector<1x16xf32>,
        %swap3A_231 = vector.shape_cast %swap3A_230 : vector<1x16xf32> to vector<16xf32>
        %swap3A_232 = vector.shape_cast %broadcast_in_dim3A_3 : vector<16xf32> to vector<1x16xf32>
        tpu.vector_store %arg7[%swap3A_228, %swap3A_229], %swap3A_232 {strides = array<i32>} : memref<128x128xf32, #tpu.memory_space<vmem>>, vector<1x16xf32>,
        %swap3A_233 = arith.index_cast %scan3A_217 : i32 to index
        %swap3A_234 = arith.constant 48 : index
        %swap3A_235 = tpu.vector_load %arg7[%swap3A_233, %swap3A_234] {strides = array<i32>} : memref<128x128xf32, #tpu.memory_space<vmem>>, vector<1x16xf32>,
        %swap3A_236 = vector.shape_cast %swap3A_235 : vector<1x16xf32> to vector<16xf32>
        %swap3A_237 = vector.shape_cast %broadcast_in_dim3A_3 : vector<16xf32> to vector<1x16xf32>
        tpu.vector_store %arg7[%swap3A_233, %swap3A_234], %swap3A_237 {strides = array<i32>} : memref<128x128xf32, #tpu.memory_space<vmem>>, vector<1x16xf32>,
        %swap3A_238 = arith.index_cast %scan3A_217 : i32 to index
        %swap3A_239 = arith.constant 64 : index
        %swap3A_240 = tpu.vector_load %arg7[%swap3A_238, %swap3A_239] {strides = array<i32>} : memref<128x128xf32, #tpu.memory_space<vmem>>, vector<1x16xf32>,
        %swap3A_241 = vector.shape_cast %swap3A_240 : vector<1x16xf32> to vector<16xf32>
        %swap3A_242 = vector.shape_cast %broadcast_in_dim3A_3 : vector<16xf32> to vector<1x16xf32>
        tpu.vector_store %arg7[%swap3A_238, %swap3A_239], %swap3A_242 {strides = array<i32>} : memref<128x128xf32, #tpu.memory_space<vmem>>, vector<1x16xf32>,
        %swap3A_243 = arith.index_cast %scan3A_217 : i32 to index
        %swap3A_244 = arith.constant 80 : index
        %swap3A_245 = tpu.vector_load %arg7[%swap3A_243, %swap3A_244] {strides = array<i32>} : memref<128x128xf32, #tpu.memory_space<vmem>>, vector<1x16xf32>,
        %swap3A_246 = vector.shape_cast %swap3A_245 : vector<1x16xf32> to vector<16xf32>
        %swap3A_247 = vector.shape_cast %broadcast_in_dim3A_3 : vector<16xf32> to vector<1x16xf32>
        tpu.vector_store %arg7[%swap3A_243, %swap3A_244], %swap3A_247 {strides = array<i32>} : memref<128x128xf32, #tpu.memory_space<vmem>>, vector<1x16xf32>,
        %swap3A_248 = arith.index_cast %scan3A_217 : i32 to index
        %swap3A_249 = arith.constant 96 : index
        %swap3A_250 = tpu.vector_load %arg7[%swap3A_248, %swap3A_249] {strides = array<i32>} : memref<128x128xf32, #tpu.memory_space<vmem>>, vector<1x16xf32>,
        %swap3A_251 = vector.shape_cast %swap3A_250 : vector<1x16xf32> to vector<16xf32>
        %swap3A_252 = vector.shape_cast %broadcast_in_dim3A_3 : vector<16xf32> to vector<1x16xf32>
        tpu.vector_store %arg7[%swap3A_248, %swap3A_249], %swap3A_252 {strides = array<i32>} : memref<128x128xf32, #tpu.memory_space<vmem>>, vector<1x16xf32>,
        %swap3A_253 = arith.index_cast %scan3A_217 : i32 to index
        %swap3A_254 = arith.constant 112 : index
        %swap3A_255 = tpu.vector_load %arg7[%swap3A_253, %swap3A_254] {strides = array<i32>} : memref<128x128xf32, #tpu.memory_space<vmem>>, vector<1x16xf32>,
        %swap3A_256 = vector.shape_cast %swap3A_255 : vector<1x16xf32> to vector<16xf32>
        %swap3A_257 = vector.shape_cast %broadcast_in_dim3A_3 : vector<16xf32> to vector<1x16xf32>
        tpu.vector_store %arg7[%swap3A_253, %swap3A_254], %swap3A_257 {strides = array<i32>} : memref<128x128xf32, #tpu.memory_space<vmem>>, vector<1x16xf32>,
      }
      %scan3A_78 = arith.constant 128 : i32
      %add3A = arith.constant 0 : i32
      %add3A_79 = arith.addi %mul3A_0, %add3A : i32
      "tpu.region"() ({
        %run_scoped3A_217 = tpu.sem_alloc : memref<!tpu.dma_semaphore, #tpu.memory_space<semaphore_mem>>
        %dma_start3A_218 = arith.constant 0 : i32
        %dma_start3A_219 = tpu.memref_slice %arg11[%add3A_79, %dma_start3A_218] : memref<10240x128xf32, #tpu.memory_space<vmem_shared>> -> memref<128x128xf32, #tpu.memory_space<vmem_shared>>
        %dma_start3A_220 = arith.constant 0 : i32
        %dma_start3A_221 = tpu.memref_slice %arg11[%add3A_79, %dma_start3A_220] : memref<10240x128xf32, #tpu.memory_space<vmem_shared>> -> memref<128x128xf32, #tpu.memory_space<vmem_shared>>
        tpu.enqueue_dma source(%arg7 : memref<128x128xf32, #tpu.memory_space<vmem>>) target(%dma_start3A_221 : memref<128x128xf32, #tpu.memory_space<vmem_shared>>) target_semaphore(%run_scoped3A_217 : memref<!tpu.dma_semaphore, #tpu.memory_space<semaphore_mem>>)
        %dma_wait3A_222 = arith.constant 0 : i32
        %dma_wait3A_223 = tpu.memref_slice %arg11[%add3A_79, %dma_wait3A_222] : memref<10240x128xf32, #tpu.memory_space<vmem_shared>> -> memref<128x128xf32, #tpu.memory_space<vmem_shared>>
        %dma_wait3A_224 = arith.constant 0 : i32
        %dma_wait3A_225 = tpu.memref_slice %arg11[%add3A_79, %dma_wait3A_224] : memref<10240x128xf32, #tpu.memory_space<vmem_shared>> -> memref<128x128xf32, #tpu.memory_space<vmem_shared>>
        tpu.wait_dma2 semaphore(%run_scoped3A_217 : memref<!tpu.dma_semaphore, #tpu.memory_space<semaphore_mem>>) src(%arg7 : memref<128x128xf32, #tpu.memory_space<vmem>>) dst(%dma_wait3A_225 : memref<128x128xf32, #tpu.memory_space<vmem_shared>>)
        tpu.yield
      }) : () -> ()
      %add3A_80 = arith.constant 128 : i32
      %add3A_81 = arith.addi %mul3A_0, %add3A_80 : i32
      "tpu.region"() ({
        %run_scoped3A_217 = tpu.sem_alloc : memref<!tpu.dma_semaphore, #tpu.memory_space<semaphore_mem>>
        %dma_start3A_218 = arith.constant 0 : i32
        %dma_start3A_219 = tpu.memref_slice %arg11[%add3A_81, %dma_start3A_218] : memref<10240x128xf32, #tpu.memory_space<vmem_shared>> -> memref<128x128xf32, #tpu.memory_space<vmem_shared>>
        %dma_start3A_220 = arith.constant 0 : i32
        %dma_start3A_221 = tpu.memref_slice %arg11[%add3A_81, %dma_start3A_220] : memref<10240x128xf32, #tpu.memory_space<vmem_shared>> -> memref<128x128xf32, #tpu.memory_space<vmem_shared>>
        tpu.enqueue_dma source(%arg7 : memref<128x128xf32, #tpu.memory_space<vmem>>) target(%dma_start3A_221 : memref<128x128xf32, #tpu.memory_space<vmem_shared>>) target_semaphore(%run_scoped3A_217 : memref<!tpu.dma_semaphore, #tpu.memory_space<semaphore_mem>>)
        %dma_wait3A_222 = arith.constant 0 : i32
        %dma_wait3A_223 = tpu.memref_slice %arg11[%add3A_81, %dma_wait3A_222] : memref<10240x128xf32, #tpu.memory_space<vmem_shared>> -> memref<128x128xf32, #tpu.memory_space<vmem_shared>>
        %dma_wait3A_224 = arith.constant 0 : i32
        %dma_wait3A_225 = tpu.memref_slice %arg11[%add3A_81, %dma_wait3A_224] : memref<10240x128xf32, #tpu.memory_space<vmem_shared>> -> memref<128x128xf32, #tpu.memory_space<vmem_shared>>
        tpu.wait_dma2 semaphore(%run_scoped3A_217 : memref<!tpu.dma_semaphore, #tpu.memory_space<semaphore_mem>>) src(%arg7 : memref<128x128xf32, #tpu.memory_space<vmem>>) dst(%dma_wait3A_225 : memref<128x128xf32, #tpu.memory_space<vmem_shared>>)
        tpu.yield
      }) : () -> ()
      %add3A_82 = arith.constant 256 : i32
      %add3A_83 = arith.addi %mul3A_0, %add3A_82 : i32
      "tpu.region"() ({
        %run_scoped3A_217 = tpu.sem_alloc : memref<!tpu.dma_semaphore, #tpu.memory_space<semaphore_mem>>
        %dma_start3A_218 = arith.constant 0 : i32
        %dma_start3A_219 = tpu.memref_slice %arg11[%add3A_83, %dma_start3A_218] : memref<10240x128xf32, #tpu.memory_space<vmem_shared>> -> memref<128x128xf32, #tpu.memory_space<vmem_shared>>
        %dma_start3A_220 = arith.constant 0 : i32
        %dma_start3A_221 = tpu.memref_slice %arg11[%add3A_83, %dma_start3A_220] : memref<10240x128xf32, #tpu.memory_space<vmem_shared>> -> memref<128x128xf32, #tpu.memory_space<vmem_shared>>
        tpu.enqueue_dma source(%arg7 : memref<128x128xf32, #tpu.memory_space<vmem>>) target(%dma_start3A_221 : memref<128x128xf32, #tpu.memory_space<vmem_shared>>) target_semaphore(%run_scoped3A_217 : memref<!tpu.dma_semaphore, #tpu.memory_space<semaphore_mem>>)
        %dma_wait3A_222 = arith.constant 0 : i32
        %dma_wait3A_223 = tpu.memref_slice %arg11[%add3A_83, %dma_wait3A_222] : memref<10240x128xf32, #tpu.memory_space<vmem_shared>> -> memref<128x128xf32, #tpu.memory_space<vmem_shared>>
        %dma_wait3A_224 = arith.constant 0 : i32
        %dma_wait3A_225 = tpu.memref_slice %arg11[%add3A_83, %dma_wait3A_224] : memref<10240x128xf32, #tpu.memory_space<vmem_shared>> -> memref<128x128xf32, #tpu.memory_space<vmem_shared>>
        tpu.wait_dma2 semaphore(%run_scoped3A_217 : memref<!tpu.dma_semaphore, #tpu.memory_space<semaphore_mem>>) src(%arg7 : memref<128x128xf32, #tpu.memory_space<vmem>>) dst(%dma_wait3A_225 : memref<128x128xf32, #tpu.memory_space<vmem_shared>>)
        tpu.yield
      }) : () -> ()
      %add3A_84 = arith.constant 384 : i32
      %add3A_85 = arith.addi %mul3A_0, %add3A_84 : i32
      "tpu.region"() ({
        %run_scoped3A_217 = tpu.sem_alloc : memref<!tpu.dma_semaphore, #tpu.memory_space<semaphore_mem>>
        %dma_start3A_218 = arith.constant 0 : i32
        %dma_start3A_219 = tpu.memref_slice %arg11[%add3A_85, %dma_start3A_218] : memref<10240x128xf32, #tpu.memory_space<vmem_shared>> -> memref<128x128xf32, #tpu.memory_space<vmem_shared>>
        %dma_start3A_220 = arith.constant 0 : i32
        %dma_start3A_221 = tpu.memref_slice %arg11[%add3A_85, %dma_start3A_220] : memref<10240x128xf32, #tpu.memory_space<vmem_shared>> -> memref<128x128xf32, #tpu.memory_space<vmem_shared>>
        tpu.enqueue_dma source(%arg7 : memref<128x128xf32, #tpu.memory_space<vmem>>) target(%dma_start3A_221 : memref<128x128xf32, #tpu.memory_space<vmem_shared>>) target_semaphore(%run_scoped3A_217 : memref<!tpu.dma_semaphore, #tpu.memory_space<semaphore_mem>>)
        %dma_wait3A_222 = arith.constant 0 : i32
        %dma_wait3A_223 = tpu.memref_slice %arg11[%add3A_85, %dma_wait3A_222] : memref<10240x128xf32, #tpu.memory_space<vmem_shared>> -> memref<128x128xf32, #tpu.memory_space<vmem_shared>>
        %dma_wait3A_224 = arith.constant 0 : i32
        %dma_wait3A_225 = tpu.memref_slice %arg11[%add3A_85, %dma_wait3A_224] : memref<10240x128xf32, #tpu.memory_space<vmem_shared>> -> memref<128x128xf32, #tpu.memory_space<vmem_shared>>
        tpu.wait_dma2 semaphore(%run_scoped3A_217 : memref<!tpu.dma_semaphore, #tpu.memory_space<semaphore_mem>>) src(%arg7 : memref<128x128xf32, #tpu.memory_space<vmem>>) dst(%dma_wait3A_225 : memref<128x128xf32, #tpu.memory_space<vmem_shared>>)
        tpu.yield
      }) : () -> ()
      %add3A_86 = arith.constant 512 : i32
      %add3A_87 = arith.addi %mul3A_0, %add3A_86 : i32
      "tpu.region"() ({
        %run_scoped3A_217 = tpu.sem_alloc : memref<!tpu.dma_semaphore, #tpu.memory_space<semaphore_mem>>
        %dma_start3A_218 = arith.constant 0 : i32
        %dma_start3A_219 = tpu.memref_slice %arg11[%add3A_87, %dma_start3A_218] : memref<10240x128xf32, #tpu.memory_space<vmem_shared>> -> memref<128x128xf32, #tpu.memory_space<vmem_shared>>
        %dma_start3A_220 = arith.constant 0 : i32
        %dma_start3A_221 = tpu.memref_slice %arg11[%add3A_87, %dma_start3A_220] : memref<10240x128xf32, #tpu.memory_space<vmem_shared>> -> memref<128x128xf32, #tpu.memory_space<vmem_shared>>
        tpu.enqueue_dma source(%arg7 : memref<128x128xf32, #tpu.memory_space<vmem>>) target(%dma_start3A_221 : memref<128x128xf32, #tpu.memory_space<vmem_shared>>) target_semaphore(%run_scoped3A_217 : memref<!tpu.dma_semaphore, #tpu.memory_space<semaphore_mem>>)
        %dma_wait3A_222 = arith.constant 0 : i32
        %dma_wait3A_223 = tpu.memref_slice %arg11[%add3A_87, %dma_wait3A_222] : memref<10240x128xf32, #tpu.memory_space<vmem_shared>> -> memref<128x128xf32, #tpu.memory_space<vmem_shared>>
        %dma_wait3A_224 = arith.constant 0 : i32
        %dma_wait3A_225 = tpu.memref_slice %arg11[%add3A_87, %dma_wait3A_224] : memref<10240x128xf32, #tpu.memory_space<vmem_shared>> -> memref<128x128xf32, #tpu.memory_space<vmem_shared>>
        tpu.wait_dma2 semaphore(%run_scoped3A_217 : memref<!tpu.dma_semaphore, #tpu.memory_space<semaphore_mem>>) src(%arg7 : memref<128x128xf32, #tpu.memory_space<vmem>>) dst(%dma_wait3A_225 : memref<128x128xf32, #tpu.memory_space<vmem_shared>>)
        tpu.yield
      }) : () -> ()
      %barrier3A = arith.constant 0 : index
      tpu.barrier barrier_id(%barrier3A)
      %dma_start3A = arith.constant 0 : i32
      %dma_start3A_88 = arith.constant 0 : i32
      %dma_start3A_89 = arith.constant 0 : i32
      %dma_start3A_90 = arith.constant 0 : i32
      %dma_start3A_91 = tpu.memref_slice %arg6[%dma_start3A_88, %dma_start3A_89, %dma_start3A_90] : memref<4x2x128xi32, #tpu.memory_space<vmem>> -> memref<1x2x128xi32, #tpu.memory_space<vmem>>
      %dma_start3A_92 = tpu.memref_squeeze %dma_start3A_91 : memref<1x2x128xi32, #tpu.memory_space<vmem>> -> memref<2x128xi32, #tpu.memory_space<vmem>>
      %dma_start3A_93 = arith.constant 0 : i32
      %dma_start3A_94 = arith.constant 0 : i32
      %dma_start3A_95 = tpu.memref_slice %arg4[%arg1, %dma_start3A, %dma_start3A_93, %dma_start3A_94] : memref<16x16x2x128xi32, #tpu.memory_space<hbm>> -> memref<1x1x2x128xi32, #tpu.memory_space<hbm>>
      %dma_start3A_96 = tpu.memref_squeeze %dma_start3A_95 : memref<1x1x2x128xi32, #tpu.memory_space<hbm>> -> memref<2x128xi32, #tpu.memory_space<hbm>>
      %dma_start3A_97 = arith.constant 0 : i32
      %dma_start3A_98 = arith.constant 0 : i32
      %dma_start3A_99 = tpu.memref_slice %arg6[%dma_start3A_88, %dma_start3A_97, %dma_start3A_98] : memref<4x2x128xi32, #tpu.memory_space<vmem>> -> memref<1x2x128xi32, #tpu.memory_space<vmem>>
      %dma_start3A_100 = tpu.memref_squeeze %dma_start3A_99 : memref<1x2x128xi32, #tpu.memory_space<vmem>> -> memref<2x128xi32, #tpu.memory_space<vmem>>
      %dma_start3A_101 = arith.constant 0 : i32
      %dma_start3A_102 = arith.constant 0 : i32
      %dma_start3A_103 = tpu.memref_slice %arg4[%arg1, %dma_start3A, %dma_start3A_101, %dma_start3A_102] : memref<16x16x2x128xi32, #tpu.memory_space<hbm>> -> memref<1x1x2x128xi32, #tpu.memory_space<hbm>>
      %dma_start3A_104 = tpu.memref_squeeze %dma_start3A_103 : memref<1x1x2x128xi32, #tpu.memory_space<hbm>> -> memref<2x128xi32, #tpu.memory_space<hbm>>
      tpu.enqueue_dma source(%dma_start3A_104 : memref<2x128xi32, #tpu.memory_space<hbm>>) target(%dma_start3A_100 : memref<2x128xi32, #tpu.memory_space<vmem>>) target_semaphore(%arg12 : memref<!tpu.dma_semaphore, #tpu.memory_space<semaphore_mem>>)
      %dma_start3A_105 = arith.constant 1 : i32
      %dma_start3A_106 = arith.constant 1 : i32
      %dma_start3A_107 = arith.constant 0 : i32
      %dma_start3A_108 = arith.constant 0 : i32
      %dma_start3A_109 = tpu.memref_slice %arg6[%dma_start3A_106, %dma_start3A_107, %dma_start3A_108] : memref<4x2x128xi32, #tpu.memory_space<vmem>> -> memref<1x2x128xi32, #tpu.memory_space<vmem>>
      %dma_start3A_110 = tpu.memref_squeeze %dma_start3A_109 : memref<1x2x128xi32, #tpu.memory_space<vmem>> -> memref<2x128xi32, #tpu.memory_space<vmem>>
      %dma_start3A_111 = arith.constant 0 : i32
      %dma_start3A_112 = arith.constant 0 : i32
      %dma_start3A_113 = tpu.memref_slice %arg4[%arg1, %dma_start3A_105, %dma_start3A_111, %dma_start3A_112] : memref<16x16x2x128xi32, #tpu.memory_space<hbm>> -> memref<1x1x2x128xi32, #tpu.memory_space<hbm>>
      %dma_start3A_114 = tpu.memref_squeeze %dma_start3A_113 : memref<1x1x2x128xi32, #tpu.memory_space<hbm>> -> memref<2x128xi32, #tpu.memory_space<hbm>>
      %dma_start3A_115 = arith.constant 0 : i32
      %dma_start3A_116 = arith.constant 0 : i32
      %dma_start3A_117 = tpu.memref_slice %arg6[%dma_start3A_106, %dma_start3A_115, %dma_start3A_116] : memref<4x2x128xi32, #tpu.memory_space<vmem>> -> memref<1x2x128xi32, #tpu.memory_space<vmem>>
      %dma_start3A_118 = tpu.memref_squeeze %dma_start3A_117 : memref<1x2x128xi32, #tpu.memory_space<vmem>> -> memref<2x128xi32, #tpu.memory_space<vmem>>
      %dma_start3A_119 = arith.constant 0 : i32
      %dma_start3A_120 = arith.constant 0 : i32
      %dma_start3A_121 = tpu.memref_slice %arg4[%arg1, %dma_start3A_105, %dma_start3A_119, %dma_start3A_120] : memref<16x16x2x128xi32, #tpu.memory_space<hbm>> -> memref<1x1x2x128xi32, #tpu.memory_space<hbm>>
      %dma_start3A_122 = tpu.memref_squeeze %dma_start3A_121 : memref<1x1x2x128xi32, #tpu.memory_space<hbm>> -> memref<2x128xi32, #tpu.memory_space<hbm>>
      tpu.enqueue_dma source(%dma_start3A_122 : memref<2x128xi32, #tpu.memory_space<hbm>>) target(%dma_start3A_118 : memref<2x128xi32, #tpu.memory_space<vmem>>) target_semaphore(%arg13 : memref<!tpu.dma_semaphore, #tpu.memory_space<semaphore_mem>>)
      %dma_start3A_123 = arith.constant 2 : i32
      %dma_start3A_124 = arith.constant 2 : i32
      %dma_start3A_125 = arith.constant 0 : i32
      %dma_start3A_126 = arith.constant 0 : i32
      %dma_start3A_127 = tpu.memref_slice %arg6[%dma_start3A_124, %dma_start3A_125, %dma_start3A_126] : memref<4x2x128xi32, #tpu.memory_space<vmem>> -> memref<1x2x128xi32, #tpu.memory_space<vmem>>
      %dma_start3A_128 = tpu.memref_squeeze %dma_start3A_127 : memref<1x2x128xi32, #tpu.memory_space<vmem>> -> memref<2x128xi32, #tpu.memory_space<vmem>>
      %dma_start3A_129 = arith.constant 0 : i32
      %dma_start3A_130 = arith.constant 0 : i32
      %dma_start3A_131 = tpu.memref_slice %arg4[%arg1, %dma_start3A_123, %dma_start3A_129, %dma_start3A_130] : memref<16x16x2x128xi32, #tpu.memory_space<hbm>> -> memref<1x1x2x128xi32, #tpu.memory_space<hbm>>
      %dma_start3A_132 = tpu.memref_squeeze %dma_start3A_131 : memref<1x1x2x128xi32, #tpu.memory_space<hbm>> -> memref<2x128xi32, #tpu.memory_space<hbm>>
      %dma_start3A_133 = arith.constant 0 : i32
      %dma_start3A_134 = arith.constant 0 : i32
      %dma_start3A_135 = tpu.memref_slice %arg6[%dma_start3A_124, %dma_start3A_133, %dma_start3A_134] : memref<4x2x128xi32, #tpu.memory_space<vmem>> -> memref<1x2x128xi32, #tpu.memory_space<vmem>>
      %dma_start3A_136 = tpu.memref_squeeze %dma_start3A_135 : memref<1x2x128xi32, #tpu.memory_space<vmem>> -> memref<2x128xi32, #tpu.memory_space<vmem>>
      %dma_start3A_137 = arith.constant 0 : i32
      %dma_start3A_138 = arith.constant 0 : i32
      %dma_start3A_139 = tpu.memref_slice %arg4[%arg1, %dma_start3A_123, %dma_start3A_137, %dma_start3A_138] : memref<16x16x2x128xi32, #tpu.memory_space<hbm>> -> memref<1x1x2x128xi32, #tpu.memory_space<hbm>>
      %dma_start3A_140 = tpu.memref_squeeze %dma_start3A_139 : memref<1x1x2x128xi32, #tpu.memory_space<hbm>> -> memref<2x128xi32, #tpu.memory_space<hbm>>
      tpu.enqueue_dma source(%dma_start3A_140 : memref<2x128xi32, #tpu.memory_space<hbm>>) target(%dma_start3A_136 : memref<2x128xi32, #tpu.memory_space<vmem>>) target_semaphore(%arg14 : memref<!tpu.dma_semaphore, #tpu.memory_space<semaphore_mem>>)
      %dma_start3A_141 = arith.constant 3 : i32
      %dma_start3A_142 = arith.constant 3 : i32
      %dma_start3A_143 = arith.constant 0 : i32
      %dma_start3A_144 = arith.constant 0 : i32
      %dma_start3A_145 = tpu.memref_slice %arg6[%dma_start3A_142, %dma_start3A_143, %dma_start3A_144] : memref<4x2x128xi32, #tpu.memory_space<vmem>> -> memref<1x2x128xi32, #tpu.memory_space<vmem>>
      %dma_start3A_146 = tpu.memref_squeeze %dma_start3A_145 : memref<1x2x128xi32, #tpu.memory_space<vmem>> -> memref<2x128xi32, #tpu.memory_space<vmem>>
      %dma_start3A_147 = arith.constant 0 : i32
      %dma_start3A_148 = arith.constant 0 : i32
      %dma_start3A_149 = tpu.memref_slice %arg4[%arg1, %dma_start3A_141, %dma_start3A_147, %dma_start3A_148] : memref<16x16x2x128xi32, #tpu.memory_space<hbm>> -> memref<1x1x2x128xi32, #tpu.memory_space<hbm>>
      %dma_start3A_150 = tpu.memref_squeeze %dma_start3A_149 : memref<1x1x2x128xi32, #tpu.memory_space<hbm>> -> memref<2x128xi32, #tpu.memory_space<hbm>>
      %dma_start3A_151 = arith.constant 0 : i32
      %dma_start3A_152 = arith.constant 0 : i32
      %dma_start3A_153 = tpu.memref_slice %arg6[%dma_start3A_142, %dma_start3A_151, %dma_start3A_152] : memref<4x2x128xi32, #tpu.memory_space<vmem>> -> memref<1x2x128xi32, #tpu.memory_space<vmem>>
      %dma_start3A_154 = tpu.memref_squeeze %dma_start3A_153 : memref<1x2x128xi32, #tpu.memory_space<vmem>> -> memref<2x128xi32, #tpu.memory_space<vmem>>
      %dma_start3A_155 = arith.constant 0 : i32
      %dma_start3A_156 = arith.constant 0 : i32
      %dma_start3A_157 = tpu.memref_slice %arg4[%arg1, %dma_start3A_141, %dma_start3A_155, %dma_start3A_156] : memref<16x16x2x128xi32, #tpu.memory_space<hbm>> -> memref<1x1x2x128xi32, #tpu.memory_space<hbm>>
      %dma_start3A_158 = tpu.memref_squeeze %dma_start3A_157 : memref<1x1x2x128xi32, #tpu.memory_space<hbm>> -> memref<2x128xi32, #tpu.memory_space<hbm>>
      tpu.enqueue_dma source(%dma_start3A_158 : memref<2x128xi32, #tpu.memory_space<hbm>>) target(%dma_start3A_154 : memref<2x128xi32, #tpu.memory_space<vmem>>) target_semaphore(%arg15 : memref<!tpu.dma_semaphore, #tpu.memory_space<semaphore_mem>>)
      %dma_wait3A = arith.constant 0 : i32
      %dma_wait3A_159 = arith.constant 0 : i32
      %dma_wait3A_160 = arith.constant 0 : i32
      %dma_wait3A_161 = arith.constant 0 : i32
      %dma_wait3A_162 = tpu.memref_slice %arg6[%dma_wait3A_159, %dma_wait3A_160, %dma_wait3A_161] : memref<4x2x128xi32, #tpu.memory_space<vmem>> -> memref<1x2x128xi32, #tpu.memory_space<vmem>>
      %dma_wait3A_163 = tpu.memref_squeeze %dma_wait3A_162 : memref<1x2x128xi32, #tpu.memory_space<vmem>> -> memref<2x128xi32, #tpu.memory_space<vmem>>
      %dma_wait3A_164 = arith.constant 0 : i32
      %dma_wait3A_165 = arith.constant 0 : i32
      %dma_wait3A_166 = tpu.memref_slice %arg4[%arg1, %dma_wait3A, %dma_wait3A_164, %dma_wait3A_165] : memref<16x16x2x128xi32, #tpu.memory_space<hbm>> -> memref<1x1x2x128xi32, #tpu.memory_space<hbm>>
      %dma_wait3A_167 = tpu.memref_squeeze %dma_wait3A_166 : memref<1x1x2x128xi32, #tpu.memory_space<hbm>> -> memref<2x128xi32, #tpu.memory_space<hbm>>
      %dma_wait3A_168 = arith.constant 0 : i32
      %dma_wait3A_169 = arith.constant 0 : i32
      %dma_wait3A_170 = tpu.memref_slice %arg6[%dma_wait3A_159, %dma_wait3A_168, %dma_wait3A_169] : memref<4x2x128xi32, #tpu.memory_space<vmem>> -> memref<1x2x128xi32, #tpu.memory_space<vmem>>
      %dma_wait3A_171 = tpu.memref_squeeze %dma_wait3A_170 : memref<1x2x128xi32, #tpu.memory_space<vmem>> -> memref<2x128xi32, #tpu.memory_space<vmem>>
      %dma_wait3A_172 = arith.constant 0 : i32
      %dma_wait3A_173 = arith.constant 0 : i32
      %dma_wait3A_174 = tpu.memref_slice %arg4[%arg1, %dma_wait3A, %dma_wait3A_172, %dma_wait3A_173] : memref<16x16x2x128xi32, #tpu.memory_space<hbm>> -> memref<1x1x2x128xi32, #tpu.memory_space<hbm>>
      %dma_wait3A_175 = tpu.memref_squeeze %dma_wait3A_174 : memref<1x1x2x128xi32, #tpu.memory_space<hbm>> -> memref<2x128xi32, #tpu.memory_space<hbm>>
      tpu.wait_dma2 semaphore(%arg12 : memref<!tpu.dma_semaphore, #tpu.memory_space<semaphore_mem>>) src(%dma_wait3A_175 : memref<2x128xi32, #tpu.memory_space<hbm>>) dst(%dma_wait3A_171 : memref<2x128xi32, #tpu.memory_space<vmem>>)
      %dma_start3A_176 = arith.constant 0 : i32
      %dma_start3A_177 = arith.constant 0 : i32
      %dma_start3A_178 = arith.constant 0 : i32
      %dma_start3A_179 = tpu.memref_slice %arg6[%dma_start3A_176, %dma_start3A_177, %dma_start3A_178] : memref<4x2x128xi32, #tpu.memory_space<vmem>> -> memref<1x1x128xi32, #tpu.memory_space<vmem>>
      %dma_start3A_180 = tpu.memref_squeeze %dma_start3A_179 : memref<1x1x128xi32, #tpu.memory_space<vmem>> -> memref<128xi32, #tpu.memory_space<vmem>>
      %dma_start3A_181 = arith.constant 0 : i32
      %dma_start3A_182 = arith.constant 0 : i32
      %dma_start3A_183 = tpu.memref_slice %arg2[%dma_start3A_181, %dma_start3A_182] : memref<10000x128xf32, #tpu.memory_space<hbm>> -> memref<10000x128xf32, #tpu.memory_space<hbm>>
      tpu.enqueue_indirect_dma source(%dma_start3A_183 : memref<10000x128xf32, #tpu.memory_space<hbm>>) target(%arg7 : memref<128x128xf32, #tpu.memory_space<vmem>>) offsets(%dma_start3A_180 : memref<128xi32, #tpu.memory_space<vmem>>) semaphore(%arg16 : memref<!tpu.dma_semaphore, #tpu.memory_space<semaphore_mem>>)
      %dma_wait3A_184 = arith.constant 1 : i32
      %dma_wait3A_185 = arith.constant 1 : i32
      %dma_wait3A_186 = arith.constant 0 : i32
      %dma_wait3A_187 = arith.constant 0 : i32
      %dma_wait3A_188 = tpu.memref_slice %arg6[%dma_wait3A_185, %dma_wait3A_186, %dma_wait3A_187] : memref<4x2x128xi32, #tpu.memory_space<vmem>> -> memref<1x2x128xi32, #tpu.memory_space<vmem>>
      %dma_wait3A_189 = tpu.memref_squeeze %dma_wait3A_188 : memref<1x2x128xi32, #tpu.memory_space<vmem>> -> memref<2x128xi32, #tpu.memory_space<vmem>>
      %dma_wait3A_190 = arith.constant 0 : i32
      %dma_wait3A_191 = arith.constant 0 : i32
      %dma_wait3A_192 = tpu.memref_slice %arg4[%arg1, %dma_wait3A_184, %dma_wait3A_190, %dma_wait3A_191] : memref<16x16x2x128xi32, #tpu.memory_space<hbm>> -> memref<1x1x2x128xi32, #tpu.memory_space<hbm>>
      %dma_wait3A_193 = tpu.memref_squeeze %dma_wait3A_192 : memref<1x1x2x128xi32, #tpu.memory_space<hbm>> -> memref<2x128xi32, #tpu.memory_space<hbm>>
      %dma_wait3A_194 = arith.constant 0 : i32
      %dma_wait3A_195 = arith.constant 0 : i32
      %dma_wait3A_196 = tpu.memref_slice %arg6[%dma_wait3A_185, %dma_wait3A_194, %dma_wait3A_195] : memref<4x2x128xi32, #tpu.memory_space<vmem>> -> memref<1x2x128xi32, #tpu.memory_space<vmem>>
      %dma_wait3A_197 = tpu.memref_squeeze %dma_wait3A_196 : memref<1x2x128xi32, #tpu.memory_space<vmem>> -> memref<2x128xi32, #tpu.memory_space<vmem>>
      %dma_wait3A_198 = arith.constant 0 : i32
      %dma_wait3A_199 = arith.constant 0 : i32
      %dma_wait3A_200 = tpu.memref_slice %arg4[%arg1, %dma_wait3A_184, %dma_wait3A_198, %dma_wait3A_199] : memref<16x16x2x128xi32, #tpu.memory_space<hbm>> -> memref<1x1x2x128xi32, #tpu.memory_space<hbm>>
      %dma_wait3A_201 = tpu.memref_squeeze %dma_wait3A_200 : memref<1x1x2x128xi32, #tpu.memory_space<hbm>> -> memref<2x128xi32, #tpu.memory_space<hbm>>
      tpu.wait_dma2 semaphore(%arg13 : memref<!tpu.dma_semaphore, #tpu.memory_space<semaphore_mem>>) src(%dma_wait3A_201 : memref<2x128xi32, #tpu.memory_space<hbm>>) dst(%dma_wait3A_197 : memref<2x128xi32, #tpu.memory_space<vmem>>)
      %dma_start3A_202 = arith.constant 1 : i32
      %dma_start3A_203 = arith.constant 0 : i32
      %dma_start3A_204 = arith.constant 0 : i32
      %dma_start3A_205 = tpu.memref_slice %arg6[%dma_start3A_202, %dma_start3A_203, %dma_start3A_204] : memref<4x2x128xi32, #tpu.memory_space<vmem>> -> memref<1x1x128xi32, #tpu.memory_space<vmem>>
      %dma_start3A_206 = tpu.memref_squeeze %dma_start3A_205 : memref<1x1x128xi32, #tpu.memory_space<vmem>> -> memref<128xi32, #tpu.memory_space<vmem>>
      %dma_start3A_207 = arith.constant 0 : i32
      %dma_start3A_208 = arith.constant 0 : i32
      %dma_start3A_209 = tpu.memref_slice %arg2[%dma_start3A_207, %dma_start3A_208] : memref<10000x128xf32, #tpu.memory_space<hbm>> -> memref<10000x128xf32, #tpu.memory_space<hbm>>
      tpu.enqueue_indirect_dma source(%dma_start3A_209 : memref<10000x128xf32, #tpu.memory_space<hbm>>) target(%arg8 : memref<128x128xf32, #tpu.memory_space<vmem>>) offsets(%dma_start3A_206 : memref<128xi32, #tpu.memory_space<vmem>>) semaphore(%arg17 : memref<!tpu.dma_semaphore, #tpu.memory_space<semaphore_mem>>)
      %scan3A_210 = arith.constant 0 : i32
      %scan3A_211 = arith.constant 0 : i32
      %scan3A_212 = arith.constant 4 : i32
      %scan3A_213 = arith.addi %scan3A_211, %scan3A_212 : i32
      %scan3A_214 = arith.constant 1 : i32
      scf.for %scan3A_217 = %scan3A_211 to %scan3A_213 step %scan3A_214  : i32 {
        %mul3A_218 = arith.constant 4 : i32
        %mul3A_219 = arith.muli %mul3A_218, %scan3A_217 : i32
        %dma_wait3A_220 = arith.constant 0 : i32
        %dma_wait3A_221 = arith.constant 0 : i32
        %dma_wait3A_222 = arith.constant 0 : i32
        %dma_wait3A_223 = tpu.memref_slice %arg6[%dma_wait3A_220, %dma_wait3A_221, %dma_wait3A_222] : memref<4x2x128xi32, #tpu.memory_space<vmem>> -> memref<1x1x128xi32, #tpu.memory_space<vmem>>
        %dma_wait3A_224 = tpu.memref_squeeze %dma_wait3A_223 : memref<1x1x128xi32, #tpu.memory_space<vmem>> -> memref<128xi32, #tpu.memory_space<vmem>>
        %dma_wait3A_225 = arith.constant 0 : i32
        %dma_wait3A_226 = arith.constant 0 : i32
        %dma_wait3A_227 = tpu.memref_slice %arg2[%dma_wait3A_225, %dma_wait3A_226] : memref<10000x128xf32, #tpu.memory_space<hbm>> -> memref<10000x128xf32, #tpu.memory_space<hbm>>
        tpu.wait_indirect_dma semaphore(%arg16 : memref<!tpu.dma_semaphore, #tpu.memory_space<semaphore_mem>>) src(%dma_wait3A_227 : memref<10000x128xf32, #tpu.memory_space<hbm>>) dst(%arg7 : memref<128x128xf32, #tpu.memory_space<vmem>>)
        %run_scoped3A_228 = arith.constant 0 : i32
        %run_scoped3A_229 = arith.constant 1 : i32
        "tpu.region"() ({
          %run_scoped3A_321 = tpu.sem_alloc : memref<!tpu.dma_semaphore, #tpu.memory_space<semaphore_mem>>
          %dma_start3A_322 = arith.constant 0 : i32
          %dma_start3A_323 = tpu.memref_slice %arg6[%run_scoped3A_228, %run_scoped3A_229, %dma_start3A_322] : memref<4x2x128xi32, #tpu.memory_space<vmem>> -> memref<1x1x128xi32, #tpu.memory_space<vmem>>
          %dma_start3A_324 = tpu.memref_squeeze %dma_start3A_323 : memref<1x1x128xi32, #tpu.memory_space<vmem>> -> memref<128xi32, #tpu.memory_space<vmem>>
          %dma_start3A_325 = arith.constant 0 : i32
          %dma_start3A_326 = arith.constant 0 : i32
          %dma_start3A_327 = tpu.memref_slice %arg11[%dma_start3A_325, %dma_start3A_326] : memref<10240x128xf32, #tpu.memory_space<vmem_shared>> -> memref<10240x128xf32, #tpu.memory_space<vmem_shared>>
          tpu.enqueue_indirect_dma source(%arg7 : memref<128x128xf32, #tpu.memory_space<vmem>>) target(%dma_start3A_327 : memref<10240x128xf32, #tpu.memory_space<vmem_shared>>) offsets(%dma_start3A_324 : memref<128xi32, #tpu.memory_space<vmem>>) semaphore(%run_scoped3A_321 : memref<!tpu.dma_semaphore, #tpu.memory_space<semaphore_mem>>) {add = true}
          %dma_wait3A_328 = arith.constant 0 : i32
          %dma_wait3A_329 = tpu.memref_slice %arg6[%run_scoped3A_228, %run_scoped3A_229, %dma_wait3A_328] : memref<4x2x128xi32, #tpu.memory_space<vmem>> -> memref<1x1x128xi32, #tpu.memory_space<vmem>>
          %dma_wait3A_330 = tpu.memref_squeeze %dma_wait3A_329 : memref<1x1x128xi32, #tpu.memory_space<vmem>> -> memref<128xi32, #tpu.memory_space<vmem>>
          %dma_wait3A_331 = arith.constant 0 : i32
          %dma_wait3A_332 = arith.constant 0 : i32
          %dma_wait3A_333 = tpu.memref_slice %arg11[%dma_wait3A_331, %dma_wait3A_332] : memref<10240x128xf32, #tpu.memory_space<vmem_shared>> -> memref<10240x128xf32, #tpu.memory_space<vmem_shared>>
          tpu.wait_indirect_dma semaphore(%run_scoped3A_321 : memref<!tpu.dma_semaphore, #tpu.memory_space<semaphore_mem>>) src(%arg7 : memref<128x128xf32, #tpu.memory_space<vmem>>) dst(%dma_wait3A_333 : memref<10240x128xf32, #tpu.memory_space<vmem_shared>>)
          tpu.yield
        }) : () -> ()
        %add3A_230 = arith.constant 4 : i32
        %add3A_231 = arith.addi %mul3A_219, %add3A_230 : i32
        %lt3A = arith.constant 16 : i32
        %lt3A_232 = arith.cmpi slt, %add3A_231, %lt3A : i32
        %convert_element_type3A_233 = arith.extui %lt3A_232 : i1 to i32
        %cond3A_234 = arith.constant 0 : i32
        %cond3A_235 = arith.cmpi ne, %convert_element_type3A_233, %cond3A_234 : i32
        scf.if %cond3A_235 {
          %add3A_321 = arith.constant 4 : i32
          %add3A_322 = arith.addi %mul3A_219, %add3A_321 : i32
          %dma_start3A_323 = arith.constant 0 : i32
          %dma_start3A_324 = arith.constant 0 : i32
          %dma_start3A_325 = arith.constant 0 : i32
          %dma_start3A_326 = tpu.memref_slice %arg6[%dma_start3A_323, %dma_start3A_324, %dma_start3A_325] : memref<4x2x128xi32, #tpu.memory_space<vmem>> -> memref<1x2x128xi32, #tpu.memory_space<vmem>>
          %dma_start3A_327 = tpu.memref_squeeze %dma_start3A_326 : memref<1x2x128xi32, #tpu.memory_space<vmem>> -> memref<2x128xi32, #tpu.memory_space<vmem>>
          %dma_start3A_328 = arith.constant 0 : i32
          %dma_start3A_329 = arith.constant 0 : i32
          %dma_start3A_330 = tpu.memref_slice %arg4[%arg1, %add3A_322, %dma_start3A_328, %dma_start3A_329] : memref<16x16x2x128xi32, #tpu.memory_space<hbm>> -> memref<1x1x2x128xi32, #tpu.memory_space<hbm>>
          %dma_start3A_331 = tpu.memref_squeeze %dma_start3A_330 : memref<1x1x2x128xi32, #tpu.memory_space<hbm>> -> memref<2x128xi32, #tpu.memory_space<hbm>>
          %dma_start3A_332 = arith.constant 0 : i32
          %dma_start3A_333 = arith.constant 0 : i32
          %dma_start3A_334 = tpu.memref_slice %arg6[%dma_start3A_323, %dma_start3A_332, %dma_start3A_333] : memref<4x2x128xi32, #tpu.memory_space<vmem>> -> memref<1x2x128xi32, #tpu.memory_space<vmem>>
          %dma_start3A_335 = tpu.memref_squeeze %dma_start3A_334 : memref<1x2x128xi32, #tpu.memory_space<vmem>> -> memref<2x128xi32, #tpu.memory_space<vmem>>
          %dma_start3A_336 = arith.constant 0 : i32
          %dma_start3A_337 = arith.constant 0 : i32
          %dma_start3A_338 = tpu.memref_slice %arg4[%arg1, %add3A_322, %dma_start3A_336, %dma_start3A_337] : memref<16x16x2x128xi32, #tpu.memory_space<hbm>> -> memref<1x1x2x128xi32, #tpu.memory_space<hbm>>
          %dma_start3A_339 = tpu.memref_squeeze %dma_start3A_338 : memref<1x1x2x128xi32, #tpu.memory_space<hbm>> -> memref<2x128xi32, #tpu.memory_space<hbm>>
          tpu.enqueue_dma source(%dma_start3A_339 : memref<2x128xi32, #tpu.memory_space<hbm>>) target(%dma_start3A_335 : memref<2x128xi32, #tpu.memory_space<vmem>>) target_semaphore(%arg12 : memref<!tpu.dma_semaphore, #tpu.memory_space<semaphore_mem>>)
        } else {
        }
        %add3A_236 = arith.constant 2 : i32
        %add3A_237 = arith.addi %mul3A_219, %add3A_236 : i32
        %lt3A_238 = arith.constant 16 : i32
        %lt3A_239 = arith.cmpi slt, %add3A_237, %lt3A_238 : i32
        %convert_element_type3A_240 = arith.extui %lt3A_239 : i1 to i32
        %cond3A_241 = arith.constant 0 : i32
        %cond3A_242 = arith.cmpi ne, %convert_element_type3A_240, %cond3A_241 : i32
        scf.if %cond3A_242 {
          %add3A_321 = arith.constant 2 : i32
          %add3A_322 = arith.addi %mul3A_219, %add3A_321 : i32
          %dma_wait3A_323 = arith.constant 2 : i32
          %dma_wait3A_324 = arith.constant 0 : i32
          %dma_wait3A_325 = arith.constant 0 : i32
          %dma_wait3A_326 = tpu.memref_slice %arg6[%dma_wait3A_323, %dma_wait3A_324, %dma_wait3A_325] : memref<4x2x128xi32, #tpu.memory_space<vmem>> -> memref<1x2x128xi32, #tpu.memory_space<vmem>>
          %dma_wait3A_327 = tpu.memref_squeeze %dma_wait3A_326 : memref<1x2x128xi32, #tpu.memory_space<vmem>> -> memref<2x128xi32, #tpu.memory_space<vmem>>
          %dma_wait3A_328 = arith.constant 0 : i32
          %dma_wait3A_329 = arith.constant 0 : i32
          %dma_wait3A_330 = tpu.memref_slice %arg4[%arg1, %add3A_322, %dma_wait3A_328, %dma_wait3A_329] : memref<16x16x2x128xi32, #tpu.memory_space<hbm>> -> memref<1x1x2x128xi32, #tpu.memory_space<hbm>>
          %dma_wait3A_331 = tpu.memref_squeeze %dma_wait3A_330 : memref<1x1x2x128xi32, #tpu.memory_space<hbm>> -> memref<2x128xi32, #tpu.memory_space<hbm>>
          %dma_wait3A_332 = arith.constant 0 : i32
          %dma_wait3A_333 = arith.constant 0 : i32
          %dma_wait3A_334 = tpu.memref_slice %arg6[%dma_wait3A_323, %dma_wait3A_332, %dma_wait3A_333] : memref<4x2x128xi32, #tpu.memory_space<vmem>> -> memref<1x2x128xi32, #tpu.memory_space<vmem>>
          %dma_wait3A_335 = tpu.memref_squeeze %dma_wait3A_334 : memref<1x2x128xi32, #tpu.memory_space<vmem>> -> memref<2x128xi32, #tpu.memory_space<vmem>>
          %dma_wait3A_336 = arith.constant 0 : i32
          %dma_wait3A_337 = arith.constant 0 : i32
          %dma_wait3A_338 = tpu.memref_slice %arg4[%arg1, %add3A_322, %dma_wait3A_336, %dma_wait3A_337] : memref<16x16x2x128xi32, #tpu.memory_space<hbm>> -> memref<1x1x2x128xi32, #tpu.memory_space<hbm>>
          %dma_wait3A_339 = tpu.memref_squeeze %dma_wait3A_338 : memref<1x1x2x128xi32, #tpu.memory_space<hbm>> -> memref<2x128xi32, #tpu.memory_space<hbm>>
          tpu.wait_dma2 semaphore(%arg14 : memref<!tpu.dma_semaphore, #tpu.memory_space<semaphore_mem>>) src(%dma_wait3A_339 : memref<2x128xi32, #tpu.memory_space<hbm>>) dst(%dma_wait3A_335 : memref<2x128xi32, #tpu.memory_space<vmem>>)
          %dma_start3A_340 = arith.constant 2 : i32
          %dma_start3A_341 = arith.constant 0 : i32
          %dma_start3A_342 = arith.constant 0 : i32
          %dma_start3A_343 = tpu.memref_slice %arg6[%dma_start3A_340, %dma_start3A_341, %dma_start3A_342] : memref<4x2x128xi32, #tpu.memory_space<vmem>> -> memref<1x1x128xi32, #tpu.memory_space<vmem>>
          %dma_start3A_344 = tpu.memref_squeeze %dma_start3A_343 : memref<1x1x128xi32, #tpu.memory_space<vmem>> -> memref<128xi32, #tpu.memory_space<vmem>>
          %dma_start3A_345 = arith.constant 0 : i32
          %dma_start3A_346 = arith.constant 0 : i32
          %dma_start3A_347 = tpu.memref_slice %arg2[%dma_start3A_345, %dma_start3A_346] : memref<10000x128xf32, #tpu.memory_space<hbm>> -> memref<10000x128xf32, #tpu.memory_space<hbm>>
          tpu.enqueue_indirect_dma source(%dma_start3A_347 : memref<10000x128xf32, #tpu.memory_space<hbm>>) target(%arg7 : memref<128x128xf32, #tpu.memory_space<vmem>>) offsets(%dma_start3A_344 : memref<128xi32, #tpu.memory_space<vmem>>) semaphore(%arg16 : memref<!tpu.dma_semaphore, #tpu.memory_space<semaphore_mem>>)
        } else {
        }
        %add3A_243 = arith.constant 1 : i32
        %add3A_244 = arith.addi %mul3A_219, %add3A_243 : i32
        %dma_wait3A_245 = arith.constant 1 : i32
        %dma_wait3A_246 = arith.constant 0 : i32
        %dma_wait3A_247 = arith.constant 0 : i32
        %dma_wait3A_248 = tpu.memref_slice %arg6[%dma_wait3A_245, %dma_wait3A_246, %dma_wait3A_247] : memref<4x2x128xi32, #tpu.memory_space<vmem>> -> memref<1x1x128xi32, #tpu.memory_space<vmem>>
        %dma_wait3A_249 = tpu.memref_squeeze %dma_wait3A_248 : memref<1x1x128xi32, #tpu.memory_space<vmem>> -> memref<128xi32, #tpu.memory_space<vmem>>
        %dma_wait3A_250 = arith.constant 0 : i32
        %dma_wait3A_251 = arith.constant 0 : i32
        %dma_wait3A_252 = tpu.memref_slice %arg2[%dma_wait3A_250, %dma_wait3A_251] : memref<10000x128xf32, #tpu.memory_space<hbm>> -> memref<10000x128xf32, #tpu.memory_space<hbm>>
        tpu.wait_indirect_dma semaphore(%arg17 : memref<!tpu.dma_semaphore, #tpu.memory_space<semaphore_mem>>) src(%dma_wait3A_252 : memref<10000x128xf32, #tpu.memory_space<hbm>>) dst(%arg8 : memref<128x128xf32, #tpu.memory_space<vmem>>)
        %run_scoped3A_253 = arith.constant 1 : i32
        %run_scoped3A_254 = arith.constant 1 : i32
        "tpu.region"() ({
          %run_scoped3A_321 = tpu.sem_alloc : memref<!tpu.dma_semaphore, #tpu.memory_space<semaphore_mem>>
          %dma_start3A_322 = arith.constant 0 : i32
          %dma_start3A_323 = tpu.memref_slice %arg6[%run_scoped3A_253, %run_scoped3A_254, %dma_start3A_322] : memref<4x2x128xi32, #tpu.memory_space<vmem>> -> memref<1x1x128xi32, #tpu.memory_space<vmem>>
          %dma_start3A_324 = tpu.memref_squeeze %dma_start3A_323 : memref<1x1x128xi32, #tpu.memory_space<vmem>> -> memref<128xi32, #tpu.memory_space<vmem>>
          %dma_start3A_325 = arith.constant 0 : i32
          %dma_start3A_326 = arith.constant 0 : i32
          %dma_start3A_327 = tpu.memref_slice %arg11[%dma_start3A_325, %dma_start3A_326] : memref<10240x128xf32, #tpu.memory_space<vmem_shared>> -> memref<10240x128xf32, #tpu.memory_space<vmem_shared>>
          tpu.enqueue_indirect_dma source(%arg8 : memref<128x128xf32, #tpu.memory_space<vmem>>) target(%dma_start3A_327 : memref<10240x128xf32, #tpu.memory_space<vmem_shared>>) offsets(%dma_start3A_324 : memref<128xi32, #tpu.memory_space<vmem>>) semaphore(%run_scoped3A_321 : memref<!tpu.dma_semaphore, #tpu.memory_space<semaphore_mem>>) {add = true}
          %dma_wait3A_328 = arith.constant 0 : i32
          %dma_wait3A_329 = tpu.memref_slice %arg6[%run_scoped3A_253, %run_scoped3A_254, %dma_wait3A_328] : memref<4x2x128xi32, #tpu.memory_space<vmem>> -> memref<1x1x128xi32, #tpu.memory_space<vmem>>
          %dma_wait3A_330 = tpu.memref_squeeze %dma_wait3A_329 : memref<1x1x128xi32, #tpu.memory_space<vmem>> -> memref<128xi32, #tpu.memory_space<vmem>>
          %dma_wait3A_331 = arith.constant 0 : i32
          %dma_wait3A_332 = arith.constant 0 : i32
          %dma_wait3A_333 = tpu.memref_slice %arg11[%dma_wait3A_331, %dma_wait3A_332] : memref<10240x128xf32, #tpu.memory_space<vmem_shared>> -> memref<10240x128xf32, #tpu.memory_space<vmem_shared>>
          tpu.wait_indirect_dma semaphore(%run_scoped3A_321 : memref<!tpu.dma_semaphore, #tpu.memory_space<semaphore_mem>>) src(%arg8 : memref<128x128xf32, #tpu.memory_space<vmem>>) dst(%dma_wait3A_333 : memref<10240x128xf32, #tpu.memory_space<vmem_shared>>)
          tpu.yield
        }) : () -> ()
        %add3A_255 = arith.constant 4 : i32
        %add3A_256 = arith.addi %add3A_244, %add3A_255 : i32
        %lt3A_257 = arith.constant 16 : i32
        %lt3A_258 = arith.cmpi slt, %add3A_256, %lt3A_257 : i32
        %convert_element_type3A_259 = arith.extui %lt3A_258 : i1 to i32
        %cond3A_260 = arith.constant 0 : i32
        %cond3A_261 = arith.cmpi ne, %convert_element_type3A_259, %cond3A_260 : i32
        scf.if %cond3A_261 {
          %add3A_321 = arith.constant 4 : i32
          %add3A_322 = arith.addi %add3A_244, %add3A_321 : i32
          %dma_start3A_323 = arith.constant 1 : i32
          %dma_start3A_324 = arith.constant 0 : i32
          %dma_start3A_325 = arith.constant 0 : i32
          %dma_start3A_326 = tpu.memref_slice %arg6[%dma_start3A_323, %dma_start3A_324, %dma_start3A_325] : memref<4x2x128xi32, #tpu.memory_space<vmem>> -> memref<1x2x128xi32, #tpu.memory_space<vmem>>
          %dma_start3A_327 = tpu.memref_squeeze %dma_start3A_326 : memref<1x2x128xi32, #tpu.memory_space<vmem>> -> memref<2x128xi32, #tpu.memory_space<vmem>>
          %dma_start3A_328 = arith.constant 0 : i32
          %dma_start3A_329 = arith.constant 0 : i32
          %dma_start3A_330 = tpu.memref_slice %arg4[%arg1, %add3A_322, %dma_start3A_328, %dma_start3A_329] : memref<16x16x2x128xi32, #tpu.memory_space<hbm>> -> memref<1x1x2x128xi32, #tpu.memory_space<hbm>>
          %dma_start3A_331 = tpu.memref_squeeze %dma_start3A_330 : memref<1x1x2x128xi32, #tpu.memory_space<hbm>> -> memref<2x128xi32, #tpu.memory_space<hbm>>
          %dma_start3A_332 = arith.constant 0 : i32
          %dma_start3A_333 = arith.constant 0 : i32
          %dma_start3A_334 = tpu.memref_slice %arg6[%dma_start3A_323, %dma_start3A_332, %dma_start3A_333] : memref<4x2x128xi32, #tpu.memory_space<vmem>> -> memref<1x2x128xi32, #tpu.memory_space<vmem>>
          %dma_start3A_335 = tpu.memref_squeeze %dma_start3A_334 : memref<1x2x128xi32, #tpu.memory_space<vmem>> -> memref<2x128xi32, #tpu.memory_space<vmem>>
          %dma_start3A_336 = arith.constant 0 : i32
          %dma_start3A_337 = arith.constant 0 : i32
          %dma_start3A_338 = tpu.memref_slice %arg4[%arg1, %add3A_322, %dma_start3A_336, %dma_start3A_337] : memref<16x16x2x128xi32, #tpu.memory_space<hbm>> -> memref<1x1x2x128xi32, #tpu.memory_space<hbm>>
          %dma_start3A_339 = tpu.memref_squeeze %dma_start3A_338 : memref<1x1x2x128xi32, #tpu.memory_space<hbm>> -> memref<2x128xi32, #tpu.memory_space<hbm>>
          tpu.enqueue_dma source(%dma_start3A_339 : memref<2x128xi32, #tpu.memory_space<hbm>>) target(%dma_start3A_335 : memref<2x128xi32, #tpu.memory_space<vmem>>) target_semaphore(%arg13 : memref<!tpu.dma_semaphore, #tpu.memory_space<semaphore_mem>>)
        } else {
        }
        %add3A_262 = arith.constant 2 : i32
        %add3A_263 = arith.addi %add3A_244, %add3A_262 : i32
        %lt3A_264 = arith.constant 16 : i32
        %lt3A_265 = arith.cmpi slt, %add3A_263, %lt3A_264 : i32
        %convert_element_type3A_266 = arith.extui %lt3A_265 : i1 to i32
        %cond3A_267 = arith.constant 0 : i32
        %cond3A_268 = arith.cmpi ne, %convert_element_type3A_266, %cond3A_267 : i32
        scf.if %cond3A_268 {
          %add3A_321 = arith.constant 2 : i32
          %add3A_322 = arith.addi %add3A_244, %add3A_321 : i32
          %dma_wait3A_323 = arith.constant 3 : i32
          %dma_wait3A_324 = arith.constant 0 : i32
          %dma_wait3A_325 = arith.constant 0 : i32
          %dma_wait3A_326 = tpu.memref_slice %arg6[%dma_wait3A_323, %dma_wait3A_324, %dma_wait3A_325] : memref<4x2x128xi32, #tpu.memory_space<vmem>> -> memref<1x2x128xi32, #tpu.memory_space<vmem>>
          %dma_wait3A_327 = tpu.memref_squeeze %dma_wait3A_326 : memref<1x2x128xi32, #tpu.memory_space<vmem>> -> memref<2x128xi32, #tpu.memory_space<vmem>>
          %dma_wait3A_328 = arith.constant 0 : i32
          %dma_wait3A_329 = arith.constant 0 : i32
          %dma_wait3A_330 = tpu.memref_slice %arg4[%arg1, %add3A_322, %dma_wait3A_328, %dma_wait3A_329] : memref<16x16x2x128xi32, #tpu.memory_space<hbm>> -> memref<1x1x2x128xi32, #tpu.memory_space<hbm>>
          %dma_wait3A_331 = tpu.memref_squeeze %dma_wait3A_330 : memref<1x1x2x128xi32, #tpu.memory_space<hbm>> -> memref<2x128xi32, #tpu.memory_space<hbm>>
          %dma_wait3A_332 = arith.constant 0 : i32
          %dma_wait3A_333 = arith.constant 0 : i32
          %dma_wait3A_334 = tpu.memref_slice %arg6[%dma_wait3A_323, %dma_wait3A_332, %dma_wait3A_333] : memref<4x2x128xi32, #tpu.memory_space<vmem>> -> memref<1x2x128xi32, #tpu.memory_space<vmem>>
          %dma_wait3A_335 = tpu.memref_squeeze %dma_wait3A_334 : memref<1x2x128xi32, #tpu.memory_space<vmem>> -> memref<2x128xi32, #tpu.memory_space<vmem>>
          %dma_wait3A_336 = arith.constant 0 : i32
          %dma_wait3A_337 = arith.constant 0 : i32
          %dma_wait3A_338 = tpu.memref_slice %arg4[%arg1, %add3A_322, %dma_wait3A_336, %dma_wait3A_337] : memref<16x16x2x128xi32, #tpu.memory_space<hbm>> -> memref<1x1x2x128xi32, #tpu.memory_space<hbm>>
          %dma_wait3A_339 = tpu.memref_squeeze %dma_wait3A_338 : memref<1x1x2x128xi32, #tpu.memory_space<hbm>> -> memref<2x128xi32, #tpu.memory_space<hbm>>
          tpu.wait_dma2 semaphore(%arg15 : memref<!tpu.dma_semaphore, #tpu.memory_space<semaphore_mem>>) src(%dma_wait3A_339 : memref<2x128xi32, #tpu.memory_space<hbm>>) dst(%dma_wait3A_335 : memref<2x128xi32, #tpu.memory_space<vmem>>)
          %dma_start3A_340 = arith.constant 3 : i32
          %dma_start3A_341 = arith.constant 0 : i32
          %dma_start3A_342 = arith.constant 0 : i32
          %dma_start3A_343 = tpu.memref_slice %arg6[%dma_start3A_340, %dma_start3A_341, %dma_start3A_342] : memref<4x2x128xi32, #tpu.memory_space<vmem>> -> memref<1x1x128xi32, #tpu.memory_space<vmem>>
          %dma_start3A_344 = tpu.memref_squeeze %dma_start3A_343 : memref<1x1x128xi32, #tpu.memory_space<vmem>> -> memref<128xi32, #tpu.memory_space<vmem>>
          %dma_start3A_345 = arith.constant 0 : i32
          %dma_start3A_346 = arith.constant 0 : i32
          %dma_start3A_347 = tpu.memref_slice %arg2[%dma_start3A_345, %dma_start3A_346] : memref<10000x128xf32, #tpu.memory_space<hbm>> -> memref<10000x128xf32, #tpu.memory_space<hbm>>
          tpu.enqueue_indirect_dma source(%dma_start3A_347 : memref<10000x128xf32, #tpu.memory_space<hbm>>) target(%arg8 : memref<128x128xf32, #tpu.memory_space<vmem>>) offsets(%dma_start3A_344 : memref<128xi32, #tpu.memory_space<vmem>>) semaphore(%arg17 : memref<!tpu.dma_semaphore, #tpu.memory_space<semaphore_mem>>)
        } else {
        }
        %add3A_269 = arith.constant 2 : i32
        %add3A_270 = arith.addi %mul3A_219, %add3A_269 : i32
        %dma_wait3A_271 = arith.constant 2 : i32
        %dma_wait3A_272 = arith.constant 0 : i32
        %dma_wait3A_273 = arith.constant 0 : i32
        %dma_wait3A_274 = tpu.memref_slice %arg6[%dma_wait3A_271, %dma_wait3A_272, %dma_wait3A_273] : memref<4x2x128xi32, #tpu.memory_space<vmem>> -> memref<1x1x128xi32, #tpu.memory_space<vmem>>
        %dma_wait3A_275 = tpu.memref_squeeze %dma_wait3A_274 : memref<1x1x128xi32, #tpu.memory_space<vmem>> -> memref<128xi32, #tpu.memory_space<vmem>>
        %dma_wait3A_276 = arith.constant 0 : i32
        %dma_wait3A_277 = arith.constant 0 : i32
        %dma_wait3A_278 = tpu.memref_slice %arg2[%dma_wait3A_276, %dma_wait3A_277] : memref<10000x128xf32, #tpu.memory_space<hbm>> -> memref<10000x128xf32, #tpu.memory_space<hbm>>
        tpu.wait_indirect_dma semaphore(%arg16 : memref<!tpu.dma_semaphore, #tpu.memory_space<semaphore_mem>>) src(%dma_wait3A_278 : memref<10000x128xf32, #tpu.memory_space<hbm>>) dst(%arg7 : memref<128x128xf32, #tpu.memory_space<vmem>>)
        %run_scoped3A_279 = arith.constant 2 : i32
        %run_scoped3A_280 = arith.constant 1 : i32
        "tpu.region"() ({
          %run_scoped3A_321 = tpu.sem_alloc : memref<!tpu.dma_semaphore, #tpu.memory_space<semaphore_mem>>
          %dma_start3A_322 = arith.constant 0 : i32
          %dma_start3A_323 = tpu.memref_slice %arg6[%run_scoped3A_279, %run_scoped3A_280, %dma_start3A_322] : memref<4x2x128xi32, #tpu.memory_space<vmem>> -> memref<1x1x128xi32, #tpu.memory_space<vmem>>
          %dma_start3A_324 = tpu.memref_squeeze %dma_start3A_323 : memref<1x1x128xi32, #tpu.memory_space<vmem>> -> memref<128xi32, #tpu.memory_space<vmem>>
          %dma_start3A_325 = arith.constant 0 : i32
          %dma_start3A_326 = arith.constant 0 : i32
          %dma_start3A_327 = tpu.memref_slice %arg11[%dma_start3A_325, %dma_start3A_326] : memref<10240x128xf32, #tpu.memory_space<vmem_shared>> -> memref<10240x128xf32, #tpu.memory_space<vmem_shared>>
          tpu.enqueue_indirect_dma source(%arg7 : memref<128x128xf32, #tpu.memory_space<vmem>>) target(%dma_start3A_327 : memref<10240x128xf32, #tpu.memory_space<vmem_shared>>) offsets(%dma_start3A_324 : memref<128xi32, #tpu.memory_space<vmem>>) semaphore(%run_scoped3A_321 : memref<!tpu.dma_semaphore, #tpu.memory_space<semaphore_mem>>) {add = true}
          %dma_wait3A_328 = arith.constant 0 : i32
          %dma_wait3A_329 = tpu.memref_slice %arg6[%run_scoped3A_279, %run_scoped3A_280, %dma_wait3A_328] : memref<4x2x128xi32, #tpu.memory_space<vmem>> -> memref<1x1x128xi32, #tpu.memory_space<vmem>>
          %dma_wait3A_330 = tpu.memref_squeeze %dma_wait3A_329 : memref<1x1x128xi32, #tpu.memory_space<vmem>> -> memref<128xi32, #tpu.memory_space<vmem>>
          %dma_wait3A_331 = arith.constant 0 : i32
          %dma_wait3A_332 = arith.constant 0 : i32
          %dma_wait3A_333 = tpu.memref_slice %arg11[%dma_wait3A_331, %dma_wait3A_332] : memref<10240x128xf32, #tpu.memory_space<vmem_shared>> -> memref<10240x128xf32, #tpu.memory_space<vmem_shared>>
          tpu.wait_indirect_dma semaphore(%run_scoped3A_321 : memref<!tpu.dma_semaphore, #tpu.memory_space<semaphore_mem>>) src(%arg7 : memref<128x128xf32, #tpu.memory_space<vmem>>) dst(%dma_wait3A_333 : memref<10240x128xf32, #tpu.memory_space<vmem_shared>>)
          tpu.yield
        }) : () -> ()
        %add3A_281 = arith.constant 4 : i32
        %add3A_282 = arith.addi %add3A_270, %add3A_281 : i32
        %lt3A_283 = arith.constant 16 : i32
        %lt3A_284 = arith.cmpi slt, %add3A_282, %lt3A_283 : i32
        %convert_element_type3A_285 = arith.extui %lt3A_284 : i1 to i32
        %cond3A_286 = arith.constant 0 : i32
        %cond3A_287 = arith.cmpi ne, %convert_element_type3A_285, %cond3A_286 : i32
        scf.if %cond3A_287 {
          %add3A_321 = arith.constant 4 : i32
          %add3A_322 = arith.addi %add3A_270, %add3A_321 : i32
          %dma_start3A_323 = arith.constant 2 : i32
          %dma_start3A_324 = arith.constant 0 : i32
          %dma_start3A_325 = arith.constant 0 : i32
          %dma_start3A_326 = tpu.memref_slice %arg6[%dma_start3A_323, %dma_start3A_324, %dma_start3A_325] : memref<4x2x128xi32, #tpu.memory_space<vmem>> -> memref<1x2x128xi32, #tpu.memory_space<vmem>>
          %dma_start3A_327 = tpu.memref_squeeze %dma_start3A_326 : memref<1x2x128xi32, #tpu.memory_space<vmem>> -> memref<2x128xi32, #tpu.memory_space<vmem>>
          %dma_start3A_328 = arith.constant 0 : i32
          %dma_start3A_329 = arith.constant 0 : i32
          %dma_start3A_330 = tpu.memref_slice %arg4[%arg1, %add3A_322, %dma_start3A_328, %dma_start3A_329] : memref<16x16x2x128xi32, #tpu.memory_space<hbm>> -> memref<1x1x2x128xi32, #tpu.memory_space<hbm>>
          %dma_start3A_331 = tpu.memref_squeeze %dma_start3A_330 : memref<1x1x2x128xi32, #tpu.memory_space<hbm>> -> memref<2x128xi32, #tpu.memory_space<hbm>>
          %dma_start3A_332 = arith.constant 0 : i32
          %dma_start3A_333 = arith.constant 0 : i32
          %dma_start3A_334 = tpu.memref_slice %arg6[%dma_start3A_323, %dma_start3A_332, %dma_start3A_333] : memref<4x2x128xi32, #tpu.memory_space<vmem>> -> memref<1x2x128xi32, #tpu.memory_space<vmem>>
          %dma_start3A_335 = tpu.memref_squeeze %dma_start3A_334 : memref<1x2x128xi32, #tpu.memory_space<vmem>> -> memref<2x128xi32, #tpu.memory_space<vmem>>
          %dma_start3A_336 = arith.constant 0 : i32
          %dma_start3A_337 = arith.constant 0 : i32
          %dma_start3A_338 = tpu.memref_slice %arg4[%arg1, %add3A_322, %dma_start3A_336, %dma_start3A_337] : memref<16x16x2x128xi32, #tpu.memory_space<hbm>> -> memref<1x1x2x128xi32, #tpu.memory_space<hbm>>
          %dma_start3A_339 = tpu.memref_squeeze %dma_start3A_338 : memref<1x1x2x128xi32, #tpu.memory_space<hbm>> -> memref<2x128xi32, #tpu.memory_space<hbm>>
          tpu.enqueue_dma source(%dma_start3A_339 : memref<2x128xi32, #tpu.memory_space<hbm>>) target(%dma_start3A_335 : memref<2x128xi32, #tpu.memory_space<vmem>>) target_semaphore(%arg14 : memref<!tpu.dma_semaphore, #tpu.memory_space<semaphore_mem>>)
        } else {
        }
        %add3A_288 = arith.constant 2 : i32
        %add3A_289 = arith.addi %add3A_270, %add3A_288 : i32
        %lt3A_290 = arith.constant 16 : i32
        %lt3A_291 = arith.cmpi slt, %add3A_289, %lt3A_290 : i32
        %convert_element_type3A_292 = arith.extui %lt3A_291 : i1 to i32
        %cond3A_293 = arith.constant 0 : i32
        %cond3A_294 = arith.cmpi ne, %convert_element_type3A_292, %cond3A_293 : i32
        scf.if %cond3A_294 {
          %add3A_321 = arith.constant 2 : i32
          %add3A_322 = arith.addi %add3A_270, %add3A_321 : i32
          %dma_wait3A_323 = arith.constant 0 : i32
          %dma_wait3A_324 = arith.constant 0 : i32
          %dma_wait3A_325 = arith.constant 0 : i32
          %dma_wait3A_326 = tpu.memref_slice %arg6[%dma_wait3A_323, %dma_wait3A_324, %dma_wait3A_325] : memref<4x2x128xi32, #tpu.memory_space<vmem>> -> memref<1x2x128xi32, #tpu.memory_space<vmem>>
          %dma_wait3A_327 = tpu.memref_squeeze %dma_wait3A_326 : memref<1x2x128xi32, #tpu.memory_space<vmem>> -> memref<2x128xi32, #tpu.memory_space<vmem>>
          %dma_wait3A_328 = arith.constant 0 : i32
          %dma_wait3A_329 = arith.constant 0 : i32
          %dma_wait3A_330 = tpu.memref_slice %arg4[%arg1, %add3A_322, %dma_wait3A_328, %dma_wait3A_329] : memref<16x16x2x128xi32, #tpu.memory_space<hbm>> -> memref<1x1x2x128xi32, #tpu.memory_space<hbm>>
          %dma_wait3A_331 = tpu.memref_squeeze %dma_wait3A_330 : memref<1x1x2x128xi32, #tpu.memory_space<hbm>> -> memref<2x128xi32, #tpu.memory_space<hbm>>
          %dma_wait3A_332 = arith.constant 0 : i32
          %dma_wait3A_333 = arith.constant 0 : i32
          %dma_wait3A_334 = tpu.memref_slice %arg6[%dma_wait3A_323, %dma_wait3A_332, %dma_wait3A_333] : memref<4x2x128xi32, #tpu.memory_space<vmem>> -> memref<1x2x128xi32, #tpu.memory_space<vmem>>
          %dma_wait3A_335 = tpu.memref_squeeze %dma_wait3A_334 : memref<1x2x128xi32, #tpu.memory_space<vmem>> -> memref<2x128xi32, #tpu.memory_space<vmem>>
          %dma_wait3A_336 = arith.constant 0 : i32
          %dma_wait3A_337 = arith.constant 0 : i32
          %dma_wait3A_338 = tpu.memref_slice %arg4[%arg1, %add3A_322, %dma_wait3A_336, %dma_wait3A_337] : memref<16x16x2x128xi32, #tpu.memory_space<hbm>> -> memref<1x1x2x128xi32, #tpu.memory_space<hbm>>
          %dma_wait3A_339 = tpu.memref_squeeze %dma_wait3A_338 : memref<1x1x2x128xi32, #tpu.memory_space<hbm>> -> memref<2x128xi32, #tpu.memory_space<hbm>>
          tpu.wait_dma2 semaphore(%arg12 : memref<!tpu.dma_semaphore, #tpu.memory_space<semaphore_mem>>) src(%dma_wait3A_339 : memref<2x128xi32, #tpu.memory_space<hbm>>) dst(%dma_wait3A_335 : memref<2x128xi32, #tpu.memory_space<vmem>>)
          %dma_start3A_340 = arith.constant 0 : i32
          %dma_start3A_341 = arith.constant 0 : i32
          %dma_start3A_342 = arith.constant 0 : i32
          %dma_start3A_343 = tpu.memref_slice %arg6[%dma_start3A_340, %dma_start3A_341, %dma_start3A_342] : memref<4x2x128xi32, #tpu.memory_space<vmem>> -> memref<1x1x128xi32, #tpu.memory_space<vmem>>
          %dma_start3A_344 = tpu.memref_squeeze %dma_start3A_343 : memref<1x1x128xi32, #tpu.memory_space<vmem>> -> memref<128xi32, #tpu.memory_space<vmem>>
          %dma_start3A_345 = arith.constant 0 : i32
          %dma_start3A_346 = arith.constant 0 : i32
          %dma_start3A_347 = tpu.memref_slice %arg2[%dma_start3A_345, %dma_start3A_346] : memref<10000x128xf32, #tpu.memory_space<hbm>> -> memref<10000x128xf32, #tpu.memory_space<hbm>>
          tpu.enqueue_indirect_dma source(%dma_start3A_347 : memref<10000x128xf32, #tpu.memory_space<hbm>>) target(%arg7 : memref<128x128xf32, #tpu.memory_space<vmem>>) offsets(%dma_start3A_344 : memref<128xi32, #tpu.memory_space<vmem>>) semaphore(%arg16 : memref<!tpu.dma_semaphore, #tpu.memory_space<semaphore_mem>>)
        } else {
        }
        %add3A_295 = arith.constant 3 : i32
        %add3A_296 = arith.addi %mul3A_219, %add3A_295 : i32
        %dma_wait3A_297 = arith.constant 3 : i32
        %dma_wait3A_298 = arith.constant 0 : i32
        %dma_wait3A_299 = arith.constant 0 : i32
        %dma_wait3A_300 = tpu.memref_slice %arg6[%dma_wait3A_297, %dma_wait3A_298, %dma_wait3A_299] : memref<4x2x128xi32, #tpu.memory_space<vmem>> -> memref<1x1x128xi32, #tpu.memory_space<vmem>>
        %dma_wait3A_301 = tpu.memref_squeeze %dma_wait3A_300 : memref<1x1x128xi32, #tpu.memory_space<vmem>> -> memref<128xi32, #tpu.memory_space<vmem>>
        %dma_wait3A_302 = arith.constant 0 : i32
        %dma_wait3A_303 = arith.constant 0 : i32
        %dma_wait3A_304 = tpu.memref_slice %arg2[%dma_wait3A_302, %dma_wait3A_303] : memref<10000x128xf32, #tpu.memory_space<hbm>> -> memref<10000x128xf32, #tpu.memory_space<hbm>>
        tpu.wait_indirect_dma semaphore(%arg17 : memref<!tpu.dma_semaphore, #tpu.memory_space<semaphore_mem>>) src(%dma_wait3A_304 : memref<10000x128xf32, #tpu.memory_space<hbm>>) dst(%arg8 : memref<128x128xf32, #tpu.memory_space<vmem>>)
        %run_scoped3A_305 = arith.constant 3 : i32
        %run_scoped3A_306 = arith.constant 1 : i32
        "tpu.region"() ({
          %run_scoped3A_321 = tpu.sem_alloc : memref<!tpu.dma_semaphore, #tpu.memory_space<semaphore_mem>>
          %dma_start3A_322 = arith.constant 0 : i32
          %dma_start3A_323 = tpu.memref_slice %arg6[%run_scoped3A_305, %run_scoped3A_306, %dma_start3A_322] : memref<4x2x128xi32, #tpu.memory_space<vmem>> -> memref<1x1x128xi32, #tpu.memory_space<vmem>>
          %dma_start3A_324 = tpu.memref_squeeze %dma_start3A_323 : memref<1x1x128xi32, #tpu.memory_space<vmem>> -> memref<128xi32, #tpu.memory_space<vmem>>
          %dma_start3A_325 = arith.constant 0 : i32
          %dma_start3A_326 = arith.constant 0 : i32
          %dma_start3A_327 = tpu.memref_slice %arg11[%dma_start3A_325, %dma_start3A_326] : memref<10240x128xf32, #tpu.memory_space<vmem_shared>> -> memref<10240x128xf32, #tpu.memory_space<vmem_shared>>
          tpu.enqueue_indirect_dma source(%arg8 : memref<128x128xf32, #tpu.memory_space<vmem>>) target(%dma_start3A_327 : memref<10240x128xf32, #tpu.memory_space<vmem_shared>>) offsets(%dma_start3A_324 : memref<128xi32, #tpu.memory_space<vmem>>) semaphore(%run_scoped3A_321 : memref<!tpu.dma_semaphore, #tpu.memory_space<semaphore_mem>>) {add = true}
          %dma_wait3A_328 = arith.constant 0 : i32
          %dma_wait3A_329 = tpu.memref_slice %arg6[%run_scoped3A_305, %run_scoped3A_306, %dma_wait3A_328] : memref<4x2x128xi32, #tpu.memory_space<vmem>> -> memref<1x1x128xi32, #tpu.memory_space<vmem>>
          %dma_wait3A_330 = tpu.memref_squeeze %dma_wait3A_329 : memref<1x1x128xi32, #tpu.memory_space<vmem>> -> memref<128xi32, #tpu.memory_space<vmem>>
          %dma_wait3A_331 = arith.constant 0 : i32
          %dma_wait3A_332 = arith.constant 0 : i32
          %dma_wait3A_333 = tpu.memref_slice %arg11[%dma_wait3A_331, %dma_wait3A_332] : memref<10240x128xf32, #tpu.memory_space<vmem_shared>> -> memref<10240x128xf32, #tpu.memory_space<vmem_shared>>
          tpu.wait_indirect_dma semaphore(%run_scoped3A_321 : memref<!tpu.dma_semaphore, #tpu.memory_space<semaphore_mem>>) src(%arg8 : memref<128x128xf32, #tpu.memory_space<vmem>>) dst(%dma_wait3A_333 : memref<10240x128xf32, #tpu.memory_space<vmem_shared>>)
          tpu.yield
        }) : () -> ()
        %add3A_307 = arith.constant 4 : i32
        %add3A_308 = arith.addi %add3A_296, %add3A_307 : i32
        %lt3A_309 = arith.constant 16 : i32
        %lt3A_310 = arith.cmpi slt, %add3A_308, %lt3A_309 : i32
        %convert_element_type3A_311 = arith.extui %lt3A_310 : i1 to i32
        %cond3A_312 = arith.constant 0 : i32
        %cond3A_313 = arith.cmpi ne, %convert_element_type3A_311, %cond3A_312 : i32
        scf.if %cond3A_313 {
          %add3A_321 = arith.constant 4 : i32
          %add3A_322 = arith.addi %add3A_296, %add3A_321 : i32
          %dma_start3A_323 = arith.constant 3 : i32
          %dma_start3A_324 = arith.constant 0 : i32
          %dma_start3A_325 = arith.constant 0 : i32
          %dma_start3A_326 = tpu.memref_slice %arg6[%dma_start3A_323, %dma_start3A_324, %dma_start3A_325] : memref<4x2x128xi32, #tpu.memory_space<vmem>> -> memref<1x2x128xi32, #tpu.memory_space<vmem>>
          %dma_start3A_327 = tpu.memref_squeeze %dma_start3A_326 : memref<1x2x128xi32, #tpu.memory_space<vmem>> -> memref<2x128xi32, #tpu.memory_space<vmem>>
          %dma_start3A_328 = arith.constant 0 : i32
          %dma_start3A_329 = arith.constant 0 : i32
          %dma_start3A_330 = tpu.memref_slice %arg4[%arg1, %add3A_322, %dma_start3A_328, %dma_start3A_329] : memref<16x16x2x128xi32, #tpu.memory_space<hbm>> -> memref<1x1x2x128xi32, #tpu.memory_space<hbm>>
          %dma_start3A_331 = tpu.memref_squeeze %dma_start3A_330 : memref<1x1x2x128xi32, #tpu.memory_space<hbm>> -> memref<2x128xi32, #tpu.memory_space<hbm>>
          %dma_start3A_332 = arith.constant 0 : i32
          %dma_start3A_333 = arith.constant 0 : i32
          %dma_start3A_334 = tpu.memref_slice %arg6[%dma_start3A_323, %dma_start3A_332, %dma_start3A_333] : memref<4x2x128xi32, #tpu.memory_space<vmem>> -> memref<1x2x128xi32, #tpu.memory_space<vmem>>
          %dma_start3A_335 = tpu.memref_squeeze %dma_start3A_334 : memref<1x2x128xi32, #tpu.memory_space<vmem>> -> memref<2x128xi32, #tpu.memory_space<vmem>>
          %dma_start3A_336 = arith.constant 0 : i32
          %dma_start3A_337 = arith.constant 0 : i32
          %dma_start3A_338 = tpu.memref_slice %arg4[%arg1, %add3A_322, %dma_start3A_336, %dma_start3A_337] : memref<16x16x2x128xi32, #tpu.memory_space<hbm>> -> memref<1x1x2x128xi32, #tpu.memory_space<hbm>>
          %dma_start3A_339 = tpu.memref_squeeze %dma_start3A_338 : memref<1x1x2x128xi32, #tpu.memory_space<hbm>> -> memref<2x128xi32, #tpu.memory_space<hbm>>
          tpu.enqueue_dma source(%dma_start3A_339 : memref<2x128xi32, #tpu.memory_space<hbm>>) target(%dma_start3A_335 : memref<2x128xi32, #tpu.memory_space<vmem>>) target_semaphore(%arg15 : memref<!tpu.dma_semaphore, #tpu.memory_space<semaphore_mem>>)
        } else {
        }
        %add3A_314 = arith.constant 2 : i32
        %add3A_315 = arith.addi %add3A_296, %add3A_314 : i32
        %lt3A_316 = arith.constant 16 : i32
        %lt3A_317 = arith.cmpi slt, %add3A_315, %lt3A_316 : i32
        %convert_element_type3A_318 = arith.extui %lt3A_317 : i1 to i32
        %cond3A_319 = arith.constant 0 : i32
        %cond3A_320 = arith.cmpi ne, %convert_element_type3A_318, %cond3A_319 : i32
        scf.if %cond3A_320 {
          %add3A_321 = arith.constant 2 : i32
          %add3A_322 = arith.addi %add3A_296, %add3A_321 : i32
          %dma_wait3A_323 = arith.constant 1 : i32
          %dma_wait3A_324 = arith.constant 0 : i32
          %dma_wait3A_325 = arith.constant 0 : i32
          %dma_wait3A_326 = tpu.memref_slice %arg6[%dma_wait3A_323, %dma_wait3A_324, %dma_wait3A_325] : memref<4x2x128xi32, #tpu.memory_space<vmem>> -> memref<1x2x128xi32, #tpu.memory_space<vmem>>
          %dma_wait3A_327 = tpu.memref_squeeze %dma_wait3A_326 : memref<1x2x128xi32, #tpu.memory_space<vmem>> -> memref<2x128xi32, #tpu.memory_space<vmem>>
          %dma_wait3A_328 = arith.constant 0 : i32
          %dma_wait3A_329 = arith.constant 0 : i32
          %dma_wait3A_330 = tpu.memref_slice %arg4[%arg1, %add3A_322, %dma_wait3A_328, %dma_wait3A_329] : memref<16x16x2x128xi32, #tpu.memory_space<hbm>> -> memref<1x1x2x128xi32, #tpu.memory_space<hbm>>
          %dma_wait3A_331 = tpu.memref_squeeze %dma_wait3A_330 : memref<1x1x2x128xi32, #tpu.memory_space<hbm>> -> memref<2x128xi32, #tpu.memory_space<hbm>>
          %dma_wait3A_332 = arith.constant 0 : i32
          %dma_wait3A_333 = arith.constant 0 : i32
          %dma_wait3A_334 = tpu.memref_slice %arg6[%dma_wait3A_323, %dma_wait3A_332, %dma_wait3A_333] : memref<4x2x128xi32, #tpu.memory_space<vmem>> -> memref<1x2x128xi32, #tpu.memory_space<vmem>>
          %dma_wait3A_335 = tpu.memref_squeeze %dma_wait3A_334 : memref<1x2x128xi32, #tpu.memory_space<vmem>> -> memref<2x128xi32, #tpu.memory_space<vmem>>
          %dma_wait3A_336 = arith.constant 0 : i32
          %dma_wait3A_337 = arith.constant 0 : i32
          %dma_wait3A_338 = tpu.memref_slice %arg4[%arg1, %add3A_322, %dma_wait3A_336, %dma_wait3A_337] : memref<16x16x2x128xi32, #tpu.memory_space<hbm>> -> memref<1x1x2x128xi32, #tpu.memory_space<hbm>>
          %dma_wait3A_339 = tpu.memref_squeeze %dma_wait3A_338 : memref<1x1x2x128xi32, #tpu.memory_space<hbm>> -> memref<2x128xi32, #tpu.memory_space<hbm>>
          tpu.wait_dma2 semaphore(%arg13 : memref<!tpu.dma_semaphore, #tpu.memory_space<semaphore_mem>>) src(%dma_wait3A_339 : memref<2x128xi32, #tpu.memory_space<hbm>>) dst(%dma_wait3A_335 : memref<2x128xi32, #tpu.memory_space<vmem>>)
          %dma_start3A_340 = arith.constant 1 : i32
          %dma_start3A_341 = arith.constant 0 : i32
          %dma_start3A_342 = arith.constant 0 : i32
          %dma_start3A_343 = tpu.memref_slice %arg6[%dma_start3A_340, %dma_start3A_341, %dma_start3A_342] : memref<4x2x128xi32, #tpu.memory_space<vmem>> -> memref<1x1x128xi32, #tpu.memory_space<vmem>>
          %dma_start3A_344 = tpu.memref_squeeze %dma_start3A_343 : memref<1x1x128xi32, #tpu.memory_space<vmem>> -> memref<128xi32, #tpu.memory_space<vmem>>
          %dma_start3A_345 = arith.constant 0 : i32
          %dma_start3A_346 = arith.constant 0 : i32
          %dma_start3A_347 = tpu.memref_slice %arg2[%dma_start3A_345, %dma_start3A_346] : memref<10000x128xf32, #tpu.memory_space<hbm>> -> memref<10000x128xf32, #tpu.memory_space<hbm>>
          tpu.enqueue_indirect_dma source(%dma_start3A_347 : memref<10000x128xf32, #tpu.memory_space<hbm>>) target(%arg8 : memref<128x128xf32, #tpu.memory_space<vmem>>) offsets(%dma_start3A_344 : memref<128xi32, #tpu.memory_space<vmem>>) semaphore(%arg17 : memref<!tpu.dma_semaphore, #tpu.memory_space<semaphore_mem>>)
        } else {
        }
      }
      %scan3A_215 = arith.constant 4 : i32
      %barrier3A_216 = arith.constant 0 : index
      tpu.barrier barrier_id(%barrier3A_216)
      %run_scoped3A = arith.constant 1 : i32
      "tpu.region"() ({
        %run_scoped3A_217 = tpu.sem_alloc : memref<!tpu.dma_semaphore, #tpu.memory_space<semaphore_mem>>
        %dma_start3A_218 = arith.constant 0 : i32
        %dma_start3A_219 = tpu.memref_slice %arg5[%run_scoped3A, %mul3A_0, %dma_start3A_218] : memref<2x10240x128xf32, #tpu.memory_space<hbm>> -> memref<1x640x128xf32, #tpu.memory_space<hbm>>
        %dma_start3A_220 = tpu.memref_squeeze %dma_start3A_219 : memref<1x640x128xf32, #tpu.memory_space<hbm>> -> memref<640x128xf32, #tpu.memory_space<hbm>>
        %dma_start3A_221 = arith.constant 0 : i32
        %dma_start3A_222 = tpu.memref_slice %arg11[%mul3A_0, %dma_start3A_221] : memref<10240x128xf32, #tpu.memory_space<vmem_shared>> -> memref<640x128xf32, #tpu.memory_space<vmem_shared>>
        tpu.enqueue_dma source(%dma_start3A_222 : memref<640x128xf32, #tpu.memory_space<vmem_shared>>) target(%dma_start3A_220 : memref<640x128xf32, #tpu.memory_space<hbm>>) target_semaphore(%run_scoped3A_217 : memref<!tpu.dma_semaphore, #tpu.memory_space<semaphore_mem>>)
        %dma_wait3A_223 = arith.constant 0 : i32
        %dma_wait3A_224 = tpu.memref_slice %arg5[%run_scoped3A, %mul3A_0, %dma_wait3A_223] : memref<2x10240x128xf32, #tpu.memory_space<hbm>> -> memref<1x640x128xf32, #tpu.memory_space<hbm>>
        %dma_wait3A_225 = tpu.memref_squeeze %dma_wait3A_224 : memref<1x640x128xf32, #tpu.memory_space<hbm>> -> memref<640x128xf32, #tpu.memory_space<hbm>>
        %dma_wait3A_226 = arith.constant 0 : i32
        %dma_wait3A_227 = tpu.memref_slice %arg11[%mul3A_0, %dma_wait3A_226] : memref<10240x128xf32, #tpu.memory_space<vmem_shared>> -> memref<640x128xf32, #tpu.memory_space<vmem_shared>>
        tpu.wait_dma2 semaphore(%run_scoped3A_217 : memref<!tpu.dma_semaphore, #tpu.memory_space<semaphore_mem>>) src(%dma_wait3A_227 : memref<640x128xf32, #tpu.memory_space<vmem_shared>>) dst(%dma_wait3A_225 : memref<640x128xf32, #tpu.memory_space<hbm>>)
        tpu.yield
      }) : () -> ()
    } else {
    }
    return
  }
}

module attributes {stable_mosaic.version = 14 : i64} {
  func.func @_proj_body(%arg0: i32, %arg1: memref<400x256xf32, #tpu.memory_space<vmem>>, %arg2: memref<256x128xf32, #tpu.memory_space<vmem>>, %arg3: memref<256x128xf32, #tpu.memory_space<vmem>>, %arg4: memref<1x128xf32, #tpu.memory_space<vmem>>, %arg5: memref<400x128xf32, #tpu.memory_space<vmem>>, %arg6: memref<400x128xf32, #tpu.memory_space<vmem>>) attributes {dimension_semantics = [#tpu.dimension_semantics<arbitrary>], iteration_bounds = array<i64: 25>, scalar_prefetch = 0 : i64, scratch_operands = 0 : i64, tpu.core_type = #tpu.core_type<tc>, window_params = [{transform_indices = @transform_0, window_bounds = array<i64: 400, 256>}, {pipeline_mode = #tpu.pipeline_mode<synchronous>, transform_indices = @transform_1, window_bounds = array<i64: 256, 128>}, {pipeline_mode = #tpu.pipeline_mode<synchronous>, transform_indices = @transform_2, window_bounds = array<i64: 256, 128>}, {pipeline_mode = #tpu.pipeline_mode<synchronous>, transform_indices = @transform_3, window_bounds = array<i64: 1, 128>}, {transform_indices = @transform_4, window_bounds = array<i64: 400, 128>}, {transform_indices = @transform_5, window_bounds = array<i64: 400, 128>}]} {
    %get3A = arith.constant 0 : index
    %get3A_0 = arith.constant 0 : index
    %get3A_1 = vector.load %arg1[%get3A, %get3A_0] : memref<400x256xf32, #tpu.memory_space<vmem>>, vector<400x256xf32>
    %get3A_2 = arith.constant 0 : index
    %get3A_3 = arith.constant 0 : index
    %get3A_4 = vector.load %arg2[%get3A_2, %get3A_3] : memref<256x128xf32, #tpu.memory_space<vmem>>, vector<256x128xf32>
    %dot_general3A = arith.constant dense<0.000000e+00> : vector<400x128xf32>
    %dot_general3A_5 = tpu.matmul %get3A_1, %get3A_4, %dot_general3A {dimension_numbers = #tpu.dot_dimension_numbers<[1], [0], [0], [1], [0, 0, 1, 1], [], []>, transpose_lhs_hint = false} : vector<400x256xf32>, vector<256x128xf32>, vector<400x128xf32> -> vector<400x128xf32>
    %swap3A = arith.constant 0 : index
    %swap3A_6 = arith.constant 0 : index
    %swap3A_7 = vector.load %arg5[%swap3A, %swap3A_6] : memref<400x128xf32, #tpu.memory_space<vmem>>, vector<400x128xf32>
    tpu.vector_store %arg5[%swap3A, %swap3A_6], %dot_general3A_5 {strides = array<i32>} : memref<400x128xf32, #tpu.memory_space<vmem>>, vector<400x128xf32>,
    %get3A_8 = arith.constant 0 : index
    %get3A_9 = arith.constant 0 : index
    %get3A_10 = vector.load %arg3[%get3A_8, %get3A_9] : memref<256x128xf32, #tpu.memory_space<vmem>>, vector<256x128xf32>
    %dot_general3A_11 = arith.constant dense<0.000000e+00> : vector<400x128xf32>
    %dot_general3A_12 = tpu.matmul %get3A_1, %get3A_10, %dot_general3A_11 {dimension_numbers = #tpu.dot_dimension_numbers<[1], [0], [0], [1], [0, 0, 1, 1], [], []>, transpose_lhs_hint = false} : vector<400x256xf32>, vector<256x128xf32>, vector<400x128xf32> -> vector<400x128xf32>
    %get3A_13 = arith.constant 0 : index
    %get3A_14 = arith.constant 0 : index
    %get3A_15 = vector.load %arg4[%get3A_13, %get3A_14] : memref<1x128xf32, #tpu.memory_space<vmem>>, vector<1x128xf32>
    %add3A = vector.broadcast %get3A_15 : vector<1x128xf32> to vector<400x128xf32>
    %add3A_16 = arith.addf %dot_general3A_12, %add3A : vector<400x128xf32>
    %swap3A_17 = arith.constant 0 : index
    %swap3A_18 = arith.constant 0 : index
    %swap3A_19 = vector.load %arg6[%swap3A_17, %swap3A_18] : memref<400x128xf32, #tpu.memory_space<vmem>>, vector<400x128xf32>
    tpu.vector_store %arg6[%swap3A_17, %swap3A_18], %add3A_16 {strides = array<i32>} : memref<400x128xf32, #tpu.memory_space<vmem>>, vector<400x128xf32>,
    return
  }
  func.func @transform_0(%arg0: i32) -> (i32, i32) {
    %c0_i32 = arith.constant 0 : i32
    %c0_i32_0 = arith.constant 0 : i32
    return %arg0, %c0_i32 : i32, i32
  }
  func.func @transform_1(%arg0: i32) -> (i32, i32) {
    %c0_i32 = arith.constant 0 : i32
    %c0_i32_0 = arith.constant 0 : i32
    %c0_i32_1 = arith.constant 0 : i32
    return %c0_i32, %c0_i32_0 : i32, i32
  }
  func.func @transform_2(%arg0: i32) -> (i32, i32) {
    %c0_i32 = arith.constant 0 : i32
    %c0_i32_0 = arith.constant 0 : i32
    %c0_i32_1 = arith.constant 0 : i32
    return %c0_i32, %c0_i32_0 : i32, i32
  }
  func.func @transform_3(%arg0: i32) -> (i32, i32) {
    %c0_i32 = arith.constant 0 : i32
    %c0_i32_0 = arith.constant 0 : i32
    %c0_i32_1 = arith.constant 0 : i32
    return %c0_i32, %c0_i32_0 : i32, i32
  }
  func.func @transform_4(%arg0: i32) -> (i32, i32) {
    %c0_i32 = arith.constant 0 : i32
    %c0_i32_0 = arith.constant 0 : i32
    return %arg0, %c0_i32 : i32, i32
  }
  func.func @transform_5(%arg0: i32) -> (i32, i32) {
    %c0_i32 = arith.constant 0 : i32
    %c0_i32_0 = arith.constant 0 : i32
    return %arg0, %c0_i32 : i32, i32
  }
}

module attributes {stable_mosaic.version = 14 : i64} {
  func.func @_combine1_body(%arg0: i32, %arg1: memref<2x400x128xf32, #tpu.memory_space<vmem>>, %arg2: memref<400x1xf32, #tpu.memory_space<vmem>>, %arg3: memref<400x128xf32, #tpu.memory_space<vmem>>, %arg4: memref<400x128xf32, #tpu.memory_space<vmem>>) attributes {dimension_semantics = [#tpu.dimension_semantics<arbitrary>], iteration_bounds = array<i64: 25>, scalar_prefetch = 0 : i64, scratch_operands = 0 : i64, tpu.core_type = #tpu.core_type<tc>, window_params = [{transform_indices = @transform_0, window_bounds = array<i64: 2, 400, 128>}, {transform_indices = @transform_1, window_bounds = array<i64: 400, 1>}, {transform_indices = @transform_2, window_bounds = array<i64: 400, 128>}, {transform_indices = @transform_3, window_bounds = array<i64: 400, 128>}]} {
    %get3A = arith.constant 0 : index
    %get3A_0 = arith.constant 0 : index
    %get3A_1 = vector.load %arg2[%get3A, %get3A_0] : memref<400x1xf32, #tpu.memory_space<vmem>>, vector<400x1xf32>
    %max3A = arith.constant 1.000000e+00 : f32
    %max3A_2 = vector.broadcast %max3A : f32 to vector<400x1xf32>
    %max3A_3 = arith.maximumf %get3A_1, %max3A_2 : vector<400x1xf32>
    %div3A = arith.constant 1.000000e+00 : f32
    %div3A_4 = vector.broadcast %div3A : f32 to vector<400x1xf32>
    %div3A_5 = arith.divf %div3A_4, %max3A_3 : vector<400x1xf32>
    %get3A_6 = arith.constant 0 : index
    %get3A_7 = arith.constant 0 : index
    %get3A_8 = arith.constant 0 : index
    %get3A_9 = vector.load %arg1[%get3A_6, %get3A_7, %get3A_8] : memref<2x400x128xf32, #tpu.memory_space<vmem>>, vector<1x400x128xf32>
    %get3A_10 = vector.shape_cast %get3A_9 : vector<1x400x128xf32> to vector<400x128xf32>
    %get3A_11 = arith.constant 1 : index
    %get3A_12 = arith.constant 0 : index
    %get3A_13 = arith.constant 0 : index
    %get3A_14 = vector.load %arg1[%get3A_11, %get3A_12, %get3A_13] : memref<2x400x128xf32, #tpu.memory_space<vmem>>, vector<1x400x128xf32>
    %get3A_15 = vector.shape_cast %get3A_14 : vector<1x400x128xf32> to vector<400x128xf32>
    %add3A = arith.addf %get3A_10, %get3A_15 : vector<400x128xf32>
    %mul3A = vector.broadcast %div3A_5 : vector<400x1xf32> to vector<400x128xf32>
    %mul3A_16 = arith.mulf %add3A, %mul3A : vector<400x128xf32>
    %get3A_17 = arith.constant 0 : index
    %get3A_18 = arith.constant 0 : index
    %get3A_19 = vector.load %arg3[%get3A_17, %get3A_18] : memref<400x128xf32, #tpu.memory_space<vmem>>, vector<400x128xf32>
    %add3A_20 = arith.addf %mul3A_16, %get3A_19 : vector<400x128xf32>
    %max3A_21 = arith.constant 0.000000e+00 : f32
    %max3A_22 = vector.broadcast %max3A_21 : f32 to vector<400x128xf32>
    %max3A_23 = arith.maximumf %add3A_20, %max3A_22 : vector<400x128xf32>
    %swap3A = arith.constant 0 : index
    %swap3A_24 = arith.constant 0 : index
    %swap3A_25 = vector.load %arg4[%swap3A, %swap3A_24] : memref<400x128xf32, #tpu.memory_space<vmem>>, vector<400x128xf32>
    tpu.vector_store %arg4[%swap3A, %swap3A_24], %max3A_23 {strides = array<i32>} : memref<400x128xf32, #tpu.memory_space<vmem>>, vector<400x128xf32>,
    return
  }
  func.func @transform_0(%arg0: i32) -> (i32, i32, i32) {
    %c0_i32 = arith.constant 0 : i32
    %c0_i32_0 = arith.constant 0 : i32
    %c0_i32_1 = arith.constant 0 : i32
    return %c0_i32, %arg0, %c0_i32_0 : i32, i32, i32
  }
  func.func @transform_1(%arg0: i32) -> (i32, i32) {
    %c0_i32 = arith.constant 0 : i32
    %c0_i32_0 = arith.constant 0 : i32
    return %arg0, %c0_i32 : i32, i32
  }
  func.func @transform_2(%arg0: i32) -> (i32, i32) {
    %c0_i32 = arith.constant 0 : i32
    %c0_i32_0 = arith.constant 0 : i32
    return %arg0, %c0_i32 : i32, i32
  }
  func.func @transform_3(%arg0: i32) -> (i32, i32) {
    %c0_i32 = arith.constant 0 : i32
    %c0_i32_0 = arith.constant 0 : i32
    return %arg0, %c0_i32 : i32, i32
  }
}

module attributes {stable_mosaic.version = 14 : i64} {
  func.func @_layer2_body(%arg0: i32, %arg1: memref<2x400x128xf32, #tpu.memory_space<vmem>>, %arg2: memref<400x1xf32, #tpu.memory_space<vmem>>, %arg3: memref<400x128xf32, #tpu.memory_space<vmem>>, %arg4: memref<128x256xf32, #tpu.memory_space<vmem>>, %arg5: memref<128x256xf32, #tpu.memory_space<vmem>>, %arg6: memref<1x256xf32, #tpu.memory_space<vmem>>, %arg7: memref<400x256xf32, #tpu.memory_space<vmem>>) attributes {dimension_semantics = [#tpu.dimension_semantics<arbitrary>], iteration_bounds = array<i64: 25>, scalar_prefetch = 0 : i64, scratch_operands = 0 : i64, tpu.core_type = #tpu.core_type<tc>, window_params = [{transform_indices = @transform_0, window_bounds = array<i64: 2, 400, 128>}, {transform_indices = @transform_1, window_bounds = array<i64: 400, 1>}, {transform_indices = @transform_2, window_bounds = array<i64: 400, 128>}, {pipeline_mode = #tpu.pipeline_mode<synchronous>, transform_indices = @transform_3, window_bounds = array<i64: 128, 256>}, {pipeline_mode = #tpu.pipeline_mode<synchronous>, transform_indices = @transform_4, window_bounds = array<i64: 128, 256>}, {pipeline_mode = #tpu.pipeline_mode<synchronous>, transform_indices = @transform_5, window_bounds = array<i64: 1, 256>}, {transform_indices = @transform_6, window_bounds = array<i64: 400, 256>}]} {
    %get3A = arith.constant 0 : index
    %get3A_0 = arith.constant 0 : index
    %get3A_1 = vector.load %arg2[%get3A, %get3A_0] : memref<400x1xf32, #tpu.memory_space<vmem>>, vector<400x1xf32>
    %max3A = arith.constant 1.000000e+00 : f32
    %max3A_2 = vector.broadcast %max3A : f32 to vector<400x1xf32>
    %max3A_3 = arith.maximumf %get3A_1, %max3A_2 : vector<400x1xf32>
    %div3A = arith.constant 1.000000e+00 : f32
    %div3A_4 = vector.broadcast %div3A : f32 to vector<400x1xf32>
    %div3A_5 = arith.divf %div3A_4, %max3A_3 : vector<400x1xf32>
    %get3A_6 = arith.constant 0 : index
    %get3A_7 = arith.constant 0 : index
    %get3A_8 = arith.constant 0 : index
    %get3A_9 = vector.load %arg1[%get3A_6, %get3A_7, %get3A_8] : memref<2x400x128xf32, #tpu.memory_space<vmem>>, vector<1x400x128xf32>
    %get3A_10 = vector.shape_cast %get3A_9 : vector<1x400x128xf32> to vector<400x128xf32>
    %get3A_11 = arith.constant 1 : index
    %get3A_12 = arith.constant 0 : index
    %get3A_13 = arith.constant 0 : index
    %get3A_14 = vector.load %arg1[%get3A_11, %get3A_12, %get3A_13] : memref<2x400x128xf32, #tpu.memory_space<vmem>>, vector<1x400x128xf32>
    %get3A_15 = vector.shape_cast %get3A_14 : vector<1x400x128xf32> to vector<400x128xf32>
    %add3A = arith.addf %get3A_10, %get3A_15 : vector<400x128xf32>
    %mul3A = vector.broadcast %div3A_5 : vector<400x1xf32> to vector<400x128xf32>
    %mul3A_16 = arith.mulf %add3A, %mul3A : vector<400x128xf32>
    %get3A_17 = arith.constant 0 : index
    %get3A_18 = arith.constant 0 : index
    %get3A_19 = vector.load %arg4[%get3A_17, %get3A_18] : memref<128x256xf32, #tpu.memory_space<vmem>>, vector<128x256xf32>
    %dot_general3A = arith.constant dense<0.000000e+00> : vector<400x256xf32>
    %dot_general3A_20 = tpu.matmul %mul3A_16, %get3A_19, %dot_general3A {dimension_numbers = #tpu.dot_dimension_numbers<[1], [0], [0], [1], [0, 0, 1, 1], [], []>, transpose_lhs_hint = false} : vector<400x128xf32>, vector<128x256xf32>, vector<400x256xf32> -> vector<400x256xf32>
    %get3A_21 = arith.constant 0 : index
    %get3A_22 = arith.constant 0 : index
    %get3A_23 = vector.load %arg3[%get3A_21, %get3A_22] : memref<400x128xf32, #tpu.memory_space<vmem>>, vector<400x128xf32>
    %get3A_24 = arith.constant 0 : index
    %get3A_25 = arith.constant 0 : index
    %get3A_26 = vector.load %arg5[%get3A_24, %get3A_25] : memref<128x256xf32, #tpu.memory_space<vmem>>, vector<128x256xf32>
    %dot_general3A_27 = arith.constant dense<0.000000e+00> : vector<400x256xf32>
    %dot_general3A_28 = tpu.matmul %get3A_23, %get3A_26, %dot_general3A_27 {dimension_numbers = #tpu.dot_dimension_numbers<[1], [0], [0], [1], [0, 0, 1, 1], [], []>, transpose_lhs_hint = false} : vector<400x128xf32>, vector<128x256xf32>, vector<400x256xf32> -> vector<400x256xf32>
    %add3A_29 = arith.addf %dot_general3A_20, %dot_general3A_28 : vector<400x256xf32>
    %get3A_30 = arith.constant 0 : index
    %get3A_31 = arith.constant 0 : index
    %get3A_32 = vector.load %arg6[%get3A_30, %get3A_31] : memref<1x256xf32, #tpu.memory_space<vmem>>, vector<1x256xf32>
    %add3A_33 = vector.broadcast %get3A_32 : vector<1x256xf32> to vector<400x256xf32>
    %add3A_34 = arith.addf %add3A_29, %add3A_33 : vector<400x256xf32>
    %swap3A = arith.constant 0 : index
    %swap3A_35 = arith.constant 0 : index
    %swap3A_36 = vector.load %arg7[%swap3A, %swap3A_35] : memref<400x256xf32, #tpu.memory_space<vmem>>, vector<400x256xf32>
    tpu.vector_store %arg7[%swap3A, %swap3A_35], %add3A_34 {strides = array<i32>} : memref<400x256xf32, #tpu.memory_space<vmem>>, vector<400x256xf32>,
    return
  }
  func.func @transform_0(%arg0: i32) -> (i32, i32, i32) {
    %c0_i32 = arith.constant 0 : i32
    %c0_i32_0 = arith.constant 0 : i32
    %c0_i32_1 = arith.constant 0 : i32
    return %c0_i32, %arg0, %c0_i32_0 : i32, i32, i32
  }
  func.func @transform_1(%arg0: i32) -> (i32, i32) {
    %c0_i32 = arith.constant 0 : i32
    %c0_i32_0 = arith.constant 0 : i32
    return %arg0, %c0_i32 : i32, i32
  }
  func.func @transform_2(%arg0: i32) -> (i32, i32) {
    %c0_i32 = arith.constant 0 : i32
    %c0_i32_0 = arith.constant 0 : i32
    return %arg0, %c0_i32 : i32, i32
  }
  func.func @transform_3(%arg0: i32) -> (i32, i32) {
    %c0_i32 = arith.constant 0 : i32
    %c0_i32_0 = arith.constant 0 : i32
    %c0_i32_1 = arith.constant 0 : i32
    return %c0_i32, %c0_i32_0 : i32, i32
  }
  func.func @transform_4(%arg0: i32) -> (i32, i32) {
    %c0_i32 = arith.constant 0 : i32
    %c0_i32_0 = arith.constant 0 : i32
    %c0_i32_1 = arith.constant 0 : i32
    return %c0_i32, %c0_i32_0 : i32, i32
  }
  func.func @transform_5(%arg0: i32) -> (i32, i32) {
    %c0_i32 = arith.constant 0 : i32
    %c0_i32_0 = arith.constant 0 : i32
    %c0_i32_1 = arith.constant 0 : i32
    return %c0_i32, %c0_i32_0 : i32, i32
  }
  func.func @transform_6(%arg0: i32) -> (i32, i32) {
    %c0_i32 = arith.constant 0 : i32
    %c0_i32_0 = arith.constant 0 : i32
    return %arg0, %c0_i32 : i32, i32
  }
}

</mosaic_0001>

<sc_bundles>
// kernel: kernel.10.cloned.1.call-start
scs
__scs_entry_jumppad:
0x0: {  	(pc) =	sbr.rel $0x88, $3  }
0x1: {  	(tag) =	ssettag $0x0;
	lr =	simm.s32 $0x1  }
0x2: {  	[smem:$0x3F99] =	sst lr;
	_ =	strace $0xD0000000  }
0x3: {  	_ = 	snop  }
0x4: {  	_ = 	snop  }
0x5: {  	_ = 	snop  }
0x6: {  	_ = 	snop  }
0x7: {  	_ = 	snop  }
__scs_overlays_trampoline_lowered:
0x8: {  	[smem:$0x3FA8] =	sst s0  }
0x9: {  	[smem:$0x3FA9] =	sst s1  }
0xa: {  	[smem:$0x3FAA] =	sst s2  }
0xb: {  	[smem:$0x3FAB] =	sst s3  }
0xc: {  	[smem:$0x3FAC] =	sst s4  }
0xd: {  	[smem:$0x3FAD] =	sst s5  }
0xe: {  	[smem:$0x3FAE] =	sst s6  }
0xf: {  	[smem:$0x3FAF] =	sst s7  }
0x10: {  	[smem:$0x3FB0] =	sst s8  }
0x11: {  	[smem:$0x3FB1] =	sst s9;
	s0 =	simm.s32 @!p0 $0x0  }
0x12: {  	s1 =	sld [smem:$0x3F97];
	s0 =	simm.s32 @p0 $0x1  }
0x13: {  	[smem:$0x3FB2] =	sst s0;
	s0 =	simm.s32 @!p1 $0x0  }
0x14: {  	s2 =	sld [smem:$0x3F96];
	s0 =	simm.s32 @p1 $0x1  }
0x15: {  	[smem:$0x3FB3] =	sst s0;
	s0 =	simm.s32 @!p2 $0x0  }
0x16: {  	s3 =	sld [smem:$0x3FDB];
	s0 =	simm.s32 @p2 $0x1  }
0x17: {  	s4 =	simm.s32 $0x1BF5;
	[smem:$0x3FB5] =	sst s0  }
0x18: {  	s0 =	sld [smem:$0x3F98];
	_ =	swait.ge [sflag:s4], $0x0  }
0x19: {  	s7 =	sld [smem:$0x3F99]  }
0x1a: {  	s8 =	sadd.s32 $0xFFFFE003, lr  }
0x1b: {  	s9 =	sadd.s32 $0xFFFFFEF7, lr;
	s5 =	simm.s32 $0xFFFFFFFF;
	p2 =	slt.u32 s8, $0xFFFFF086  }
0x1c: {  	p1 =	slt.u32 s9, $0xF7A;
	s5 =	simm.s32 @!p2 $0x0  }
0x1d: {  	s5 =	simm.s32 @p1 $0x1;
	p0 =	seq.s32 s7, s2  }
0x1e: {  	s7 =	smul.u32 @!p0 $0xF7A, s2;
	p2 =	seq.s32 @!p0 s5, $0x0  }
0x1f: {  	s9 =	smul.u32 $0xF7A, s1;
	s8 =	simm.s32 @!p0 $0x1BF5;
	p2 =	por !p2, p0  }
0x20: {  	[sflag:s8] =	ssyncset.s32 @!p0 $0xFFFFF086;
	s6 =	sadd.s32 @!p0 s3, s7;
	s7 =	simm.s32 @!p0 $0x108  }
0x21: {  	s3 =	sadd.s32 s3, s9;
	s6 =	sadd.s32 @!p0 $0x88, s6;
	s7 =	simm.s32 @p2 $0x1082  }
0x22: {  	[simem:s7], [sflag:s8] =	dma.local @!p0 [hbm:s6], $0xF7A  }
0x23: {  	s9 =	sor.u32 $0xD0000000, s2;
	s6 =	simm.s32 $0x108;
	_ =	swait.ge @!p0 [sflag:s8], $0x0  }
0x24: {  	s3 =	sadd.s32 $0x88, s3;
	s6 =	simm.s32 @!p1 $0x1082;
	[sflag:s4] =	ssyncset.s32 $0xFFFFF086  }
0x25: {  	[simem:s6], [sflag:s4] =	dma.local [hbm:s3], $0xF7A  }
0x26: {  	[smem:$0x3F99] =	sst s1;
	(tag) =	ssettag s2;
	_ =	strace s9  }
0x27: {  	s1 =	sld [smem:$0x3FA9]  }
0x28: {  	s2 =	sld [smem:$0x3FAA]  }
0x29: {  	s4 =	sld [smem:$0x3FAC]  }
0x2a: {  	p0 =	seq.s32 s5, $0x0;
	s5 =	sld [smem:$0x3FAD]  }
0x2b: {  	s6 =	sld [smem:$0x3FAE]  }
0x2c: {  	s7 =	sld [smem:$0x3FAF]  }
0x2d: {  	s3 =	simm.s32 $0x108;
	s8 =	sld [smem:$0x3FB0]  }
0x2e: {  	s3 =	simm.s32 @!p0 $0x1082;
	s9 =	sld [smem:$0x3FB1]  }
0x2f: {  	lr =	sadd.s32 s0, s3;
	s0 =	sld [smem:$0x3FA8]  }
0x30: {  	s3 =	sld [smem:$0x3FAB]  }
0x31: {  	[smem:$0x3FB4] =	sst s10  }
0x32: {  	s10 =	sld [smem:$0x3FB2];
	_ =	sdelay $0x3  }
0x33: {  	p0 =	seq.s32 s10, $0x1;
	s10 =	sld [smem:$0x3FB4];
	_ =	sdelay $0x3  }
0x34: {  	[smem:$0x3FB4] =	sst s10  }
0x35: {  	s10 =	sld [smem:$0x3FB3];
	_ =	sdelay $0x3  }
0x36: {  	p1 =	seq.s32 s10, $0x1;
	s10 =	sld [smem:$0x3FB4];
	_ =	sdelay $0x3  }
0x37: {  	[smem:$0x3FB4] =	sst s10  }
0x38: {  	s10 =	sld [smem:$0x3FB5]  }
0x39: {  	_ = 	snop;
	(pc) =	sbr.ind lr, $3  }
0x3a: {  	_ = 	snop  }
0x3b: {  	_ = 	snop  }
0x3c: {  	p2 =	seq.s32 s10, $0x1;
	s10 =	sld [smem:$0x3FB4]  }
0x3d: {  	_ =	shalt  }
0x3e: {  	_ =	shalt  }
0x3f: {  	_ =	shalt  }
0x40: {  	_ =	shalt  }
0x41: {  	_ =	shalt  }
0x42: {  	_ =	shalt  }
0x43: {  	_ =	shalt  }
0x44: {  	_ =	shalt  }
0x45: {  	_ =	shalt  }
0x46: {  	_ =	shalt  }
0x47: {  	_ =	shalt  }
0x48: {  	_ =	shalt  }
0x49: {  	_ =	shalt  }
0x4a: {  	_ =	shalt  }
0x4b: {  	_ =	shalt  }
0x4c: {  	_ =	shalt  }
0x4d: {  	_ =	shalt  }
0x4e: {  	_ =	shalt  }
0x4f: {  	_ =	shalt  }
0x50: {  	_ =	shalt  }
0x51: {  	_ =	shalt  }
0x52: {  	_ =	shalt  }
0x53: {  	_ =	shalt  }
0x54: {  	_ =	shalt  }
0x55: {  	_ =	shalt  }
0x56: {  	_ =	shalt  }
0x57: {  	_ =	shalt  }
0x58: {  	_ =	shalt  }
0x59: {  	_ =	shalt  }
0x5a: {  	_ =	shalt  }
0x5b: {  	_ =	shalt  }
0x5c: {  	_ =	shalt  }
0x5d: {  	_ =	shalt  }
0x5e: {  	_ =	shalt  }
0x5f: {  	_ =	shalt  }
0x60: {  	_ =	shalt  }
0x61: {  	_ =	shalt  }
0x62: {  	_ =	shalt  }
0x63: {  	_ =	shalt  }
0x64: {  	_ =	shalt  }
0x65: {  	_ =	shalt  }
0x66: {  	_ =	shalt  }
0x67: {  	_ =	shalt  }
0x68: {  	_ =	shalt  }
0x69: {  	_ =	shalt  }
0x6a: {  	_ =	shalt  }
0x6b: {  	_ =	shalt  }
0x6c: {  	_ =	shalt  }
0x6d: {  	_ =	shalt  }
0x6e: {  	_ =	shalt  }
0x6f: {  	_ =	shalt  }
0x70: {  	_ =	shalt  }
0x71: {  	_ =	shalt  }
0x72: {  	_ =	shalt  }
0x73: {  	_ =	shalt  }
0x74: {  	_ =	shalt  }
0x75: {  	_ =	shalt  }
0x76: {  	_ =	shalt  }
0x77: {  	_ =	shalt  }
0x78: {  	_ =	shalt  }
0x79: {  	_ =	shalt  }
0x7a: {  	_ =	shalt  }
0x7b: {  	_ =	shalt  }
0x7c: {  	_ =	shalt  }
0x7d: {  	_ =	shalt  }
0x7e: {  	_ =	shalt  }
0x7f: {  	_ =	shalt  }
0x80: {  	_ =	shalt  }
0x81: {  	_ =	shalt  }
0x82: {  	_ =	shalt  }
0x83: {  	_ =	shalt  }
0x84: {  	_ =	shalt  }
0x85: {  	_ =	shalt  }
0x86: {  	_ =	shalt  }
0x87: {  	_ =	shalt  }
.Lfunc_end0:
.L_simem_size_0:
called_computation.1_lowered:
.L_overlay_start_0:
0x88: {  	s2 =	sld [smem:$0x3FD9]  }
0x89: {  	s3 =	sld [smem:$0x3FFE];
	_ =	sdelay $0x1  }
0x8a: {  	s1 =	srdreg.scid  }
0x8b: {  	s0 =	sand.u32 $0x1, s1  }
0x8c: {  	s17 =	sshll.u32 s0, $0xA;
	s2 =	sadd.s32 s3, s2  }
0x8d: {  	s2 =	sadd.s32 s2, s17  }
0x8e: {  	[smem:$0x3FC0] =	sst s2  }
0x8f: {  	_ = 	snop  }
0x90: {  	s2 =	sld [smem:$0x3FD0];
	(tm) =	ssettm $0x1  }
0x91: {  	s18 =	sld [smem:$0x3FFB];
	_ =	sdelay $0x3  }
0x92: {  	_ =	strace s18  }
0x93: {  	s3 =	sld [smem:$0x3FFC];
	_ =	sdelay $0x3  }
0x94: {  	_ =	strace s3  }
0x95: {  	s3 =	sld [smem:$0x3FFD];
	_ =	sdelay $0x3  }
0x96: {  	_ =	strace s3  }
0x97: {  	_ =	strace $0x8FFFFFFF  }
0x98: {  	s19 =	sld [smem:$0x3FDB];
	_ =	sdelay $0x1  }
0x99: {  	s4 =	simm.s32 $_scs_section_size  }
0x9a: {  	s5 =	simm.s32 $_size__tile_overlayer_lowered;
	s6 =	simm.s32 $_tile_overlayer_lowered  }
0x9b: {  	s22 =	simm.s32 $0x1BFF;
	s21 =	sshll.u32 s6, $0x1;
	s3 =	sadd.s32 s4, s19  }
0x9c: {  	s7 =	simm.s32 $0x0;
	s20 =	sshll.u32 s5, $0x1;
	s5 =	sadd.s32 s21, s3  }
0x9d: {  	[timem:s7], [sflag:s22] =	dma.local [hbm:s5], s20  }
0x9e: {  	_ =	swait.ge [sflag:s22], s20  }
0x9f: {  	s4 =	ssub.s32 $0x0, s20;
	[sflag:s22] =	ssyncset.done $0x0  }
0xa0: {  	[sflag:s22] =	ssyncadd.s32 s4;
	_ =	sdelay $0x1  }
0xa1: {  	s23 =	simm.s32 $0x1B8B  }
0xa2: {  	_ =	swait.ge [sflag:s23], $0x1  }
0xa3: {  	[sflag:s23] =	ssyncset.done $0x0  }
0xa4: {  	s25 =	simm.s32 $0x1B8E;
	s24 =	sld [smem:$0x3FFE];
	[sflag:s23] =	ssyncadd.s32 $0xFFFFFFFF  }
0xa5: {  	s26 =	simm.s32 $execute0_lowered;
	[smem:$0x3FD2] =	sst s25  }
0xa6: {  	s5 =	sshll.u32 s26, $0x1;
	_ =	strace $0x80000049;
	[dreg:$0x1] =	wrdreg $0xFFFFFFFF  }
0xa7: {  	s28 =	simm.s32 $_size_execute0_lowered;
	s3 =	sadd.s32 s3, s5;
	[dreg:$0x0] =	wrdreg $0x0  }
0xa8: {  	s5 =	sshll.u32 s28, $0x1;
	[dreg:$0x2] =	wrdreg s3  }
0xa9: {  	[dreg:$0x3] =	wrdreg s5  }
0xaa: {  	[dreg:$0x4] =	wrdreg $0xC0  }
0xab: {  	_ =	task [dreg:s7], $0x5FFFF  }
0xac: {  	[dreg:$0x1] =	wrdreg $0xFFFFFFFF  }
0xad: {  	[dreg:$0x0] =	wrdreg $0x60  }
0xae: {  	[dreg:$0x2] =	wrdreg s2  }
0xaf: {  	[dreg:$0x3] =	wrdreg s24  }
0xb0: {  	[dreg:$0x4] =	wrdreg $0x85000  }
0xb1: {  	[dreg:$0x5] =	wrdreg $0x9  }
0xb2: {  	_ =	task.clear_ibuf [dreg:s7], $0x6FFFF;
	_ =	strace $0x90000049  }
0xb3: {  	s29 =	simm.s32 $0x9;
	_ =	strace $0x8000004B  }
0xb4: {  	_ =	swait.ge [sflag:s29], $0x1  }
0xb5: {  	[sflag:s29] =	ssyncadd.s32 $0xFFFFFFFF  }
0xb6: {  	_ =	strace $0x9000004B  }
0xb7: {  	_ =	sfence  }
0xb8: {  	s30 =	sld [smem:$0x0];
	_ =	sdelay $0x2  }
0xb9: {  	s31 =	sshll.u32 s1, $0xD;
	s1 =	sshrl.u32 s1, $0x2  }
0xba: {  	s3 =	sand.u32 $0x4000, s31;
	s1 =	sadd.s32 s1, s30  }
0xbb: {  	s0 =	sor.u32 s3, s0;
	s1 =	sshll.u32 s1, $0x11  }
0xbc: {  	s0 =	sor.u32 s1, s0  }
0xbd: {  	s0 =	sadd.s32 $0x8F2B, s0  }
0xbe: {  	[sflag:s0] =	ssyncadd.remote.s32 $0x1  }
0xbf: {  	_ =	sfence.sel $0xFFFF  }
0xc0: {  	[dreg:$0x0] =	wrdreg $0xFFFFFFFF;
	(pc) =	sbr.abs _section_cstart, $3  }
0xc1: {  	[dreg:$0x1] =	wrdreg $0xFFFFFFFF  }
0xc2: {  	_ =	task.clear_ibuf [dreg:s7], $0x2FFFF;
	_ =	strace $0x9FFFFFFF  }
0xc3: {  	(tm) =	ssettm $0x7FFFFFFF  }
tec
execute0_lowered:
.L_overlay_start_1:
0x0: {  	(tag) =	ssettag $0x1  }
0x1: {  	s1 =	rddreg [dreg:$0x0]  }
0x2: {  	s0 =	rddreg [dreg:$0x1]  }
0x3: {  	s2 =	rddreg [dreg:$0x2]  }
0x4: {  	s4 =	simm.s32 $0x0;
	s14 =	stileid.u32;
	s5 =	srdreg.scid  }
0x5: {  	s28 =	simm.s32 $0x1;
	s29 =	simm.s32 $0x80;
	s30 =	simm.s32 $0x2  }
0x6: {  	s31 =	simm.s32 $0x4400;
	s15 =	simm.s32 $0x280;
	s6 =	smul.u32 $0x50000, s14  }
0x7: {  	[smem:$0x7FF] =	sst s4;
	s3 =	sshll.u32 s14, $0xB;
	s13 =	smul.u32 $0x14000, s14  }
0x8: {  	s7 =	sshll.u32 s14, $0x9;
	s8 =	sand.u32 $0x1, s5;
	s22 =	smul.u32 $0x2800, s14  }
0x9: {  	s14 =	simm.s32 $0x180;
	_ =	strace $0x8000004A;
	s3 =	sadd.s32 s3, s0  }
0xa: {  	s12 =	sadd.s32 s7, s0;
	s17 =	ssub.s32 $0x2, s8;
	s0 =	sadd.s32 $0xBE00, s0  }
0xb: {  	p0 =	seq.s32 s8, $0x1;
	s6 =	sshrl.u32 s6, $0x2;
	[dreg:$0x4] =	wrdreg s0  }
0xc: {  	s18 =	sshrl.u32 s17, $0x1;
	s11 =	sadd.s32 $0x1E00, s3;
	s20 =	sadd.s32 $0x1E20, s3  }
0xd: {  	s21 =	sadd.s32 $0x1E40, s3;
	s3 =	sadd.s32 $0x1E60, s3;
	[dreg:$0x9] =	wrdreg s22  }
0xe: {  	s16 =	sadd.s32 $0x9E00, s12;
	s23 =	sadd.s32 $0x9E20, s12;
	[dreg:$0x6] =	wrdreg s20  }
0xf: {  	s24 =	sshrl.u32 s13, $0x3;
	s25 =	sadd.s32 $0x9E40, s12;
	[dreg:$0x7] =	wrdreg s21  }
0x10: {  	s26 =	sadd.s32 $0x9E60, s12;
	s22 =	simm.s32 $0x400;
	[dreg:$0x8] =	wrdreg s3  }
0x11: {  	s12 =	simm.s32 $0x3;
	s13 =	simm.s32 $0x6;
	[dreg:$0xa] =	wrdreg s23  }
0x12: {  	s6 =	sadd.s32 s6, s2;
	s0 =	ssub.s32 s17, s18;
	[dreg:$0xb] =	wrdreg s25  }
0x13: {  	[dreg:$0xc] =	wrdreg s26;
	s3 =	sadd.s32 $0x28000, s24;
	s23 =	simm.s32 $0x7  }
.Ltmp0:
0x14: {  	s24 =	simm.s32 $0x100;
	s25 =	simm.s32 $0x200;
	(pc) =	sbr.rel .LBB2_1-.Ltmp0, $4  }
0x15: {  	s26 =	simm.s32 $0x300;
	s17 =	simm.s32 $0x4;
	s18 =	simm.s32 $0x380  }
0x16: {  	s19 =	sadd.s32 $0x4000, s6;
	s8 =	sadd.s32 $0x8000, s6;
	s9 =	sadd.s32 $0xC000, s6  }
0x17: {  	s10 =	sadd.s32 $0x10000, s6;
	[dreg:$0xd] =	wrdreg s3;
	s21 =	smax.u32 s0, $0x1  }
0x18: {  	v0 =	vimm.f32 $1.000000000e+00;
	v1 =	vimm.f32 $0.0e+00;
	s0 =	simm.s32 $0x5;
	[dreg:$0x5] =	wrdreg s19;
	s19 =	simm.s32 $0x0  }
.LBB2_10:
0x19: {  	s3 =	rddreg [dreg:$0xd]  }
.LBB2_11:
0x1a: {  	_ =	swait.ge [sflag:s13], $0x4000  }
0x1b: {  	[sflag:s13] =	ssyncset.done $0x0  }
0x1c: {  	s20 =	stileid.u32;
	[sflag:s13] =	ssyncadd.s32 $0xFFFFC000  }
0x1d: {  	[spmem:s2] =	stream.indirect.scatter.add.f32 [tilespmem:s31], [sflag:$0x7], $0x80, s18, s29, $0xb8;
	[tilespmem:$0x1C500] =	vst v63  }
0x1e: {  	s7 =	sshrl.u32 s6, $0x3;
	s19 =	sadd.s32 $0x1, s19;
	_ =	swait.ge [sflag:s23], $0x4000  }
0x1f: {  	p1 =	sne.s32 s19, s21;
	[sflag:s23] =	ssyncset.done $0x0;
	s5 =	rddreg [dreg:$0x4]  }
0x20: {  	s3 =	sadd.s32 s5, s3;
	[sflag:s23] =	ssyncadd.s32 $0xFFFFC000;
	s5 =	sshll.u32 s20, $0x6  }
.Ltmp1:
0x21: {  	[bflag:$0x0] =	sbarrier.arrive $0xFFFF;
	s5 =	sor.u32 $0x1C07, s5;
	(pc) =	sbr.rel @!p1 .LBB2_12-.Ltmp1, $4  }
0x22: {  	[hbm:s3], [sflag:s5] =	dma.local [spmem:s7], $0x2800  }
0x23: {  	_ =	swait.ge [sflag:s23], $0x2800  }
0x24: {  	[sflag:s23] =	ssyncset.done $0x0  }
0x25: {  	[sflag:s23] =	ssyncadd.s32 $0xFFFFD800  }
.LBB2_1:
0x26: {  	[tilespmem:$0x8400] =	vst v0  }
0x27: {  	[tilespmem:$0x8480] =	vst v1  }
0x28: {  	[tilespmem:$0x8410] =	vst v0  }
0x29: {  	[tilespmem:$0x8490] =	vst v1  }
0x2a: {  	[tilespmem:$0x8420] =	vst v0  }
0x2b: {  	[tilespmem:$0x84A0] =	vst v1  }
0x2c: {  	[tilespmem:$0x8430] =	vst v0  }
0x2d: {  	[tilespmem:$0x84B0] =	vst v1  }
0x2e: {  	[tilespmem:$0x8440] =	vst v0  }
0x2f: {  	[tilespmem:$0x84C0] =	vst v1  }
0x30: {  	[tilespmem:$0x8450] =	vst v0  }
.Ltmp2:
0x31: {  	[tilespmem:$0x84D0] =	vst v1;
	(pc) =	sbr.rel @!p0 .LBB2_2-.Ltmp2, $4  }
0x32: {  	[tilespmem:$0x8460] =	vst v0  }
0x33: {  	[tilespmem:$0x84E0] =	vst v1  }
0x34: {  	[tilespmem:$0x8470] =	vst v0  }
0x35: {  	[tilespmem:$0x84F0] =	vst v1;
	s20 =	sshra.s32 s4, $0x2;
	s3 =	sadd.s32 $0x200, s4  }
.LBB2_7:
0x36: {  	p1 =	sne.s32 s3, $0xFE00;
	[tilespmem:s20+$0x470] =	vst v1  }
0x37: {  	[tilespmem:s20+$0x400] =	vst v1  }
0x38: {  	[tilespmem:s20+$0x410] =	vst v1  }
.Ltmp3:
0x39: {  	[tilespmem:s20+$0x420] =	vst v1;
	(pc) =	sbr.rel @p1 .LBB2_7-.Ltmp3, $4  }
0x3a: {  	[tilespmem:s20+$0x430] =	vst v1  }
0x3b: {  	[tilespmem:s20+$0x440] =	vst v1  }
0x3c: {  	[tilespmem:s20+$0x450] =	vst v1  }
0x3d: {  	[tilespmem:s20+$0x460] =	vst v1;
	s20 =	sshra.s32 s3, $0x2;
	s3 =	sadd.s32 $0x200, s3  }
0x3e: {  	[tilespmem:s20+$0x470] =	vst v1  }
0x3f: {  	[tilespmem:s20+$0x400] =	vst v1  }
0x40: {  	[tilespmem:s20+$0x410] =	vst v1  }
0x41: {  	[tilespmem:s20+$0x420] =	vst v1  }
0x42: {  	[tilespmem:s20+$0x430] =	vst v1  }
0x43: {  	[tilespmem:s20+$0x440] =	vst v1  }
0x44: {  	[tilespmem:s20+$0x450] =	vst v1  }
0x45: {  	[tilespmem:s20+$0x460] =	vst v1  }
0x46: {  	[spmem:s6] =	stream.linear.scatter [tilespmem:s22], [sflag:$0x7], $0x4000, $0x38;
	[tilespmem:$0x1C500] =	vst v63  }
0x47: {  	_ =	swait.ge [sflag:s23], $0x4000  }
0x48: {  	[sflag:s23] =	ssyncset.done $0x0  }
0x49: {  	s3 =	rddreg [dreg:$0x5];
	[sflag:s23] =	ssyncadd.s32 $0xFFFFC000  }
0x4a: {  	[spmem:s3] =	stream.linear.scatter [tilespmem:s22], [sflag:$0x7], $0x4000, $0x38;
	[tilespmem:$0x1C500] =	vst v63  }
0x4b: {  	_ =	swait.ge [sflag:s23], $0x4000  }
0x4c: {  	[sflag:s23] =	ssyncset.done $0x0  }
0x4d: {  	[sflag:s23] =	ssyncadd.s32 $0xFFFFC000  }
0x4e: {  	[spmem:s8] =	stream.linear.scatter [tilespmem:s22], [sflag:$0x7], $0x4000, $0x38;
	[tilespmem:$0x1C500] =	vst v63  }
0x4f: {  	_ =	swait.ge [sflag:s23], $0x4000  }
0x50: {  	[sflag:s23] =	ssyncset.done $0x0  }
0x51: {  	[sflag:s23] =	ssyncadd.s32 $0xFFFFC000  }
0x52: {  	[spmem:s9] =	stream.linear.scatter [tilespmem:s22], [sflag:$0x7], $0x4000, $0x38;
	[tilespmem:$0x1C500] =	vst v63  }
0x53: {  	_ =	swait.ge [sflag:s23], $0x4000  }
0x54: {  	[sflag:s23] =	ssyncset.done $0x0  }
0x55: {  	[sflag:s23] =	ssyncadd.s32 $0xFFFFC000  }
0x56: {  	[spmem:s10] =	stream.linear.scatter [tilespmem:s22], [sflag:$0x7], $0x4000, $0x38;
	[tilespmem:$0x1C500] =	vst v63  }
0x57: {  	_ =	swait.ge [sflag:s23], $0x4000  }
0x58: {  	[sflag:s23] =	ssyncset.done $0x0  }
0x59: {  	[sflag:s23] =	ssyncadd.s32 $0xFFFFC000  }
0x5a: {  	[bflag:$0x0] =	sbarrier.arrive $0xFFFF  }
0x5b: {  	[tilespmem:s4], [sflag:$0x1] =	stream.linear.gather [hbm4b:s16+s4], $0x100, $0x38;
	[tilespmem:$0x1C500] =	vst v63  }
0x5c: {  	s5 =	rddreg [dreg:$0xa]  }
0x5d: {  	[tilespmem:s24], [sflag:$0x2] =	stream.linear.gather [hbm4b:s5+s4], $0x100, $0x38;
	[tilespmem:$0x1C500] =	vst v63  }
0x5e: {  	s7 =	rddreg [dreg:$0xb]  }
0x5f: {  	[tilespmem:s25], [sflag:$0x3] =	stream.linear.gather [hbm4b:s7+s4], $0x100, $0x38;
	[tilespmem:$0x1C500] =	vst v63  }
0x60: {  	s20 =	rddreg [dreg:$0xc]  }
0x61: {  	[tilespmem:s26], [sflag:$0x4] =	stream.linear.gather [hbm4b:s20+s4], $0x100, $0x38;
	[tilespmem:$0x1C500] =	vst v63  }
0x62: {  	_ =	swait.ge [sflag:s28], $0x100  }
0x63: {  	[sflag:s28] =	ssyncset.done $0x0  }
0x64: {  	[sflag:s28] =	ssyncadd.s32 $0xFFFFFF00  }
0x65: {  	[tilespmem:s22], [sflag:$0x5] =	stream.indirect.gather [hbm4b:s1+s29], $0x80, s4, s29, $0xb8;
	[tilespmem:$0x1C500] =	vst v63  }
0x66: {  	_ =	swait.ge [sflag:s30], $0x100  }
0x67: {  	[sflag:s30] =	ssyncset.done $0x0  }
0x68: {  	s20 =	simm.s32 $0xFFFFFE80;
	[sflag:s30] =	ssyncadd.s32 $0xFFFFFF00  }
0x69: {  	[tilespmem:s31], [sflag:$0x6] =	stream.indirect.gather [hbm4b:s1+s29], $0x80, s24, s29, $0xb8;
	[tilespmem:$0x1C500] =	vst v63  }
.LBB2_9:
0x6a: {  	_ =	swait.ge [sflag:s0], $0x4000  }
0x6b: {  	[sflag:s0] =	ssyncset.done $0x0  }
0x6c: {  	[sflag:s0] =	ssyncadd.s32 $0xFFFFC000  }
0x6d: {  	[spmem:s2] =	stream.indirect.scatter.add.f32 [tilespmem:s22], [sflag:$0x7], $0x80, s29, s29, $0xb8;
	[tilespmem:$0x1C500] =	vst v63  }
0x6e: {  	p1 =	seq.s32 s20, $0x0;
	_ =	swait.ge [sflag:s23], $0x4000  }
0x6f: {  	s3 =	sadd.s32 @!p1 s20, s16;
	[sflag:s23] =	ssyncset.done $0x0  }
0x70: {  	s7 =	simm.s32 @!p1 $0x0;
	s5 =	sadd.s32 @!p1 $0x200, s3;
	[sflag:s23] =	ssyncadd.s32 $0xFFFFC000  }
0x71: {  	[tilespmem:s7], [sflag:$0x1] =	stream.linear.gather @!p1 [hbm4b:s5+s7], $0x100, $0x38;
	[tilespmem:$0x1C500] =	vst v63  }
0x72: {  	_ =	swait.ge [sflag:s12], $0x100  }
0x73: {  	[sflag:s12] =	ssyncset.done $0x0  }
0x74: {  	[sflag:s12] =	ssyncadd.s32 $0xFFFFFF00  }
0x75: {  	[tilespmem:s22], [sflag:$0x5] =	stream.indirect.gather [hbm4b:s1+s29], $0x80, s25, s29, $0xb8;
	[tilespmem:$0x1C500] =	vst v63  }
0x76: {  	_ =	swait.ge [sflag:s13], $0x4000  }
0x77: {  	[sflag:s13] =	ssyncset.done $0x0  }
0x78: {  	[sflag:s13] =	ssyncadd.s32 $0xFFFFC000  }
0x79: {  	[spmem:s2] =	stream.indirect.scatter.add.f32 [tilespmem:s31], [sflag:$0x7], $0x80, s14, s29, $0xb8;
	[tilespmem:$0x1C500] =	vst v63  }
0x7a: {  	_ =	swait.ge [sflag:s23], $0x4000  }
0x7b: {  	[sflag:s23] =	ssyncset.done $0x0  }
0x7c: {  	s3 =	sadd.s32 @!p1 $0x220, s3;
	s5 =	simm.s32 @!p1 $0x100;
	[sflag:s23] =	ssyncadd.s32 $0xFFFFC000  }
0x7d: {  	[tilespmem:s5], [sflag:$0x2] =	stream.linear.gather @!p1 [hbm4b:s3+s7], $0x100, $0x38;
	[tilespmem:$0x1C500] =	vst v63  }
0x7e: {  	_ =	swait.ge [sflag:s17], $0x100  }
0x7f: {  	[sflag:s17] =	ssyncset.done $0x0  }
0x80: {  	[sflag:s17] =	ssyncadd.s32 $0xFFFFFF00  }
0x81: {  	[tilespmem:s31], [sflag:$0x6] =	stream.indirect.gather [hbm4b:s1+s29], $0x80, s26, s29, $0xb8;
	[tilespmem:$0x1C500] =	vst v63  }
0x82: {  	_ =	swait.ge [sflag:s0], $0x4000  }
0x83: {  	[sflag:s0] =	ssyncset.done $0x0  }
.Ltmp4:
0x84: {  	[sflag:s0] =	ssyncadd.s32 $0xFFFFC000;
	(pc) =	sbr.rel @p1 .LBB2_10-.Ltmp4, $4  }
0x85: {  	[spmem:s2] =	stream.indirect.scatter.add.f32 [tilespmem:s22], [sflag:$0x7], $0x80, s15, s29, $0xb8;
	[tilespmem:$0x1C500] =	vst v63  }
0x86: {  	_ =	swait.ge [sflag:s23], $0x4000  }
0x87: {  	[sflag:s23] =	ssyncset.done $0x0  }
0x88: {  	[sflag:s23] =	ssyncadd.s32 $0xFFFFC000  }
0x89: {  	s3 =	sadd.s32 s20, s16  }
0x8a: {  	s5 =	sadd.s32 $0x240, s3  }
0x8b: {  	[tilespmem:s25], [sflag:$0x3] =	stream.linear.gather [hbm4b:s5+s4], $0x100, $0x38;
	[tilespmem:$0x1C500] =	vst v63  }
0x8c: {  	_ =	swait.ge [sflag:s28], $0x100  }
0x8d: {  	[sflag:s28] =	ssyncset.done $0x0  }
0x8e: {  	[sflag:s28] =	ssyncadd.s32 $0xFFFFFF00  }
0x8f: {  	[tilespmem:s22], [sflag:$0x5] =	stream.indirect.gather [hbm4b:s1+s29], $0x80, s4, s29, $0xb8;
	[tilespmem:$0x1C500] =	vst v63  }
0x90: {  	_ =	swait.ge [sflag:s13], $0x4000  }
0x91: {  	[sflag:s13] =	ssyncset.done $0x0  }
0x92: {  	[sflag:s13] =	ssyncadd.s32 $0xFFFFC000  }
0x93: {  	[spmem:s2] =	stream.indirect.scatter.add.f32 [tilespmem:s31], [sflag:$0x7], $0x80, s18, s29, $0xb8;
	[tilespmem:$0x1C500] =	vst v63  }
0x94: {  	_ =	swait.ge [sflag:s23], $0x4000  }
0x95: {  	[sflag:s23] =	ssyncset.done $0x0  }
0x96: {  	s3 =	sadd.s32 $0x260, s3;
	[sflag:s23] =	ssyncadd.s32 $0xFFFFC000  }
0x97: {  	[tilespmem:s26], [sflag:$0x4] =	stream.linear.gather [hbm4b:s3+s4], $0x100, $0x38;
	[tilespmem:$0x1C500] =	vst v63  }
.Ltmp5:
0x98: {  	_ = 	snop;
	(pc) =	sbr.rel .LBB2_9-.Ltmp5, $4  }
0x99: {  	_ =	swait.ge [sflag:s30], $0x100  }
0x9a: {  	[sflag:s30] =	ssyncset.done $0x0  }
0x9b: {  	s20 =	sadd.s32 $0x80, s20;
	[sflag:s30] =	ssyncadd.s32 $0xFFFFFF00  }
0x9c: {  	[tilespmem:s31], [sflag:$0x6] =	stream.indirect.gather [hbm4b:s1+s29], $0x80, s24, s29, $0xb8;
	[tilespmem:$0x1C500] =	vst v63  }
.LBB2_2:
0x9d: {  	p1 =	sne.s32 s3, $0xFE00;
	[tilespmem:s20+$0x470] =	vst v1  }
0x9e: {  	[tilespmem:s20+$0x400] =	vst v1  }
0x9f: {  	[tilespmem:s20+$0x410] =	vst v1  }
.Ltmp6:
0xa0: {  	[tilespmem:s20+$0x420] =	vst v1;
	(pc) =	sbr.rel @p1 .LBB2_2-.Ltmp6, $4  }
0xa1: {  	[tilespmem:s20+$0x430] =	vst v1  }
0xa2: {  	[tilespmem:s20+$0x440] =	vst v1  }
0xa3: {  	[tilespmem:s20+$0x450] =	vst v1  }
0xa4: {  	[tilespmem:s20+$0x460] =	vst v1;
	s20 =	sshra.s32 s3, $0x2;
	s3 =	sadd.s32 $0x200, s3  }
0xa5: {  	[tilespmem:s20+$0x470] =	vst v1  }
0xa6: {  	[tilespmem:s20+$0x400] =	vst v1  }
0xa7: {  	[tilespmem:s20+$0x410] =	vst v1  }
0xa8: {  	[tilespmem:s20+$0x420] =	vst v1  }
0xa9: {  	[tilespmem:s20+$0x430] =	vst v1  }
0xaa: {  	[tilespmem:s20+$0x440] =	vst v1  }
0xab: {  	[tilespmem:s20+$0x450] =	vst v1  }
0xac: {  	[tilespmem:s20+$0x460] =	vst v1  }
0xad: {  	[spmem:s6] =	stream.linear.scatter [tilespmem:s22], [sflag:$0x7], $0x4000, $0x38;
	[tilespmem:$0x1C500] =	vst v63  }
0xae: {  	_ =	swait.ge [sflag:s23], $0x4000  }
0xaf: {  	[sflag:s23] =	ssyncset.done $0x0  }
0xb0: {  	s3 =	rddreg [dreg:$0x5];
	[sflag:s23] =	ssyncadd.s32 $0xFFFFC000  }
0xb1: {  	[spmem:s3] =	stream.linear.scatter [tilespmem:s22], [sflag:$0x7], $0x4000, $0x38;
	[tilespmem:$0x1C500] =	vst v63  }
0xb2: {  	_ =	swait.ge [sflag:s23], $0x4000  }
0xb3: {  	[sflag:s23] =	ssyncset.done $0x0  }
0xb4: {  	[sflag:s23] =	ssyncadd.s32 $0xFFFFC000  }
0xb5: {  	[spmem:s8] =	stream.linear.scatter [tilespmem:s22], [sflag:$0x7], $0x4000, $0x38;
	[tilespmem:$0x1C500] =	vst v63  }
0xb6: {  	_ =	swait.ge [sflag:s23], $0x4000  }
0xb7: {  	[sflag:s23] =	ssyncset.done $0x0  }
0xb8: {  	[sflag:s23] =	ssyncadd.s32 $0xFFFFC000  }
0xb9: {  	[spmem:s9] =	stream.linear.scatter [tilespmem:s22], [sflag:$0x7], $0x4000, $0x38;
	[tilespmem:$0x1C500] =	vst v63  }
0xba: {  	_ =	swait.ge [sflag:s23], $0x4000  }
0xbb: {  	[sflag:s23] =	ssyncset.done $0x0  }
0xbc: {  	[sflag:s23] =	ssyncadd.s32 $0xFFFFC000  }
0xbd: {  	[spmem:s10] =	stream.linear.scatter [tilespmem:s22], [sflag:$0x7], $0x4000, $0x38;
	[tilespmem:$0x1C500] =	vst v63  }
0xbe: {  	_ =	swait.ge [sflag:s23], $0x4000  }
0xbf: {  	[sflag:s23] =	ssyncset.done $0x0  }
0xc0: {  	[sflag:s23] =	ssyncadd.s32 $0xFFFFC000  }
0xc1: {  	[bflag:$0x0] =	sbarrier.arrive $0xFFFF  }
0xc2: {  	[tilespmem:s4], [sflag:$0x1] =	stream.linear.gather [hbm4b:s11+s4], $0x100, $0x38;
	[tilespmem:$0x1C500] =	vst v63  }
0xc3: {  	s5 =	rddreg [dreg:$0x6]  }
0xc4: {  	[tilespmem:s24], [sflag:$0x2] =	stream.linear.gather [hbm4b:s5+s4], $0x100, $0x38;
	[tilespmem:$0x1C500] =	vst v63  }
0xc5: {  	s7 =	rddreg [dreg:$0x7]  }
0xc6: {  	[tilespmem:s25], [sflag:$0x3] =	stream.linear.gather [hbm4b:s7+s4], $0x100, $0x38;
	[tilespmem:$0x1C500] =	vst v63  }
0xc7: {  	s20 =	rddreg [dreg:$0x8]  }
0xc8: {  	[tilespmem:s26], [sflag:$0x4] =	stream.linear.gather [hbm4b:s20+s4], $0x100, $0x38;
	[tilespmem:$0x1C500] =	vst v63  }
0xc9: {  	_ =	swait.ge [sflag:s28], $0x100  }
0xca: {  	[sflag:s28] =	ssyncset.done $0x0  }
0xcb: {  	[sflag:s28] =	ssyncadd.s32 $0xFFFFFF00  }
0xcc: {  	[tilespmem:s22], [sflag:$0x5] =	stream.indirect.gather [hbm4b:s1+s29], $0x80, s4, s29, $0xb8;
	[tilespmem:$0x1C500] =	vst v63  }
0xcd: {  	_ =	swait.ge [sflag:s30], $0x100  }
0xce: {  	[sflag:s30] =	ssyncset.done $0x0  }
0xcf: {  	s20 =	simm.s32 $0xFFFFF880;
	[sflag:s30] =	ssyncadd.s32 $0xFFFFFF00  }
0xd0: {  	[tilespmem:s31], [sflag:$0x6] =	stream.indirect.gather [hbm4b:s1+s29], $0x80, s24, s29, $0xb8;
	[tilespmem:$0x1C500] =	vst v63  }
.LBB2_4:
0xd1: {  	_ =	swait.ge [sflag:s0], $0x4000  }
0xd2: {  	[sflag:s0] =	ssyncset.done $0x0  }
0xd3: {  	[sflag:s0] =	ssyncadd.s32 $0xFFFFC000  }
0xd4: {  	[spmem:s2] =	stream.indirect.scatter.add.f32 [tilespmem:s22], [sflag:$0x7], $0x80, s29, s29, $0xb8;
	[tilespmem:$0x1C500] =	vst v63  }
0xd5: {  	p1 =	seq.s32 s20, $0x0;
	_ =	swait.ge [sflag:s23], $0x4000  }
0xd6: {  	s3 =	sadd.s32 @!p1 s20, s11;
	[sflag:s23] =	ssyncset.done $0x0  }
0xd7: {  	s7 =	simm.s32 @!p1 $0x0;
	s5 =	sadd.s32 @!p1 $0x800, s3;
	[sflag:s23] =	ssyncadd.s32 $0xFFFFC000  }
0xd8: {  	[tilespmem:s7], [sflag:$0x1] =	stream.linear.gather @!p1 [hbm4b:s5+s7], $0x100, $0x38;
	[tilespmem:$0x1C500] =	vst v63  }
0xd9: {  	_ =	swait.ge [sflag:s12], $0x100  }
0xda: {  	[sflag:s12] =	ssyncset.done $0x0  }
0xdb: {  	[sflag:s12] =	ssyncadd.s32 $0xFFFFFF00  }
0xdc: {  	[tilespmem:s22], [sflag:$0x5] =	stream.indirect.gather [hbm4b:s1+s29], $0x80, s25, s29, $0xb8;
	[tilespmem:$0x1C500] =	vst v63  }
0xdd: {  	_ =	swait.ge [sflag:s13], $0x4000  }
0xde: {  	[sflag:s13] =	ssyncset.done $0x0  }
0xdf: {  	[sflag:s13] =	ssyncadd.s32 $0xFFFFC000  }
0xe0: {  	[spmem:s2] =	stream.indirect.scatter.add.f32 [tilespmem:s31], [sflag:$0x7], $0x80, s14, s29, $0xb8;
	[tilespmem:$0x1C500] =	vst v63  }
0xe1: {  	_ =	swait.ge [sflag:s23], $0x4000  }
0xe2: {  	[sflag:s23] =	ssyncset.done $0x0  }
0xe3: {  	s3 =	sadd.s32 @!p1 $0x820, s3;
	s5 =	simm.s32 @!p1 $0x100;
	[sflag:s23] =	ssyncadd.s32 $0xFFFFC000  }
0xe4: {  	[tilespmem:s5], [sflag:$0x2] =	stream.linear.gather @!p1 [hbm4b:s3+s7], $0x100, $0x38;
	[tilespmem:$0x1C500] =	vst v63  }
0xe5: {  	_ =	swait.ge [sflag:s17], $0x100  }
0xe6: {  	[sflag:s17] =	ssyncset.done $0x0  }
0xe7: {  	[sflag:s17] =	ssyncadd.s32 $0xFFFFFF00  }
0xe8: {  	[tilespmem:s31], [sflag:$0x6] =	stream.indirect.gather [hbm4b:s1+s29], $0x80, s26, s29, $0xb8;
	[tilespmem:$0x1C500] =	vst v63  }
0xe9: {  	_ =	swait.ge [sflag:s0], $0x4000  }
0xea: {  	[sflag:s0] =	ssyncset.done $0x0  }
.Ltmp7:
0xeb: {  	[sflag:s0] =	ssyncadd.s32 $0xFFFFC000;
	(pc) =	sbr.rel @p1 .LBB2_5-.Ltmp7, $4  }
0xec: {  	[spmem:s2] =	stream.indirect.scatter.add.f32 [tilespmem:s22], [sflag:$0x7], $0x80, s15, s29, $0xb8;
	[tilespmem:$0x1C500] =	vst v63  }
0xed: {  	_ =	swait.ge [sflag:s23], $0x4000  }
0xee: {  	[sflag:s23] =	ssyncset.done $0x0  }
0xef: {  	[sflag:s23] =	ssyncadd.s32 $0xFFFFC000  }
0xf0: {  	s3 =	sadd.s32 s20, s11  }
0xf1: {  	s5 =	sadd.s32 $0x840, s3  }
0xf2: {  	[tilespmem:s25], [sflag:$0x3] =	stream.linear.gather [hbm4b:s5+s4], $0x100, $0x38;
	[tilespmem:$0x1C500] =	vst v63  }
0xf3: {  	_ =	swait.ge [sflag:s28], $0x100  }
0xf4: {  	[sflag:s28] =	ssyncset.done $0x0  }
0xf5: {  	[sflag:s28] =	ssyncadd.s32 $0xFFFFFF00  }
0xf6: {  	[tilespmem:s22], [sflag:$0x5] =	stream.indirect.gather [hbm4b:s1+s29], $0x80, s4, s29, $0xb8;
	[tilespmem:$0x1C500] =	vst v63  }
0xf7: {  	_ =	swait.ge [sflag:s13], $0x4000  }
0xf8: {  	[sflag:s13] =	ssyncset.done $0x0  }
0xf9: {  	[sflag:s13] =	ssyncadd.s32 $0xFFFFC000  }
0xfa: {  	[spmem:s2] =	stream.indirect.scatter.add.f32 [tilespmem:s31], [sflag:$0x7], $0x80, s18, s29, $0xb8;
	[tilespmem:$0x1C500] =	vst v63  }
0xfb: {  	_ =	swait.ge [sflag:s23], $0x4000  }
0xfc: {  	[sflag:s23] =	ssyncset.done $0x0  }
0xfd: {  	s3 =	sadd.s32 $0x860, s3;
	[sflag:s23] =	ssyncadd.s32 $0xFFFFC000  }
0xfe: {  	[tilespmem:s26], [sflag:$0x4] =	stream.linear.gather [hbm4b:s3+s4], $0x100, $0x38;
	[tilespmem:$0x1C500] =	vst v63  }
.Ltmp8:
0xff: {  	_ = 	snop;
	(pc) =	sbr.rel .LBB2_4-.Ltmp8, $4  }
0x100: {  	_ =	swait.ge [sflag:s30], $0x100  }
0x101: {  	[sflag:s30] =	ssyncset.done $0x0  }
0x102: {  	s20 =	sadd.s32 $0x80, s20;
	[sflag:s30] =	ssyncadd.s32 $0xFFFFFF00  }
0x103: {  	[tilespmem:s31], [sflag:$0x6] =	stream.indirect.gather [hbm4b:s1+s29], $0x80, s24, s29, $0xb8;
	[tilespmem:$0x1C500] =	vst v63  }
.LBB2_5:
.Ltmp9:
0x104: {  	(pc) =	sbr.rel .LBB2_11-.Ltmp9, $2  }
0x105: {  	_ =	sdelay $0x2  }
0x106: {  	s3 =	rddreg [dreg:$0x9]  }
.LBB2_12:
0x107: {  	_ =	sfence.sel $0x180000  }
0x108: {  	[bflag:$0x0] =	sbarrier.arrive $0xFFFF  }
0x109: {  	_ =	strace $0x9000004A  }
0x10a: {  	s0 =	stileid.u32;
	[bflag:$0x2] =	sbarrier.arrive $0xFFFF  }
0x10b: {  	p0 =	sne.s32 s0, $0x0;
	s0 =	rddreg [dreg:$0x3]  }
0x10c: {  	s0 =	sadd.s32 @!p0 $0x100000, s0  }
0x10d: {  	[sflag:s0] =	ssyncadd.tile.s32 @!p0 $0x1;
	_ =	shalt  }
.Lfunc_end2:
_tile_overlayer_lowered:
.L_overlay_start_2:
0x10e: {  	(tag) =	ssettag $0x2  }
0x10f: {  	s0 =	rddreg [dreg:$0x0];
	s2 =	stileid.u32  }
0x110: {  	s1 =	rddreg [dreg:$0x1];
	p0 =	sne.s32 s2, $0x0  }
0x111: {  	s3 =	rddreg [dreg:$0x2];
	[bflag:$0x3] =	sbarrier.arrive $0xFFFF;
	s2 =	simm.s32 @!p0 $0x1C07  }
0x112: {  	[timem:s3], [sflag:s2] =	dma.local @!p0 [hbm:s0], s1  }
0x113: {  	s0 =	simm.s32 @!p0 $0x7  }
0x114: {  	_ =	swait.ge @!p0 [sflag:s0], s1  }
0x115: {  	s1 =	ssub.s32 @!p0 $0x0, s1;
	[sflag:s0] =	ssyncset.done @!p0 $0x0  }
0x116: {  	[sflag:s0] =	ssyncadd.s32 @!p0 s1  }
0x117: {  	[bflag:$0x3] =	sbarrier.arrive $0xFFFF  }
0x118: {  	_ =	shalt  }

// kernel: kernel.7.cloned.1.call-start
scs
__scs_entry_jumppad:
0x0: {  	(pc) =	sbr.rel $0x88, $3  }
0x1: {  	(tag) =	ssettag $0x0;
	lr =	simm.s32 $0x1  }
0x2: {  	[smem:$0x3F99] =	sst lr;
	_ =	strace $0xD0000000  }
0x3: {  	_ = 	snop  }
0x4: {  	_ = 	snop  }
0x5: {  	_ = 	snop  }
0x6: {  	_ = 	snop  }
0x7: {  	_ = 	snop  }
__scs_overlays_trampoline_lowered:
0x8: {  	[smem:$0x3FA8] =	sst s0  }
0x9: {  	[smem:$0x3FA9] =	sst s1  }
0xa: {  	[smem:$0x3FAA] =	sst s2  }
0xb: {  	[smem:$0x3FAB] =	sst s3  }
0xc: {  	[smem:$0x3FAC] =	sst s4  }
0xd: {  	[smem:$0x3FAD] =	sst s5  }
0xe: {  	[smem:$0x3FAE] =	sst s6  }
0xf: {  	[smem:$0x3FAF] =	sst s7  }
0x10: {  	[smem:$0x3FB0] =	sst s8  }
0x11: {  	[smem:$0x3FB1] =	sst s9;
	s0 =	simm.s32 @!p0 $0x0  }
0x12: {  	s1 =	sld [smem:$0x3F97];
	s0 =	simm.s32 @p0 $0x1  }
0x13: {  	[smem:$0x3FB2] =	sst s0;
	s0 =	simm.s32 @!p1 $0x0  }
0x14: {  	s2 =	sld [smem:$0x3F96];
	s0 =	simm.s32 @p1 $0x1  }
0x15: {  	[smem:$0x3FB3] =	sst s0;
	s0 =	simm.s32 @!p2 $0x0  }
0x16: {  	s3 =	sld [smem:$0x3FDB];
	s0 =	simm.s32 @p2 $0x1  }
0x17: {  	s4 =	simm.s32 $0x1BF5;
	[smem:$0x3FB5] =	sst s0  }
0x18: {  	s0 =	sld [smem:$0x3F98];
	_ =	swait.ge [sflag:s4], $0x0  }
0x19: {  	s7 =	sld [smem:$0x3F99]  }
0x1a: {  	s8 =	sadd.s32 $0xFFFFE003, lr  }
0x1b: {  	s9 =	sadd.s32 $0xFFFFFEF7, lr;
	s5 =	simm.s32 $0xFFFFFFFF;
	p2 =	slt.u32 s8, $0xFFFFF086  }
0x1c: {  	p1 =	slt.u32 s9, $0xF7A;
	s5 =	simm.s32 @!p2 $0x0  }
0x1d: {  	s5 =	simm.s32 @p1 $0x1;
	p0 =	seq.s32 s7, s2  }
0x1e: {  	s7 =	smul.u32 @!p0 $0xF7A, s2;
	p2 =	seq.s32 @!p0 s5, $0x0  }
0x1f: {  	s9 =	smul.u32 $0xF7A, s1;
	s8 =	simm.s32 @!p0 $0x1BF5;
	p2 =	por !p2, p0  }
0x20: {  	[sflag:s8] =	ssyncset.s32 @!p0 $0xFFFFF086;
	s6 =	sadd.s32 @!p0 s3, s7;
	s7 =	simm.s32 @!p0 $0x108  }
0x21: {  	s3 =	sadd.s32 s3, s9;
	s6 =	sadd.s32 @!p0 $0x88, s6;
	s7 =	simm.s32 @p2 $0x1082  }
0x22: {  	[simem:s7], [sflag:s8] =	dma.local @!p0 [hbm:s6], $0xF7A  }
0x23: {  	s9 =	sor.u32 $0xD0000000, s2;
	s6 =	simm.s32 $0x108;
	_ =	swait.ge @!p0 [sflag:s8], $0x0  }
0x24: {  	s3 =	sadd.s32 $0x88, s3;
	s6 =	simm.s32 @!p1 $0x1082;
	[sflag:s4] =	ssyncset.s32 $0xFFFFF086  }
0x25: {  	[simem:s6], [sflag:s4] =	dma.local [hbm:s3], $0xF7A  }
0x26: {  	[smem:$0x3F99] =	sst s1;
	(tag) =	ssettag s2;
	_ =	strace s9  }
0x27: {  	s1 =	sld [smem:$0x3FA9]  }
0x28: {  	s2 =	sld [smem:$0x3FAA]  }
0x29: {  	s4 =	sld [smem:$0x3FAC]  }
0x2a: {  	p0 =	seq.s32 s5, $0x0;
	s5 =	sld [smem:$0x3FAD]  }
0x2b: {  	s6 =	sld [smem:$0x3FAE]  }
0x2c: {  	s7 =	sld [smem:$0x3FAF]  }
0x2d: {  	s3 =	simm.s32 $0x108;
	s8 =	sld [smem:$0x3FB0]  }
0x2e: {  	s3 =	simm.s32 @!p0 $0x1082;
	s9 =	sld [smem:$0x3FB1]  }
0x2f: {  	lr =	sadd.s32 s0, s3;
	s0 =	sld [smem:$0x3FA8]  }
0x30: {  	s3 =	sld [smem:$0x3FAB]  }
0x31: {  	[smem:$0x3FB4] =	sst s10  }
0x32: {  	s10 =	sld [smem:$0x3FB2];
	_ =	sdelay $0x3  }
0x33: {  	p0 =	seq.s32 s10, $0x1;
	s10 =	sld [smem:$0x3FB4];
	_ =	sdelay $0x3  }
0x34: {  	[smem:$0x3FB4] =	sst s10  }
0x35: {  	s10 =	sld [smem:$0x3FB3];
	_ =	sdelay $0x3  }
0x36: {  	p1 =	seq.s32 s10, $0x1;
	s10 =	sld [smem:$0x3FB4];
	_ =	sdelay $0x3  }
0x37: {  	[smem:$0x3FB4] =	sst s10  }
0x38: {  	s10 =	sld [smem:$0x3FB5]  }
0x39: {  	_ = 	snop;
	(pc) =	sbr.ind lr, $3  }
0x3a: {  	_ = 	snop  }
0x3b: {  	_ = 	snop  }
0x3c: {  	p2 =	seq.s32 s10, $0x1;
	s10 =	sld [smem:$0x3FB4]  }
0x3d: {  	_ =	shalt  }
0x3e: {  	_ =	shalt  }
0x3f: {  	_ =	shalt  }
0x40: {  	_ =	shalt  }
0x41: {  	_ =	shalt  }
0x42: {  	_ =	shalt  }
0x43: {  	_ =	shalt  }
0x44: {  	_ =	shalt  }
0x45: {  	_ =	shalt  }
0x46: {  	_ =	shalt  }
0x47: {  	_ =	shalt  }
0x48: {  	_ =	shalt  }
0x49: {  	_ =	shalt  }
0x4a: {  	_ =	shalt  }
0x4b: {  	_ =	shalt  }
0x4c: {  	_ =	shalt  }
0x4d: {  	_ =	shalt  }
0x4e: {  	_ =	shalt  }
0x4f: {  	_ =	shalt  }
0x50: {  	_ =	shalt  }
0x51: {  	_ =	shalt  }
0x52: {  	_ =	shalt  }
0x53: {  	_ =	shalt  }
0x54: {  	_ =	shalt  }
0x55: {  	_ =	shalt  }
0x56: {  	_ =	shalt  }
0x57: {  	_ =	shalt  }
0x58: {  	_ =	shalt  }
0x59: {  	_ =	shalt  }
0x5a: {  	_ =	shalt  }
0x5b: {  	_ =	shalt  }
0x5c: {  	_ =	shalt  }
0x5d: {  	_ =	shalt  }
0x5e: {  	_ =	shalt  }
0x5f: {  	_ =	shalt  }
0x60: {  	_ =	shalt  }
0x61: {  	_ =	shalt  }
0x62: {  	_ =	shalt  }
0x63: {  	_ =	shalt  }
0x64: {  	_ =	shalt  }
0x65: {  	_ =	shalt  }
0x66: {  	_ =	shalt  }
0x67: {  	_ =	shalt  }
0x68: {  	_ =	shalt  }
0x69: {  	_ =	shalt  }
0x6a: {  	_ =	shalt  }
0x6b: {  	_ =	shalt  }
0x6c: {  	_ =	shalt  }
0x6d: {  	_ =	shalt  }
0x6e: {  	_ =	shalt  }
0x6f: {  	_ =	shalt  }
0x70: {  	_ =	shalt  }
0x71: {  	_ =	shalt  }
0x72: {  	_ =	shalt  }
0x73: {  	_ =	shalt  }
0x74: {  	_ =	shalt  }
0x75: {  	_ =	shalt  }
0x76: {  	_ =	shalt  }
0x77: {  	_ =	shalt  }
0x78: {  	_ =	shalt  }
0x79: {  	_ =	shalt  }
0x7a: {  	_ =	shalt  }
0x7b: {  	_ =	shalt  }
0x7c: {  	_ =	shalt  }
0x7d: {  	_ =	shalt  }
0x7e: {  	_ =	shalt  }
0x7f: {  	_ =	shalt  }
0x80: {  	_ =	shalt  }
0x81: {  	_ =	shalt  }
0x82: {  	_ =	shalt  }
0x83: {  	_ =	shalt  }
0x84: {  	_ =	shalt  }
0x85: {  	_ =	shalt  }
0x86: {  	_ =	shalt  }
0x87: {  	_ =	shalt  }
.Lfunc_end0:
.L_simem_size_0:
called_computation_lowered:
.L_overlay_start_0:
0x88: {  	s2 =	sld [smem:$0x3FD9]  }
0x89: {  	s3 =	sld [smem:$0x3FFE];
	_ =	sdelay $0x1  }
0x8a: {  	s1 =	srdreg.scid  }
0x8b: {  	s0 =	sand.u32 $0x1, s1  }
0x8c: {  	s17 =	sshll.u32 s0, $0xA;
	s2 =	sadd.s32 s3, s2  }
0x8d: {  	s2 =	sadd.s32 s2, s17  }
0x8e: {  	[smem:$0x3FC0] =	sst s2  }
0x8f: {  	_ = 	snop  }
0x90: {  	s2 =	sld [smem:$0x3FD0];
	(tm) =	ssettm $0x1  }
0x91: {  	s18 =	sld [smem:$0x3FFB];
	_ =	sdelay $0x3  }
0x92: {  	_ =	strace s18  }
0x93: {  	s3 =	sld [smem:$0x3FFC];
	_ =	sdelay $0x3  }
0x94: {  	_ =	strace s3  }
0x95: {  	s3 =	sld [smem:$0x3FFD];
	_ =	sdelay $0x3  }
0x96: {  	_ =	strace s3  }
0x97: {  	_ =	strace $0x8FFFFFFF  }
0x98: {  	s19 =	sld [smem:$0x3FDB];
	_ =	sdelay $0x1  }
0x99: {  	s4 =	simm.s32 $_scs_section_size  }
0x9a: {  	s5 =	simm.s32 $_size__tile_overlayer_lowered;
	s6 =	simm.s32 $_tile_overlayer_lowered  }
0x9b: {  	s22 =	simm.s32 $0x1BFF;
	s21 =	sshll.u32 s6, $0x1;
	s3 =	sadd.s32 s4, s19  }
0x9c: {  	s7 =	simm.s32 $0x0;
	s20 =	sshll.u32 s5, $0x1;
	s5 =	sadd.s32 s21, s3  }
0x9d: {  	[timem:s7], [sflag:s22] =	dma.local [hbm:s5], s20  }
0x9e: {  	_ =	swait.ge [sflag:s22], s20  }
0x9f: {  	s4 =	ssub.s32 $0x0, s20;
	[sflag:s22] =	ssyncset.done $0x0  }
0xa0: {  	[sflag:s22] =	ssyncadd.s32 s4;
	_ =	sdelay $0x1  }
0xa1: {  	s23 =	simm.s32 $0x1B8B  }
0xa2: {  	_ =	swait.ge [sflag:s23], $0x1  }
0xa3: {  	[sflag:s23] =	ssyncset.done $0x0  }
0xa4: {  	s25 =	simm.s32 $0x1B8E;
	s24 =	sld [smem:$0x3FFE];
	[sflag:s23] =	ssyncadd.s32 $0xFFFFFFFF  }
0xa5: {  	s26 =	simm.s32 $execute0_lowered;
	[smem:$0x3FD2] =	sst s25  }
0xa6: {  	s5 =	sshll.u32 s26, $0x1;
	_ =	strace $0x80000046;
	[dreg:$0x1] =	wrdreg $0xFFFFFFFF  }
0xa7: {  	s28 =	simm.s32 $_size_execute0_lowered;
	s3 =	sadd.s32 s3, s5;
	[dreg:$0x0] =	wrdreg $0x0  }
0xa8: {  	s5 =	sshll.u32 s28, $0x1;
	[dreg:$0x2] =	wrdreg s3  }
0xa9: {  	[dreg:$0x3] =	wrdreg s5  }
0xaa: {  	[dreg:$0x4] =	wrdreg $0xC0  }
0xab: {  	_ =	task [dreg:s7], $0x5FFFF  }
0xac: {  	[dreg:$0x1] =	wrdreg $0xFFFFFFFF  }
0xad: {  	[dreg:$0x0] =	wrdreg $0x60  }
0xae: {  	[dreg:$0x2] =	wrdreg s2  }
0xaf: {  	[dreg:$0x3] =	wrdreg s24  }
0xb0: {  	[dreg:$0x4] =	wrdreg $0x85000  }
0xb1: {  	[dreg:$0x5] =	wrdreg $0x1C5000  }
0xb2: {  	[dreg:$0x6] =	wrdreg $0x9  }
0xb3: {  	_ =	task.clear_ibuf [dreg:s7], $0x7FFFF;
	_ =	strace $0x90000046  }
0xb4: {  	s29 =	simm.s32 $0x9;
	_ =	strace $0x80000048  }
0xb5: {  	_ =	swait.ge [sflag:s29], $0x1  }
0xb6: {  	[sflag:s29] =	ssyncadd.s32 $0xFFFFFFFF  }
0xb7: {  	_ =	strace $0x90000048  }
0xb8: {  	_ =	sfence  }
0xb9: {  	s30 =	sld [smem:$0x0];
	_ =	sdelay $0x2  }
0xba: {  	s31 =	sshll.u32 s1, $0xD;
	s1 =	sshrl.u32 s1, $0x2  }
0xbb: {  	s3 =	sand.u32 $0x4000, s31;
	s1 =	sadd.s32 s1, s30  }
0xbc: {  	s0 =	sor.u32 s3, s0;
	s1 =	sshll.u32 s1, $0x11  }
0xbd: {  	s0 =	sor.u32 s1, s0  }
0xbe: {  	s0 =	sadd.s32 $0x8F2B, s0  }
0xbf: {  	[sflag:s0] =	ssyncadd.remote.s32 $0x1  }
0xc0: {  	_ =	sfence.sel $0xFFFF  }
0xc1: {  	[dreg:$0x0] =	wrdreg $0xFFFFFFFF;
	(pc) =	sbr.abs _section_cstart, $3  }
0xc2: {  	[dreg:$0x1] =	wrdreg $0xFFFFFFFF  }
0xc3: {  	_ =	task.clear_ibuf [dreg:s7], $0x2FFFF;
	_ =	strace $0x9FFFFFFF  }
0xc4: {  	(tm) =	ssettm $0x7FFFFFFF  }
0xc5: {  	_ =	shalt  }
tec
execute0_lowered:
.L_overlay_start_1:
0x0: {  	(tag) =	ssettag $0x1  }
0x1: {  	s1 =	rddreg [dreg:$0x0]  }
0x2: {  	s0 =	rddreg [dreg:$0x1]  }
0x3: {  	s2 =	rddreg [dreg:$0x2]  }
0x4: {  	s4 =	rddreg [dreg:$0x3];
	s5 =	simm.s32 $0x0  }
0x5: {  	s28 =	stileid.u32;
	s7 =	srdreg.scid;
	s29 =	simm.s32 $0x3  }
0x6: {  	s30 =	simm.s32 $0x6;
	s31 =	simm.s32 $0x180;
	[smem:$0x7FF] =	sst s5  }
0x7: {  	s3 =	sshll.u32 s28, $0xB;
	s6 =	sshll.u32 s28, $0x9;
	s8 =	smul.u32 $0x280, s28  }
0x8: {  	s15 =	sand.u32 $0x1, s7;
	s11 =	smul.u32 $0x50000, s28;
	s12 =	sadd.s32 $0xC400, s0  }
0x9: {  	s21 =	smul.u32 $0x2800, s28;
	_ =	strace $0x80000047;
	s3 =	sadd.s32 s3, s0  }
0xa: {  	s9 =	sadd.s32 s6, s0;
	s10 =	ssub.s32 $0x2, s15;
	p0 =	seq.s32 s15, $0x1  }
0xb: {  	s16 =	sshrl.u32 s8, $0x3;
	s17 =	sshrl.u32 s10, $0x1;
	s18 =	sshrl.u32 s11, $0x2  }
0xc: {  	s7 =	sadd.s32 $0x1E00, s3;
	s19 =	sadd.s32 $0x1E20, s3;
	s20 =	sadd.s32 $0x1E40, s3  }
0xd: {  	s13 =	sadd.s32 $0x80, s8;
	s3 =	sadd.s32 $0x1E60, s3;
	s14 =	sadd.s32 $0x100, s8  }
0xe: {  	s11 =	sadd.s32 s12, s21;
	s24 =	sadd.s32 $0x180, s8;
	s25 =	sadd.s32 $0x200, s8  }
0xf: {  	s8 =	sadd.s32 s8, s4;
	s21 =	sadd.s32 $0x9E00, s9;
	[dreg:$0x5] =	wrdreg s19  }
0x10: {  	s0 =	sadd.s32 s16, s0;
	s10 =	ssub.s32 s10, s17;
	[dreg:$0x6] =	wrdreg s20  }
0x11: {  	s6 =	sadd.s32 s18, s2;
	[dreg:$0x7] =	wrdreg s3;
	s22 =	sshll.u32 s13, $0x7  }
0x12: {  	[dreg:$0x8] =	wrdreg s11;
	s23 =	sshll.u32 s14, $0x7;
	s15 =	sshll.u32 s24, $0x7  }
0x13: {  	s16 =	sshll.u32 s25, $0x7;
	[dreg:$0xd] =	wrdreg s8;
	s13 =	sadd.s32 s13, s4  }
0x14: {  	s17 =	smul.u32 $0x14000, s28;
	s14 =	sadd.s32 s14, s4;
	[dreg:$0xe] =	wrdreg s13  }
0x15: {  	s18 =	sadd.s32 $0x9E20, s9;
	s19 =	sadd.s32 $0x9E40, s9;
	[dreg:$0xf] =	wrdreg s14  }
0x16: {  	s20 =	sadd.s32 $0x9E60, s9;
	s11 =	simm.s32 $0x400;
	[dreg:$0x12] =	wrdreg s18  }
0x17: {  	s8 =	simm.s32 $0x380;
	s9 =	simm.s32 $0x8400;
	[dreg:$0x13] =	wrdreg s19  }
0x18: {  	s3 =	sadd.s32 s22, s2;
	s15 =	sadd.s32 s15, s2;
	[dreg:$0x14] =	wrdreg s20  }
0x19: {  	s26 =	sadd.s32 s16, s2;
	s16 =	sadd.s32 s25, s4;
	[dreg:$0x9] =	wrdreg s3  }
0x1a: {  	s0 =	sadd.s32 $0xBE00, s0;
	s22 =	smax.u32 s10, $0x1;
	[dreg:$0xb] =	wrdreg s15  }
0x1b: {  	s25 =	sadd.s32 $0xC000, s6;
	s14 =	simm.s32 $0x100;
	[dreg:$0xc] =	wrdreg s26  }
0x1c: {  	s18 =	simm.s32 $0x1;
	s19 =	simm.s32 $0x80;
	[dreg:$0x11] =	wrdreg s16  }
0x1d: {  	s20 =	simm.s32 $0x2;
	s10 =	simm.s32 $0x0;
	[dreg:$0x16] =	wrdreg s0  }
0x1e: {  	s3 =	sadd.s32 s23, s2;
	s15 =	sshrl.u32 s17, $0x3;
	[dreg:$0x17] =	wrdreg s22  }
0x1f: {  	s23 =	sadd.s32 $0x4000, s6;
	[dreg:$0x1a] =	wrdreg s25;
	s26 =	sadd.s32 $0x10000, s6  }
0x20: {  	s25 =	simm.s32 $0x4400;
	s0 =	simm.s32 $0x4;
	[dreg:$0xa] =	wrdreg s3  }
.Ltmp0:
0x21: {  	s3 =	sadd.s32 s24, s4;
	[dreg:$0x18] =	wrdreg s23;
	(pc) =	sbr.rel .LBB2_1-.Ltmp0, $4  }
0x22: {  	s17 =	sadd.s32 s12, s15;
	s24 =	sadd.s32 $0x8000, s6;
	[dreg:$0x1b] =	wrdreg s26  }
0x23: {  	s12 =	simm.s32 $0x7;
	s15 =	simm.s32 $0x200;
	[dreg:$0x10] =	wrdreg s3  }
0x24: {  	s26 =	simm.s32 $0x5;
	s3 =	sadd.s32 $0x28000, s17;
	[dreg:$0x19] =	wrdreg s24  }
0x25: {  	v0 =	vimm.f32 $1.000000000e+00;
	v1 =	vimm.f32 $0.0e+00;
	s17 =	simm.s32 $0x300;
	[dreg:$0x15] =	wrdreg s3;
	s3 =	simm.s32 $0x280  }
.LBB2_17:
0x26: {  	_ =	swait.ge [sflag:s0], $0x100  }
0x27: {  	[sflag:s0] =	ssyncset.done $0x0  }
0x28: {  	[sflag:s0] =	ssyncadd.s32 $0xFFFFFF00  }
0x29: {  	[spmem:s4] =	stream.indirect.scatter.add.f32 [tilespmem:s9], [sflag:$0x7], $0x1, s8, s19, $0xb8;
	[tilespmem:$0x1C780] =	vst v63  }
0x2a: {  	_ =	swait.ge [sflag:s12], $0x80  }
0x2b: {  	[sflag:s12] =	ssyncset.done $0x0  }
0x2c: {  	s28 =	stileid.u32;
	[sflag:s12] =	ssyncadd.s32 $0xFFFFFF80  }
0x2d: {  	s13 =	sshll.u32 s28, $0x6;
	[bflag:$0x0] =	sbarrier.arrive $0xFFFF  }
0x2e: {  	s16 =	sshrl.u32 s6, $0x3;
	s13 =	sor.u32 $0x1C07, s13;
	s22 =	rddreg [dreg:$0x15]  }
0x2f: {  	[hbm:s22], [sflag:s13] =	dma.local [spmem:s16], $0x2800  }
0x30: {  	_ =	swait.ge [sflag:s12], $0x2800  }
0x31: {  	[sflag:s12] =	ssyncset.done $0x0;
	s23 =	rddreg [dreg:$0xd]  }
0x32: {  	s24 =	rddreg [dreg:$0x16];
	[sflag:s12] =	ssyncadd.s32 $0xFFFFD800;
	s16 =	sshrl.u32 s23, $0x3  }
0x33: {  	[hbm:s24], [sflag:s13] =	dma.local [spmem:s16], $0x50  }
0x34: {  	_ =	swait.ge [sflag:s12], $0x50  }
0x35: {  	[sflag:s12] =	ssyncset.done $0x0  }
0x36: {  	[sflag:s12] =	ssyncadd.s32 $0xFFFFFFB0  }
.LBB2_18:
0x37: {  	s10 =	sadd.s32 $0x1, s10;
	s13 =	rddreg [dreg:$0x17]  }
0x38: {  	p1 =	sne.s32 s10, s13  }
.Ltmp1:
0x39: {  	_ = 	snop;
	(pc) =	sbr.rel @!p1 .LBB2_19-.Ltmp1, $1  }
0x3a: {  	_ =	sdelay $0x3  }
.LBB2_1:
0x3b: {  	[tilespmem:$0x8400] =	vst v0  }
0x3c: {  	[tilespmem:$0x8480] =	vst v1  }
0x3d: {  	[tilespmem:$0x8410] =	vst v0  }
0x3e: {  	[tilespmem:$0x8490] =	vst v1  }
0x3f: {  	[tilespmem:$0x8420] =	vst v0  }
0x40: {  	[tilespmem:$0x84A0] =	vst v1  }
0x41: {  	[tilespmem:$0x8430] =	vst v0  }
0x42: {  	[tilespmem:$0x84B0] =	vst v1  }
0x43: {  	[tilespmem:$0x8440] =	vst v0  }
0x44: {  	[tilespmem:$0x84C0] =	vst v1  }
0x45: {  	[tilespmem:$0x8450] =	vst v0  }
.Ltmp2:
0x46: {  	[tilespmem:$0x84D0] =	vst v1;
	(pc) =	sbr.rel @!p0 .LBB2_2-.Ltmp2, $4  }
0x47: {  	[tilespmem:$0x8460] =	vst v0  }
0x48: {  	[tilespmem:$0x84E0] =	vst v1  }
0x49: {  	[tilespmem:$0x8470] =	vst v0  }
0x4a: {  	[tilespmem:$0x84F0] =	vst v1;
	s16 =	sshra.s32 s5, $0x2;
	s22 =	sadd.s32 $0x200, s5  }
.LBB2_7:
0x4b: {  	p1 =	sne.s32 s22, $0xFE00;
	[tilespmem:s16+$0x470] =	vst v1  }
0x4c: {  	[tilespmem:s16+$0x400] =	vst v1  }
0x4d: {  	[tilespmem:s16+$0x410] =	vst v1  }
.Ltmp3:
0x4e: {  	[tilespmem:s16+$0x420] =	vst v1;
	(pc) =	sbr.rel @p1 .LBB2_7-.Ltmp3, $4  }
0x4f: {  	[tilespmem:s16+$0x430] =	vst v1  }
0x50: {  	[tilespmem:s16+$0x440] =	vst v1  }
0x51: {  	[tilespmem:s16+$0x450] =	vst v1  }
0x52: {  	[tilespmem:s16+$0x460] =	vst v1;
	s16 =	sshra.s32 s22, $0x2;
	s22 =	sadd.s32 $0x200, s22  }
0x53: {  	[tilespmem:s16+$0x470] =	vst v1  }
0x54: {  	[tilespmem:s16+$0x400] =	vst v1  }
0x55: {  	[tilespmem:s16+$0x410] =	vst v1  }
0x56: {  	[tilespmem:s16+$0x420] =	vst v1  }
0x57: {  	[tilespmem:s16+$0x430] =	vst v1  }
0x58: {  	[tilespmem:s16+$0x440] =	vst v1  }
0x59: {  	[tilespmem:s16+$0x450] =	vst v1  }
0x5a: {  	[tilespmem:s16+$0x460] =	vst v1  }
0x5b: {  	[spmem:s6] =	stream.linear.scatter [tilespmem:s11], [sflag:$0x7], $0x4000, $0x38;
	[tilespmem:$0x1C780] =	vst v63  }
0x5c: {  	_ =	swait.ge [sflag:s12], $0x4000  }
0x5d: {  	[sflag:s12] =	ssyncset.done $0x0  }
0x5e: {  	s13 =	rddreg [dreg:$0x9];
	[sflag:s12] =	ssyncadd.s32 $0xFFFFC000  }
0x5f: {  	[spmem:s13] =	stream.linear.scatter [tilespmem:s11], [sflag:$0x7], $0x4000, $0x38;
	[tilespmem:$0x1C780] =	vst v63  }
0x60: {  	_ =	swait.ge [sflag:s12], $0x4000  }
0x61: {  	[sflag:s12] =	ssyncset.done $0x0  }
0x62: {  	s24 =	rddreg [dreg:$0xa];
	[sflag:s12] =	ssyncadd.s32 $0xFFFFC000  }
0x63: {  	[spmem:s24] =	stream.linear.scatter [tilespmem:s11], [sflag:$0x7], $0x4000, $0x38;
	[tilespmem:$0x1C780] =	vst v63  }
0x64: {  	_ =	swait.ge [sflag:s12], $0x4000  }
0x65: {  	[sflag:s12] =	ssyncset.done $0x0  }
0x66: {  	s28 =	rddreg [dreg:$0xb];
	[sflag:s12] =	ssyncadd.s32 $0xFFFFC000  }
0x67: {  	[spmem:s28] =	stream.linear.scatter [tilespmem:s11], [sflag:$0x7], $0x4000, $0x38;
	[tilespmem:$0x1C780] =	vst v63  }
0x68: {  	_ =	swait.ge [sflag:s12], $0x4000  }
0x69: {  	[sflag:s12] =	ssyncset.done $0x0  }
0x6a: {  	s16 =	rddreg [dreg:$0xc];
	[sflag:s12] =	ssyncadd.s32 $0xFFFFC000  }
0x6b: {  	[spmem:s16] =	stream.linear.scatter [tilespmem:s11], [sflag:$0x7], $0x4000, $0x38;
	[tilespmem:$0x1C780] =	vst v63  }
0x6c: {  	_ =	swait.ge [sflag:s12], $0x4000  }
0x6d: {  	[sflag:s12] =	ssyncset.done $0x0  }
0x6e: {  	s16 =	simm.s32 $0x8480;
	s22 =	rddreg [dreg:$0xd];
	[sflag:s12] =	ssyncadd.s32 $0xFFFFC000  }
0x6f: {  	[spmem:s22] =	stream.linear.scatter [tilespmem:s16], [sflag:$0x7], $0x80, $0x38;
	[tilespmem:$0x1C780] =	vst v63  }
0x70: {  	_ =	swait.ge [sflag:s12], $0x80  }
0x71: {  	[sflag:s12] =	ssyncset.done $0x0  }
0x72: {  	s23 =	rddreg [dreg:$0xe];
	[sflag:s12] =	ssyncadd.s32 $0xFFFFFF80  }
0x73: {  	[spmem:s23] =	stream.linear.scatter [tilespmem:s16], [sflag:$0x7], $0x80, $0x38;
	[tilespmem:$0x1C780] =	vst v63  }
0x74: {  	_ =	swait.ge [sflag:s12], $0x80  }
0x75: {  	[sflag:s12] =	ssyncset.done $0x0  }
0x76: {  	s24 =	rddreg [dreg:$0xf];
	[sflag:s12] =	ssyncadd.s32 $0xFFFFFF80  }
0x77: {  	[spmem:s24] =	stream.linear.scatter [tilespmem:s16], [sflag:$0x7], $0x80, $0x38;
	[tilespmem:$0x1C780] =	vst v63  }
0x78: {  	_ =	swait.ge [sflag:s12], $0x80  }
0x79: {  	[sflag:s12] =	ssyncset.done $0x0  }
0x7a: {  	s28 =	rddreg [dreg:$0x10];
	[sflag:s12] =	ssyncadd.s32 $0xFFFFFF80  }
0x7b: {  	[spmem:s28] =	stream.linear.scatter [tilespmem:s16], [sflag:$0x7], $0x80, $0x38;
	[tilespmem:$0x1C780] =	vst v63  }
0x7c: {  	_ =	swait.ge [sflag:s12], $0x80  }
0x7d: {  	[sflag:s12] =	ssyncset.done $0x0  }
0x7e: {  	s22 =	rddreg [dreg:$0x11];
	[sflag:s12] =	ssyncadd.s32 $0xFFFFFF80  }
0x7f: {  	[spmem:s22] =	stream.linear.scatter [tilespmem:s16], [sflag:$0x7], $0x80, $0x38;
	[tilespmem:$0x1C780] =	vst v63  }
0x80: {  	_ =	swait.ge [sflag:s12], $0x80  }
0x81: {  	[sflag:s12] =	ssyncset.done $0x0  }
0x82: {  	[sflag:s12] =	ssyncadd.s32 $0xFFFFFF80  }
0x83: {  	[bflag:$0x0] =	sbarrier.arrive $0xFFFF  }
0x84: {  	[tilespmem:s5], [sflag:$0x1] =	stream.linear.gather [hbm4b:s21+s5], $0x100, $0x38;
	[tilespmem:$0x1C780] =	vst v63  }
0x85: {  	s23 =	rddreg [dreg:$0x12]  }
0x86: {  	[tilespmem:s14], [sflag:$0x2] =	stream.linear.gather [hbm4b:s23+s5], $0x100, $0x38;
	[tilespmem:$0x1C780] =	vst v63  }
0x87: {  	s24 =	rddreg [dreg:$0x13]  }
0x88: {  	[tilespmem:s15], [sflag:$0x3] =	stream.linear.gather [hbm4b:s24+s5], $0x100, $0x38;
	[tilespmem:$0x1C780] =	vst v63  }
0x89: {  	s28 =	rddreg [dreg:$0x14]  }
0x8a: {  	[tilespmem:s17], [sflag:$0x4] =	stream.linear.gather [hbm4b:s28+s5], $0x100, $0x38;
	[tilespmem:$0x1C780] =	vst v63  }
0x8b: {  	_ =	swait.ge [sflag:s18], $0x100  }
0x8c: {  	[sflag:s18] =	ssyncset.done $0x0  }
0x8d: {  	[sflag:s18] =	ssyncadd.s32 $0xFFFFFF00  }
0x8e: {  	[tilespmem:s11], [sflag:$0x5] =	stream.indirect.gather [hbm4b:s1+s19], $0x80, s5, s19, $0xb8;
	[tilespmem:$0x1C780] =	vst v63  }
0x8f: {  	_ =	swait.ge [sflag:s20], $0x100  }
0x90: {  	[sflag:s20] =	ssyncset.done $0x0  }
0x91: {  	s16 =	simm.s32 $0xFFFFFE80;
	[sflag:s20] =	ssyncadd.s32 $0xFFFFFF00  }
0x92: {  	[tilespmem:s25], [sflag:$0x6] =	stream.indirect.gather [hbm4b:s1+s19], $0x80, s14, s19, $0xb8;
	[tilespmem:$0x1C780] =	vst v63  }
.LBB2_9:
0x93: {  	_ =	swait.ge [sflag:s26], $0x4000  }
0x94: {  	[sflag:s26] =	ssyncset.done $0x0  }
0x95: {  	[sflag:s26] =	ssyncadd.s32 $0xFFFFC000  }
0x96: {  	[spmem:s2] =	stream.indirect.scatter.add.f32 [tilespmem:s11], [sflag:$0x7], $0x80, s19, s19, $0xb8;
	[tilespmem:$0x1C780] =	vst v63  }
0x97: {  	p1 =	seq.s32 s16, $0x0;
	_ =	swait.ge [sflag:s12], $0x4000  }
0x98: {  	s22 =	sadd.s32 @!p1 s16, s21;
	[sflag:s12] =	ssyncset.done $0x0  }
0x99: {  	s24 =	simm.s32 @!p1 $0x0;
	s23 =	sadd.s32 @!p1 $0x200, s22;
	[sflag:s12] =	ssyncadd.s32 $0xFFFFC000  }
0x9a: {  	[tilespmem:s24], [sflag:$0x1] =	stream.linear.gather @!p1 [hbm4b:s23+s24], $0x100, $0x38;
	[tilespmem:$0x1C780] =	vst v63  }
0x9b: {  	_ =	swait.ge [sflag:s29], $0x100  }
0x9c: {  	[sflag:s29] =	ssyncset.done $0x0  }
0x9d: {  	[sflag:s29] =	ssyncadd.s32 $0xFFFFFF00  }
0x9e: {  	[tilespmem:s11], [sflag:$0x5] =	stream.indirect.gather [hbm4b:s1+s19], $0x80, s15, s19, $0xb8;
	[tilespmem:$0x1C780] =	vst v63  }
0x9f: {  	_ =	swait.ge [sflag:s30], $0x4000  }
0xa0: {  	[sflag:s30] =	ssyncset.done $0x0  }
0xa1: {  	[sflag:s30] =	ssyncadd.s32 $0xFFFFC000  }
0xa2: {  	[spmem:s2] =	stream.indirect.scatter.add.f32 [tilespmem:s25], [sflag:$0x7], $0x80, s31, s19, $0xb8;
	[tilespmem:$0x1C780] =	vst v63  }
0xa3: {  	_ =	swait.ge [sflag:s12], $0x4000  }
0xa4: {  	[sflag:s12] =	ssyncset.done $0x0  }
0xa5: {  	s22 =	sadd.s32 @!p1 $0x220, s22;
	s23 =	simm.s32 @!p1 $0x100;
	[sflag:s12] =	ssyncadd.s32 $0xFFFFC000  }
0xa6: {  	[tilespmem:s23], [sflag:$0x2] =	stream.linear.gather @!p1 [hbm4b:s22+s24], $0x100, $0x38;
	[tilespmem:$0x1C780] =	vst v63  }
0xa7: {  	_ =	swait.ge [sflag:s0], $0x100  }
0xa8: {  	[sflag:s0] =	ssyncset.done $0x0  }
0xa9: {  	[sflag:s0] =	ssyncadd.s32 $0xFFFFFF00  }
0xaa: {  	[tilespmem:s25], [sflag:$0x6] =	stream.indirect.gather [hbm4b:s1+s19], $0x80, s17, s19, $0xb8;
	[tilespmem:$0x1C780] =	vst v63  }
0xab: {  	_ =	swait.ge [sflag:s26], $0x4000  }
0xac: {  	[sflag:s26] =	ssyncset.done $0x0  }
.Ltmp4:
0xad: {  	[sflag:s26] =	ssyncadd.s32 $0xFFFFC000;
	(pc) =	sbr.rel @p1 .LBB2_11-.Ltmp4, $4  }
0xae: {  	[spmem:s2] =	stream.indirect.scatter.add.f32 [tilespmem:s11], [sflag:$0x7], $0x80, s3, s19, $0xb8;
	[tilespmem:$0x1C780] =	vst v63  }
0xaf: {  	_ =	swait.ge [sflag:s12], $0x4000  }
0xb0: {  	[sflag:s12] =	ssyncset.done $0x0  }
0xb1: {  	[sflag:s12] =	ssyncadd.s32 $0xFFFFC000  }
0xb2: {  	s22 =	sadd.s32 s16, s21  }
0xb3: {  	s23 =	sadd.s32 $0x240, s22  }
0xb4: {  	[tilespmem:s15], [sflag:$0x3] =	stream.linear.gather [hbm4b:s23+s5], $0x100, $0x38;
	[tilespmem:$0x1C780] =	vst v63  }
0xb5: {  	_ =	swait.ge [sflag:s18], $0x100  }
0xb6: {  	[sflag:s18] =	ssyncset.done $0x0  }
0xb7: {  	[sflag:s18] =	ssyncadd.s32 $0xFFFFFF00  }
0xb8: {  	[tilespmem:s11], [sflag:$0x5] =	stream.indirect.gather [hbm4b:s1+s19], $0x80, s5, s19, $0xb8;
	[tilespmem:$0x1C780] =	vst v63  }
0xb9: {  	_ =	swait.ge [sflag:s30], $0x4000  }
0xba: {  	[sflag:s30] =	ssyncset.done $0x0  }
0xbb: {  	[sflag:s30] =	ssyncadd.s32 $0xFFFFC000  }
0xbc: {  	[spmem:s2] =	stream.indirect.scatter.add.f32 [tilespmem:s25], [sflag:$0x7], $0x80, s8, s19, $0xb8;
	[tilespmem:$0x1C780] =	vst v63  }
0xbd: {  	_ =	swait.ge [sflag:s12], $0x4000  }
0xbe: {  	[sflag:s12] =	ssyncset.done $0x0  }
0xbf: {  	s22 =	sadd.s32 $0x260, s22;
	[sflag:s12] =	ssyncadd.s32 $0xFFFFC000  }
0xc0: {  	[tilespmem:s17], [sflag:$0x4] =	stream.linear.gather [hbm4b:s22+s5], $0x100, $0x38;
	[tilespmem:$0x1C780] =	vst v63  }
.Ltmp5:
0xc1: {  	_ = 	snop;
	(pc) =	sbr.rel .LBB2_9-.Ltmp5, $4  }
0xc2: {  	_ =	swait.ge [sflag:s20], $0x100  }
0xc3: {  	[sflag:s20] =	ssyncset.done $0x0  }
0xc4: {  	s16 =	sadd.s32 $0x80, s16;
	[sflag:s20] =	ssyncadd.s32 $0xFFFFFF00  }
0xc5: {  	[tilespmem:s25], [sflag:$0x6] =	stream.indirect.gather [hbm4b:s1+s19], $0x80, s14, s19, $0xb8;
	[tilespmem:$0x1C780] =	vst v63  }
.LBB2_2:
0xc6: {  	p1 =	sne.s32 s22, $0xFE00;
	[tilespmem:s16+$0x470] =	vst v1  }
0xc7: {  	[tilespmem:s16+$0x400] =	vst v1  }
0xc8: {  	[tilespmem:s16+$0x410] =	vst v1  }
.Ltmp6:
0xc9: {  	[tilespmem:s16+$0x420] =	vst v1;
	(pc) =	sbr.rel @p1 .LBB2_2-.Ltmp6, $4  }
0xca: {  	[tilespmem:s16+$0x430] =	vst v1  }
0xcb: {  	[tilespmem:s16+$0x440] =	vst v1  }
0xcc: {  	[tilespmem:s16+$0x450] =	vst v1  }
0xcd: {  	[tilespmem:s16+$0x460] =	vst v1;
	s16 =	sshra.s32 s22, $0x2;
	s22 =	sadd.s32 $0x200, s22  }
0xce: {  	[tilespmem:s16+$0x470] =	vst v1  }
0xcf: {  	[tilespmem:s16+$0x400] =	vst v1  }
0xd0: {  	[tilespmem:s16+$0x410] =	vst v1  }
0xd1: {  	[tilespmem:s16+$0x420] =	vst v1  }
0xd2: {  	[tilespmem:s16+$0x430] =	vst v1  }
0xd3: {  	[tilespmem:s16+$0x440] =	vst v1  }
0xd4: {  	[tilespmem:s16+$0x450] =	vst v1  }
0xd5: {  	[tilespmem:s16+$0x460] =	vst v1  }
0xd6: {  	[spmem:s6] =	stream.linear.scatter [tilespmem:s11], [sflag:$0x7], $0x4000, $0x38;
	[tilespmem:$0x1C780] =	vst v63  }
0xd7: {  	_ =	swait.ge [sflag:s12], $0x4000  }
0xd8: {  	[sflag:s12] =	ssyncset.done $0x0  }
0xd9: {  	s13 =	rddreg [dreg:$0x18];
	[sflag:s12] =	ssyncadd.s32 $0xFFFFC000  }
0xda: {  	[spmem:s13] =	stream.linear.scatter [tilespmem:s11], [sflag:$0x7], $0x4000, $0x38;
	[tilespmem:$0x1C780] =	vst v63  }
0xdb: {  	_ =	swait.ge [sflag:s12], $0x4000  }
0xdc: {  	[sflag:s12] =	ssyncset.done $0x0  }
0xdd: {  	s23 =	rddreg [dreg:$0x19];
	[sflag:s12] =	ssyncadd.s32 $0xFFFFC000  }
0xde: {  	[spmem:s23] =	stream.linear.scatter [tilespmem:s11], [sflag:$0x7], $0x4000, $0x38;
	[tilespmem:$0x1C780] =	vst v63  }
0xdf: {  	_ =	swait.ge [sflag:s12], $0x4000  }
0xe0: {  	[sflag:s12] =	ssyncset.done $0x0  }
0xe1: {  	s24 =	rddreg [dreg:$0x1a];
	[sflag:s12] =	ssyncadd.s32 $0xFFFFC000  }
0xe2: {  	[spmem:s24] =	stream.linear.scatter [tilespmem:s11], [sflag:$0x7], $0x4000, $0x38;
	[tilespmem:$0x1C780] =	vst v63  }
0xe3: {  	_ =	swait.ge [sflag:s12], $0x4000  }
0xe4: {  	[sflag:s12] =	ssyncset.done $0x0  }
0xe5: {  	s16 =	rddreg [dreg:$0x1b];
	[sflag:s12] =	ssyncadd.s32 $0xFFFFC000  }
0xe6: {  	[spmem:s16] =	stream.linear.scatter [tilespmem:s11], [sflag:$0x7], $0x4000, $0x38;
	[tilespmem:$0x1C780] =	vst v63  }
0xe7: {  	_ =	swait.ge [sflag:s12], $0x4000  }
0xe8: {  	[sflag:s12] =	ssyncset.done $0x0  }
0xe9: {  	[sflag:s12] =	ssyncadd.s32 $0xFFFFC000  }
0xea: {  	[bflag:$0x0] =	sbarrier.arrive $0xFFFF  }
0xeb: {  	[tilespmem:s5], [sflag:$0x1] =	stream.linear.gather [hbm4b:s7+s5], $0x100, $0x38;
	[tilespmem:$0x1C780] =	vst v63  }
0xec: {  	s22 =	rddreg [dreg:$0x5]  }
0xed: {  	[tilespmem:s14], [sflag:$0x2] =	stream.linear.gather [hbm4b:s22+s5], $0x100, $0x38;
	[tilespmem:$0x1C780] =	vst v63  }
0xee: {  	s23 =	rddreg [dreg:$0x6]  }
0xef: {  	[tilespmem:s15], [sflag:$0x3] =	stream.linear.gather [hbm4b:s23+s5], $0x100, $0x38;
	[tilespmem:$0x1C780] =	vst v63  }
0xf0: {  	s24 =	rddreg [dreg:$0x7]  }
0xf1: {  	[tilespmem:s17], [sflag:$0x4] =	stream.linear.gather [hbm4b:s24+s5], $0x100, $0x38;
	[tilespmem:$0x1C780] =	vst v63  }
0xf2: {  	_ =	swait.ge [sflag:s18], $0x100  }
0xf3: {  	[sflag:s18] =	ssyncset.done $0x0  }
0xf4: {  	[sflag:s18] =	ssyncadd.s32 $0xFFFFFF00  }
0xf5: {  	[tilespmem:s11], [sflag:$0x5] =	stream.indirect.gather [hbm4b:s1+s19], $0x80, s5, s19, $0xb8;
	[tilespmem:$0x1C780] =	vst v63  }
0xf6: {  	_ =	swait.ge [sflag:s20], $0x100  }
0xf7: {  	[sflag:s20] =	ssyncset.done $0x0  }
0xf8: {  	s16 =	simm.s32 $0xFFFFF880;
	[sflag:s20] =	ssyncadd.s32 $0xFFFFFF00  }
0xf9: {  	[tilespmem:s25], [sflag:$0x6] =	stream.indirect.gather [hbm4b:s1+s19], $0x80, s14, s19, $0xb8;
	[tilespmem:$0x1C780] =	vst v63  }
.LBB2_4:
0xfa: {  	_ =	swait.ge [sflag:s26], $0x4000  }
0xfb: {  	[sflag:s26] =	ssyncset.done $0x0  }
0xfc: {  	[sflag:s26] =	ssyncadd.s32 $0xFFFFC000  }
0xfd: {  	[spmem:s2] =	stream.indirect.scatter.add.f32 [tilespmem:s11], [sflag:$0x7], $0x80, s19, s19, $0xb8;
	[tilespmem:$0x1C780] =	vst v63  }
0xfe: {  	p1 =	seq.s32 s16, $0x0;
	_ =	swait.ge [sflag:s12], $0x4000  }
0xff: {  	s22 =	sadd.s32 @!p1 s16, s7;
	[sflag:s12] =	ssyncset.done $0x0  }
0x100: {  	s24 =	simm.s32 @!p1 $0x0;
	s23 =	sadd.s32 @!p1 $0x800, s22;
	[sflag:s12] =	ssyncadd.s32 $0xFFFFC000  }
0x101: {  	[tilespmem:s24], [sflag:$0x1] =	stream.linear.gather @!p1 [hbm4b:s23+s24], $0x100, $0x38;
	[tilespmem:$0x1C780] =	vst v63  }
0x102: {  	_ =	swait.ge [sflag:s29], $0x100  }
0x103: {  	[sflag:s29] =	ssyncset.done $0x0  }
0x104: {  	[sflag:s29] =	ssyncadd.s32 $0xFFFFFF00  }
0x105: {  	[tilespmem:s11], [sflag:$0x5] =	stream.indirect.gather [hbm4b:s1+s19], $0x80, s15, s19, $0xb8;
	[tilespmem:$0x1C780] =	vst v63  }
0x106: {  	_ =	swait.ge [sflag:s30], $0x4000  }
0x107: {  	[sflag:s30] =	ssyncset.done $0x0  }
0x108: {  	[sflag:s30] =	ssyncadd.s32 $0xFFFFC000  }
0x109: {  	[spmem:s2] =	stream.indirect.scatter.add.f32 [tilespmem:s25], [sflag:$0x7], $0x80, s31, s19, $0xb8;
	[tilespmem:$0x1C780] =	vst v63  }
0x10a: {  	_ =	swait.ge [sflag:s12], $0x4000  }
0x10b: {  	[sflag:s12] =	ssyncset.done $0x0  }
0x10c: {  	s22 =	sadd.s32 @!p1 $0x820, s22;
	s23 =	simm.s32 @!p1 $0x100;
	[sflag:s12] =	ssyncadd.s32 $0xFFFFC000  }
0x10d: {  	[tilespmem:s23], [sflag:$0x2] =	stream.linear.gather @!p1 [hbm4b:s22+s24], $0x100, $0x38;
	[tilespmem:$0x1C780] =	vst v63  }
0x10e: {  	_ =	swait.ge [sflag:s0], $0x100  }
0x10f: {  	[sflag:s0] =	ssyncset.done $0x0  }
0x110: {  	[sflag:s0] =	ssyncadd.s32 $0xFFFFFF00  }
0x111: {  	[tilespmem:s25], [sflag:$0x6] =	stream.indirect.gather [hbm4b:s1+s19], $0x80, s17, s19, $0xb8;
	[tilespmem:$0x1C780] =	vst v63  }
0x112: {  	_ =	swait.ge [sflag:s26], $0x4000  }
0x113: {  	[sflag:s26] =	ssyncset.done $0x0  }
.Ltmp7:
0x114: {  	[sflag:s26] =	ssyncadd.s32 $0xFFFFC000;
	(pc) =	sbr.rel @p1 .LBB2_6-.Ltmp7, $4  }
0x115: {  	[spmem:s2] =	stream.indirect.scatter.add.f32 [tilespmem:s11], [sflag:$0x7], $0x80, s3, s19, $0xb8;
	[tilespmem:$0x1C780] =	vst v63  }
0x116: {  	_ =	swait.ge [sflag:s12], $0x4000  }
0x117: {  	[sflag:s12] =	ssyncset.done $0x0  }
0x118: {  	[sflag:s12] =	ssyncadd.s32 $0xFFFFC000  }
0x119: {  	s22 =	sadd.s32 s16, s7  }
0x11a: {  	s23 =	sadd.s32 $0x840, s22  }
0x11b: {  	[tilespmem:s15], [sflag:$0x3] =	stream.linear.gather [hbm4b:s23+s5], $0x100, $0x38;
	[tilespmem:$0x1C780] =	vst v63  }
0x11c: {  	_ =	swait.ge [sflag:s18], $0x100  }
0x11d: {  	[sflag:s18] =	ssyncset.done $0x0  }
0x11e: {  	[sflag:s18] =	ssyncadd.s32 $0xFFFFFF00  }
0x11f: {  	[tilespmem:s11], [sflag:$0x5] =	stream.indirect.gather [hbm4b:s1+s19], $0x80, s5, s19, $0xb8;
	[tilespmem:$0x1C780] =	vst v63  }
0x120: {  	_ =	swait.ge [sflag:s30], $0x4000  }
0x121: {  	[sflag:s30] =	ssyncset.done $0x0  }
0x122: {  	[sflag:s30] =	ssyncadd.s32 $0xFFFFC000  }
0x123: {  	[spmem:s2] =	stream.indirect.scatter.add.f32 [tilespmem:s25], [sflag:$0x7], $0x80, s8, s19, $0xb8;
	[tilespmem:$0x1C780] =	vst v63  }
0x124: {  	_ =	swait.ge [sflag:s12], $0x4000  }
0x125: {  	[sflag:s12] =	ssyncset.done $0x0  }
0x126: {  	s22 =	sadd.s32 $0x860, s22;
	[sflag:s12] =	ssyncadd.s32 $0xFFFFC000  }
0x127: {  	[tilespmem:s17], [sflag:$0x4] =	stream.linear.gather [hbm4b:s22+s5], $0x100, $0x38;
	[tilespmem:$0x1C780] =	vst v63  }
.Ltmp8:
0x128: {  	_ = 	snop;
	(pc) =	sbr.rel .LBB2_4-.Ltmp8, $4  }
0x129: {  	_ =	swait.ge [sflag:s20], $0x100  }
0x12a: {  	[sflag:s20] =	ssyncset.done $0x0  }
0x12b: {  	s16 =	sadd.s32 $0x80, s16;
	[sflag:s20] =	ssyncadd.s32 $0xFFFFFF00  }
0x12c: {  	[tilespmem:s25], [sflag:$0x6] =	stream.indirect.gather [hbm4b:s1+s19], $0x80, s14, s19, $0xb8;
	[tilespmem:$0x1C780] =	vst v63  }
.LBB2_11:
0x12d: {  	_ =	swait.ge [sflag:s30], $0x4000  }
0x12e: {  	[sflag:s30] =	ssyncset.done $0x0  }
0x12f: {  	[sflag:s30] =	ssyncadd.s32 $0xFFFFC000  }
0x130: {  	[spmem:s2] =	stream.indirect.scatter.add.f32 [tilespmem:s25], [sflag:$0x7], $0x80, s8, s19, $0xb8;
	[tilespmem:$0x1C780] =	vst v63  }
0x131: {  	_ =	swait.ge [sflag:s12], $0x4000  }
0x132: {  	[sflag:s12] =	ssyncset.done $0x0  }
0x133: {  	[sflag:s12] =	ssyncadd.s32 $0xFFFFC000  }
0x134: {  	[tilespmem:s5], [sflag:$0x1] =	stream.linear.gather [hbm4b:s7+s5], $0x100, $0x38;
	[tilespmem:$0x1C780] =	vst v63  }
0x135: {  	s13 =	rddreg [dreg:$0x5]  }
0x136: {  	[tilespmem:s14], [sflag:$0x2] =	stream.linear.gather [hbm4b:s13+s5], $0x100, $0x38;
	[tilespmem:$0x1C780] =	vst v63  }
0x137: {  	s24 =	rddreg [dreg:$0x6]  }
0x138: {  	[tilespmem:s15], [sflag:$0x3] =	stream.linear.gather [hbm4b:s24+s5], $0x100, $0x38;
	[tilespmem:$0x1C780] =	vst v63  }
0x139: {  	s16 =	simm.s32 $0xFFFFF880;
	s28 =	rddreg [dreg:$0x7]  }
0x13a: {  	[tilespmem:s17], [sflag:$0x4] =	stream.linear.gather [hbm4b:s28+s5], $0x100, $0x38;
	[tilespmem:$0x1C780] =	vst v63  }
.LBB2_12:
0x13b: {  	_ =	swait.ge [sflag:s18], $0x100  }
0x13c: {  	[sflag:s18] =	ssyncset.done $0x0  }
0x13d: {  	[sflag:s18] =	ssyncadd.s32 $0xFFFFFF00  }
0x13e: {  	[spmem:s4] =	stream.indirect.scatter.add.f32 [tilespmem:s9], [sflag:$0x7], $0x1, s19, s19, $0xb8;
	[tilespmem:$0x1C780] =	vst v63  }
0x13f: {  	_ =	swait.ge [sflag:s12], $0x80  }
0x140: {  	p1 =	seq.s32 s16, $0x0;
	[sflag:s12] =	ssyncset.done $0x0  }
0x141: {  	s22 =	simm.s32 @p1 $0x2;
	[sflag:s12] =	ssyncadd.s32 $0xFFFFFF80  }
0x142: {  	_ =	swait.ge @p1 [sflag:s22], $0x100  }
0x143: {  	s23 =	simm.s32 @p1 $0x180;
	[sflag:s22] =	ssyncset.done @p1 $0x0  }
0x144: {  	s24 =	simm.s32 @p1 $0x8400;
	[sflag:s22] =	ssyncadd.s32 @p1 $0xFFFFFF00;
	s22 =	simm.s32 @p1 $0x80  }
0x145: {  	[spmem:s4] =	stream.indirect.scatter.add.f32 @p1 [tilespmem:s24], [sflag:$0x7], $0x1, s23, s22, $0xb8;
	[tilespmem:$0x1C780] =	vst v63  }
0x146: {  	s22 =	simm.s32 @p1 $0x7  }
0x147: {  	_ =	swait.ge @p1 [sflag:s22], $0x80  }
0x148: {  	s23 =	sadd.s32 @!p1 s16, s7;
	[sflag:s22] =	ssyncset.done @p1 $0x0  }
0x149: {  	s24 =	simm.s32 @!p1 $0x0;
	[sflag:s22] =	ssyncadd.s32 @p1 $0xFFFFFF80;
	s22 =	sadd.s32 @!p1 $0x800, s23  }
0x14a: {  	[tilespmem:s24], [sflag:$0x1] =	stream.linear.gather @!p1 [hbm4b:s22+s24], $0x100, $0x38;
	[tilespmem:$0x1C780] =	vst v63  }
0x14b: {  	s22 =	simm.s32 @!p1 $0x2  }
0x14c: {  	_ =	swait.ge @!p1 [sflag:s22], $0x100  }
0x14d: {  	s28 =	simm.s32 @!p1 $0x180;
	[sflag:s22] =	ssyncset.done @!p1 $0x0  }
0x14e: {  	s13 =	simm.s32 @!p1 $0x8400;
	[sflag:s22] =	ssyncadd.s32 @!p1 $0xFFFFFF00;
	s22 =	simm.s32 @!p1 $0x80  }
0x14f: {  	[spmem:s4] =	stream.indirect.scatter.add.f32 @!p1 [tilespmem:s13], [sflag:$0x7], $0x1, s28, s22, $0xb8;
	[tilespmem:$0x1C780] =	vst v63  }
0x150: {  	s13 =	simm.s32 @!p1 $0x7  }
0x151: {  	_ =	swait.ge @!p1 [sflag:s13], $0x80  }
0x152: {  	[sflag:s13] =	ssyncset.done @!p1 $0x0  }
0x153: {  	s22 =	simm.s32 @!p1 $0x100;
	[sflag:s13] =	ssyncadd.s32 @!p1 $0xFFFFFF80;
	s13 =	sadd.s32 @!p1 $0x820, s23  }
0x154: {  	[tilespmem:s22], [sflag:$0x2] =	stream.linear.gather @!p1 [hbm4b:s13+s24], $0x100, $0x38;
	[tilespmem:$0x1C780] =	vst v63  }
0x155: {  	_ =	swait.ge [sflag:s29], $0x100  }
0x156: {  	[sflag:s29] =	ssyncset.done $0x0  }
.Ltmp9:
0x157: {  	[sflag:s29] =	ssyncadd.s32 $0xFFFFFF00;
	(pc) =	sbr.rel @p1 .LBB2_14-.Ltmp9, $4  }
0x158: {  	[spmem:s4] =	stream.indirect.scatter.add.f32 [tilespmem:s9], [sflag:$0x7], $0x1, s3, s19, $0xb8;
	[tilespmem:$0x1C780] =	vst v63  }
0x159: {  	_ =	swait.ge [sflag:s12], $0x80  }
0x15a: {  	[sflag:s12] =	ssyncset.done $0x0  }
0x15b: {  	[sflag:s12] =	ssyncadd.s32 $0xFFFFFF80  }
0x15c: {  	s13 =	sadd.s32 s16, s7  }
0x15d: {  	s22 =	sadd.s32 $0x840, s13  }
0x15e: {  	[tilespmem:s15], [sflag:$0x3] =	stream.linear.gather [hbm4b:s22+s5], $0x100, $0x38;
	[tilespmem:$0x1C780] =	vst v63  }
0x15f: {  	_ =	swait.ge [sflag:s0], $0x100  }
0x160: {  	[sflag:s0] =	ssyncset.done $0x0  }
0x161: {  	[sflag:s0] =	ssyncadd.s32 $0xFFFFFF00  }
0x162: {  	[spmem:s4] =	stream.indirect.scatter.add.f32 [tilespmem:s9], [sflag:$0x7], $0x1, s8, s19, $0xb8;
	[tilespmem:$0x1C780] =	vst v63  }
.Ltmp10:
0x163: {  	_ = 	snop;
	(pc) =	sbr.rel .LBB2_12-.Ltmp10, $4  }
0x164: {  	_ =	swait.ge [sflag:s12], $0x80  }
0x165: {  	[sflag:s12] =	ssyncset.done $0x0  }
0x166: {  	s16 =	sadd.s32 $0x80, s16;
	s13 =	sadd.s32 $0x860, s13;
	[sflag:s12] =	ssyncadd.s32 $0xFFFFFF80  }
0x167: {  	[tilespmem:s17], [sflag:$0x4] =	stream.linear.gather [hbm4b:s13+s5], $0x100, $0x38;
	[tilespmem:$0x1C780] =	vst v63  }
.LBB2_6:
0x168: {  	_ =	swait.ge [sflag:s30], $0x4000  }
0x169: {  	[sflag:s30] =	ssyncset.done $0x0  }
0x16a: {  	[sflag:s30] =	ssyncadd.s32 $0xFFFFC000  }
0x16b: {  	[spmem:s2] =	stream.indirect.scatter.add.f32 [tilespmem:s25], [sflag:$0x7], $0x80, s8, s19, $0xb8;
	[tilespmem:$0x1C780] =	vst v63  }
0x16c: {  	_ =	swait.ge [sflag:s12], $0x4000  }
0x16d: {  	[sflag:s12] =	ssyncset.done $0x0  }
0x16e: {  	[sflag:s12] =	ssyncadd.s32 $0xFFFFC000  }
0x16f: {  	s16 =	sshll.u32 s28, $0x6;
	s22 =	sshrl.u32 s6, $0x3;
	[bflag:$0x0] =	sbarrier.arrive $0xFFFF  }
.Ltmp11:
0x170: {  	s16 =	sor.u32 $0x1C07, s16;
	s13 =	rddreg [dreg:$0x8];
	(pc) =	sbr.rel .LBB2_18-.Ltmp11, $4  }
0x171: {  	[hbm:s13], [sflag:s16] =	dma.local [spmem:s22], $0x2800  }
0x172: {  	_ =	swait.ge [sflag:s12], $0x2800  }
0x173: {  	[sflag:s12] =	ssyncset.done $0x0  }
0x174: {  	[sflag:s12] =	ssyncadd.s32 $0xFFFFD800  }
.LBB2_14:
0x175: {  	_ =	swait.ge [sflag:s0], $0x100  }
0x176: {  	[sflag:s0] =	ssyncset.done $0x0  }
0x177: {  	[sflag:s0] =	ssyncadd.s32 $0xFFFFFF00  }
0x178: {  	[spmem:s4] =	stream.indirect.scatter.add.f32 [tilespmem:s9], [sflag:$0x7], $0x1, s8, s19, $0xb8;
	[tilespmem:$0x1C780] =	vst v63  }
0x179: {  	_ =	swait.ge [sflag:s12], $0x80  }
0x17a: {  	[sflag:s12] =	ssyncset.done $0x0  }
0x17b: {  	[sflag:s12] =	ssyncadd.s32 $0xFFFFFF80  }
0x17c: {  	[tilespmem:s5], [sflag:$0x1] =	stream.linear.gather [hbm4b:s21+s5], $0x100, $0x38;
	[tilespmem:$0x1C780] =	vst v63  }
0x17d: {  	s13 =	rddreg [dreg:$0x12]  }
0x17e: {  	[tilespmem:s14], [sflag:$0x2] =	stream.linear.gather [hbm4b:s13+s5], $0x100, $0x38;
	[tilespmem:$0x1C780] =	vst v63  }
0x17f: {  	s24 =	rddreg [dreg:$0x13]  }
0x180: {  	[tilespmem:s15], [sflag:$0x3] =	stream.linear.gather [hbm4b:s24+s5], $0x100, $0x38;
	[tilespmem:$0x1C780] =	vst v63  }
0x181: {  	s16 =	simm.s32 $0xFFFFFE80;
	s28 =	rddreg [dreg:$0x14]  }
0x182: {  	[tilespmem:s17], [sflag:$0x4] =	stream.linear.gather [hbm4b:s28+s5], $0x100, $0x38;
	[tilespmem:$0x1C780] =	vst v63  }
.LBB2_15:
0x183: {  	_ =	swait.ge [sflag:s18], $0x100  }
0x184: {  	[sflag:s18] =	ssyncset.done $0x0  }
0x185: {  	[sflag:s18] =	ssyncadd.s32 $0xFFFFFF00  }
0x186: {  	[spmem:s4] =	stream.indirect.scatter.add.f32 [tilespmem:s9], [sflag:$0x7], $0x1, s19, s19, $0xb8;
	[tilespmem:$0x1C780] =	vst v63  }
0x187: {  	_ =	swait.ge [sflag:s12], $0x80  }
0x188: {  	p1 =	seq.s32 s16, $0x0;
	[sflag:s12] =	ssyncset.done $0x0  }
0x189: {  	s13 =	simm.s32 @p1 $0x2;
	[sflag:s12] =	ssyncadd.s32 $0xFFFFFF80  }
0x18a: {  	_ =	swait.ge @p1 [sflag:s13], $0x100  }
0x18b: {  	s22 =	simm.s32 @p1 $0x180;
	[sflag:s13] =	ssyncset.done @p1 $0x0  }
0x18c: {  	s23 =	simm.s32 @p1 $0x8400;
	[sflag:s13] =	ssyncadd.s32 @p1 $0xFFFFFF00;
	s13 =	simm.s32 @p1 $0x80  }
0x18d: {  	[spmem:s4] =	stream.indirect.scatter.add.f32 @p1 [tilespmem:s23], [sflag:$0x7], $0x1, s22, s13, $0xb8;
	[tilespmem:$0x1C780] =	vst v63  }
0x18e: {  	s13 =	simm.s32 @p1 $0x7  }
0x18f: {  	_ =	swait.ge @p1 [sflag:s13], $0x80  }
0x190: {  	s22 =	sadd.s32 @!p1 s16, s21;
	[sflag:s13] =	ssyncset.done @p1 $0x0  }
0x191: {  	s23 =	simm.s32 @!p1 $0x0;
	[sflag:s13] =	ssyncadd.s32 @p1 $0xFFFFFF80;
	s13 =	sadd.s32 @!p1 $0x200, s22  }
0x192: {  	[tilespmem:s23], [sflag:$0x1] =	stream.linear.gather @!p1 [hbm4b:s13+s23], $0x100, $0x38;
	[tilespmem:$0x1C780] =	vst v63  }
0x193: {  	s13 =	simm.s32 @!p1 $0x2  }
0x194: {  	_ =	swait.ge @!p1 [sflag:s13], $0x100  }
0x195: {  	s24 =	simm.s32 @!p1 $0x180;
	[sflag:s13] =	ssyncset.done @!p1 $0x0  }
0x196: {  	s28 =	simm.s32 @!p1 $0x8400;
	[sflag:s13] =	ssyncadd.s32 @!p1 $0xFFFFFF00;
	s13 =	simm.s32 @!p1 $0x80  }
0x197: {  	[spmem:s4] =	stream.indirect.scatter.add.f32 @!p1 [tilespmem:s28], [sflag:$0x7], $0x1, s24, s13, $0xb8;
	[tilespmem:$0x1C780] =	vst v63  }
0x198: {  	s13 =	simm.s32 @!p1 $0x7  }
0x199: {  	_ =	swait.ge @!p1 [sflag:s13], $0x80  }
0x19a: {  	[sflag:s13] =	ssyncset.done @!p1 $0x0  }
0x19b: {  	[sflag:s13] =	ssyncadd.s32 @!p1 $0xFFFFFF80;
	s13 =	sadd.s32 @!p1 $0x220, s22;
	s22 =	simm.s32 @!p1 $0x100  }
0x19c: {  	[tilespmem:s22], [sflag:$0x2] =	stream.linear.gather @!p1 [hbm4b:s13+s23], $0x100, $0x38;
	[tilespmem:$0x1C780] =	vst v63  }
0x19d: {  	_ =	swait.ge [sflag:s29], $0x100  }
0x19e: {  	[sflag:s29] =	ssyncset.done $0x0  }
.Ltmp12:
0x19f: {  	[sflag:s29] =	ssyncadd.s32 $0xFFFFFF00;
	(pc) =	sbr.rel @p1 .LBB2_17-.Ltmp12, $4  }
0x1a0: {  	[spmem:s4] =	stream.indirect.scatter.add.f32 [tilespmem:s9], [sflag:$0x7], $0x1, s3, s19, $0xb8;
	[tilespmem:$0x1C780] =	vst v63  }
0x1a1: {  	_ =	swait.ge [sflag:s12], $0x80  }
0x1a2: {  	[sflag:s12] =	ssyncset.done $0x0  }
0x1a3: {  	[sflag:s12] =	ssyncadd.s32 $0xFFFFFF80  }
0x1a4: {  	s13 =	sadd.s32 s16, s21  }
0x1a5: {  	s22 =	sadd.s32 $0x240, s13  }
0x1a6: {  	[tilespmem:s15], [sflag:$0x3] =	stream.linear.gather [hbm4b:s22+s5], $0x100, $0x38;
	[tilespmem:$0x1C780] =	vst v63  }
0x1a7: {  	_ =	swait.ge [sflag:s0], $0x100  }
0x1a8: {  	[sflag:s0] =	ssyncset.done $0x0  }
0x1a9: {  	[sflag:s0] =	ssyncadd.s32 $0xFFFFFF00  }
0x1aa: {  	[spmem:s4] =	stream.indirect.scatter.add.f32 [tilespmem:s9], [sflag:$0x7], $0x1, s8, s19, $0xb8;
	[tilespmem:$0x1C780] =	vst v63  }
.Ltmp13:
0x1ab: {  	_ = 	snop;
	(pc) =	sbr.rel .LBB2_15-.Ltmp13, $4  }
0x1ac: {  	_ =	swait.ge [sflag:s12], $0x80  }
0x1ad: {  	[sflag:s12] =	ssyncset.done $0x0  }
0x1ae: {  	s16 =	sadd.s32 $0x80, s16;
	s13 =	sadd.s32 $0x260, s13;
	[sflag:s12] =	ssyncadd.s32 $0xFFFFFF80  }
0x1af: {  	[tilespmem:s17], [sflag:$0x4] =	stream.linear.gather [hbm4b:s13+s5], $0x100, $0x38;
	[tilespmem:$0x1C780] =	vst v63  }
.LBB2_19:
0x1b0: {  	_ =	sfence.sel $0x180000  }
0x1b1: {  	[bflag:$0x0] =	sbarrier.arrive $0xFFFF  }
0x1b2: {  	_ =	strace $0x90000047  }
0x1b3: {  	[bflag:$0x2] =	sbarrier.arrive $0xFFFF  }
0x1b4: {  	p0 =	sne.s32 s28, $0x0;
	s0 =	rddreg [dreg:$0x4]  }
0x1b5: {  	s0 =	sadd.s32 @!p0 $0x100000, s0  }
0x1b6: {  	[sflag:s0] =	ssyncadd.tile.s32 @!p0 $0x1;
	_ =	shalt  }
.Lfunc_end2:
_tile_overlayer_lowered:
.L_overlay_start_2:
0x1b7: {  	(tag) =	ssettag $0x2  }
0x1b8: {  	s0 =	rddreg [dreg:$0x0];
	s2 =	stileid.u32  }
0x1b9: {  	s1 =	rddreg [dreg:$0x1];
	p0 =	sne.s32 s2, $0x0  }
0x1ba: {  	s3 =	rddreg [dreg:$0x2];
	[bflag:$0x3] =	sbarrier.arrive $0xFFFF;
	s2 =	simm.s32 @!p0 $0x1C07  }
0x1bb: {  	[timem:s3], [sflag:s2] =	dma.local @!p0 [hbm:s0], s1  }
0x1bc: {  	s0 =	simm.s32 @!p0 $0x7  }
0x1bd: {  	_ =	swait.ge @!p0 [sflag:s0], s1  }
0x1be: {  	s1 =	ssub.s32 @!p0 $0x0, s1;
	[sflag:s0] =	ssyncset.done @!p0 $0x0  }
0x1bf: {  	[sflag:s0] =	ssyncadd.s32 @!p0 s1  }
0x1c0: {  	[bflag:$0x3] =	sbarrier.arrive $0xFFFF  }
0x1c1: {  	_ =	shalt  }

</sc_bundles>
